<compile_context>
chip_gen: v7x
topology: tpu7x:2x2x1
jax: 0.10.2.dev20260603
libtpu: 0.0.44.dev20260713+nightly
codegen_flags: <defaults>
</compile_context>

<pallas_src>
import jax
import jax.numpy as jnp
from jax import lax
from jax.experimental import pallas as pl
from jax.experimental.pallas import tpu as pltpu
from jax.experimental.pallas import tpu_sc as plsc

N_NODES = 10000
N_EDGES = 320000
D = 128

NC = 2
NS = 16
NW = NC * NS

PB = 128
BLKS_W = 80
E_PAD = NW * BLKS_W * PB

ACC_ROWS = 10240
DEG_ROWS = 10240
DROWS_S = DEG_ROWS // NS


def _mesh():
    return plsc.VectorSubcoreMesh(core_axis_name="c", subcore_axis_name="s")



def _deg_body(colp3, deg_out, dacc2, colv, degl, part, outv):
    c = lax.axis_index("c")
    s = lax.axis_index("s")
    w = c * NS + s
    pltpu.sync_copy(colp3.at[pl.ds(w * BLKS_W, BLKS_W)], colv)

    def zstep(i, _):
        degl[pl.ds(i * 16, 16)] = jnp.zeros((16,), jnp.float32)
        return _

    lax.fori_loop(0, DEG_ROWS // 16, zstep, None)

    ones16 = jnp.ones((16,), jnp.float32)

    def step(j, _):
        for k in range(PB // 16):
            idx = colv[j, pl.ds(k * 16, 16)]
            plsc.addupdate_scatter(degl, [idx], ones16)
        return _

    lax.fori_loop(0, BLKS_W, step, None)
    pltpu.sync_copy(degl, dacc2.at[s])
    plsc.subcore_barrier()
    for k in range(NS):
        pltpu.sync_copy(dacc2.at[k, pl.ds(s * DROWS_S, DROWS_S)], part.at[k])

    def rstep(i, _):
        a = part[0, pl.ds(i * 16, 16)]
        for k in range(1, NS):
            a = a + part[k, pl.ds(i * 16, 16)]
        outv[pl.ds(i * 16, 16)] = a
        return _

    lax.fori_loop(0, DROWS_S // 16, rstep, None)
    pltpu.sync_copy(outv, deg_out.at[c, pl.ds(s * DROWS_S, DROWS_S)])


def _deg_kernel(colp3):
    f = pl.kernel(
        _deg_body,
        out_type=jax.ShapeDtypeStruct((NC, DEG_ROWS), jnp.float32),
        mesh=_mesh(),
        compiler_params=pltpu.CompilerParams(needs_layout_passes=False),
        scratch_types=[
            pltpu.VMEM_SHARED((NS, DEG_ROWS), jnp.float32),
            pltpu.VMEM((BLKS_W, PB), jnp.int32),
            pltpu.VMEM((DEG_ROWS,), jnp.float32),
            pltpu.VMEM((NS, DROWS_S), jnp.float32),
            pltpu.VMEM((DROWS_S,), jnp.float32),
        ],
    )
    return f(colp3)



NBUF = 2
IC = 40


def _prop_body(g, rowp3, colp3, zerosb, acc2, acc, rowv, colv, bufs,
               gs0, gs1, ssem, isem):
    c = lax.axis_index("c")
    s = lax.axis_index("s")
    w = c * NS + s
    gsems = (gs0, gs1)
    pltpu.async_copy(rowp3.at[pl.ds(w * BLKS_W, IC)], rowv, isem)
    pltpu.async_copy(colp3.at[pl.ds(w * BLKS_W, IC)], colv, isem)
    pltpu.sync_copy(zerosb, acc.at[pl.ds(s * (ACC_ROWS // NS), ACC_ROWS // NS)])
    plsc.subcore_barrier()

    def chunk(i, _):
        base = w * BLKS_W + i * IC

        @pl.when(i == 0)
        def _():
            pltpu.make_async_copy(rowp3.at[pl.ds(base, IC)], rowv, isem).wait()
            pltpu.make_async_copy(colp3.at[pl.ds(base, IC)], colv, isem).wait()

        @pl.when(i > 0)
        def _():
            pltpu.sync_copy(rowp3.at[pl.ds(base, IC)], rowv)
            pltpu.sync_copy(colp3.at[pl.ds(base, IC)], colv)
        for b in range(NBUF):
            pltpu.async_copy(g.at[rowv.at[b]], bufs.at[b], gsems[b])
        for j in range(IC):
            b = j % NBUF
            pltpu.make_async_copy(g.at[rowv.at[j]], bufs.at[b], gsems[b]).wait()
            pltpu.async_copy(bufs.at[b], acc.at[colv.at[j]], ssem, add=True).wait()
            if j + NBUF < IC:
                pltpu.async_copy(g.at[rowv.at[j + NBUF]], bufs.at[b], gsems[b])
        return _

    lax.fori_loop(0, BLKS_W // IC, chunk, None)
    plsc.subcore_barrier()
    rows = ACC_ROWS // NS
    pltpu.sync_copy(acc.at[pl.ds(s * rows, rows)], acc2.at[c, pl.ds(s * rows, rows)])


def _prop_kernel(g, rowp3, colp3, zerosb):
    f = pl.kernel(
        _prop_body,
        out_type=jax.ShapeDtypeStruct((NC, ACC_ROWS, D), jnp.float32),
        mesh=_mesh(),
        scratch_types=[
            pltpu.VMEM_SHARED((ACC_ROWS, D), jnp.float32),
            pltpu.VMEM((IC, PB), jnp.int32),
            pltpu.VMEM((IC, PB), jnp.int32),
            pltpu.VMEM((NBUF, PB, D), jnp.float32),
            pltpu.SemaphoreType.DMA,
            pltpu.SemaphoreType.DMA,
            pltpu.SemaphoreType.DMA,
            pltpu.SemaphoreType.DMA,
        ],
    )
    return f(g, rowp3, colp3, zerosb)



def _mm_body(x_ref, w_ref, d0_ref, d1_ref, g_ref, deg_ref):
    h = jnp.dot(x_ref[...], w_ref[...], preferred_element_type=jnp.float32)
    d = d0_ref[...] + d1_ref[...]
    deg_ref[...] = d
    dis = jnp.where(d > 0, lax.rsqrt(d), 0.0)
    g_ref[...] = h * dis


def _mm_kernel(x, W, d0, d1):
    bm = 400
    grid = N_NODES // bm
    return pl.pallas_call(
        _mm_body,
        grid=(grid,),
        in_specs=[
            pl.BlockSpec((bm, D), lambda i: (i, 0)),
            pl.BlockSpec((D, D), lambda i: (0, 0)),
            pl.BlockSpec((bm, 1), lambda i: (i, 0)),
            pl.BlockSpec((bm, 1), lambda i: (i, 0)),
        ],
        out_specs=[
            pl.BlockSpec((bm, D), lambda i: (i, 0)),
            pl.BlockSpec((bm, 1), lambda i: (i, 0)),
        ],
        out_shape=[
            jax.ShapeDtypeStruct((N_NODES, D), jnp.float32),
            jax.ShapeDtypeStruct((N_NODES, 1), jnp.float32),
        ],
    )(x, W, d0, d1)



def _fin_body(a_ref, d_ref, b_ref, o_ref):
    a = a_ref[0] + a_ref[1]
    d = d_ref[...]
    dis = jnp.where(d > 0, lax.rsqrt(d), 0.0)
    o_ref[...] = jax.nn.sigmoid(a * dis + b_ref[...])


def _fin_kernel(acc2, deg, b):
    bm = 400
    grid = N_NODES // bm
    return pl.pallas_call(
        _fin_body,
        grid=(grid,),
        in_specs=[
            pl.BlockSpec((NC, bm, D), lambda i: (0, i, 0)),
            pl.BlockSpec((bm, 1), lambda i: (i, 0)),
            pl.BlockSpec((1, D), lambda i: (0, 0)),
        ],
        out_specs=pl.BlockSpec((bm, D), lambda i: (i, 0)),
        out_shape=jax.ShapeDtypeStruct((N_NODES, D), jnp.float32),
    )(acc2, deg, b)



def kernel(x, edge_index, W, b):
    row = edge_index[0].astype(jnp.int32)
    col = edge_index[1].astype(jnp.int32)
    pad = E_PAD - N_EDGES
    pad_src = jnp.arange(pad, dtype=jnp.int32) % N_NODES
    pad_dst = N_NODES + (jnp.arange(pad, dtype=jnp.int32) % (ACC_ROWS - N_NODES))
    rowp = jnp.concatenate([row, pad_src])
    colp = jnp.concatenate([col, pad_dst])
    rowp3 = rowp.reshape(-1, PB)
    colp3 = colp.reshape(-1, PB)

    zerosb = jnp.zeros((ACC_ROWS // NS, D), jnp.float32)

    degv = _deg_kernel(colp3)
    d0 = degv[0, :N_NODES].reshape(N_NODES, 1)
    d1 = degv[1, :N_NODES].reshape(N_NODES, 1)
    g, deg = _mm_kernel(x, W, d0, d1)
    acc2 = _prop_kernel(g, rowp3, colp3, zerosb)
    out = _fin_kernel(acc2, deg, b.reshape(1, D))
    return out

# --- scband reference (transcript-rebuilt; emitter-appended) ---
"""Pipeline reference for scband-my-model-16226386444980 (READ-ONLY COPY).

The authoritative reference and input builder live on the scoring server;
editing this copy changes nothing except your own understanding.
"""

import jax, jax.numpy as jnp
import numpy as np

N_NODES = 10000
N_EDGES = 320000
D_IN = 128
D_OUT = 128

def setup_inputs(seed: int = 0) -> dict:
    key = jax.random.key(seed)
    k1, k2, k3, k4 = jax.random.split(key, 4)
    x = jax.random.normal(k1, (N_NODES, D_IN), dtype=jnp.float32)
    edge_index = jax.random.randint(k2, (2, N_EDGES), 0, N_NODES, dtype=jnp.int64)
    # GCNConv linear weight (stored as [in, out] for x @ W) and bias
    W = jax.random.normal(k3, (D_IN, D_OUT), dtype=jnp.float32) / np.sqrt(D_IN)
    b = jax.random.normal(k4, (D_OUT,), dtype=jnp.float32) * 0.01
    return {"x": x, "edge_index": edge_index, "W": W, "b": b}

def reference(x, edge_index, W, b):
    # GCNConv(normalize=True, add_self_loops=False, bias=True) followed by Sigmoid
    row = edge_index[0]  # source nodes
    col = edge_index[1]  # destination nodes
    edge_weight = jnp.ones((edge_index.shape[1],), dtype=x.dtype)
    # symmetric gcn normalization (no self loops added)
    deg = jax.ops.segment_sum(edge_weight, col, num_segments=N_NODES)
    deg_inv_sqrt = jnp.where(deg > 0, deg ** -0.5, 0.0)
    norm = deg_inv_sqrt[row] * edge_weight * deg_inv_sqrt[col]
    # linear transform then propagate (gather from src, scatter-add to dst)
    h = x @ W
    msg = h[row] * norm[:, None]
    out = jax.ops.segment_sum(msg, col, num_segments=N_NODES)
    out = out + b
    out = jax.nn.sigmoid(out)
    # x.view(x.size(0), -1) is identity for 2D output
    return out.reshape(out.shape[0], -1)

if __name__ == "__main__":
    import jax
    _d = setup_inputs()
    print(jax.jit(kernel)(*tuple(_d.values())))

</pallas_src>

<mosaic_0001>
#map = affine_map<(d0, d1) -> (0, 0)>
module attributes {stable_mosaic.version = 14 : i64} {
  func.func @_deg_body(%arg0: i32, %arg1: i32, %arg2: memref<2560x128xi32, #tpu.memory_space<hbm>>, %arg3: memref<2x10240xf32, #tpu.memory_space<hbm>>, %arg4: memref<16x10240xf32, #tpu.memory_space<vmem_shared>>, %arg5: memref<80x128xi32, #tpu.memory_space<vmem>>, %arg6: memref<10240xf32, #tpu.memory_space<vmem>>, %arg7: memref<16x640xf32, #tpu.memory_space<vmem>>, %arg8: memref<640xf32, #tpu.memory_space<vmem>>) attributes {dimension_semantics = [#tpu.dimension_semantics<core_parallel>, #tpu.dimension_semantics<subcore_parallel>], iteration_bounds = array<i64: 2, 16>, scalar_prefetch = 0 : i64, scratch_operands = 5 : i64, tpu.core_type = #tpu.core_type<sc_vector_subcore>, window_params = [{transform_indices = #map}, {transform_indices = #map}]} {
    %mul3A = arith.constant 16 : i32
    %mul3A_0 = arith.muli %arg0, %mul3A : i32
    %add3A = arith.addi %mul3A_0, %arg1 : i32
    %mul3A_1 = arith.constant 80 : i32
    %mul3A_2 = arith.muli %add3A, %mul3A_1 : i32
    "tpu.region"() ({
      %run_scoped3A_83 = tpu.sem_alloc : memref<!tpu.dma_semaphore, #tpu.memory_space<semaphore_mem>>
      %dma_start3A = arith.constant 0 : i32
      %dma_start3A_84 = tpu.memref_slice %arg2[%mul3A_2, %dma_start3A] : memref<2560x128xi32, #tpu.memory_space<hbm>> -> memref<80x128xi32, #tpu.memory_space<hbm>>
      %dma_start3A_85 = arith.constant 0 : i32
      %dma_start3A_86 = tpu.memref_slice %arg2[%mul3A_2, %dma_start3A_85] : memref<2560x128xi32, #tpu.memory_space<hbm>> -> memref<80x128xi32, #tpu.memory_space<hbm>>
      tpu.enqueue_dma source(%dma_start3A_86 : memref<80x128xi32, #tpu.memory_space<hbm>>) target(%arg5 : memref<80x128xi32, #tpu.memory_space<vmem>>) target_semaphore(%run_scoped3A_83 : memref<!tpu.dma_semaphore, #tpu.memory_space<semaphore_mem>>)
      %dma_wait3A = arith.constant 0 : i32
      %dma_wait3A_87 = tpu.memref_slice %arg2[%mul3A_2, %dma_wait3A] : memref<2560x128xi32, #tpu.memory_space<hbm>> -> memref<80x128xi32, #tpu.memory_space<hbm>>
      %dma_wait3A_88 = arith.constant 0 : i32
      %dma_wait3A_89 = tpu.memref_slice %arg2[%mul3A_2, %dma_wait3A_88] : memref<2560x128xi32, #tpu.memory_space<hbm>> -> memref<80x128xi32, #tpu.memory_space<hbm>>
      tpu.wait_dma2 semaphore(%run_scoped3A_83 : memref<!tpu.dma_semaphore, #tpu.memory_space<semaphore_mem>>) src(%dma_wait3A_89 : memref<80x128xi32, #tpu.memory_space<hbm>>) dst(%arg5 : memref<80x128xi32, #tpu.memory_space<vmem>>)
      tpu.yield
    }) : () -> ()
    %scan3A = arith.constant 0 : i32
    %scan3A_3 = arith.constant 640 : i32
    %scan3A_4 = arith.addi %scan3A, %scan3A_3 : i32
    %scan3A_5 = arith.constant 1 : i32
    scf.for %scan3A_83 = %scan3A to %scan3A_4 step %scan3A_5  : i32 {
      %broadcast_in_dim3A_84 = arith.constant 0.000000e+00 : f32
      %broadcast_in_dim3A_85 = vector.broadcast %broadcast_in_dim3A_84 : f32 to vector<16xf32>
      %mul3A_86 = arith.constant 16 : i32
      %mul3A_87 = arith.muli %scan3A_83, %mul3A_86 : i32
      %swap3A = arith.index_cast %mul3A_87 : i32 to index
      %swap3A_88 = tpu.vector_load %arg6[%swap3A] {strides = array<i32>} : memref<10240xf32, #tpu.memory_space<vmem>>, vector<16xf32>,
      tpu.vector_store %arg6[%swap3A], %broadcast_in_dim3A_85 {strides = array<i32>} : memref<10240xf32, #tpu.memory_space<vmem>>, vector<16xf32>,
    }
    %scan3A_6 = arith.constant 640 : i32
    %broadcast_in_dim3A = arith.constant 1.000000e+00 : f32
    %broadcast_in_dim3A_7 = vector.broadcast %broadcast_in_dim3A : f32 to vector<16xf32>
    %scan3A_8 = arith.constant 0 : i32
    %scan3A_9 = arith.constant 80 : i32
    %scan3A_10 = arith.addi %scan3A_8, %scan3A_9 : i32
    %scan3A_11 = arith.constant 1 : i32
    scf.for %scan3A_83 = %scan3A_8 to %scan3A_10 step %scan3A_11  : i32 {
      %get3A = arith.index_cast %scan3A_83 : i32 to index
      %get3A_84 = arith.constant 0 : index
      %get3A_85 = tpu.vector_load %arg5[%get3A, %get3A_84] {strides = array<i32>} : memref<80x128xi32, #tpu.memory_space<vmem>>, vector<16xi32>,
      tpu.vector_store_idx %arg6[%get3A_85], %broadcast_in_dim3A_7 {add = true} : memref<10240xf32, #tpu.memory_space<vmem>>[vector<16xi32>], vector<16xf32>,
      %get3A_86 = arith.index_cast %scan3A_83 : i32 to index
      %get3A_87 = arith.constant 16 : index
      %get3A_88 = tpu.vector_load %arg5[%get3A_86, %get3A_87] {strides = array<i32>} : memref<80x128xi32, #tpu.memory_space<vmem>>, vector<16xi32>,
      tpu.vector_store_idx %arg6[%get3A_88], %broadcast_in_dim3A_7 {add = true} : memref<10240xf32, #tpu.memory_space<vmem>>[vector<16xi32>], vector<16xf32>,
      %get3A_89 = arith.index_cast %scan3A_83 : i32 to index
      %get3A_90 = arith.constant 32 : index
      %get3A_91 = tpu.vector_load %arg5[%get3A_89, %get3A_90] {strides = array<i32>} : memref<80x128xi32, #tpu.memory_space<vmem>>, vector<16xi32>,
      tpu.vector_store_idx %arg6[%get3A_91], %broadcast_in_dim3A_7 {add = true} : memref<10240xf32, #tpu.memory_space<vmem>>[vector<16xi32>], vector<16xf32>,
      %get3A_92 = arith.index_cast %scan3A_83 : i32 to index
      %get3A_93 = arith.constant 48 : index
      %get3A_94 = tpu.vector_load %arg5[%get3A_92, %get3A_93] {strides = array<i32>} : memref<80x128xi32, #tpu.memory_space<vmem>>, vector<16xi32>,
      tpu.vector_store_idx %arg6[%get3A_94], %broadcast_in_dim3A_7 {add = true} : memref<10240xf32, #tpu.memory_space<vmem>>[vector<16xi32>], vector<16xf32>,
      %get3A_95 = arith.index_cast %scan3A_83 : i32 to index
      %get3A_96 = arith.constant 64 : index
      %get3A_97 = tpu.vector_load %arg5[%get3A_95, %get3A_96] {strides = array<i32>} : memref<80x128xi32, #tpu.memory_space<vmem>>, vector<16xi32>,
      tpu.vector_store_idx %arg6[%get3A_97], %broadcast_in_dim3A_7 {add = true} : memref<10240xf32, #tpu.memory_space<vmem>>[vector<16xi32>], vector<16xf32>,
      %get3A_98 = arith.index_cast %scan3A_83 : i32 to index
      %get3A_99 = arith.constant 80 : index
      %get3A_100 = tpu.vector_load %arg5[%get3A_98, %get3A_99] {strides = array<i32>} : memref<80x128xi32, #tpu.memory_space<vmem>>, vector<16xi32>,
      tpu.vector_store_idx %arg6[%get3A_100], %broadcast_in_dim3A_7 {add = true} : memref<10240xf32, #tpu.memory_space<vmem>>[vector<16xi32>], vector<16xf32>,
      %get3A_101 = arith.index_cast %scan3A_83 : i32 to index
      %get3A_102 = arith.constant 96 : index
      %get3A_103 = tpu.vector_load %arg5[%get3A_101, %get3A_102] {strides = array<i32>} : memref<80x128xi32, #tpu.memory_space<vmem>>, vector<16xi32>,
      tpu.vector_store_idx %arg6[%get3A_103], %broadcast_in_dim3A_7 {add = true} : memref<10240xf32, #tpu.memory_space<vmem>>[vector<16xi32>], vector<16xf32>,
      %get3A_104 = arith.index_cast %scan3A_83 : i32 to index
      %get3A_105 = arith.constant 112 : index
      %get3A_106 = tpu.vector_load %arg5[%get3A_104, %get3A_105] {strides = array<i32>} : memref<80x128xi32, #tpu.memory_space<vmem>>, vector<16xi32>,
      tpu.vector_store_idx %arg6[%get3A_106], %broadcast_in_dim3A_7 {add = true} : memref<10240xf32, #tpu.memory_space<vmem>>[vector<16xi32>], vector<16xf32>,
    }
    %scan3A_12 = arith.constant 80 : i32
    "tpu.region"() ({
      %run_scoped3A_83 = tpu.sem_alloc : memref<!tpu.dma_semaphore, #tpu.memory_space<semaphore_mem>>
      %dma_start3A = arith.constant 0 : i32
      %dma_start3A_84 = tpu.memref_slice %arg4[%arg1, %dma_start3A] : memref<16x10240xf32, #tpu.memory_space<vmem_shared>> -> memref<1x10240xf32, #tpu.memory_space<vmem_shared>>
      %dma_start3A_85 = tpu.memref_squeeze %dma_start3A_84 : memref<1x10240xf32, #tpu.memory_space<vmem_shared>> -> memref<10240xf32, #tpu.memory_space<vmem_shared>>
      %dma_start3A_86 = arith.constant 0 : i32
      %dma_start3A_87 = tpu.memref_slice %arg4[%arg1, %dma_start3A_86] : memref<16x10240xf32, #tpu.memory_space<vmem_shared>> -> memref<1x10240xf32, #tpu.memory_space<vmem_shared>>
      %dma_start3A_88 = tpu.memref_squeeze %dma_start3A_87 : memref<1x10240xf32, #tpu.memory_space<vmem_shared>> -> memref<10240xf32, #tpu.memory_space<vmem_shared>>
      tpu.enqueue_dma source(%arg6 : memref<10240xf32, #tpu.memory_space<vmem>>) target(%dma_start3A_88 : memref<10240xf32, #tpu.memory_space<vmem_shared>>) target_semaphore(%run_scoped3A_83 : memref<!tpu.dma_semaphore, #tpu.memory_space<semaphore_mem>>)
      %dma_wait3A = arith.constant 0 : i32
      %dma_wait3A_89 = tpu.memref_slice %arg4[%arg1, %dma_wait3A] : memref<16x10240xf32, #tpu.memory_space<vmem_shared>> -> memref<1x10240xf32, #tpu.memory_space<vmem_shared>>
      %dma_wait3A_90 = tpu.memref_squeeze %dma_wait3A_89 : memref<1x10240xf32, #tpu.memory_space<vmem_shared>> -> memref<10240xf32, #tpu.memory_space<vmem_shared>>
      %dma_wait3A_91 = arith.constant 0 : i32
      %dma_wait3A_92 = tpu.memref_slice %arg4[%arg1, %dma_wait3A_91] : memref<16x10240xf32, #tpu.memory_space<vmem_shared>> -> memref<1x10240xf32, #tpu.memory_space<vmem_shared>>
      %dma_wait3A_93 = tpu.memref_squeeze %dma_wait3A_92 : memref<1x10240xf32, #tpu.memory_space<vmem_shared>> -> memref<10240xf32, #tpu.memory_space<vmem_shared>>
      tpu.wait_dma2 semaphore(%run_scoped3A_83 : memref<!tpu.dma_semaphore, #tpu.memory_space<semaphore_mem>>) src(%arg6 : memref<10240xf32, #tpu.memory_space<vmem>>) dst(%dma_wait3A_93 : memref<10240xf32, #tpu.memory_space<vmem_shared>>)
      tpu.yield
    }) : () -> ()
    %barrier3A = arith.constant 0 : index
    tpu.barrier barrier_id(%barrier3A)
    %mul3A_13 = arith.constant 640 : i32
    %mul3A_14 = arith.muli %arg1, %mul3A_13 : i32
    %run_scoped3A = arith.constant 0 : i32
    %run_scoped3A_15 = arith.constant 0 : i32
    "tpu.region"() ({
      %run_scoped3A_83 = tpu.sem_alloc : memref<!tpu.dma_semaphore, #tpu.memory_space<semaphore_mem>>
      %dma_start3A = arith.constant 0 : i32
      %dma_start3A_84 = tpu.memref_slice %arg7[%run_scoped3A_15, %dma_start3A] : memref<16x640xf32, #tpu.memory_space<vmem>> -> memref<1x640xf32, #tpu.memory_space<vmem>>
      %dma_start3A_85 = tpu.memref_squeeze %dma_start3A_84 : memref<1x640xf32, #tpu.memory_space<vmem>> -> memref<640xf32, #tpu.memory_space<vmem>>
      %dma_start3A_86 = tpu.memref_slice %arg4[%run_scoped3A, %mul3A_14] : memref<16x10240xf32, #tpu.memory_space<vmem_shared>> -> memref<1x640xf32, #tpu.memory_space<vmem_shared>>
      %dma_start3A_87 = tpu.memref_squeeze %dma_start3A_86 : memref<1x640xf32, #tpu.memory_space<vmem_shared>> -> memref<640xf32, #tpu.memory_space<vmem_shared>>
      %dma_start3A_88 = arith.constant 0 : i32
      %dma_start3A_89 = tpu.memref_slice %arg7[%run_scoped3A_15, %dma_start3A_88] : memref<16x640xf32, #tpu.memory_space<vmem>> -> memref<1x640xf32, #tpu.memory_space<vmem>>
      %dma_start3A_90 = tpu.memref_squeeze %dma_start3A_89 : memref<1x640xf32, #tpu.memory_space<vmem>> -> memref<640xf32, #tpu.memory_space<vmem>>
      %dma_start3A_91 = tpu.memref_slice %arg4[%run_scoped3A, %mul3A_14] : memref<16x10240xf32, #tpu.memory_space<vmem_shared>> -> memref<1x640xf32, #tpu.memory_space<vmem_shared>>
      %dma_start3A_92 = tpu.memref_squeeze %dma_start3A_91 : memref<1x640xf32, #tpu.memory_space<vmem_shared>> -> memref<640xf32, #tpu.memory_space<vmem_shared>>
      tpu.enqueue_dma source(%dma_start3A_92 : memref<640xf32, #tpu.memory_space<vmem_shared>>) target(%dma_start3A_90 : memref<640xf32, #tpu.memory_space<vmem>>) target_semaphore(%run_scoped3A_83 : memref<!tpu.dma_semaphore, #tpu.memory_space<semaphore_mem>>)
      %dma_wait3A = arith.constant 0 : i32
      %dma_wait3A_93 = tpu.memref_slice %arg7[%run_scoped3A_15, %dma_wait3A] : memref<16x640xf32, #tpu.memory_space<vmem>> -> memref<1x640xf32, #tpu.memory_space<vmem>>
      %dma_wait3A_94 = tpu.memref_squeeze %dma_wait3A_93 : memref<1x640xf32, #tpu.memory_space<vmem>> -> memref<640xf32, #tpu.memory_space<vmem>>
      %dma_wait3A_95 = tpu.memref_slice %arg4[%run_scoped3A, %mul3A_14] : memref<16x10240xf32, #tpu.memory_space<vmem_shared>> -> memref<1x640xf32, #tpu.memory_space<vmem_shared>>
      %dma_wait3A_96 = tpu.memref_squeeze %dma_wait3A_95 : memref<1x640xf32, #tpu.memory_space<vmem_shared>> -> memref<640xf32, #tpu.memory_space<vmem_shared>>
      %dma_wait3A_97 = arith.constant 0 : i32
      %dma_wait3A_98 = tpu.memref_slice %arg7[%run_scoped3A_15, %dma_wait3A_97] : memref<16x640xf32, #tpu.memory_space<vmem>> -> memref<1x640xf32, #tpu.memory_space<vmem>>
      %dma_wait3A_99 = tpu.memref_squeeze %dma_wait3A_98 : memref<1x640xf32, #tpu.memory_space<vmem>> -> memref<640xf32, #tpu.memory_space<vmem>>
      %dma_wait3A_100 = tpu.memref_slice %arg4[%run_scoped3A, %mul3A_14] : memref<16x10240xf32, #tpu.memory_space<vmem_shared>> -> memref<1x640xf32, #tpu.memory_space<vmem_shared>>
      %dma_wait3A_101 = tpu.memref_squeeze %dma_wait3A_100 : memref<1x640xf32, #tpu.memory_space<vmem_shared>> -> memref<640xf32, #tpu.memory_space<vmem_shared>>
      tpu.wait_dma2 semaphore(%run_scoped3A_83 : memref<!tpu.dma_semaphore, #tpu.memory_space<semaphore_mem>>) src(%dma_wait3A_101 : memref<640xf32, #tpu.memory_space<vmem_shared>>) dst(%dma_wait3A_99 : memref<640xf32, #tpu.memory_space<vmem>>)
      tpu.yield
    }) : () -> ()
    %mul3A_16 = arith.constant 640 : i32
    %mul3A_17 = arith.muli %arg1, %mul3A_16 : i32
    %run_scoped3A_18 = arith.constant 1 : i32
    %run_scoped3A_19 = arith.constant 1 : i32
    "tpu.region"() ({
      %run_scoped3A_83 = tpu.sem_alloc : memref<!tpu.dma_semaphore, #tpu.memory_space<semaphore_mem>>
      %dma_start3A = arith.constant 0 : i32
      %dma_start3A_84 = tpu.memref_slice %arg7[%run_scoped3A_19, %dma_start3A] : memref<16x640xf32, #tpu.memory_space<vmem>> -> memref<1x640xf32, #tpu.memory_space<vmem>>
      %dma_start3A_85 = tpu.memref_squeeze %dma_start3A_84 : memref<1x640xf32, #tpu.memory_space<vmem>> -> memref<640xf32, #tpu.memory_space<vmem>>
      %dma_start3A_86 = tpu.memref_slice %arg4[%run_scoped3A_18, %mul3A_17] : memref<16x10240xf32, #tpu.memory_space<vmem_shared>> -> memref<1x640xf32, #tpu.memory_space<vmem_shared>>
      %dma_start3A_87 = tpu.memref_squeeze %dma_start3A_86 : memref<1x640xf32, #tpu.memory_space<vmem_shared>> -> memref<640xf32, #tpu.memory_space<vmem_shared>>
      %dma_start3A_88 = arith.constant 0 : i32
      %dma_start3A_89 = tpu.memref_slice %arg7[%run_scoped3A_19, %dma_start3A_88] : memref<16x640xf32, #tpu.memory_space<vmem>> -> memref<1x640xf32, #tpu.memory_space<vmem>>
      %dma_start3A_90 = tpu.memref_squeeze %dma_start3A_89 : memref<1x640xf32, #tpu.memory_space<vmem>> -> memref<640xf32, #tpu.memory_space<vmem>>
      %dma_start3A_91 = tpu.memref_slice %arg4[%run_scoped3A_18, %mul3A_17] : memref<16x10240xf32, #tpu.memory_space<vmem_shared>> -> memref<1x640xf32, #tpu.memory_space<vmem_shared>>
      %dma_start3A_92 = tpu.memref_squeeze %dma_start3A_91 : memref<1x640xf32, #tpu.memory_space<vmem_shared>> -> memref<640xf32, #tpu.memory_space<vmem_shared>>
      tpu.enqueue_dma source(%dma_start3A_92 : memref<640xf32, #tpu.memory_space<vmem_shared>>) target(%dma_start3A_90 : memref<640xf32, #tpu.memory_space<vmem>>) target_semaphore(%run_scoped3A_83 : memref<!tpu.dma_semaphore, #tpu.memory_space<semaphore_mem>>)
      %dma_wait3A = arith.constant 0 : i32
      %dma_wait3A_93 = tpu.memref_slice %arg7[%run_scoped3A_19, %dma_wait3A] : memref<16x640xf32, #tpu.memory_space<vmem>> -> memref<1x640xf32, #tpu.memory_space<vmem>>
      %dma_wait3A_94 = tpu.memref_squeeze %dma_wait3A_93 : memref<1x640xf32, #tpu.memory_space<vmem>> -> memref<640xf32, #tpu.memory_space<vmem>>
      %dma_wait3A_95 = tpu.memref_slice %arg4[%run_scoped3A_18, %mul3A_17] : memref<16x10240xf32, #tpu.memory_space<vmem_shared>> -> memref<1x640xf32, #tpu.memory_space<vmem_shared>>
      %dma_wait3A_96 = tpu.memref_squeeze %dma_wait3A_95 : memref<1x640xf32, #tpu.memory_space<vmem_shared>> -> memref<640xf32, #tpu.memory_space<vmem_shared>>
      %dma_wait3A_97 = arith.constant 0 : i32
      %dma_wait3A_98 = tpu.memref_slice %arg7[%run_scoped3A_19, %dma_wait3A_97] : memref<16x640xf32, #tpu.memory_space<vmem>> -> memref<1x640xf32, #tpu.memory_space<vmem>>
      %dma_wait3A_99 = tpu.memref_squeeze %dma_wait3A_98 : memref<1x640xf32, #tpu.memory_space<vmem>> -> memref<640xf32, #tpu.memory_space<vmem>>
      %dma_wait3A_100 = tpu.memref_slice %arg4[%run_scoped3A_18, %mul3A_17] : memref<16x10240xf32, #tpu.memory_space<vmem_shared>> -> memref<1x640xf32, #tpu.memory_space<vmem_shared>>
      %dma_wait3A_101 = tpu.memref_squeeze %dma_wait3A_100 : memref<1x640xf32, #tpu.memory_space<vmem_shared>> -> memref<640xf32, #tpu.memory_space<vmem_shared>>
      tpu.wait_dma2 semaphore(%run_scoped3A_83 : memref<!tpu.dma_semaphore, #tpu.memory_space<semaphore_mem>>) src(%dma_wait3A_101 : memref<640xf32, #tpu.memory_space<vmem_shared>>) dst(%dma_wait3A_99 : memref<640xf32, #tpu.memory_space<vmem>>)
      tpu.yield
    }) : () -> ()
    %mul3A_20 = arith.constant 640 : i32
    %mul3A_21 = arith.muli %arg1, %mul3A_20 : i32
    %run_scoped3A_22 = arith.constant 2 : i32
    %run_scoped3A_23 = arith.constant 2 : i32
    "tpu.region"() ({
      %run_scoped3A_83 = tpu.sem_alloc : memref<!tpu.dma_semaphore, #tpu.memory_space<semaphore_mem>>
      %dma_start3A = arith.constant 0 : i32
      %dma_start3A_84 = tpu.memref_slice %arg7[%run_scoped3A_23, %dma_start3A] : memref<16x640xf32, #tpu.memory_space<vmem>> -> memref<1x640xf32, #tpu.memory_space<vmem>>
      %dma_start3A_85 = tpu.memref_squeeze %dma_start3A_84 : memref<1x640xf32, #tpu.memory_space<vmem>> -> memref<640xf32, #tpu.memory_space<vmem>>
      %dma_start3A_86 = tpu.memref_slice %arg4[%run_scoped3A_22, %mul3A_21] : memref<16x10240xf32, #tpu.memory_space<vmem_shared>> -> memref<1x640xf32, #tpu.memory_space<vmem_shared>>
      %dma_start3A_87 = tpu.memref_squeeze %dma_start3A_86 : memref<1x640xf32, #tpu.memory_space<vmem_shared>> -> memref<640xf32, #tpu.memory_space<vmem_shared>>
      %dma_start3A_88 = arith.constant 0 : i32
      %dma_start3A_89 = tpu.memref_slice %arg7[%run_scoped3A_23, %dma_start3A_88] : memref<16x640xf32, #tpu.memory_space<vmem>> -> memref<1x640xf32, #tpu.memory_space<vmem>>
      %dma_start3A_90 = tpu.memref_squeeze %dma_start3A_89 : memref<1x640xf32, #tpu.memory_space<vmem>> -> memref<640xf32, #tpu.memory_space<vmem>>
      %dma_start3A_91 = tpu.memref_slice %arg4[%run_scoped3A_22, %mul3A_21] : memref<16x10240xf32, #tpu.memory_space<vmem_shared>> -> memref<1x640xf32, #tpu.memory_space<vmem_shared>>
      %dma_start3A_92 = tpu.memref_squeeze %dma_start3A_91 : memref<1x640xf32, #tpu.memory_space<vmem_shared>> -> memref<640xf32, #tpu.memory_space<vmem_shared>>
      tpu.enqueue_dma source(%dma_start3A_92 : memref<640xf32, #tpu.memory_space<vmem_shared>>) target(%dma_start3A_90 : memref<640xf32, #tpu.memory_space<vmem>>) target_semaphore(%run_scoped3A_83 : memref<!tpu.dma_semaphore, #tpu.memory_space<semaphore_mem>>)
      %dma_wait3A = arith.constant 0 : i32
      %dma_wait3A_93 = tpu.memref_slice %arg7[%run_scoped3A_23, %dma_wait3A] : memref<16x640xf32, #tpu.memory_space<vmem>> -> memref<1x640xf32, #tpu.memory_space<vmem>>
      %dma_wait3A_94 = tpu.memref_squeeze %dma_wait3A_93 : memref<1x640xf32, #tpu.memory_space<vmem>> -> memref<640xf32, #tpu.memory_space<vmem>>
      %dma_wait3A_95 = tpu.memref_slice %arg4[%run_scoped3A_22, %mul3A_21] : memref<16x10240xf32, #tpu.memory_space<vmem_shared>> -> memref<1x640xf32, #tpu.memory_space<vmem_shared>>
      %dma_wait3A_96 = tpu.memref_squeeze %dma_wait3A_95 : memref<1x640xf32, #tpu.memory_space<vmem_shared>> -> memref<640xf32, #tpu.memory_space<vmem_shared>>
      %dma_wait3A_97 = arith.constant 0 : i32
      %dma_wait3A_98 = tpu.memref_slice %arg7[%run_scoped3A_23, %dma_wait3A_97] : memref<16x640xf32, #tpu.memory_space<vmem>> -> memref<1x640xf32, #tpu.memory_space<vmem>>
      %dma_wait3A_99 = tpu.memref_squeeze %dma_wait3A_98 : memref<1x640xf32, #tpu.memory_space<vmem>> -> memref<640xf32, #tpu.memory_space<vmem>>
      %dma_wait3A_100 = tpu.memref_slice %arg4[%run_scoped3A_22, %mul3A_21] : memref<16x10240xf32, #tpu.memory_space<vmem_shared>> -> memref<1x640xf32, #tpu.memory_space<vmem_shared>>
      %dma_wait3A_101 = tpu.memref_squeeze %dma_wait3A_100 : memref<1x640xf32, #tpu.memory_space<vmem_shared>> -> memref<640xf32, #tpu.memory_space<vmem_shared>>
      tpu.wait_dma2 semaphore(%run_scoped3A_83 : memref<!tpu.dma_semaphore, #tpu.memory_space<semaphore_mem>>) src(%dma_wait3A_101 : memref<640xf32, #tpu.memory_space<vmem_shared>>) dst(%dma_wait3A_99 : memref<640xf32, #tpu.memory_space<vmem>>)
      tpu.yield
    }) : () -> ()
    %mul3A_24 = arith.constant 640 : i32
    %mul3A_25 = arith.muli %arg1, %mul3A_24 : i32
    %run_scoped3A_26 = arith.constant 3 : i32
    %run_scoped3A_27 = arith.constant 3 : i32
    "tpu.region"() ({
      %run_scoped3A_83 = tpu.sem_alloc : memref<!tpu.dma_semaphore, #tpu.memory_space<semaphore_mem>>
      %dma_start3A = arith.constant 0 : i32
      %dma_start3A_84 = tpu.memref_slice %arg7[%run_scoped3A_27, %dma_start3A] : memref<16x640xf32, #tpu.memory_space<vmem>> -> memref<1x640xf32, #tpu.memory_space<vmem>>
      %dma_start3A_85 = tpu.memref_squeeze %dma_start3A_84 : memref<1x640xf32, #tpu.memory_space<vmem>> -> memref<640xf32, #tpu.memory_space<vmem>>
      %dma_start3A_86 = tpu.memref_slice %arg4[%run_scoped3A_26, %mul3A_25] : memref<16x10240xf32, #tpu.memory_space<vmem_shared>> -> memref<1x640xf32, #tpu.memory_space<vmem_shared>>
      %dma_start3A_87 = tpu.memref_squeeze %dma_start3A_86 : memref<1x640xf32, #tpu.memory_space<vmem_shared>> -> memref<640xf32, #tpu.memory_space<vmem_shared>>
      %dma_start3A_88 = arith.constant 0 : i32
      %dma_start3A_89 = tpu.memref_slice %arg7[%run_scoped3A_27, %dma_start3A_88] : memref<16x640xf32, #tpu.memory_space<vmem>> -> memref<1x640xf32, #tpu.memory_space<vmem>>
      %dma_start3A_90 = tpu.memref_squeeze %dma_start3A_89 : memref<1x640xf32, #tpu.memory_space<vmem>> -> memref<640xf32, #tpu.memory_space<vmem>>
      %dma_start3A_91 = tpu.memref_slice %arg4[%run_scoped3A_26, %mul3A_25] : memref<16x10240xf32, #tpu.memory_space<vmem_shared>> -> memref<1x640xf32, #tpu.memory_space<vmem_shared>>
      %dma_start3A_92 = tpu.memref_squeeze %dma_start3A_91 : memref<1x640xf32, #tpu.memory_space<vmem_shared>> -> memref<640xf32, #tpu.memory_space<vmem_shared>>
      tpu.enqueue_dma source(%dma_start3A_92 : memref<640xf32, #tpu.memory_space<vmem_shared>>) target(%dma_start3A_90 : memref<640xf32, #tpu.memory_space<vmem>>) target_semaphore(%run_scoped3A_83 : memref<!tpu.dma_semaphore, #tpu.memory_space<semaphore_mem>>)
      %dma_wait3A = arith.constant 0 : i32
      %dma_wait3A_93 = tpu.memref_slice %arg7[%run_scoped3A_27, %dma_wait3A] : memref<16x640xf32, #tpu.memory_space<vmem>> -> memref<1x640xf32, #tpu.memory_space<vmem>>
      %dma_wait3A_94 = tpu.memref_squeeze %dma_wait3A_93 : memref<1x640xf32, #tpu.memory_space<vmem>> -> memref<640xf32, #tpu.memory_space<vmem>>
      %dma_wait3A_95 = tpu.memref_slice %arg4[%run_scoped3A_26, %mul3A_25] : memref<16x10240xf32, #tpu.memory_space<vmem_shared>> -> memref<1x640xf32, #tpu.memory_space<vmem_shared>>
      %dma_wait3A_96 = tpu.memref_squeeze %dma_wait3A_95 : memref<1x640xf32, #tpu.memory_space<vmem_shared>> -> memref<640xf32, #tpu.memory_space<vmem_shared>>
      %dma_wait3A_97 = arith.constant 0 : i32
      %dma_wait3A_98 = tpu.memref_slice %arg7[%run_scoped3A_27, %dma_wait3A_97] : memref<16x640xf32, #tpu.memory_space<vmem>> -> memref<1x640xf32, #tpu.memory_space<vmem>>
      %dma_wait3A_99 = tpu.memref_squeeze %dma_wait3A_98 : memref<1x640xf32, #tpu.memory_space<vmem>> -> memref<640xf32, #tpu.memory_space<vmem>>
      %dma_wait3A_100 = tpu.memref_slice %arg4[%run_scoped3A_26, %mul3A_25] : memref<16x10240xf32, #tpu.memory_space<vmem_shared>> -> memref<1x640xf32, #tpu.memory_space<vmem_shared>>
      %dma_wait3A_101 = tpu.memref_squeeze %dma_wait3A_100 : memref<1x640xf32, #tpu.memory_space<vmem_shared>> -> memref<640xf32, #tpu.memory_space<vmem_shared>>
      tpu.wait_dma2 semaphore(%run_scoped3A_83 : memref<!tpu.dma_semaphore, #tpu.memory_space<semaphore_mem>>) src(%dma_wait3A_101 : memref<640xf32, #tpu.memory_space<vmem_shared>>) dst(%dma_wait3A_99 : memref<640xf32, #tpu.memory_space<vmem>>)
      tpu.yield
    }) : () -> ()
    %mul3A_28 = arith.constant 640 : i32
    %mul3A_29 = arith.muli %arg1, %mul3A_28 : i32
    %run_scoped3A_30 = arith.constant 4 : i32
    %run_scoped3A_31 = arith.constant 4 : i32
    "tpu.region"() ({
      %run_scoped3A_83 = tpu.sem_alloc : memref<!tpu.dma_semaphore, #tpu.memory_space<semaphore_mem>>
      %dma_start3A = arith.constant 0 : i32
      %dma_start3A_84 = tpu.memref_slice %arg7[%run_scoped3A_31, %dma_start3A] : memref<16x640xf32, #tpu.memory_space<vmem>> -> memref<1x640xf32, #tpu.memory_space<vmem>>
      %dma_start3A_85 = tpu.memref_squeeze %dma_start3A_84 : memref<1x640xf32, #tpu.memory_space<vmem>> -> memref<640xf32, #tpu.memory_space<vmem>>
      %dma_start3A_86 = tpu.memref_slice %arg4[%run_scoped3A_30, %mul3A_29] : memref<16x10240xf32, #tpu.memory_space<vmem_shared>> -> memref<1x640xf32, #tpu.memory_space<vmem_shared>>
      %dma_start3A_87 = tpu.memref_squeeze %dma_start3A_86 : memref<1x640xf32, #tpu.memory_space<vmem_shared>> -> memref<640xf32, #tpu.memory_space<vmem_shared>>
      %dma_start3A_88 = arith.constant 0 : i32
      %dma_start3A_89 = tpu.memref_slice %arg7[%run_scoped3A_31, %dma_start3A_88] : memref<16x640xf32, #tpu.memory_space<vmem>> -> memref<1x640xf32, #tpu.memory_space<vmem>>
      %dma_start3A_90 = tpu.memref_squeeze %dma_start3A_89 : memref<1x640xf32, #tpu.memory_space<vmem>> -> memref<640xf32, #tpu.memory_space<vmem>>
      %dma_start3A_91 = tpu.memref_slice %arg4[%run_scoped3A_30, %mul3A_29] : memref<16x10240xf32, #tpu.memory_space<vmem_shared>> -> memref<1x640xf32, #tpu.memory_space<vmem_shared>>
      %dma_start3A_92 = tpu.memref_squeeze %dma_start3A_91 : memref<1x640xf32, #tpu.memory_space<vmem_shared>> -> memref<640xf32, #tpu.memory_space<vmem_shared>>
      tpu.enqueue_dma source(%dma_start3A_92 : memref<640xf32, #tpu.memory_space<vmem_shared>>) target(%dma_start3A_90 : memref<640xf32, #tpu.memory_space<vmem>>) target_semaphore(%run_scoped3A_83 : memref<!tpu.dma_semaphore, #tpu.memory_space<semaphore_mem>>)
      %dma_wait3A = arith.constant 0 : i32
      %dma_wait3A_93 = tpu.memref_slice %arg7[%run_scoped3A_31, %dma_wait3A] : memref<16x640xf32, #tpu.memory_space<vmem>> -> memref<1x640xf32, #tpu.memory_space<vmem>>
      %dma_wait3A_94 = tpu.memref_squeeze %dma_wait3A_93 : memref<1x640xf32, #tpu.memory_space<vmem>> -> memref<640xf32, #tpu.memory_space<vmem>>
      %dma_wait3A_95 = tpu.memref_slice %arg4[%run_scoped3A_30, %mul3A_29] : memref<16x10240xf32, #tpu.memory_space<vmem_shared>> -> memref<1x640xf32, #tpu.memory_space<vmem_shared>>
      %dma_wait3A_96 = tpu.memref_squeeze %dma_wait3A_95 : memref<1x640xf32, #tpu.memory_space<vmem_shared>> -> memref<640xf32, #tpu.memory_space<vmem_shared>>
      %dma_wait3A_97 = arith.constant 0 : i32
      %dma_wait3A_98 = tpu.memref_slice %arg7[%run_scoped3A_31, %dma_wait3A_97] : memref<16x640xf32, #tpu.memory_space<vmem>> -> memref<1x640xf32, #tpu.memory_space<vmem>>
      %dma_wait3A_99 = tpu.memref_squeeze %dma_wait3A_98 : memref<1x640xf32, #tpu.memory_space<vmem>> -> memref<640xf32, #tpu.memory_space<vmem>>
      %dma_wait3A_100 = tpu.memref_slice %arg4[%run_scoped3A_30, %mul3A_29] : memref<16x10240xf32, #tpu.memory_space<vmem_shared>> -> memref<1x640xf32, #tpu.memory_space<vmem_shared>>
      %dma_wait3A_101 = tpu.memref_squeeze %dma_wait3A_100 : memref<1x640xf32, #tpu.memory_space<vmem_shared>> -> memref<640xf32, #tpu.memory_space<vmem_shared>>
      tpu.wait_dma2 semaphore(%run_scoped3A_83 : memref<!tpu.dma_semaphore, #tpu.memory_space<semaphore_mem>>) src(%dma_wait3A_101 : memref<640xf32, #tpu.memory_space<vmem_shared>>) dst(%dma_wait3A_99 : memref<640xf32, #tpu.memory_space<vmem>>)
      tpu.yield
    }) : () -> ()
    %mul3A_32 = arith.constant 640 : i32
    %mul3A_33 = arith.muli %arg1, %mul3A_32 : i32
    %run_scoped3A_34 = arith.constant 5 : i32
    %run_scoped3A_35 = arith.constant 5 : i32
    "tpu.region"() ({
      %run_scoped3A_83 = tpu.sem_alloc : memref<!tpu.dma_semaphore, #tpu.memory_space<semaphore_mem>>
      %dma_start3A = arith.constant 0 : i32
      %dma_start3A_84 = tpu.memref_slice %arg7[%run_scoped3A_35, %dma_start3A] : memref<16x640xf32, #tpu.memory_space<vmem>> -> memref<1x640xf32, #tpu.memory_space<vmem>>
      %dma_start3A_85 = tpu.memref_squeeze %dma_start3A_84 : memref<1x640xf32, #tpu.memory_space<vmem>> -> memref<640xf32, #tpu.memory_space<vmem>>
      %dma_start3A_86 = tpu.memref_slice %arg4[%run_scoped3A_34, %mul3A_33] : memref<16x10240xf32, #tpu.memory_space<vmem_shared>> -> memref<1x640xf32, #tpu.memory_space<vmem_shared>>
      %dma_start3A_87 = tpu.memref_squeeze %dma_start3A_86 : memref<1x640xf32, #tpu.memory_space<vmem_shared>> -> memref<640xf32, #tpu.memory_space<vmem_shared>>
      %dma_start3A_88 = arith.constant 0 : i32
      %dma_start3A_89 = tpu.memref_slice %arg7[%run_scoped3A_35, %dma_start3A_88] : memref<16x640xf32, #tpu.memory_space<vmem>> -> memref<1x640xf32, #tpu.memory_space<vmem>>
      %dma_start3A_90 = tpu.memref_squeeze %dma_start3A_89 : memref<1x640xf32, #tpu.memory_space<vmem>> -> memref<640xf32, #tpu.memory_space<vmem>>
      %dma_start3A_91 = tpu.memref_slice %arg4[%run_scoped3A_34, %mul3A_33] : memref<16x10240xf32, #tpu.memory_space<vmem_shared>> -> memref<1x640xf32, #tpu.memory_space<vmem_shared>>
      %dma_start3A_92 = tpu.memref_squeeze %dma_start3A_91 : memref<1x640xf32, #tpu.memory_space<vmem_shared>> -> memref<640xf32, #tpu.memory_space<vmem_shared>>
      tpu.enqueue_dma source(%dma_start3A_92 : memref<640xf32, #tpu.memory_space<vmem_shared>>) target(%dma_start3A_90 : memref<640xf32, #tpu.memory_space<vmem>>) target_semaphore(%run_scoped3A_83 : memref<!tpu.dma_semaphore, #tpu.memory_space<semaphore_mem>>)
      %dma_wait3A = arith.constant 0 : i32
      %dma_wait3A_93 = tpu.memref_slice %arg7[%run_scoped3A_35, %dma_wait3A] : memref<16x640xf32, #tpu.memory_space<vmem>> -> memref<1x640xf32, #tpu.memory_space<vmem>>
      %dma_wait3A_94 = tpu.memref_squeeze %dma_wait3A_93 : memref<1x640xf32, #tpu.memory_space<vmem>> -> memref<640xf32, #tpu.memory_space<vmem>>
      %dma_wait3A_95 = tpu.memref_slice %arg4[%run_scoped3A_34, %mul3A_33] : memref<16x10240xf32, #tpu.memory_space<vmem_shared>> -> memref<1x640xf32, #tpu.memory_space<vmem_shared>>
      %dma_wait3A_96 = tpu.memref_squeeze %dma_wait3A_95 : memref<1x640xf32, #tpu.memory_space<vmem_shared>> -> memref<640xf32, #tpu.memory_space<vmem_shared>>
      %dma_wait3A_97 = arith.constant 0 : i32
      %dma_wait3A_98 = tpu.memref_slice %arg7[%run_scoped3A_35, %dma_wait3A_97] : memref<16x640xf32, #tpu.memory_space<vmem>> -> memref<1x640xf32, #tpu.memory_space<vmem>>
      %dma_wait3A_99 = tpu.memref_squeeze %dma_wait3A_98 : memref<1x640xf32, #tpu.memory_space<vmem>> -> memref<640xf32, #tpu.memory_space<vmem>>
      %dma_wait3A_100 = tpu.memref_slice %arg4[%run_scoped3A_34, %mul3A_33] : memref<16x10240xf32, #tpu.memory_space<vmem_shared>> -> memref<1x640xf32, #tpu.memory_space<vmem_shared>>
      %dma_wait3A_101 = tpu.memref_squeeze %dma_wait3A_100 : memref<1x640xf32, #tpu.memory_space<vmem_shared>> -> memref<640xf32, #tpu.memory_space<vmem_shared>>
      tpu.wait_dma2 semaphore(%run_scoped3A_83 : memref<!tpu.dma_semaphore, #tpu.memory_space<semaphore_mem>>) src(%dma_wait3A_101 : memref<640xf32, #tpu.memory_space<vmem_shared>>) dst(%dma_wait3A_99 : memref<640xf32, #tpu.memory_space<vmem>>)
      tpu.yield
    }) : () -> ()
    %mul3A_36 = arith.constant 640 : i32
    %mul3A_37 = arith.muli %arg1, %mul3A_36 : i32
    %run_scoped3A_38 = arith.constant 6 : i32
    %run_scoped3A_39 = arith.constant 6 : i32
    "tpu.region"() ({
      %run_scoped3A_83 = tpu.sem_alloc : memref<!tpu.dma_semaphore, #tpu.memory_space<semaphore_mem>>
      %dma_start3A = arith.constant 0 : i32
      %dma_start3A_84 = tpu.memref_slice %arg7[%run_scoped3A_39, %dma_start3A] : memref<16x640xf32, #tpu.memory_space<vmem>> -> memref<1x640xf32, #tpu.memory_space<vmem>>
      %dma_start3A_85 = tpu.memref_squeeze %dma_start3A_84 : memref<1x640xf32, #tpu.memory_space<vmem>> -> memref<640xf32, #tpu.memory_space<vmem>>
      %dma_start3A_86 = tpu.memref_slice %arg4[%run_scoped3A_38, %mul3A_37] : memref<16x10240xf32, #tpu.memory_space<vmem_shared>> -> memref<1x640xf32, #tpu.memory_space<vmem_shared>>
      %dma_start3A_87 = tpu.memref_squeeze %dma_start3A_86 : memref<1x640xf32, #tpu.memory_space<vmem_shared>> -> memref<640xf32, #tpu.memory_space<vmem_shared>>
      %dma_start3A_88 = arith.constant 0 : i32
      %dma_start3A_89 = tpu.memref_slice %arg7[%run_scoped3A_39, %dma_start3A_88] : memref<16x640xf32, #tpu.memory_space<vmem>> -> memref<1x640xf32, #tpu.memory_space<vmem>>
      %dma_start3A_90 = tpu.memref_squeeze %dma_start3A_89 : memref<1x640xf32, #tpu.memory_space<vmem>> -> memref<640xf32, #tpu.memory_space<vmem>>
      %dma_start3A_91 = tpu.memref_slice %arg4[%run_scoped3A_38, %mul3A_37] : memref<16x10240xf32, #tpu.memory_space<vmem_shared>> -> memref<1x640xf32, #tpu.memory_space<vmem_shared>>
      %dma_start3A_92 = tpu.memref_squeeze %dma_start3A_91 : memref<1x640xf32, #tpu.memory_space<vmem_shared>> -> memref<640xf32, #tpu.memory_space<vmem_shared>>
      tpu.enqueue_dma source(%dma_start3A_92 : memref<640xf32, #tpu.memory_space<vmem_shared>>) target(%dma_start3A_90 : memref<640xf32, #tpu.memory_space<vmem>>) target_semaphore(%run_scoped3A_83 : memref<!tpu.dma_semaphore, #tpu.memory_space<semaphore_mem>>)
      %dma_wait3A = arith.constant 0 : i32
      %dma_wait3A_93 = tpu.memref_slice %arg7[%run_scoped3A_39, %dma_wait3A] : memref<16x640xf32, #tpu.memory_space<vmem>> -> memref<1x640xf32, #tpu.memory_space<vmem>>
      %dma_wait3A_94 = tpu.memref_squeeze %dma_wait3A_93 : memref<1x640xf32, #tpu.memory_space<vmem>> -> memref<640xf32, #tpu.memory_space<vmem>>
      %dma_wait3A_95 = tpu.memref_slice %arg4[%run_scoped3A_38, %mul3A_37] : memref<16x10240xf32, #tpu.memory_space<vmem_shared>> -> memref<1x640xf32, #tpu.memory_space<vmem_shared>>
      %dma_wait3A_96 = tpu.memref_squeeze %dma_wait3A_95 : memref<1x640xf32, #tpu.memory_space<vmem_shared>> -> memref<640xf32, #tpu.memory_space<vmem_shared>>
      %dma_wait3A_97 = arith.constant 0 : i32
      %dma_wait3A_98 = tpu.memref_slice %arg7[%run_scoped3A_39, %dma_wait3A_97] : memref<16x640xf32, #tpu.memory_space<vmem>> -> memref<1x640xf32, #tpu.memory_space<vmem>>
      %dma_wait3A_99 = tpu.memref_squeeze %dma_wait3A_98 : memref<1x640xf32, #tpu.memory_space<vmem>> -> memref<640xf32, #tpu.memory_space<vmem>>
      %dma_wait3A_100 = tpu.memref_slice %arg4[%run_scoped3A_38, %mul3A_37] : memref<16x10240xf32, #tpu.memory_space<vmem_shared>> -> memref<1x640xf32, #tpu.memory_space<vmem_shared>>
      %dma_wait3A_101 = tpu.memref_squeeze %dma_wait3A_100 : memref<1x640xf32, #tpu.memory_space<vmem_shared>> -> memref<640xf32, #tpu.memory_space<vmem_shared>>
      tpu.wait_dma2 semaphore(%run_scoped3A_83 : memref<!tpu.dma_semaphore, #tpu.memory_space<semaphore_mem>>) src(%dma_wait3A_101 : memref<640xf32, #tpu.memory_space<vmem_shared>>) dst(%dma_wait3A_99 : memref<640xf32, #tpu.memory_space<vmem>>)
      tpu.yield
    }) : () -> ()
    %mul3A_40 = arith.constant 640 : i32
    %mul3A_41 = arith.muli %arg1, %mul3A_40 : i32
    %run_scoped3A_42 = arith.constant 7 : i32
    %run_scoped3A_43 = arith.constant 7 : i32
    "tpu.region"() ({
      %run_scoped3A_83 = tpu.sem_alloc : memref<!tpu.dma_semaphore, #tpu.memory_space<semaphore_mem>>
      %dma_start3A = arith.constant 0 : i32
      %dma_start3A_84 = tpu.memref_slice %arg7[%run_scoped3A_43, %dma_start3A] : memref<16x640xf32, #tpu.memory_space<vmem>> -> memref<1x640xf32, #tpu.memory_space<vmem>>
      %dma_start3A_85 = tpu.memref_squeeze %dma_start3A_84 : memref<1x640xf32, #tpu.memory_space<vmem>> -> memref<640xf32, #tpu.memory_space<vmem>>
      %dma_start3A_86 = tpu.memref_slice %arg4[%run_scoped3A_42, %mul3A_41] : memref<16x10240xf32, #tpu.memory_space<vmem_shared>> -> memref<1x640xf32, #tpu.memory_space<vmem_shared>>
      %dma_start3A_87 = tpu.memref_squeeze %dma_start3A_86 : memref<1x640xf32, #tpu.memory_space<vmem_shared>> -> memref<640xf32, #tpu.memory_space<vmem_shared>>
      %dma_start3A_88 = arith.constant 0 : i32
      %dma_start3A_89 = tpu.memref_slice %arg7[%run_scoped3A_43, %dma_start3A_88] : memref<16x640xf32, #tpu.memory_space<vmem>> -> memref<1x640xf32, #tpu.memory_space<vmem>>
      %dma_start3A_90 = tpu.memref_squeeze %dma_start3A_89 : memref<1x640xf32, #tpu.memory_space<vmem>> -> memref<640xf32, #tpu.memory_space<vmem>>
      %dma_start3A_91 = tpu.memref_slice %arg4[%run_scoped3A_42, %mul3A_41] : memref<16x10240xf32, #tpu.memory_space<vmem_shared>> -> memref<1x640xf32, #tpu.memory_space<vmem_shared>>
      %dma_start3A_92 = tpu.memref_squeeze %dma_start3A_91 : memref<1x640xf32, #tpu.memory_space<vmem_shared>> -> memref<640xf32, #tpu.memory_space<vmem_shared>>
      tpu.enqueue_dma source(%dma_start3A_92 : memref<640xf32, #tpu.memory_space<vmem_shared>>) target(%dma_start3A_90 : memref<640xf32, #tpu.memory_space<vmem>>) target_semaphore(%run_scoped3A_83 : memref<!tpu.dma_semaphore, #tpu.memory_space<semaphore_mem>>)
      %dma_wait3A = arith.constant 0 : i32
      %dma_wait3A_93 = tpu.memref_slice %arg7[%run_scoped3A_43, %dma_wait3A] : memref<16x640xf32, #tpu.memory_space<vmem>> -> memref<1x640xf32, #tpu.memory_space<vmem>>
      %dma_wait3A_94 = tpu.memref_squeeze %dma_wait3A_93 : memref<1x640xf32, #tpu.memory_space<vmem>> -> memref<640xf32, #tpu.memory_space<vmem>>
      %dma_wait3A_95 = tpu.memref_slice %arg4[%run_scoped3A_42, %mul3A_41] : memref<16x10240xf32, #tpu.memory_space<vmem_shared>> -> memref<1x640xf32, #tpu.memory_space<vmem_shared>>
      %dma_wait3A_96 = tpu.memref_squeeze %dma_wait3A_95 : memref<1x640xf32, #tpu.memory_space<vmem_shared>> -> memref<640xf32, #tpu.memory_space<vmem_shared>>
      %dma_wait3A_97 = arith.constant 0 : i32
      %dma_wait3A_98 = tpu.memref_slice %arg7[%run_scoped3A_43, %dma_wait3A_97] : memref<16x640xf32, #tpu.memory_space<vmem>> -> memref<1x640xf32, #tpu.memory_space<vmem>>
      %dma_wait3A_99 = tpu.memref_squeeze %dma_wait3A_98 : memref<1x640xf32, #tpu.memory_space<vmem>> -> memref<640xf32, #tpu.memory_space<vmem>>
      %dma_wait3A_100 = tpu.memref_slice %arg4[%run_scoped3A_42, %mul3A_41] : memref<16x10240xf32, #tpu.memory_space<vmem_shared>> -> memref<1x640xf32, #tpu.memory_space<vmem_shared>>
      %dma_wait3A_101 = tpu.memref_squeeze %dma_wait3A_100 : memref<1x640xf32, #tpu.memory_space<vmem_shared>> -> memref<640xf32, #tpu.memory_space<vmem_shared>>
      tpu.wait_dma2 semaphore(%run_scoped3A_83 : memref<!tpu.dma_semaphore, #tpu.memory_space<semaphore_mem>>) src(%dma_wait3A_101 : memref<640xf32, #tpu.memory_space<vmem_shared>>) dst(%dma_wait3A_99 : memref<640xf32, #tpu.memory_space<vmem>>)
      tpu.yield
    }) : () -> ()
    %mul3A_44 = arith.constant 640 : i32
    %mul3A_45 = arith.muli %arg1, %mul3A_44 : i32
    %run_scoped3A_46 = arith.constant 8 : i32
    %run_scoped3A_47 = arith.constant 8 : i32
    "tpu.region"() ({
      %run_scoped3A_83 = tpu.sem_alloc : memref<!tpu.dma_semaphore, #tpu.memory_space<semaphore_mem>>
      %dma_start3A = arith.constant 0 : i32
      %dma_start3A_84 = tpu.memref_slice %arg7[%run_scoped3A_47, %dma_start3A] : memref<16x640xf32, #tpu.memory_space<vmem>> -> memref<1x640xf32, #tpu.memory_space<vmem>>
      %dma_start3A_85 = tpu.memref_squeeze %dma_start3A_84 : memref<1x640xf32, #tpu.memory_space<vmem>> -> memref<640xf32, #tpu.memory_space<vmem>>
      %dma_start3A_86 = tpu.memref_slice %arg4[%run_scoped3A_46, %mul3A_45] : memref<16x10240xf32, #tpu.memory_space<vmem_shared>> -> memref<1x640xf32, #tpu.memory_space<vmem_shared>>
      %dma_start3A_87 = tpu.memref_squeeze %dma_start3A_86 : memref<1x640xf32, #tpu.memory_space<vmem_shared>> -> memref<640xf32, #tpu.memory_space<vmem_shared>>
      %dma_start3A_88 = arith.constant 0 : i32
      %dma_start3A_89 = tpu.memref_slice %arg7[%run_scoped3A_47, %dma_start3A_88] : memref<16x640xf32, #tpu.memory_space<vmem>> -> memref<1x640xf32, #tpu.memory_space<vmem>>
      %dma_start3A_90 = tpu.memref_squeeze %dma_start3A_89 : memref<1x640xf32, #tpu.memory_space<vmem>> -> memref<640xf32, #tpu.memory_space<vmem>>
      %dma_start3A_91 = tpu.memref_slice %arg4[%run_scoped3A_46, %mul3A_45] : memref<16x10240xf32, #tpu.memory_space<vmem_shared>> -> memref<1x640xf32, #tpu.memory_space<vmem_shared>>
      %dma_start3A_92 = tpu.memref_squeeze %dma_start3A_91 : memref<1x640xf32, #tpu.memory_space<vmem_shared>> -> memref<640xf32, #tpu.memory_space<vmem_shared>>
      tpu.enqueue_dma source(%dma_start3A_92 : memref<640xf32, #tpu.memory_space<vmem_shared>>) target(%dma_start3A_90 : memref<640xf32, #tpu.memory_space<vmem>>) target_semaphore(%run_scoped3A_83 : memref<!tpu.dma_semaphore, #tpu.memory_space<semaphore_mem>>)
      %dma_wait3A = arith.constant 0 : i32
      %dma_wait3A_93 = tpu.memref_slice %arg7[%run_scoped3A_47, %dma_wait3A] : memref<16x640xf32, #tpu.memory_space<vmem>> -> memref<1x640xf32, #tpu.memory_space<vmem>>
      %dma_wait3A_94 = tpu.memref_squeeze %dma_wait3A_93 : memref<1x640xf32, #tpu.memory_space<vmem>> -> memref<640xf32, #tpu.memory_space<vmem>>
      %dma_wait3A_95 = tpu.memref_slice %arg4[%run_scoped3A_46, %mul3A_45] : memref<16x10240xf32, #tpu.memory_space<vmem_shared>> -> memref<1x640xf32, #tpu.memory_space<vmem_shared>>
      %dma_wait3A_96 = tpu.memref_squeeze %dma_wait3A_95 : memref<1x640xf32, #tpu.memory_space<vmem_shared>> -> memref<640xf32, #tpu.memory_space<vmem_shared>>
      %dma_wait3A_97 = arith.constant 0 : i32
      %dma_wait3A_98 = tpu.memref_slice %arg7[%run_scoped3A_47, %dma_wait3A_97] : memref<16x640xf32, #tpu.memory_space<vmem>> -> memref<1x640xf32, #tpu.memory_space<vmem>>
      %dma_wait3A_99 = tpu.memref_squeeze %dma_wait3A_98 : memref<1x640xf32, #tpu.memory_space<vmem>> -> memref<640xf32, #tpu.memory_space<vmem>>
      %dma_wait3A_100 = tpu.memref_slice %arg4[%run_scoped3A_46, %mul3A_45] : memref<16x10240xf32, #tpu.memory_space<vmem_shared>> -> memref<1x640xf32, #tpu.memory_space<vmem_shared>>
      %dma_wait3A_101 = tpu.memref_squeeze %dma_wait3A_100 : memref<1x640xf32, #tpu.memory_space<vmem_shared>> -> memref<640xf32, #tpu.memory_space<vmem_shared>>
      tpu.wait_dma2 semaphore(%run_scoped3A_83 : memref<!tpu.dma_semaphore, #tpu.memory_space<semaphore_mem>>) src(%dma_wait3A_101 : memref<640xf32, #tpu.memory_space<vmem_shared>>) dst(%dma_wait3A_99 : memref<640xf32, #tpu.memory_space<vmem>>)
      tpu.yield
    }) : () -> ()
    %mul3A_48 = arith.constant 640 : i32
    %mul3A_49 = arith.muli %arg1, %mul3A_48 : i32
    %run_scoped3A_50 = arith.constant 9 : i32
    %run_scoped3A_51 = arith.constant 9 : i32
    "tpu.region"() ({
      %run_scoped3A_83 = tpu.sem_alloc : memref<!tpu.dma_semaphore, #tpu.memory_space<semaphore_mem>>
      %dma_start3A = arith.constant 0 : i32
      %dma_start3A_84 = tpu.memref_slice %arg7[%run_scoped3A_51, %dma_start3A] : memref<16x640xf32, #tpu.memory_space<vmem>> -> memref<1x640xf32, #tpu.memory_space<vmem>>
      %dma_start3A_85 = tpu.memref_squeeze %dma_start3A_84 : memref<1x640xf32, #tpu.memory_space<vmem>> -> memref<640xf32, #tpu.memory_space<vmem>>
      %dma_start3A_86 = tpu.memref_slice %arg4[%run_scoped3A_50, %mul3A_49] : memref<16x10240xf32, #tpu.memory_space<vmem_shared>> -> memref<1x640xf32, #tpu.memory_space<vmem_shared>>
      %dma_start3A_87 = tpu.memref_squeeze %dma_start3A_86 : memref<1x640xf32, #tpu.memory_space<vmem_shared>> -> memref<640xf32, #tpu.memory_space<vmem_shared>>
      %dma_start3A_88 = arith.constant 0 : i32
      %dma_start3A_89 = tpu.memref_slice %arg7[%run_scoped3A_51, %dma_start3A_88] : memref<16x640xf32, #tpu.memory_space<vmem>> -> memref<1x640xf32, #tpu.memory_space<vmem>>
      %dma_start3A_90 = tpu.memref_squeeze %dma_start3A_89 : memref<1x640xf32, #tpu.memory_space<vmem>> -> memref<640xf32, #tpu.memory_space<vmem>>
      %dma_start3A_91 = tpu.memref_slice %arg4[%run_scoped3A_50, %mul3A_49] : memref<16x10240xf32, #tpu.memory_space<vmem_shared>> -> memref<1x640xf32, #tpu.memory_space<vmem_shared>>
      %dma_start3A_92 = tpu.memref_squeeze %dma_start3A_91 : memref<1x640xf32, #tpu.memory_space<vmem_shared>> -> memref<640xf32, #tpu.memory_space<vmem_shared>>
      tpu.enqueue_dma source(%dma_start3A_92 : memref<640xf32, #tpu.memory_space<vmem_shared>>) target(%dma_start3A_90 : memref<640xf32, #tpu.memory_space<vmem>>) target_semaphore(%run_scoped3A_83 : memref<!tpu.dma_semaphore, #tpu.memory_space<semaphore_mem>>)
      %dma_wait3A = arith.constant 0 : i32
      %dma_wait3A_93 = tpu.memref_slice %arg7[%run_scoped3A_51, %dma_wait3A] : memref<16x640xf32, #tpu.memory_space<vmem>> -> memref<1x640xf32, #tpu.memory_space<vmem>>
      %dma_wait3A_94 = tpu.memref_squeeze %dma_wait3A_93 : memref<1x640xf32, #tpu.memory_space<vmem>> -> memref<640xf32, #tpu.memory_space<vmem>>
      %dma_wait3A_95 = tpu.memref_slice %arg4[%run_scoped3A_50, %mul3A_49] : memref<16x10240xf32, #tpu.memory_space<vmem_shared>> -> memref<1x640xf32, #tpu.memory_space<vmem_shared>>
      %dma_wait3A_96 = tpu.memref_squeeze %dma_wait3A_95 : memref<1x640xf32, #tpu.memory_space<vmem_shared>> -> memref<640xf32, #tpu.memory_space<vmem_shared>>
      %dma_wait3A_97 = arith.constant 0 : i32
      %dma_wait3A_98 = tpu.memref_slice %arg7[%run_scoped3A_51, %dma_wait3A_97] : memref<16x640xf32, #tpu.memory_space<vmem>> -> memref<1x640xf32, #tpu.memory_space<vmem>>
      %dma_wait3A_99 = tpu.memref_squeeze %dma_wait3A_98 : memref<1x640xf32, #tpu.memory_space<vmem>> -> memref<640xf32, #tpu.memory_space<vmem>>
      %dma_wait3A_100 = tpu.memref_slice %arg4[%run_scoped3A_50, %mul3A_49] : memref<16x10240xf32, #tpu.memory_space<vmem_shared>> -> memref<1x640xf32, #tpu.memory_space<vmem_shared>>
      %dma_wait3A_101 = tpu.memref_squeeze %dma_wait3A_100 : memref<1x640xf32, #tpu.memory_space<vmem_shared>> -> memref<640xf32, #tpu.memory_space<vmem_shared>>
      tpu.wait_dma2 semaphore(%run_scoped3A_83 : memref<!tpu.dma_semaphore, #tpu.memory_space<semaphore_mem>>) src(%dma_wait3A_101 : memref<640xf32, #tpu.memory_space<vmem_shared>>) dst(%dma_wait3A_99 : memref<640xf32, #tpu.memory_space<vmem>>)
      tpu.yield
    }) : () -> ()
    %mul3A_52 = arith.constant 640 : i32
    %mul3A_53 = arith.muli %arg1, %mul3A_52 : i32
    %run_scoped3A_54 = arith.constant 10 : i32
    %run_scoped3A_55 = arith.constant 10 : i32
    "tpu.region"() ({
      %run_scoped3A_83 = tpu.sem_alloc : memref<!tpu.dma_semaphore, #tpu.memory_space<semaphore_mem>>
      %dma_start3A = arith.constant 0 : i32
      %dma_start3A_84 = tpu.memref_slice %arg7[%run_scoped3A_55, %dma_start3A] : memref<16x640xf32, #tpu.memory_space<vmem>> -> memref<1x640xf32, #tpu.memory_space<vmem>>
      %dma_start3A_85 = tpu.memref_squeeze %dma_start3A_84 : memref<1x640xf32, #tpu.memory_space<vmem>> -> memref<640xf32, #tpu.memory_space<vmem>>
      %dma_start3A_86 = tpu.memref_slice %arg4[%run_scoped3A_54, %mul3A_53] : memref<16x10240xf32, #tpu.memory_space<vmem_shared>> -> memref<1x640xf32, #tpu.memory_space<vmem_shared>>
      %dma_start3A_87 = tpu.memref_squeeze %dma_start3A_86 : memref<1x640xf32, #tpu.memory_space<vmem_shared>> -> memref<640xf32, #tpu.memory_space<vmem_shared>>
      %dma_start3A_88 = arith.constant 0 : i32
      %dma_start3A_89 = tpu.memref_slice %arg7[%run_scoped3A_55, %dma_start3A_88] : memref<16x640xf32, #tpu.memory_space<vmem>> -> memref<1x640xf32, #tpu.memory_space<vmem>>
      %dma_start3A_90 = tpu.memref_squeeze %dma_start3A_89 : memref<1x640xf32, #tpu.memory_space<vmem>> -> memref<640xf32, #tpu.memory_space<vmem>>
      %dma_start3A_91 = tpu.memref_slice %arg4[%run_scoped3A_54, %mul3A_53] : memref<16x10240xf32, #tpu.memory_space<vmem_shared>> -> memref<1x640xf32, #tpu.memory_space<vmem_shared>>
      %dma_start3A_92 = tpu.memref_squeeze %dma_start3A_91 : memref<1x640xf32, #tpu.memory_space<vmem_shared>> -> memref<640xf32, #tpu.memory_space<vmem_shared>>
      tpu.enqueue_dma source(%dma_start3A_92 : memref<640xf32, #tpu.memory_space<vmem_shared>>) target(%dma_start3A_90 : memref<640xf32, #tpu.memory_space<vmem>>) target_semaphore(%run_scoped3A_83 : memref<!tpu.dma_semaphore, #tpu.memory_space<semaphore_mem>>)
      %dma_wait3A = arith.constant 0 : i32
      %dma_wait3A_93 = tpu.memref_slice %arg7[%run_scoped3A_55, %dma_wait3A] : memref<16x640xf32, #tpu.memory_space<vmem>> -> memref<1x640xf32, #tpu.memory_space<vmem>>
      %dma_wait3A_94 = tpu.memref_squeeze %dma_wait3A_93 : memref<1x640xf32, #tpu.memory_space<vmem>> -> memref<640xf32, #tpu.memory_space<vmem>>
      %dma_wait3A_95 = tpu.memref_slice %arg4[%run_scoped3A_54, %mul3A_53] : memref<16x10240xf32, #tpu.memory_space<vmem_shared>> -> memref<1x640xf32, #tpu.memory_space<vmem_shared>>
      %dma_wait3A_96 = tpu.memref_squeeze %dma_wait3A_95 : memref<1x640xf32, #tpu.memory_space<vmem_shared>> -> memref<640xf32, #tpu.memory_space<vmem_shared>>
      %dma_wait3A_97 = arith.constant 0 : i32
      %dma_wait3A_98 = tpu.memref_slice %arg7[%run_scoped3A_55, %dma_wait3A_97] : memref<16x640xf32, #tpu.memory_space<vmem>> -> memref<1x640xf32, #tpu.memory_space<vmem>>
      %dma_wait3A_99 = tpu.memref_squeeze %dma_wait3A_98 : memref<1x640xf32, #tpu.memory_space<vmem>> -> memref<640xf32, #tpu.memory_space<vmem>>
      %dma_wait3A_100 = tpu.memref_slice %arg4[%run_scoped3A_54, %mul3A_53] : memref<16x10240xf32, #tpu.memory_space<vmem_shared>> -> memref<1x640xf32, #tpu.memory_space<vmem_shared>>
      %dma_wait3A_101 = tpu.memref_squeeze %dma_wait3A_100 : memref<1x640xf32, #tpu.memory_space<vmem_shared>> -> memref<640xf32, #tpu.memory_space<vmem_shared>>
      tpu.wait_dma2 semaphore(%run_scoped3A_83 : memref<!tpu.dma_semaphore, #tpu.memory_space<semaphore_mem>>) src(%dma_wait3A_101 : memref<640xf32, #tpu.memory_space<vmem_shared>>) dst(%dma_wait3A_99 : memref<640xf32, #tpu.memory_space<vmem>>)
      tpu.yield
    }) : () -> ()
    %mul3A_56 = arith.constant 640 : i32
    %mul3A_57 = arith.muli %arg1, %mul3A_56 : i32
    %run_scoped3A_58 = arith.constant 11 : i32
    %run_scoped3A_59 = arith.constant 11 : i32
    "tpu.region"() ({
      %run_scoped3A_83 = tpu.sem_alloc : memref<!tpu.dma_semaphore, #tpu.memory_space<semaphore_mem>>
      %dma_start3A = arith.constant 0 : i32
      %dma_start3A_84 = tpu.memref_slice %arg7[%run_scoped3A_59, %dma_start3A] : memref<16x640xf32, #tpu.memory_space<vmem>> -> memref<1x640xf32, #tpu.memory_space<vmem>>
      %dma_start3A_85 = tpu.memref_squeeze %dma_start3A_84 : memref<1x640xf32, #tpu.memory_space<vmem>> -> memref<640xf32, #tpu.memory_space<vmem>>
      %dma_start3A_86 = tpu.memref_slice %arg4[%run_scoped3A_58, %mul3A_57] : memref<16x10240xf32, #tpu.memory_space<vmem_shared>> -> memref<1x640xf32, #tpu.memory_space<vmem_shared>>
      %dma_start3A_87 = tpu.memref_squeeze %dma_start3A_86 : memref<1x640xf32, #tpu.memory_space<vmem_shared>> -> memref<640xf32, #tpu.memory_space<vmem_shared>>
      %dma_start3A_88 = arith.constant 0 : i32
      %dma_start3A_89 = tpu.memref_slice %arg7[%run_scoped3A_59, %dma_start3A_88] : memref<16x640xf32, #tpu.memory_space<vmem>> -> memref<1x640xf32, #tpu.memory_space<vmem>>
      %dma_start3A_90 = tpu.memref_squeeze %dma_start3A_89 : memref<1x640xf32, #tpu.memory_space<vmem>> -> memref<640xf32, #tpu.memory_space<vmem>>
      %dma_start3A_91 = tpu.memref_slice %arg4[%run_scoped3A_58, %mul3A_57] : memref<16x10240xf32, #tpu.memory_space<vmem_shared>> -> memref<1x640xf32, #tpu.memory_space<vmem_shared>>
      %dma_start3A_92 = tpu.memref_squeeze %dma_start3A_91 : memref<1x640xf32, #tpu.memory_space<vmem_shared>> -> memref<640xf32, #tpu.memory_space<vmem_shared>>
      tpu.enqueue_dma source(%dma_start3A_92 : memref<640xf32, #tpu.memory_space<vmem_shared>>) target(%dma_start3A_90 : memref<640xf32, #tpu.memory_space<vmem>>) target_semaphore(%run_scoped3A_83 : memref<!tpu.dma_semaphore, #tpu.memory_space<semaphore_mem>>)
      %dma_wait3A = arith.constant 0 : i32
      %dma_wait3A_93 = tpu.memref_slice %arg7[%run_scoped3A_59, %dma_wait3A] : memref<16x640xf32, #tpu.memory_space<vmem>> -> memref<1x640xf32, #tpu.memory_space<vmem>>
      %dma_wait3A_94 = tpu.memref_squeeze %dma_wait3A_93 : memref<1x640xf32, #tpu.memory_space<vmem>> -> memref<640xf32, #tpu.memory_space<vmem>>
      %dma_wait3A_95 = tpu.memref_slice %arg4[%run_scoped3A_58, %mul3A_57] : memref<16x10240xf32, #tpu.memory_space<vmem_shared>> -> memref<1x640xf32, #tpu.memory_space<vmem_shared>>
      %dma_wait3A_96 = tpu.memref_squeeze %dma_wait3A_95 : memref<1x640xf32, #tpu.memory_space<vmem_shared>> -> memref<640xf32, #tpu.memory_space<vmem_shared>>
      %dma_wait3A_97 = arith.constant 0 : i32
      %dma_wait3A_98 = tpu.memref_slice %arg7[%run_scoped3A_59, %dma_wait3A_97] : memref<16x640xf32, #tpu.memory_space<vmem>> -> memref<1x640xf32, #tpu.memory_space<vmem>>
      %dma_wait3A_99 = tpu.memref_squeeze %dma_wait3A_98 : memref<1x640xf32, #tpu.memory_space<vmem>> -> memref<640xf32, #tpu.memory_space<vmem>>
      %dma_wait3A_100 = tpu.memref_slice %arg4[%run_scoped3A_58, %mul3A_57] : memref<16x10240xf32, #tpu.memory_space<vmem_shared>> -> memref<1x640xf32, #tpu.memory_space<vmem_shared>>
      %dma_wait3A_101 = tpu.memref_squeeze %dma_wait3A_100 : memref<1x640xf32, #tpu.memory_space<vmem_shared>> -> memref<640xf32, #tpu.memory_space<vmem_shared>>
      tpu.wait_dma2 semaphore(%run_scoped3A_83 : memref<!tpu.dma_semaphore, #tpu.memory_space<semaphore_mem>>) src(%dma_wait3A_101 : memref<640xf32, #tpu.memory_space<vmem_shared>>) dst(%dma_wait3A_99 : memref<640xf32, #tpu.memory_space<vmem>>)
      tpu.yield
    }) : () -> ()
    %mul3A_60 = arith.constant 640 : i32
    %mul3A_61 = arith.muli %arg1, %mul3A_60 : i32
    %run_scoped3A_62 = arith.constant 12 : i32
    %run_scoped3A_63 = arith.constant 12 : i32
    "tpu.region"() ({
      %run_scoped3A_83 = tpu.sem_alloc : memref<!tpu.dma_semaphore, #tpu.memory_space<semaphore_mem>>
      %dma_start3A = arith.constant 0 : i32
      %dma_start3A_84 = tpu.memref_slice %arg7[%run_scoped3A_63, %dma_start3A] : memref<16x640xf32, #tpu.memory_space<vmem>> -> memref<1x640xf32, #tpu.memory_space<vmem>>
      %dma_start3A_85 = tpu.memref_squeeze %dma_start3A_84 : memref<1x640xf32, #tpu.memory_space<vmem>> -> memref<640xf32, #tpu.memory_space<vmem>>
      %dma_start3A_86 = tpu.memref_slice %arg4[%run_scoped3A_62, %mul3A_61] : memref<16x10240xf32, #tpu.memory_space<vmem_shared>> -> memref<1x640xf32, #tpu.memory_space<vmem_shared>>
      %dma_start3A_87 = tpu.memref_squeeze %dma_start3A_86 : memref<1x640xf32, #tpu.memory_space<vmem_shared>> -> memref<640xf32, #tpu.memory_space<vmem_shared>>
      %dma_start3A_88 = arith.constant 0 : i32
      %dma_start3A_89 = tpu.memref_slice %arg7[%run_scoped3A_63, %dma_start3A_88] : memref<16x640xf32, #tpu.memory_space<vmem>> -> memref<1x640xf32, #tpu.memory_space<vmem>>
      %dma_start3A_90 = tpu.memref_squeeze %dma_start3A_89 : memref<1x640xf32, #tpu.memory_space<vmem>> -> memref<640xf32, #tpu.memory_space<vmem>>
      %dma_start3A_91 = tpu.memref_slice %arg4[%run_scoped3A_62, %mul3A_61] : memref<16x10240xf32, #tpu.memory_space<vmem_shared>> -> memref<1x640xf32, #tpu.memory_space<vmem_shared>>
      %dma_start3A_92 = tpu.memref_squeeze %dma_start3A_91 : memref<1x640xf32, #tpu.memory_space<vmem_shared>> -> memref<640xf32, #tpu.memory_space<vmem_shared>>
      tpu.enqueue_dma source(%dma_start3A_92 : memref<640xf32, #tpu.memory_space<vmem_shared>>) target(%dma_start3A_90 : memref<640xf32, #tpu.memory_space<vmem>>) target_semaphore(%run_scoped3A_83 : memref<!tpu.dma_semaphore, #tpu.memory_space<semaphore_mem>>)
      %dma_wait3A = arith.constant 0 : i32
      %dma_wait3A_93 = tpu.memref_slice %arg7[%run_scoped3A_63, %dma_wait3A] : memref<16x640xf32, #tpu.memory_space<vmem>> -> memref<1x640xf32, #tpu.memory_space<vmem>>
      %dma_wait3A_94 = tpu.memref_squeeze %dma_wait3A_93 : memref<1x640xf32, #tpu.memory_space<vmem>> -> memref<640xf32, #tpu.memory_space<vmem>>
      %dma_wait3A_95 = tpu.memref_slice %arg4[%run_scoped3A_62, %mul3A_61] : memref<16x10240xf32, #tpu.memory_space<vmem_shared>> -> memref<1x640xf32, #tpu.memory_space<vmem_shared>>
      %dma_wait3A_96 = tpu.memref_squeeze %dma_wait3A_95 : memref<1x640xf32, #tpu.memory_space<vmem_shared>> -> memref<640xf32, #tpu.memory_space<vmem_shared>>
      %dma_wait3A_97 = arith.constant 0 : i32
      %dma_wait3A_98 = tpu.memref_slice %arg7[%run_scoped3A_63, %dma_wait3A_97] : memref<16x640xf32, #tpu.memory_space<vmem>> -> memref<1x640xf32, #tpu.memory_space<vmem>>
      %dma_wait3A_99 = tpu.memref_squeeze %dma_wait3A_98 : memref<1x640xf32, #tpu.memory_space<vmem>> -> memref<640xf32, #tpu.memory_space<vmem>>
      %dma_wait3A_100 = tpu.memref_slice %arg4[%run_scoped3A_62, %mul3A_61] : memref<16x10240xf32, #tpu.memory_space<vmem_shared>> -> memref<1x640xf32, #tpu.memory_space<vmem_shared>>
      %dma_wait3A_101 = tpu.memref_squeeze %dma_wait3A_100 : memref<1x640xf32, #tpu.memory_space<vmem_shared>> -> memref<640xf32, #tpu.memory_space<vmem_shared>>
      tpu.wait_dma2 semaphore(%run_scoped3A_83 : memref<!tpu.dma_semaphore, #tpu.memory_space<semaphore_mem>>) src(%dma_wait3A_101 : memref<640xf32, #tpu.memory_space<vmem_shared>>) dst(%dma_wait3A_99 : memref<640xf32, #tpu.memory_space<vmem>>)
      tpu.yield
    }) : () -> ()
    %mul3A_64 = arith.constant 640 : i32
    %mul3A_65 = arith.muli %arg1, %mul3A_64 : i32
    %run_scoped3A_66 = arith.constant 13 : i32
    %run_scoped3A_67 = arith.constant 13 : i32
    "tpu.region"() ({
      %run_scoped3A_83 = tpu.sem_alloc : memref<!tpu.dma_semaphore, #tpu.memory_space<semaphore_mem>>
      %dma_start3A = arith.constant 0 : i32
      %dma_start3A_84 = tpu.memref_slice %arg7[%run_scoped3A_67, %dma_start3A] : memref<16x640xf32, #tpu.memory_space<vmem>> -> memref<1x640xf32, #tpu.memory_space<vmem>>
      %dma_start3A_85 = tpu.memref_squeeze %dma_start3A_84 : memref<1x640xf32, #tpu.memory_space<vmem>> -> memref<640xf32, #tpu.memory_space<vmem>>
      %dma_start3A_86 = tpu.memref_slice %arg4[%run_scoped3A_66, %mul3A_65] : memref<16x10240xf32, #tpu.memory_space<vmem_shared>> -> memref<1x640xf32, #tpu.memory_space<vmem_shared>>
      %dma_start3A_87 = tpu.memref_squeeze %dma_start3A_86 : memref<1x640xf32, #tpu.memory_space<vmem_shared>> -> memref<640xf32, #tpu.memory_space<vmem_shared>>
      %dma_start3A_88 = arith.constant 0 : i32
      %dma_start3A_89 = tpu.memref_slice %arg7[%run_scoped3A_67, %dma_start3A_88] : memref<16x640xf32, #tpu.memory_space<vmem>> -> memref<1x640xf32, #tpu.memory_space<vmem>>
      %dma_start3A_90 = tpu.memref_squeeze %dma_start3A_89 : memref<1x640xf32, #tpu.memory_space<vmem>> -> memref<640xf32, #tpu.memory_space<vmem>>
      %dma_start3A_91 = tpu.memref_slice %arg4[%run_scoped3A_66, %mul3A_65] : memref<16x10240xf32, #tpu.memory_space<vmem_shared>> -> memref<1x640xf32, #tpu.memory_space<vmem_shared>>
      %dma_start3A_92 = tpu.memref_squeeze %dma_start3A_91 : memref<1x640xf32, #tpu.memory_space<vmem_shared>> -> memref<640xf32, #tpu.memory_space<vmem_shared>>
      tpu.enqueue_dma source(%dma_start3A_92 : memref<640xf32, #tpu.memory_space<vmem_shared>>) target(%dma_start3A_90 : memref<640xf32, #tpu.memory_space<vmem>>) target_semaphore(%run_scoped3A_83 : memref<!tpu.dma_semaphore, #tpu.memory_space<semaphore_mem>>)
      %dma_wait3A = arith.constant 0 : i32
      %dma_wait3A_93 = tpu.memref_slice %arg7[%run_scoped3A_67, %dma_wait3A] : memref<16x640xf32, #tpu.memory_space<vmem>> -> memref<1x640xf32, #tpu.memory_space<vmem>>
      %dma_wait3A_94 = tpu.memref_squeeze %dma_wait3A_93 : memref<1x640xf32, #tpu.memory_space<vmem>> -> memref<640xf32, #tpu.memory_space<vmem>>
      %dma_wait3A_95 = tpu.memref_slice %arg4[%run_scoped3A_66, %mul3A_65] : memref<16x10240xf32, #tpu.memory_space<vmem_shared>> -> memref<1x640xf32, #tpu.memory_space<vmem_shared>>
      %dma_wait3A_96 = tpu.memref_squeeze %dma_wait3A_95 : memref<1x640xf32, #tpu.memory_space<vmem_shared>> -> memref<640xf32, #tpu.memory_space<vmem_shared>>
      %dma_wait3A_97 = arith.constant 0 : i32
      %dma_wait3A_98 = tpu.memref_slice %arg7[%run_scoped3A_67, %dma_wait3A_97] : memref<16x640xf32, #tpu.memory_space<vmem>> -> memref<1x640xf32, #tpu.memory_space<vmem>>
      %dma_wait3A_99 = tpu.memref_squeeze %dma_wait3A_98 : memref<1x640xf32, #tpu.memory_space<vmem>> -> memref<640xf32, #tpu.memory_space<vmem>>
      %dma_wait3A_100 = tpu.memref_slice %arg4[%run_scoped3A_66, %mul3A_65] : memref<16x10240xf32, #tpu.memory_space<vmem_shared>> -> memref<1x640xf32, #tpu.memory_space<vmem_shared>>
      %dma_wait3A_101 = tpu.memref_squeeze %dma_wait3A_100 : memref<1x640xf32, #tpu.memory_space<vmem_shared>> -> memref<640xf32, #tpu.memory_space<vmem_shared>>
      tpu.wait_dma2 semaphore(%run_scoped3A_83 : memref<!tpu.dma_semaphore, #tpu.memory_space<semaphore_mem>>) src(%dma_wait3A_101 : memref<640xf32, #tpu.memory_space<vmem_shared>>) dst(%dma_wait3A_99 : memref<640xf32, #tpu.memory_space<vmem>>)
      tpu.yield
    }) : () -> ()
    %mul3A_68 = arith.constant 640 : i32
    %mul3A_69 = arith.muli %arg1, %mul3A_68 : i32
    %run_scoped3A_70 = arith.constant 14 : i32
    %run_scoped3A_71 = arith.constant 14 : i32
    "tpu.region"() ({
      %run_scoped3A_83 = tpu.sem_alloc : memref<!tpu.dma_semaphore, #tpu.memory_space<semaphore_mem>>
      %dma_start3A = arith.constant 0 : i32
      %dma_start3A_84 = tpu.memref_slice %arg7[%run_scoped3A_71, %dma_start3A] : memref<16x640xf32, #tpu.memory_space<vmem>> -> memref<1x640xf32, #tpu.memory_space<vmem>>
      %dma_start3A_85 = tpu.memref_squeeze %dma_start3A_84 : memref<1x640xf32, #tpu.memory_space<vmem>> -> memref<640xf32, #tpu.memory_space<vmem>>
      %dma_start3A_86 = tpu.memref_slice %arg4[%run_scoped3A_70, %mul3A_69] : memref<16x10240xf32, #tpu.memory_space<vmem_shared>> -> memref<1x640xf32, #tpu.memory_space<vmem_shared>>
      %dma_start3A_87 = tpu.memref_squeeze %dma_start3A_86 : memref<1x640xf32, #tpu.memory_space<vmem_shared>> -> memref<640xf32, #tpu.memory_space<vmem_shared>>
      %dma_start3A_88 = arith.constant 0 : i32
      %dma_start3A_89 = tpu.memref_slice %arg7[%run_scoped3A_71, %dma_start3A_88] : memref<16x640xf32, #tpu.memory_space<vmem>> -> memref<1x640xf32, #tpu.memory_space<vmem>>
      %dma_start3A_90 = tpu.memref_squeeze %dma_start3A_89 : memref<1x640xf32, #tpu.memory_space<vmem>> -> memref<640xf32, #tpu.memory_space<vmem>>
      %dma_start3A_91 = tpu.memref_slice %arg4[%run_scoped3A_70, %mul3A_69] : memref<16x10240xf32, #tpu.memory_space<vmem_shared>> -> memref<1x640xf32, #tpu.memory_space<vmem_shared>>
      %dma_start3A_92 = tpu.memref_squeeze %dma_start3A_91 : memref<1x640xf32, #tpu.memory_space<vmem_shared>> -> memref<640xf32, #tpu.memory_space<vmem_shared>>
      tpu.enqueue_dma source(%dma_start3A_92 : memref<640xf32, #tpu.memory_space<vmem_shared>>) target(%dma_start3A_90 : memref<640xf32, #tpu.memory_space<vmem>>) target_semaphore(%run_scoped3A_83 : memref<!tpu.dma_semaphore, #tpu.memory_space<semaphore_mem>>)
      %dma_wait3A = arith.constant 0 : i32
      %dma_wait3A_93 = tpu.memref_slice %arg7[%run_scoped3A_71, %dma_wait3A] : memref<16x640xf32, #tpu.memory_space<vmem>> -> memref<1x640xf32, #tpu.memory_space<vmem>>
      %dma_wait3A_94 = tpu.memref_squeeze %dma_wait3A_93 : memref<1x640xf32, #tpu.memory_space<vmem>> -> memref<640xf32, #tpu.memory_space<vmem>>
      %dma_wait3A_95 = tpu.memref_slice %arg4[%run_scoped3A_70, %mul3A_69] : memref<16x10240xf32, #tpu.memory_space<vmem_shared>> -> memref<1x640xf32, #tpu.memory_space<vmem_shared>>
      %dma_wait3A_96 = tpu.memref_squeeze %dma_wait3A_95 : memref<1x640xf32, #tpu.memory_space<vmem_shared>> -> memref<640xf32, #tpu.memory_space<vmem_shared>>
      %dma_wait3A_97 = arith.constant 0 : i32
      %dma_wait3A_98 = tpu.memref_slice %arg7[%run_scoped3A_71, %dma_wait3A_97] : memref<16x640xf32, #tpu.memory_space<vmem>> -> memref<1x640xf32, #tpu.memory_space<vmem>>
      %dma_wait3A_99 = tpu.memref_squeeze %dma_wait3A_98 : memref<1x640xf32, #tpu.memory_space<vmem>> -> memref<640xf32, #tpu.memory_space<vmem>>
      %dma_wait3A_100 = tpu.memref_slice %arg4[%run_scoped3A_70, %mul3A_69] : memref<16x10240xf32, #tpu.memory_space<vmem_shared>> -> memref<1x640xf32, #tpu.memory_space<vmem_shared>>
      %dma_wait3A_101 = tpu.memref_squeeze %dma_wait3A_100 : memref<1x640xf32, #tpu.memory_space<vmem_shared>> -> memref<640xf32, #tpu.memory_space<vmem_shared>>
      tpu.wait_dma2 semaphore(%run_scoped3A_83 : memref<!tpu.dma_semaphore, #tpu.memory_space<semaphore_mem>>) src(%dma_wait3A_101 : memref<640xf32, #tpu.memory_space<vmem_shared>>) dst(%dma_wait3A_99 : memref<640xf32, #tpu.memory_space<vmem>>)
      tpu.yield
    }) : () -> ()
    %mul3A_72 = arith.constant 640 : i32
    %mul3A_73 = arith.muli %arg1, %mul3A_72 : i32
    %run_scoped3A_74 = arith.constant 15 : i32
    %run_scoped3A_75 = arith.constant 15 : i32
    "tpu.region"() ({
      %run_scoped3A_83 = tpu.sem_alloc : memref<!tpu.dma_semaphore, #tpu.memory_space<semaphore_mem>>
      %dma_start3A = arith.constant 0 : i32
      %dma_start3A_84 = tpu.memref_slice %arg7[%run_scoped3A_75, %dma_start3A] : memref<16x640xf32, #tpu.memory_space<vmem>> -> memref<1x640xf32, #tpu.memory_space<vmem>>
      %dma_start3A_85 = tpu.memref_squeeze %dma_start3A_84 : memref<1x640xf32, #tpu.memory_space<vmem>> -> memref<640xf32, #tpu.memory_space<vmem>>
      %dma_start3A_86 = tpu.memref_slice %arg4[%run_scoped3A_74, %mul3A_73] : memref<16x10240xf32, #tpu.memory_space<vmem_shared>> -> memref<1x640xf32, #tpu.memory_space<vmem_shared>>
      %dma_start3A_87 = tpu.memref_squeeze %dma_start3A_86 : memref<1x640xf32, #tpu.memory_space<vmem_shared>> -> memref<640xf32, #tpu.memory_space<vmem_shared>>
      %dma_start3A_88 = arith.constant 0 : i32
      %dma_start3A_89 = tpu.memref_slice %arg7[%run_scoped3A_75, %dma_start3A_88] : memref<16x640xf32, #tpu.memory_space<vmem>> -> memref<1x640xf32, #tpu.memory_space<vmem>>
      %dma_start3A_90 = tpu.memref_squeeze %dma_start3A_89 : memref<1x640xf32, #tpu.memory_space<vmem>> -> memref<640xf32, #tpu.memory_space<vmem>>
      %dma_start3A_91 = tpu.memref_slice %arg4[%run_scoped3A_74, %mul3A_73] : memref<16x10240xf32, #tpu.memory_space<vmem_shared>> -> memref<1x640xf32, #tpu.memory_space<vmem_shared>>
      %dma_start3A_92 = tpu.memref_squeeze %dma_start3A_91 : memref<1x640xf32, #tpu.memory_space<vmem_shared>> -> memref<640xf32, #tpu.memory_space<vmem_shared>>
      tpu.enqueue_dma source(%dma_start3A_92 : memref<640xf32, #tpu.memory_space<vmem_shared>>) target(%dma_start3A_90 : memref<640xf32, #tpu.memory_space<vmem>>) target_semaphore(%run_scoped3A_83 : memref<!tpu.dma_semaphore, #tpu.memory_space<semaphore_mem>>)
      %dma_wait3A = arith.constant 0 : i32
      %dma_wait3A_93 = tpu.memref_slice %arg7[%run_scoped3A_75, %dma_wait3A] : memref<16x640xf32, #tpu.memory_space<vmem>> -> memref<1x640xf32, #tpu.memory_space<vmem>>
      %dma_wait3A_94 = tpu.memref_squeeze %dma_wait3A_93 : memref<1x640xf32, #tpu.memory_space<vmem>> -> memref<640xf32, #tpu.memory_space<vmem>>
      %dma_wait3A_95 = tpu.memref_slice %arg4[%run_scoped3A_74, %mul3A_73] : memref<16x10240xf32, #tpu.memory_space<vmem_shared>> -> memref<1x640xf32, #tpu.memory_space<vmem_shared>>
      %dma_wait3A_96 = tpu.memref_squeeze %dma_wait3A_95 : memref<1x640xf32, #tpu.memory_space<vmem_shared>> -> memref<640xf32, #tpu.memory_space<vmem_shared>>
      %dma_wait3A_97 = arith.constant 0 : i32
      %dma_wait3A_98 = tpu.memref_slice %arg7[%run_scoped3A_75, %dma_wait3A_97] : memref<16x640xf32, #tpu.memory_space<vmem>> -> memref<1x640xf32, #tpu.memory_space<vmem>>
      %dma_wait3A_99 = tpu.memref_squeeze %dma_wait3A_98 : memref<1x640xf32, #tpu.memory_space<vmem>> -> memref<640xf32, #tpu.memory_space<vmem>>
      %dma_wait3A_100 = tpu.memref_slice %arg4[%run_scoped3A_74, %mul3A_73] : memref<16x10240xf32, #tpu.memory_space<vmem_shared>> -> memref<1x640xf32, #tpu.memory_space<vmem_shared>>
      %dma_wait3A_101 = tpu.memref_squeeze %dma_wait3A_100 : memref<1x640xf32, #tpu.memory_space<vmem_shared>> -> memref<640xf32, #tpu.memory_space<vmem_shared>>
      tpu.wait_dma2 semaphore(%run_scoped3A_83 : memref<!tpu.dma_semaphore, #tpu.memory_space<semaphore_mem>>) src(%dma_wait3A_101 : memref<640xf32, #tpu.memory_space<vmem_shared>>) dst(%dma_wait3A_99 : memref<640xf32, #tpu.memory_space<vmem>>)
      tpu.yield
    }) : () -> ()
    %scan3A_76 = arith.constant 0 : i32
    %scan3A_77 = arith.constant 40 : i32
    %scan3A_78 = arith.addi %scan3A_76, %scan3A_77 : i32
    %scan3A_79 = arith.constant 1 : i32
    scf.for %scan3A_83 = %scan3A_76 to %scan3A_78 step %scan3A_79  : i32 {
      %mul3A_84 = arith.constant 16 : i32
      %mul3A_85 = arith.muli %scan3A_83, %mul3A_84 : i32
      %get3A = arith.constant 0 : i32
      %get3A_86 = arith.index_cast %get3A : i32 to index
      %get3A_87 = arith.index_cast %mul3A_85 : i32 to index
      %get3A_88 = tpu.vector_load %arg7[%get3A_86, %get3A_87] {strides = array<i32>} : memref<16x640xf32, #tpu.memory_space<vmem>>, vector<16xf32>,
      %mul3A_89 = arith.constant 16 : i32
      %mul3A_90 = arith.muli %scan3A_83, %mul3A_89 : i32
      %get3A_91 = arith.constant 1 : i32
      %get3A_92 = arith.index_cast %get3A_91 : i32 to index
      %get3A_93 = arith.index_cast %mul3A_90 : i32 to index
      %get3A_94 = tpu.vector_load %arg7[%get3A_92, %get3A_93] {strides = array<i32>} : memref<16x640xf32, #tpu.memory_space<vmem>>, vector<16xf32>,
      %add3A_95 = arith.addf %get3A_88, %get3A_94 : vector<16xf32>
      %mul3A_96 = arith.constant 16 : i32
      %mul3A_97 = arith.muli %scan3A_83, %mul3A_96 : i32
      %get3A_98 = arith.constant 2 : i32
      %get3A_99 = arith.index_cast %get3A_98 : i32 to index
      %get3A_100 = arith.index_cast %mul3A_97 : i32 to index
      %get3A_101 = tpu.vector_load %arg7[%get3A_99, %get3A_100] {strides = array<i32>} : memref<16x640xf32, #tpu.memory_space<vmem>>, vector<16xf32>,
      %add3A_102 = arith.addf %add3A_95, %get3A_101 : vector<16xf32>
      %mul3A_103 = arith.constant 16 : i32
      %mul3A_104 = arith.muli %scan3A_83, %mul3A_103 : i32
      %get3A_105 = arith.constant 3 : i32
      %get3A_106 = arith.index_cast %get3A_105 : i32 to index
      %get3A_107 = arith.index_cast %mul3A_104 : i32 to index
      %get3A_108 = tpu.vector_load %arg7[%get3A_106, %get3A_107] {strides = array<i32>} : memref<16x640xf32, #tpu.memory_space<vmem>>, vector<16xf32>,
      %add3A_109 = arith.addf %add3A_102, %get3A_108 : vector<16xf32>
      %mul3A_110 = arith.constant 16 : i32
      %mul3A_111 = arith.muli %scan3A_83, %mul3A_110 : i32
      %get3A_112 = arith.constant 4 : i32
      %get3A_113 = arith.index_cast %get3A_112 : i32 to index
      %get3A_114 = arith.index_cast %mul3A_111 : i32 to index
      %get3A_115 = tpu.vector_load %arg7[%get3A_113, %get3A_114] {strides = array<i32>} : memref<16x640xf32, #tpu.memory_space<vmem>>, vector<16xf32>,
      %add3A_116 = arith.addf %add3A_109, %get3A_115 : vector<16xf32>
      %mul3A_117 = arith.constant 16 : i32
      %mul3A_118 = arith.muli %scan3A_83, %mul3A_117 : i32
      %get3A_119 = arith.constant 5 : i32
      %get3A_120 = arith.index_cast %get3A_119 : i32 to index
      %get3A_121 = arith.index_cast %mul3A_118 : i32 to index
      %get3A_122 = tpu.vector_load %arg7[%get3A_120, %get3A_121] {strides = array<i32>} : memref<16x640xf32, #tpu.memory_space<vmem>>, vector<16xf32>,
      %add3A_123 = arith.addf %add3A_116, %get3A_122 : vector<16xf32>
      %mul3A_124 = arith.constant 16 : i32
      %mul3A_125 = arith.muli %scan3A_83, %mul3A_124 : i32
      %get3A_126 = arith.constant 6 : i32
      %get3A_127 = arith.index_cast %get3A_126 : i32 to index
      %get3A_128 = arith.index_cast %mul3A_125 : i32 to index
      %get3A_129 = tpu.vector_load %arg7[%get3A_127, %get3A_128] {strides = array<i32>} : memref<16x640xf32, #tpu.memory_space<vmem>>, vector<16xf32>,
      %add3A_130 = arith.addf %add3A_123, %get3A_129 : vector<16xf32>
      %mul3A_131 = arith.constant 16 : i32
      %mul3A_132 = arith.muli %scan3A_83, %mul3A_131 : i32
      %get3A_133 = arith.constant 7 : i32
      %get3A_134 = arith.index_cast %get3A_133 : i32 to index
      %get3A_135 = arith.index_cast %mul3A_132 : i32 to index
      %get3A_136 = tpu.vector_load %arg7[%get3A_134, %get3A_135] {strides = array<i32>} : memref<16x640xf32, #tpu.memory_space<vmem>>, vector<16xf32>,
      %add3A_137 = arith.addf %add3A_130, %get3A_136 : vector<16xf32>
      %mul3A_138 = arith.constant 16 : i32
      %mul3A_139 = arith.muli %scan3A_83, %mul3A_138 : i32
      %get3A_140 = arith.constant 8 : i32
      %get3A_141 = arith.index_cast %get3A_140 : i32 to index
      %get3A_142 = arith.index_cast %mul3A_139 : i32 to index
      %get3A_143 = tpu.vector_load %arg7[%get3A_141, %get3A_142] {strides = array<i32>} : memref<16x640xf32, #tpu.memory_space<vmem>>, vector<16xf32>,
      %add3A_144 = arith.addf %add3A_137, %get3A_143 : vector<16xf32>
      %mul3A_145 = arith.constant 16 : i32
      %mul3A_146 = arith.muli %scan3A_83, %mul3A_145 : i32
      %get3A_147 = arith.constant 9 : i32
      %get3A_148 = arith.index_cast %get3A_147 : i32 to index
      %get3A_149 = arith.index_cast %mul3A_146 : i32 to index
      %get3A_150 = tpu.vector_load %arg7[%get3A_148, %get3A_149] {strides = array<i32>} : memref<16x640xf32, #tpu.memory_space<vmem>>, vector<16xf32>,
      %add3A_151 = arith.addf %add3A_144, %get3A_150 : vector<16xf32>
      %mul3A_152 = arith.constant 16 : i32
      %mul3A_153 = arith.muli %scan3A_83, %mul3A_152 : i32
      %get3A_154 = arith.constant 10 : i32
      %get3A_155 = arith.index_cast %get3A_154 : i32 to index
      %get3A_156 = arith.index_cast %mul3A_153 : i32 to index
      %get3A_157 = tpu.vector_load %arg7[%get3A_155, %get3A_156] {strides = array<i32>} : memref<16x640xf32, #tpu.memory_space<vmem>>, vector<16xf32>,
      %add3A_158 = arith.addf %add3A_151, %get3A_157 : vector<16xf32>
      %mul3A_159 = arith.constant 16 : i32
      %mul3A_160 = arith.muli %scan3A_83, %mul3A_159 : i32
      %get3A_161 = arith.constant 11 : i32
      %get3A_162 = arith.index_cast %get3A_161 : i32 to index
      %get3A_163 = arith.index_cast %mul3A_160 : i32 to index
      %get3A_164 = tpu.vector_load %arg7[%get3A_162, %get3A_163] {strides = array<i32>} : memref<16x640xf32, #tpu.memory_space<vmem>>, vector<16xf32>,
      %add3A_165 = arith.addf %add3A_158, %get3A_164 : vector<16xf32>
      %mul3A_166 = arith.constant 16 : i32
      %mul3A_167 = arith.muli %scan3A_83, %mul3A_166 : i32
      %get3A_168 = arith.constant 12 : i32
      %get3A_169 = arith.index_cast %get3A_168 : i32 to index
      %get3A_170 = arith.index_cast %mul3A_167 : i32 to index
      %get3A_171 = tpu.vector_load %arg7[%get3A_169, %get3A_170] {strides = array<i32>} : memref<16x640xf32, #tpu.memory_space<vmem>>, vector<16xf32>,
      %add3A_172 = arith.addf %add3A_165, %get3A_171 : vector<16xf32>
      %mul3A_173 = arith.constant 16 : i32
      %mul3A_174 = arith.muli %scan3A_83, %mul3A_173 : i32
      %get3A_175 = arith.constant 13 : i32
      %get3A_176 = arith.index_cast %get3A_175 : i32 to index
      %get3A_177 = arith.index_cast %mul3A_174 : i32 to index
      %get3A_178 = tpu.vector_load %arg7[%get3A_176, %get3A_177] {strides = array<i32>} : memref<16x640xf32, #tpu.memory_space<vmem>>, vector<16xf32>,
      %add3A_179 = arith.addf %add3A_172, %get3A_178 : vector<16xf32>
      %mul3A_180 = arith.constant 16 : i32
      %mul3A_181 = arith.muli %scan3A_83, %mul3A_180 : i32
      %get3A_182 = arith.constant 14 : i32
      %get3A_183 = arith.index_cast %get3A_182 : i32 to index
      %get3A_184 = arith.index_cast %mul3A_181 : i32 to index
      %get3A_185 = tpu.vector_load %arg7[%get3A_183, %get3A_184] {strides = array<i32>} : memref<16x640xf32, #tpu.memory_space<vmem>>, vector<16xf32>,
      %add3A_186 = arith.addf %add3A_179, %get3A_185 : vector<16xf32>
      %mul3A_187 = arith.constant 16 : i32
      %mul3A_188 = arith.muli %scan3A_83, %mul3A_187 : i32
      %get3A_189 = arith.constant 15 : i32
      %get3A_190 = arith.index_cast %get3A_189 : i32 to index
      %get3A_191 = arith.index_cast %mul3A_188 : i32 to index
      %get3A_192 = tpu.vector_load %arg7[%get3A_190, %get3A_191] {strides = array<i32>} : memref<16x640xf32, #tpu.memory_space<vmem>>, vector<16xf32>,
      %add3A_193 = arith.addf %add3A_186, %get3A_192 : vector<16xf32>
      %mul3A_194 = arith.constant 16 : i32
      %mul3A_195 = arith.muli %scan3A_83, %mul3A_194 : i32
      %swap3A = arith.index_cast %mul3A_195 : i32 to index
      %swap3A_196 = tpu.vector_load %arg8[%swap3A] {strides = array<i32>} : memref<640xf32, #tpu.memory_space<vmem>>, vector<16xf32>,
      tpu.vector_store %arg8[%swap3A], %add3A_193 {strides = array<i32>} : memref<640xf32, #tpu.memory_space<vmem>>, vector<16xf32>,
    }
    %scan3A_80 = arith.constant 40 : i32
    %mul3A_81 = arith.constant 640 : i32
    %mul3A_82 = arith.muli %arg1, %mul3A_81 : i32
    "tpu.region"() ({
      %run_scoped3A_83 = tpu.sem_alloc : memref<!tpu.dma_semaphore, #tpu.memory_space<semaphore_mem>>
      %dma_start3A = tpu.memref_slice %arg3[%arg0, %mul3A_82] : memref<2x10240xf32, #tpu.memory_space<hbm>> -> memref<1x640xf32, #tpu.memory_space<hbm>>
      %dma_start3A_84 = tpu.memref_squeeze %dma_start3A : memref<1x640xf32, #tpu.memory_space<hbm>> -> memref<640xf32, #tpu.memory_space<hbm>>
      %dma_start3A_85 = tpu.memref_slice %arg3[%arg0, %mul3A_82] : memref<2x10240xf32, #tpu.memory_space<hbm>> -> memref<1x640xf32, #tpu.memory_space<hbm>>
      %dma_start3A_86 = tpu.memref_squeeze %dma_start3A_85 : memref<1x640xf32, #tpu.memory_space<hbm>> -> memref<640xf32, #tpu.memory_space<hbm>>
      tpu.enqueue_dma source(%arg8 : memref<640xf32, #tpu.memory_space<vmem>>) target(%dma_start3A_86 : memref<640xf32, #tpu.memory_space<hbm>>) target_semaphore(%run_scoped3A_83 : memref<!tpu.dma_semaphore, #tpu.memory_space<semaphore_mem>>)
      %dma_wait3A = tpu.memref_slice %arg3[%arg0, %mul3A_82] : memref<2x10240xf32, #tpu.memory_space<hbm>> -> memref<1x640xf32, #tpu.memory_space<hbm>>
      %dma_wait3A_87 = tpu.memref_squeeze %dma_wait3A : memref<1x640xf32, #tpu.memory_space<hbm>> -> memref<640xf32, #tpu.memory_space<hbm>>
      %dma_wait3A_88 = tpu.memref_slice %arg3[%arg0, %mul3A_82] : memref<2x10240xf32, #tpu.memory_space<hbm>> -> memref<1x640xf32, #tpu.memory_space<hbm>>
      %dma_wait3A_89 = tpu.memref_squeeze %dma_wait3A_88 : memref<1x640xf32, #tpu.memory_space<hbm>> -> memref<640xf32, #tpu.memory_space<hbm>>
      tpu.wait_dma2 semaphore(%run_scoped3A_83 : memref<!tpu.dma_semaphore, #tpu.memory_space<semaphore_mem>>) src(%arg8 : memref<640xf32, #tpu.memory_space<vmem>>) dst(%dma_wait3A_89 : memref<640xf32, #tpu.memory_space<hbm>>)
      tpu.yield
    }) : () -> ()
    return
  }
}

#map = affine_map<(d0, d1) -> (0, 0)>
#map1 = affine_map<(d0, d1) -> (0, 0, 0)>
module attributes {stable_mosaic.version = 14 : i64} {
  func.func @_prop_body(%arg0: i32, %arg1: i32, %arg2: memref<10000x128xf32, #tpu.memory_space<hbm>>, %arg3: memref<2560x128xi32, #tpu.memory_space<hbm>>, %arg4: memref<2560x128xi32, #tpu.memory_space<hbm>>, %arg5: memref<640x128xf32, #tpu.memory_space<hbm>>, %arg6: memref<2x10240x128xf32, #tpu.memory_space<hbm>>, %arg7: memref<10240x128xf32, #tpu.memory_space<vmem_shared>>, %arg8: memref<40x128xi32, #tpu.memory_space<vmem>>, %arg9: memref<40x128xi32, #tpu.memory_space<vmem>>, %arg10: memref<2x128x128xf32, #tpu.memory_space<vmem>>, %arg11: memref<!tpu.dma_semaphore, #tpu.memory_space<semaphore_mem>>, %arg12: memref<!tpu.dma_semaphore, #tpu.memory_space<semaphore_mem>>, %arg13: memref<!tpu.dma_semaphore, #tpu.memory_space<semaphore_mem>>, %arg14: memref<!tpu.dma_semaphore, #tpu.memory_space<semaphore_mem>>) attributes {dimension_semantics = [#tpu.dimension_semantics<core_parallel>, #tpu.dimension_semantics<subcore_parallel>], iteration_bounds = array<i64: 2, 16>, scalar_prefetch = 0 : i64, scratch_operands = 8 : i64, tpu.core_type = #tpu.core_type<sc_vector_subcore>, window_params = [{transform_indices = #map}, {transform_indices = #map}, {transform_indices = #map}, {transform_indices = #map}, {transform_indices = #map1}]} {
    %mul3A = arith.constant 16 : i32
    %mul3A_0 = arith.muli %arg0, %mul3A : i32
    %add3A = arith.addi %mul3A_0, %arg1 : i32
    %mul3A_1 = arith.constant 80 : i32
    %mul3A_2 = arith.muli %add3A, %mul3A_1 : i32
    %dma_start3A = arith.constant 0 : i32
    %dma_start3A_3 = tpu.memref_slice %arg3[%mul3A_2, %dma_start3A] : memref<2560x128xi32, #tpu.memory_space<hbm>> -> memref<40x128xi32, #tpu.memory_space<hbm>>
    %dma_start3A_4 = arith.constant 0 : i32
    %dma_start3A_5 = tpu.memref_slice %arg3[%mul3A_2, %dma_start3A_4] : memref<2560x128xi32, #tpu.memory_space<hbm>> -> memref<40x128xi32, #tpu.memory_space<hbm>>
    tpu.enqueue_dma source(%dma_start3A_5 : memref<40x128xi32, #tpu.memory_space<hbm>>) target(%arg8 : memref<40x128xi32, #tpu.memory_space<vmem>>) target_semaphore(%arg14 : memref<!tpu.dma_semaphore, #tpu.memory_space<semaphore_mem>>)
    %mul3A_6 = arith.constant 80 : i32
    %mul3A_7 = arith.muli %add3A, %mul3A_6 : i32
    %dma_start3A_8 = arith.constant 0 : i32
    %dma_start3A_9 = tpu.memref_slice %arg4[%mul3A_7, %dma_start3A_8] : memref<2560x128xi32, #tpu.memory_space<hbm>> -> memref<40x128xi32, #tpu.memory_space<hbm>>
    %dma_start3A_10 = arith.constant 0 : i32
    %dma_start3A_11 = tpu.memref_slice %arg4[%mul3A_7, %dma_start3A_10] : memref<2560x128xi32, #tpu.memory_space<hbm>> -> memref<40x128xi32, #tpu.memory_space<hbm>>
    tpu.enqueue_dma source(%dma_start3A_11 : memref<40x128xi32, #tpu.memory_space<hbm>>) target(%arg9 : memref<40x128xi32, #tpu.memory_space<vmem>>) target_semaphore(%arg14 : memref<!tpu.dma_semaphore, #tpu.memory_space<semaphore_mem>>)
    %mul3A_12 = arith.constant 640 : i32
    %mul3A_13 = arith.muli %arg1, %mul3A_12 : i32
    "tpu.region"() ({
      %run_scoped3A = tpu.sem_alloc : memref<!tpu.dma_semaphore, #tpu.memory_space<semaphore_mem>>
      %dma_start3A_23 = arith.constant 0 : i32
      %dma_start3A_24 = tpu.memref_slice %arg7[%mul3A_13, %dma_start3A_23] : memref<10240x128xf32, #tpu.memory_space<vmem_shared>> -> memref<640x128xf32, #tpu.memory_space<vmem_shared>>
      tpu.enqueue_dma source(%arg5 : memref<640x128xf32, #tpu.memory_space<hbm>>) target(%dma_start3A_24 : memref<640x128xf32, #tpu.memory_space<vmem_shared>>) target_semaphore(%run_scoped3A : memref<!tpu.dma_semaphore, #tpu.memory_space<semaphore_mem>>)
      %dma_wait3A = arith.constant 0 : i32
      %dma_wait3A_25 = tpu.memref_slice %arg7[%mul3A_13, %dma_wait3A] : memref<10240x128xf32, #tpu.memory_space<vmem_shared>> -> memref<640x128xf32, #tpu.memory_space<vmem_shared>>
      tpu.wait_dma2 semaphore(%run_scoped3A : memref<!tpu.dma_semaphore, #tpu.memory_space<semaphore_mem>>) src(%arg5 : memref<640x128xf32, #tpu.memory_space<hbm>>) dst(%dma_wait3A_25 : memref<640x128xf32, #tpu.memory_space<vmem_shared>>)
      tpu.yield
    }) : () -> ()
    %barrier3A = arith.constant 0 : index
    tpu.barrier barrier_id(%barrier3A)
    %scan3A = arith.constant 0 : i32
    %scan3A_14 = arith.constant 2 : i32
    %scan3A_15 = arith.addi %scan3A, %scan3A_14 : i32
    %scan3A_16 = arith.constant 1 : i32
    scf.for %scan3A_23 = %scan3A to %scan3A_15 step %scan3A_16  : i32 {
      %mul3A_24 = arith.constant 80 : i32
      %mul3A_25 = arith.muli %add3A, %mul3A_24 : i32
      %mul3A_26 = arith.constant 40 : i32
      %mul3A_27 = arith.muli %scan3A_23, %mul3A_26 : i32
      %add3A_28 = arith.addi %mul3A_25, %mul3A_27 : i32
      %eq3A = arith.constant 0 : i32
      %eq3A_29 = arith.cmpi eq, %scan3A_23, %eq3A : i32
      %convert_element_type3A = arith.extui %eq3A_29 : i1 to i32
      %cond3A = arith.constant 0 : i32
      %cond3A_30 = arith.cmpi ne, %convert_element_type3A, %cond3A : i32
      scf.if %cond3A_30 {
        %dma_wait3A_1954 = arith.constant 0 : i32
        %dma_wait3A_1955 = tpu.memref_slice %arg3[%add3A_28, %dma_wait3A_1954] : memref<2560x128xi32, #tpu.memory_space<hbm>> -> memref<40x128xi32, #tpu.memory_space<hbm>>
        %dma_wait3A_1956 = arith.constant 0 : i32
        %dma_wait3A_1957 = tpu.memref_slice %arg3[%add3A_28, %dma_wait3A_1956] : memref<2560x128xi32, #tpu.memory_space<hbm>> -> memref<40x128xi32, #tpu.memory_space<hbm>>
        tpu.wait_dma2 semaphore(%arg14 : memref<!tpu.dma_semaphore, #tpu.memory_space<semaphore_mem>>) src(%dma_wait3A_1957 : memref<40x128xi32, #tpu.memory_space<hbm>>) dst(%arg8 : memref<40x128xi32, #tpu.memory_space<vmem>>)
        %dma_wait3A_1958 = arith.constant 0 : i32
        %dma_wait3A_1959 = tpu.memref_slice %arg4[%add3A_28, %dma_wait3A_1958] : memref<2560x128xi32, #tpu.memory_space<hbm>> -> memref<40x128xi32, #tpu.memory_space<hbm>>
        %dma_wait3A_1960 = arith.constant 0 : i32
        %dma_wait3A_1961 = tpu.memref_slice %arg4[%add3A_28, %dma_wait3A_1960] : memref<2560x128xi32, #tpu.memory_space<hbm>> -> memref<40x128xi32, #tpu.memory_space<hbm>>
        tpu.wait_dma2 semaphore(%arg14 : memref<!tpu.dma_semaphore, #tpu.memory_space<semaphore_mem>>) src(%dma_wait3A_1961 : memref<40x128xi32, #tpu.memory_space<hbm>>) dst(%arg9 : memref<40x128xi32, #tpu.memory_space<vmem>>)
      } else {
      }
      %gt3A = arith.constant 0 : i32
      %gt3A_31 = arith.cmpi sgt, %scan3A_23, %gt3A : i32
      %convert_element_type3A_32 = arith.extui %gt3A_31 : i1 to i32
      %cond3A_33 = arith.constant 0 : i32
      %cond3A_34 = arith.cmpi ne, %convert_element_type3A_32, %cond3A_33 : i32
      scf.if %cond3A_34 {
        "tpu.region"() ({
          %run_scoped3A = tpu.sem_alloc : memref<!tpu.dma_semaphore, #tpu.memory_space<semaphore_mem>>
          %dma_start3A_1954 = arith.constant 0 : i32
          %dma_start3A_1955 = tpu.memref_slice %arg3[%add3A_28, %dma_start3A_1954] : memref<2560x128xi32, #tpu.memory_space<hbm>> -> memref<40x128xi32, #tpu.memory_space<hbm>>
          %dma_start3A_1956 = arith.constant 0 : i32
          %dma_start3A_1957 = tpu.memref_slice %arg3[%add3A_28, %dma_start3A_1956] : memref<2560x128xi32, #tpu.memory_space<hbm>> -> memref<40x128xi32, #tpu.memory_space<hbm>>
          tpu.enqueue_dma source(%dma_start3A_1957 : memref<40x128xi32, #tpu.memory_space<hbm>>) target(%arg8 : memref<40x128xi32, #tpu.memory_space<vmem>>) target_semaphore(%run_scoped3A : memref<!tpu.dma_semaphore, #tpu.memory_space<semaphore_mem>>)
          %dma_wait3A_1958 = arith.constant 0 : i32
          %dma_wait3A_1959 = tpu.memref_slice %arg3[%add3A_28, %dma_wait3A_1958] : memref<2560x128xi32, #tpu.memory_space<hbm>> -> memref<40x128xi32, #tpu.memory_space<hbm>>
          %dma_wait3A_1960 = arith.constant 0 : i32
          %dma_wait3A_1961 = tpu.memref_slice %arg3[%add3A_28, %dma_wait3A_1960] : memref<2560x128xi32, #tpu.memory_space<hbm>> -> memref<40x128xi32, #tpu.memory_space<hbm>>
          tpu.wait_dma2 semaphore(%run_scoped3A : memref<!tpu.dma_semaphore, #tpu.memory_space<semaphore_mem>>) src(%dma_wait3A_1961 : memref<40x128xi32, #tpu.memory_space<hbm>>) dst(%arg8 : memref<40x128xi32, #tpu.memory_space<vmem>>)
          tpu.yield
        }) : () -> ()
        "tpu.region"() ({
          %run_scoped3A = tpu.sem_alloc : memref<!tpu.dma_semaphore, #tpu.memory_space<semaphore_mem>>
          %dma_start3A_1954 = arith.constant 0 : i32
          %dma_start3A_1955 = tpu.memref_slice %arg4[%add3A_28, %dma_start3A_1954] : memref<2560x128xi32, #tpu.memory_space<hbm>> -> memref<40x128xi32, #tpu.memory_space<hbm>>
          %dma_start3A_1956 = arith.constant 0 : i32
          %dma_start3A_1957 = tpu.memref_slice %arg4[%add3A_28, %dma_start3A_1956] : memref<2560x128xi32, #tpu.memory_space<hbm>> -> memref<40x128xi32, #tpu.memory_space<hbm>>
          tpu.enqueue_dma source(%dma_start3A_1957 : memref<40x128xi32, #tpu.memory_space<hbm>>) target(%arg9 : memref<40x128xi32, #tpu.memory_space<vmem>>) target_semaphore(%run_scoped3A : memref<!tpu.dma_semaphore, #tpu.memory_space<semaphore_mem>>)
          %dma_wait3A_1958 = arith.constant 0 : i32
          %dma_wait3A_1959 = tpu.memref_slice %arg4[%add3A_28, %dma_wait3A_1958] : memref<2560x128xi32, #tpu.memory_space<hbm>> -> memref<40x128xi32, #tpu.memory_space<hbm>>
          %dma_wait3A_1960 = arith.constant 0 : i32
          %dma_wait3A_1961 = tpu.memref_slice %arg4[%add3A_28, %dma_wait3A_1960] : memref<2560x128xi32, #tpu.memory_space<hbm>> -> memref<40x128xi32, #tpu.memory_space<hbm>>
          tpu.wait_dma2 semaphore(%run_scoped3A : memref<!tpu.dma_semaphore, #tpu.memory_space<semaphore_mem>>) src(%dma_wait3A_1961 : memref<40x128xi32, #tpu.memory_space<hbm>>) dst(%arg9 : memref<40x128xi32, #tpu.memory_space<vmem>>)
          tpu.yield
        }) : () -> ()
      } else {
      }
      %dma_start3A_35 = arith.constant 0 : i32
      %dma_start3A_36 = arith.constant 0 : i32
      %dma_start3A_37 = arith.constant 0 : i32
      %dma_start3A_38 = arith.constant 0 : i32
      %dma_start3A_39 = tpu.memref_slice %arg10[%dma_start3A_36, %dma_start3A_37, %dma_start3A_38] : memref<2x128x128xf32, #tpu.memory_space<vmem>> -> memref<1x128x128xf32, #tpu.memory_space<vmem>>
      %dma_start3A_40 = tpu.memref_squeeze %dma_start3A_39 : memref<1x128x128xf32, #tpu.memory_space<vmem>> -> memref<128x128xf32, #tpu.memory_space<vmem>>
      %dma_start3A_41 = arith.constant 0 : i32
      %dma_start3A_42 = tpu.memref_slice %arg8[%dma_start3A_35, %dma_start3A_41] : memref<40x128xi32, #tpu.memory_space<vmem>> -> memref<1x128xi32, #tpu.memory_space<vmem>>
      %dma_start3A_43 = tpu.memref_squeeze %dma_start3A_42 : memref<1x128xi32, #tpu.memory_space<vmem>> -> memref<128xi32, #tpu.memory_space<vmem>>
      %dma_start3A_44 = arith.constant 0 : i32
      %dma_start3A_45 = arith.constant 0 : i32
      %dma_start3A_46 = tpu.memref_slice %arg2[%dma_start3A_44, %dma_start3A_45] : memref<10000x128xf32, #tpu.memory_space<hbm>> -> memref<10000x128xf32, #tpu.memory_space<hbm>>
      tpu.enqueue_indirect_dma source(%dma_start3A_46 : memref<10000x128xf32, #tpu.memory_space<hbm>>) target(%dma_start3A_40 : memref<128x128xf32, #tpu.memory_space<vmem>>) offsets(%dma_start3A_43 : memref<128xi32, #tpu.memory_space<vmem>>) semaphore(%arg11 : memref<!tpu.dma_semaphore, #tpu.memory_space<semaphore_mem>>)
      %dma_start3A_47 = arith.constant 1 : i32
      %dma_start3A_48 = arith.constant 1 : i32
      %dma_start3A_49 = arith.constant 0 : i32
      %dma_start3A_50 = arith.constant 0 : i32
      %dma_start3A_51 = tpu.memref_slice %arg10[%dma_start3A_48, %dma_start3A_49, %dma_start3A_50] : memref<2x128x128xf32, #tpu.memory_space<vmem>> -> memref<1x128x128xf32, #tpu.memory_space<vmem>>
      %dma_start3A_52 = tpu.memref_squeeze %dma_start3A_51 : memref<1x128x128xf32, #tpu.memory_space<vmem>> -> memref<128x128xf32, #tpu.memory_space<vmem>>
      %dma_start3A_53 = arith.constant 0 : i32
      %dma_start3A_54 = tpu.memref_slice %arg8[%dma_start3A_47, %dma_start3A_53] : memref<40x128xi32, #tpu.memory_space<vmem>> -> memref<1x128xi32, #tpu.memory_space<vmem>>
      %dma_start3A_55 = tpu.memref_squeeze %dma_start3A_54 : memref<1x128xi32, #tpu.memory_space<vmem>> -> memref<128xi32, #tpu.memory_space<vmem>>
      %dma_start3A_56 = arith.constant 0 : i32
      %dma_start3A_57 = arith.constant 0 : i32
      %dma_start3A_58 = tpu.memref_slice %arg2[%dma_start3A_56, %dma_start3A_57] : memref<10000x128xf32, #tpu.memory_space<hbm>> -> memref<10000x128xf32, #tpu.memory_space<hbm>>
      tpu.enqueue_indirect_dma source(%dma_start3A_58 : memref<10000x128xf32, #tpu.memory_space<hbm>>) target(%dma_start3A_52 : memref<128x128xf32, #tpu.memory_space<vmem>>) offsets(%dma_start3A_55 : memref<128xi32, #tpu.memory_space<vmem>>) semaphore(%arg12 : memref<!tpu.dma_semaphore, #tpu.memory_space<semaphore_mem>>)
      %dma_wait3A = arith.constant 0 : i32
      %dma_wait3A_59 = arith.constant 0 : i32
      %dma_wait3A_60 = arith.constant 0 : i32
      %dma_wait3A_61 = arith.constant 0 : i32
      %dma_wait3A_62 = tpu.memref_slice %arg10[%dma_wait3A_59, %dma_wait3A_60, %dma_wait3A_61] : memref<2x128x128xf32, #tpu.memory_space<vmem>> -> memref<1x128x128xf32, #tpu.memory_space<vmem>>
      %dma_wait3A_63 = tpu.memref_squeeze %dma_wait3A_62 : memref<1x128x128xf32, #tpu.memory_space<vmem>> -> memref<128x128xf32, #tpu.memory_space<vmem>>
      %dma_wait3A_64 = arith.constant 0 : i32
      %dma_wait3A_65 = tpu.memref_slice %arg8[%dma_wait3A, %dma_wait3A_64] : memref<40x128xi32, #tpu.memory_space<vmem>> -> memref<1x128xi32, #tpu.memory_space<vmem>>
      %dma_wait3A_66 = tpu.memref_squeeze %dma_wait3A_65 : memref<1x128xi32, #tpu.memory_space<vmem>> -> memref<128xi32, #tpu.memory_space<vmem>>
      %dma_wait3A_67 = arith.constant 0 : i32
      %dma_wait3A_68 = arith.constant 0 : i32
      %dma_wait3A_69 = tpu.memref_slice %arg2[%dma_wait3A_67, %dma_wait3A_68] : memref<10000x128xf32, #tpu.memory_space<hbm>> -> memref<10000x128xf32, #tpu.memory_space<hbm>>
      tpu.wait_indirect_dma semaphore(%arg11 : memref<!tpu.dma_semaphore, #tpu.memory_space<semaphore_mem>>) src(%dma_wait3A_69 : memref<10000x128xf32, #tpu.memory_space<hbm>>) dst(%dma_wait3A_63 : memref<128x128xf32, #tpu.memory_space<vmem>>)
      %dma_start3A_70 = arith.constant 0 : i32
      %dma_start3A_71 = arith.constant 0 : i32
      %dma_start3A_72 = arith.constant 0 : i32
      %dma_start3A_73 = arith.constant 0 : i32
      %dma_start3A_74 = tpu.memref_slice %arg10[%dma_start3A_70, %dma_start3A_72, %dma_start3A_73] : memref<2x128x128xf32, #tpu.memory_space<vmem>> -> memref<1x128x128xf32, #tpu.memory_space<vmem>>
      %dma_start3A_75 = tpu.memref_squeeze %dma_start3A_74 : memref<1x128x128xf32, #tpu.memory_space<vmem>> -> memref<128x128xf32, #tpu.memory_space<vmem>>
      %dma_start3A_76 = arith.constant 0 : i32
      %dma_start3A_77 = tpu.memref_slice %arg9[%dma_start3A_71, %dma_start3A_76] : memref<40x128xi32, #tpu.memory_space<vmem>> -> memref<1x128xi32, #tpu.memory_space<vmem>>
      %dma_start3A_78 = tpu.memref_squeeze %dma_start3A_77 : memref<1x128xi32, #tpu.memory_space<vmem>> -> memref<128xi32, #tpu.memory_space<vmem>>
      %dma_start3A_79 = arith.constant 0 : i32
      %dma_start3A_80 = arith.constant 0 : i32
      %dma_start3A_81 = tpu.memref_slice %arg7[%dma_start3A_79, %dma_start3A_80] : memref<10240x128xf32, #tpu.memory_space<vmem_shared>> -> memref<10240x128xf32, #tpu.memory_space<vmem_shared>>
      tpu.enqueue_indirect_dma source(%dma_start3A_75 : memref<128x128xf32, #tpu.memory_space<vmem>>) target(%dma_start3A_81 : memref<10240x128xf32, #tpu.memory_space<vmem_shared>>) offsets(%dma_start3A_78 : memref<128xi32, #tpu.memory_space<vmem>>) semaphore(%arg13 : memref<!tpu.dma_semaphore, #tpu.memory_space<semaphore_mem>>) {add = true}
      %dma_wait3A_82 = arith.constant 0 : i32
      %dma_wait3A_83 = arith.constant 0 : i32
      %dma_wait3A_84 = arith.constant 0 : i32
      %dma_wait3A_85 = arith.constant 0 : i32
      %dma_wait3A_86 = tpu.memref_slice %arg10[%dma_wait3A_82, %dma_wait3A_84, %dma_wait3A_85] : memref<2x128x128xf32, #tpu.memory_space<vmem>> -> memref<1x128x128xf32, #tpu.memory_space<vmem>>
      %dma_wait3A_87 = tpu.memref_squeeze %dma_wait3A_86 : memref<1x128x128xf32, #tpu.memory_space<vmem>> -> memref<128x128xf32, #tpu.memory_space<vmem>>
      %dma_wait3A_88 = arith.constant 0 : i32
      %dma_wait3A_89 = tpu.memref_slice %arg9[%dma_wait3A_83, %dma_wait3A_88] : memref<40x128xi32, #tpu.memory_space<vmem>> -> memref<1x128xi32, #tpu.memory_space<vmem>>
      %dma_wait3A_90 = tpu.memref_squeeze %dma_wait3A_89 : memref<1x128xi32, #tpu.memory_space<vmem>> -> memref<128xi32, #tpu.memory_space<vmem>>
      %dma_wait3A_91 = arith.constant 0 : i32
      %dma_wait3A_92 = arith.constant 0 : i32
      %dma_wait3A_93 = tpu.memref_slice %arg7[%dma_wait3A_91, %dma_wait3A_92] : memref<10240x128xf32, #tpu.memory_space<vmem_shared>> -> memref<10240x128xf32, #tpu.memory_space<vmem_shared>>
      tpu.wait_indirect_dma semaphore(%arg13 : memref<!tpu.dma_semaphore, #tpu.memory_space<semaphore_mem>>) src(%dma_wait3A_87 : memref<128x128xf32, #tpu.memory_space<vmem>>) dst(%dma_wait3A_93 : memref<10240x128xf32, #tpu.memory_space<vmem_shared>>)
      %dma_start3A_94 = arith.constant 2 : i32
      %dma_start3A_95 = arith.constant 0 : i32
      %dma_start3A_96 = arith.constant 0 : i32
      %dma_start3A_97 = arith.constant 0 : i32
      %dma_start3A_98 = tpu.memref_slice %arg10[%dma_start3A_95, %dma_start3A_96, %dma_start3A_97] : memref<2x128x128xf32, #tpu.memory_space<vmem>> -> memref<1x128x128xf32, #tpu.memory_space<vmem>>
      %dma_start3A_99 = tpu.memref_squeeze %dma_start3A_98 : memref<1x128x128xf32, #tpu.memory_space<vmem>> -> memref<128x128xf32, #tpu.memory_space<vmem>>
      %dma_start3A_100 = arith.constant 0 : i32
      %dma_start3A_101 = tpu.memref_slice %arg8[%dma_start3A_94, %dma_start3A_100] : memref<40x128xi32, #tpu.memory_space<vmem>> -> memref<1x128xi32, #tpu.memory_space<vmem>>
      %dma_start3A_102 = tpu.memref_squeeze %dma_start3A_101 : memref<1x128xi32, #tpu.memory_space<vmem>> -> memref<128xi32, #tpu.memory_space<vmem>>
      %dma_start3A_103 = arith.constant 0 : i32
      %dma_start3A_104 = arith.constant 0 : i32
      %dma_start3A_105 = tpu.memref_slice %arg2[%dma_start3A_103, %dma_start3A_104] : memref<10000x128xf32, #tpu.memory_space<hbm>> -> memref<10000x128xf32, #tpu.memory_space<hbm>>
      tpu.enqueue_indirect_dma source(%dma_start3A_105 : memref<10000x128xf32, #tpu.memory_space<hbm>>) target(%dma_start3A_99 : memref<128x128xf32, #tpu.memory_space<vmem>>) offsets(%dma_start3A_102 : memref<128xi32, #tpu.memory_space<vmem>>) semaphore(%arg11 : memref<!tpu.dma_semaphore, #tpu.memory_space<semaphore_mem>>)
      %dma_wait3A_106 = arith.constant 1 : i32
      %dma_wait3A_107 = arith.constant 1 : i32
      %dma_wait3A_108 = arith.constant 0 : i32
      %dma_wait3A_109 = arith.constant 0 : i32
      %dma_wait3A_110 = tpu.memref_slice %arg10[%dma_wait3A_107, %dma_wait3A_108, %dma_wait3A_109] : memref<2x128x128xf32, #tpu.memory_space<vmem>> -> memref<1x128x128xf32, #tpu.memory_space<vmem>>
      %dma_wait3A_111 = tpu.memref_squeeze %dma_wait3A_110 : memref<1x128x128xf32, #tpu.memory_space<vmem>> -> memref<128x128xf32, #tpu.memory_space<vmem>>
      %dma_wait3A_112 = arith.constant 0 : i32
      %dma_wait3A_113 = tpu.memref_slice %arg8[%dma_wait3A_106, %dma_wait3A_112] : memref<40x128xi32, #tpu.memory_space<vmem>> -> memref<1x128xi32, #tpu.memory_space<vmem>>
      %dma_wait3A_114 = tpu.memref_squeeze %dma_wait3A_113 : memref<1x128xi32, #tpu.memory_space<vmem>> -> memref<128xi32, #tpu.memory_space<vmem>>
      %dma_wait3A_115 = arith.constant 0 : i32
      %dma_wait3A_116 = arith.constant 0 : i32
      %dma_wait3A_117 = tpu.memref_slice %arg2[%dma_wait3A_115, %dma_wait3A_116] : memref<10000x128xf32, #tpu.memory_space<hbm>> -> memref<10000x128xf32, #tpu.memory_space<hbm>>
      tpu.wait_indirect_dma semaphore(%arg12 : memref<!tpu.dma_semaphore, #tpu.memory_space<semaphore_mem>>) src(%dma_wait3A_117 : memref<10000x128xf32, #tpu.memory_space<hbm>>) dst(%dma_wait3A_111 : memref<128x128xf32, #tpu.memory_space<vmem>>)
      %dma_start3A_118 = arith.constant 1 : i32
      %dma_start3A_119 = arith.constant 1 : i32
      %dma_start3A_120 = arith.constant 0 : i32
      %dma_start3A_121 = arith.constant 0 : i32
      %dma_start3A_122 = tpu.memref_slice %arg10[%dma_start3A_118, %dma_start3A_120, %dma_start3A_121] : memref<2x128x128xf32, #tpu.memory_space<vmem>> -> memref<1x128x128xf32, #tpu.memory_space<vmem>>
      %dma_start3A_123 = tpu.memref_squeeze %dma_start3A_122 : memref<1x128x128xf32, #tpu.memory_space<vmem>> -> memref<128x128xf32, #tpu.memory_space<vmem>>
      %dma_start3A_124 = arith.constant 0 : i32
      %dma_start3A_125 = tpu.memref_slice %arg9[%dma_start3A_119, %dma_start3A_124] : memref<40x128xi32, #tpu.memory_space<vmem>> -> memref<1x128xi32, #tpu.memory_space<vmem>>
      %dma_start3A_126 = tpu.memref_squeeze %dma_start3A_125 : memref<1x128xi32, #tpu.memory_space<vmem>> -> memref<128xi32, #tpu.memory_space<vmem>>
      %dma_start3A_127 = arith.constant 0 : i32
      %dma_start3A_128 = arith.constant 0 : i32
      %dma_start3A_129 = tpu.memref_slice %arg7[%dma_start3A_127, %dma_start3A_128] : memref<10240x128xf32, #tpu.memory_space<vmem_shared>> -> memref<10240x128xf32, #tpu.memory_space<vmem_shared>>
      tpu.enqueue_indirect_dma source(%dma_start3A_123 : memref<128x128xf32, #tpu.memory_space<vmem>>) target(%dma_start3A_129 : memref<10240x128xf32, #tpu.memory_space<vmem_shared>>) offsets(%dma_start3A_126 : memref<128xi32, #tpu.memory_space<vmem>>) semaphore(%arg13 : memref<!tpu.dma_semaphore, #tpu.memory_space<semaphore_mem>>) {add = true}
      %dma_wait3A_130 = arith.constant 1 : i32
      %dma_wait3A_131 = arith.constant 1 : i32
      %dma_wait3A_132 = arith.constant 0 : i32
      %dma_wait3A_133 = arith.constant 0 : i32
      %dma_wait3A_134 = tpu.memref_slice %arg10[%dma_wait3A_130, %dma_wait3A_132, %dma_wait3A_133] : memref<2x128x128xf32, #tpu.memory_space<vmem>> -> memref<1x128x128xf32, #tpu.memory_space<vmem>>
      %dma_wait3A_135 = tpu.memref_squeeze %dma_wait3A_134 : memref<1x128x128xf32, #tpu.memory_space<vmem>> -> memref<128x128xf32, #tpu.memory_space<vmem>>
      %dma_wait3A_136 = arith.constant 0 : i32
      %dma_wait3A_137 = tpu.memref_slice %arg9[%dma_wait3A_131, %dma_wait3A_136] : memref<40x128xi32, #tpu.memory_space<vmem>> -> memref<1x128xi32, #tpu.memory_space<vmem>>
      %dma_wait3A_138 = tpu.memref_squeeze %dma_wait3A_137 : memref<1x128xi32, #tpu.memory_space<vmem>> -> memref<128xi32, #tpu.memory_space<vmem>>
      %dma_wait3A_139 = arith.constant 0 : i32
      %dma_wait3A_140 = arith.constant 0 : i32
      %dma_wait3A_141 = tpu.memref_slice %arg7[%dma_wait3A_139, %dma_wait3A_140] : memref<10240x128xf32, #tpu.memory_space<vmem_shared>> -> memref<10240x128xf32, #tpu.memory_space<vmem_shared>>
      tpu.wait_indirect_dma semaphore(%arg13 : memref<!tpu.dma_semaphore, #tpu.memory_space<semaphore_mem>>) src(%dma_wait3A_135 : memref<128x128xf32, #tpu.memory_space<vmem>>) dst(%dma_wait3A_141 : memref<10240x128xf32, #tpu.memory_space<vmem_shared>>)
      %dma_start3A_142 = arith.constant 3 : i32
      %dma_start3A_143 = arith.constant 1 : i32
      %dma_start3A_144 = arith.constant 0 : i32
      %dma_start3A_145 = arith.constant 0 : i32
      %dma_start3A_146 = tpu.memref_slice %arg10[%dma_start3A_143, %dma_start3A_144, %dma_start3A_145] : memref<2x128x128xf32, #tpu.memory_space<vmem>> -> memref<1x128x128xf32, #tpu.memory_space<vmem>>
      %dma_start3A_147 = tpu.memref_squeeze %dma_start3A_146 : memref<1x128x128xf32, #tpu.memory_space<vmem>> -> memref<128x128xf32, #tpu.memory_space<vmem>>
      %dma_start3A_148 = arith.constant 0 : i32
      %dma_start3A_149 = tpu.memref_slice %arg8[%dma_start3A_142, %dma_start3A_148] : memref<40x128xi32, #tpu.memory_space<vmem>> -> memref<1x128xi32, #tpu.memory_space<vmem>>
      %dma_start3A_150 = tpu.memref_squeeze %dma_start3A_149 : memref<1x128xi32, #tpu.memory_space<vmem>> -> memref<128xi32, #tpu.memory_space<vmem>>
      %dma_start3A_151 = arith.constant 0 : i32
      %dma_start3A_152 = arith.constant 0 : i32
      %dma_start3A_153 = tpu.memref_slice %arg2[%dma_start3A_151, %dma_start3A_152] : memref<10000x128xf32, #tpu.memory_space<hbm>> -> memref<10000x128xf32, #tpu.memory_space<hbm>>
      tpu.enqueue_indirect_dma source(%dma_start3A_153 : memref<10000x128xf32, #tpu.memory_space<hbm>>) target(%dma_start3A_147 : memref<128x128xf32, #tpu.memory_space<vmem>>) offsets(%dma_start3A_150 : memref<128xi32, #tpu.memory_space<vmem>>) semaphore(%arg12 : memref<!tpu.dma_semaphore, #tpu.memory_space<semaphore_mem>>)
      %dma_wait3A_154 = arith.constant 2 : i32
      %dma_wait3A_155 = arith.constant 0 : i32
      %dma_wait3A_156 = arith.constant 0 : i32
      %dma_wait3A_157 = arith.constant 0 : i32
      %dma_wait3A_158 = tpu.memref_slice %arg10[%dma_wait3A_155, %dma_wait3A_156, %dma_wait3A_157] : memref<2x128x128xf32, #tpu.memory_space<vmem>> -> memref<1x128x128xf32, #tpu.memory_space<vmem>>
      %dma_wait3A_159 = tpu.memref_squeeze %dma_wait3A_158 : memref<1x128x128xf32, #tpu.memory_space<vmem>> -> memref<128x128xf32, #tpu.memory_space<vmem>>
      %dma_wait3A_160 = arith.constant 0 : i32
      %dma_wait3A_161 = tpu.memref_slice %arg8[%dma_wait3A_154, %dma_wait3A_160] : memref<40x128xi32, #tpu.memory_space<vmem>> -> memref<1x128xi32, #tpu.memory_space<vmem>>
      %dma_wait3A_162 = tpu.memref_squeeze %dma_wait3A_161 : memref<1x128xi32, #tpu.memory_space<vmem>> -> memref<128xi32, #tpu.memory_space<vmem>>
      %dma_wait3A_163 = arith.constant 0 : i32
      %dma_wait3A_164 = arith.constant 0 : i32
      %dma_wait3A_165 = tpu.memref_slice %arg2[%dma_wait3A_163, %dma_wait3A_164] : memref<10000x128xf32, #tpu.memory_space<hbm>> -> memref<10000x128xf32, #tpu.memory_space<hbm>>
      tpu.wait_indirect_dma semaphore(%arg11 : memref<!tpu.dma_semaphore, #tpu.memory_space<semaphore_mem>>) src(%dma_wait3A_165 : memref<10000x128xf32, #tpu.memory_space<hbm>>) dst(%dma_wait3A_159 : memref<128x128xf32, #tpu.memory_space<vmem>>)
      %dma_start3A_166 = arith.constant 0 : i32
      %dma_start3A_167 = arith.constant 2 : i32
      %dma_start3A_168 = arith.constant 0 : i32
      %dma_start3A_169 = arith.constant 0 : i32
      %dma_start3A_170 = tpu.memref_slice %arg10[%dma_start3A_166, %dma_start3A_168, %dma_start3A_169] : memref<2x128x128xf32, #tpu.memory_space<vmem>> -> memref<1x128x128xf32, #tpu.memory_space<vmem>>
      %dma_start3A_171 = tpu.memref_squeeze %dma_start3A_170 : memref<1x128x128xf32, #tpu.memory_space<vmem>> -> memref<128x128xf32, #tpu.memory_space<vmem>>
      %dma_start3A_172 = arith.constant 0 : i32
      %dma_start3A_173 = tpu.memref_slice %arg9[%dma_start3A_167, %dma_start3A_172] : memref<40x128xi32, #tpu.memory_space<vmem>> -> memref<1x128xi32, #tpu.memory_space<vmem>>
      %dma_start3A_174 = tpu.memref_squeeze %dma_start3A_173 : memref<1x128xi32, #tpu.memory_space<vmem>> -> memref<128xi32, #tpu.memory_space<vmem>>
      %dma_start3A_175 = arith.constant 0 : i32
      %dma_start3A_176 = arith.constant 0 : i32
      %dma_start3A_177 = tpu.memref_slice %arg7[%dma_start3A_175, %dma_start3A_176] : memref<10240x128xf32, #tpu.memory_space<vmem_shared>> -> memref<10240x128xf32, #tpu.memory_space<vmem_shared>>
      tpu.enqueue_indirect_dma source(%dma_start3A_171 : memref<128x128xf32, #tpu.memory_space<vmem>>) target(%dma_start3A_177 : memref<10240x128xf32, #tpu.memory_space<vmem_shared>>) offsets(%dma_start3A_174 : memref<128xi32, #tpu.memory_space<vmem>>) semaphore(%arg13 : memref<!tpu.dma_semaphore, #tpu.memory_space<semaphore_mem>>) {add = true}
      %dma_wait3A_178 = arith.constant 0 : i32
      %dma_wait3A_179 = arith.constant 2 : i32
      %dma_wait3A_180 = arith.constant 0 : i32
      %dma_wait3A_181 = arith.constant 0 : i32
      %dma_wait3A_182 = tpu.memref_slice %arg10[%dma_wait3A_178, %dma_wait3A_180, %dma_wait3A_181] : memref<2x128x128xf32, #tpu.memory_space<vmem>> -> memref<1x128x128xf32, #tpu.memory_space<vmem>>
      %dma_wait3A_183 = tpu.memref_squeeze %dma_wait3A_182 : memref<1x128x128xf32, #tpu.memory_space<vmem>> -> memref<128x128xf32, #tpu.memory_space<vmem>>
      %dma_wait3A_184 = arith.constant 0 : i32
      %dma_wait3A_185 = tpu.memref_slice %arg9[%dma_wait3A_179, %dma_wait3A_184] : memref<40x128xi32, #tpu.memory_space<vmem>> -> memref<1x128xi32, #tpu.memory_space<vmem>>
      %dma_wait3A_186 = tpu.memref_squeeze %dma_wait3A_185 : memref<1x128xi32, #tpu.memory_space<vmem>> -> memref<128xi32, #tpu.memory_space<vmem>>
      %dma_wait3A_187 = arith.constant 0 : i32
      %dma_wait3A_188 = arith.constant 0 : i32
      %dma_wait3A_189 = tpu.memref_slice %arg7[%dma_wait3A_187, %dma_wait3A_188] : memref<10240x128xf32, #tpu.memory_space<vmem_shared>> -> memref<10240x128xf32, #tpu.memory_space<vmem_shared>>
      tpu.wait_indirect_dma semaphore(%arg13 : memref<!tpu.dma_semaphore, #tpu.memory_space<semaphore_mem>>) src(%dma_wait3A_183 : memref<128x128xf32, #tpu.memory_space<vmem>>) dst(%dma_wait3A_189 : memref<10240x128xf32, #tpu.memory_space<vmem_shared>>)
      %dma_start3A_190 = arith.constant 4 : i32
      %dma_start3A_191 = arith.constant 0 : i32
      %dma_start3A_192 = arith.constant 0 : i32
      %dma_start3A_193 = arith.constant 0 : i32
      %dma_start3A_194 = tpu.memref_slice %arg10[%dma_start3A_191, %dma_start3A_192, %dma_start3A_193] : memref<2x128x128xf32, #tpu.memory_space<vmem>> -> memref<1x128x128xf32, #tpu.memory_space<vmem>>
      %dma_start3A_195 = tpu.memref_squeeze %dma_start3A_194 : memref<1x128x128xf32, #tpu.memory_space<vmem>> -> memref<128x128xf32, #tpu.memory_space<vmem>>
      %dma_start3A_196 = arith.constant 0 : i32
      %dma_start3A_197 = tpu.memref_slice %arg8[%dma_start3A_190, %dma_start3A_196] : memref<40x128xi32, #tpu.memory_space<vmem>> -> memref<1x128xi32, #tpu.memory_space<vmem>>
      %dma_start3A_198 = tpu.memref_squeeze %dma_start3A_197 : memref<1x128xi32, #tpu.memory_space<vmem>> -> memref<128xi32, #tpu.memory_space<vmem>>
      %dma_start3A_199 = arith.constant 0 : i32
      %dma_start3A_200 = arith.constant 0 : i32
      %dma_start3A_201 = tpu.memref_slice %arg2[%dma_start3A_199, %dma_start3A_200] : memref<10000x128xf32, #tpu.memory_space<hbm>> -> memref<10000x128xf32, #tpu.memory_space<hbm>>
      tpu.enqueue_indirect_dma source(%dma_start3A_201 : memref<10000x128xf32, #tpu.memory_space<hbm>>) target(%dma_start3A_195 : memref<128x128xf32, #tpu.memory_space<vmem>>) offsets(%dma_start3A_198 : memref<128xi32, #tpu.memory_space<vmem>>) semaphore(%arg11 : memref<!tpu.dma_semaphore, #tpu.memory_space<semaphore_mem>>)
      %dma_wait3A_202 = arith.constant 3 : i32
      %dma_wait3A_203 = arith.constant 1 : i32
      %dma_wait3A_204 = arith.constant 0 : i32
      %dma_wait3A_205 = arith.constant 0 : i32
      %dma_wait3A_206 = tpu.memref_slice %arg10[%dma_wait3A_203, %dma_wait3A_204, %dma_wait3A_205] : memref<2x128x128xf32, #tpu.memory_space<vmem>> -> memref<1x128x128xf32, #tpu.memory_space<vmem>>
      %dma_wait3A_207 = tpu.memref_squeeze %dma_wait3A_206 : memref<1x128x128xf32, #tpu.memory_space<vmem>> -> memref<128x128xf32, #tpu.memory_space<vmem>>
      %dma_wait3A_208 = arith.constant 0 : i32
      %dma_wait3A_209 = tpu.memref_slice %arg8[%dma_wait3A_202, %dma_wait3A_208] : memref<40x128xi32, #tpu.memory_space<vmem>> -> memref<1x128xi32, #tpu.memory_space<vmem>>
      %dma_wait3A_210 = tpu.memref_squeeze %dma_wait3A_209 : memref<1x128xi32, #tpu.memory_space<vmem>> -> memref<128xi32, #tpu.memory_space<vmem>>
      %dma_wait3A_211 = arith.constant 0 : i32
      %dma_wait3A_212 = arith.constant 0 : i32
      %dma_wait3A_213 = tpu.memref_slice %arg2[%dma_wait3A_211, %dma_wait3A_212] : memref<10000x128xf32, #tpu.memory_space<hbm>> -> memref<10000x128xf32, #tpu.memory_space<hbm>>
      tpu.wait_indirect_dma semaphore(%arg12 : memref<!tpu.dma_semaphore, #tpu.memory_space<semaphore_mem>>) src(%dma_wait3A_213 : memref<10000x128xf32, #tpu.memory_space<hbm>>) dst(%dma_wait3A_207 : memref<128x128xf32, #tpu.memory_space<vmem>>)
      %dma_start3A_214 = arith.constant 1 : i32
      %dma_start3A_215 = arith.constant 3 : i32
      %dma_start3A_216 = arith.constant 0 : i32
      %dma_start3A_217 = arith.constant 0 : i32
      %dma_start3A_218 = tpu.memref_slice %arg10[%dma_start3A_214, %dma_start3A_216, %dma_start3A_217] : memref<2x128x128xf32, #tpu.memory_space<vmem>> -> memref<1x128x128xf32, #tpu.memory_space<vmem>>
      %dma_start3A_219 = tpu.memref_squeeze %dma_start3A_218 : memref<1x128x128xf32, #tpu.memory_space<vmem>> -> memref<128x128xf32, #tpu.memory_space<vmem>>
      %dma_start3A_220 = arith.constant 0 : i32
      %dma_start3A_221 = tpu.memref_slice %arg9[%dma_start3A_215, %dma_start3A_220] : memref<40x128xi32, #tpu.memory_space<vmem>> -> memref<1x128xi32, #tpu.memory_space<vmem>>
      %dma_start3A_222 = tpu.memref_squeeze %dma_start3A_221 : memref<1x128xi32, #tpu.memory_space<vmem>> -> memref<128xi32, #tpu.memory_space<vmem>>
      %dma_start3A_223 = arith.constant 0 : i32
      %dma_start3A_224 = arith.constant 0 : i32
      %dma_start3A_225 = tpu.memref_slice %arg7[%dma_start3A_223, %dma_start3A_224] : memref<10240x128xf32, #tpu.memory_space<vmem_shared>> -> memref<10240x128xf32, #tpu.memory_space<vmem_shared>>
      tpu.enqueue_indirect_dma source(%dma_start3A_219 : memref<128x128xf32, #tpu.memory_space<vmem>>) target(%dma_start3A_225 : memref<10240x128xf32, #tpu.memory_space<vmem_shared>>) offsets(%dma_start3A_222 : memref<128xi32, #tpu.memory_space<vmem>>) semaphore(%arg13 : memref<!tpu.dma_semaphore, #tpu.memory_space<semaphore_mem>>) {add = true}
      %dma_wait3A_226 = arith.constant 1 : i32
      %dma_wait3A_227 = arith.constant 3 : i32
      %dma_wait3A_228 = arith.constant 0 : i32
      %dma_wait3A_229 = arith.constant 0 : i32
      %dma_wait3A_230 = tpu.memref_slice %arg10[%dma_wait3A_226, %dma_wait3A_228, %dma_wait3A_229] : memref<2x128x128xf32, #tpu.memory_space<vmem>> -> memref<1x128x128xf32, #tpu.memory_space<vmem>>
      %dma_wait3A_231 = tpu.memref_squeeze %dma_wait3A_230 : memref<1x128x128xf32, #tpu.memory_space<vmem>> -> memref<128x128xf32, #tpu.memory_space<vmem>>
      %dma_wait3A_232 = arith.constant 0 : i32
      %dma_wait3A_233 = tpu.memref_slice %arg9[%dma_wait3A_227, %dma_wait3A_232] : memref<40x128xi32, #tpu.memory_space<vmem>> -> memref<1x128xi32, #tpu.memory_space<vmem>>
      %dma_wait3A_234 = tpu.memref_squeeze %dma_wait3A_233 : memref<1x128xi32, #tpu.memory_space<vmem>> -> memref<128xi32, #tpu.memory_space<vmem>>
      %dma_wait3A_235 = arith.constant 0 : i32
      %dma_wait3A_236 = arith.constant 0 : i32
      %dma_wait3A_237 = tpu.memref_slice %arg7[%dma_wait3A_235, %dma_wait3A_236] : memref<10240x128xf32, #tpu.memory_space<vmem_shared>> -> memref<10240x128xf32, #tpu.memory_space<vmem_shared>>
      tpu.wait_indirect_dma semaphore(%arg13 : memref<!tpu.dma_semaphore, #tpu.memory_space<semaphore_mem>>) src(%dma_wait3A_231 : memref<128x128xf32, #tpu.memory_space<vmem>>) dst(%dma_wait3A_237 : memref<10240x128xf32, #tpu.memory_space<vmem_shared>>)
      %dma_start3A_238 = arith.constant 5 : i32
      %dma_start3A_239 = arith.constant 1 : i32
      %dma_start3A_240 = arith.constant 0 : i32
      %dma_start3A_241 = arith.constant 0 : i32
      %dma_start3A_242 = tpu.memref_slice %arg10[%dma_start3A_239, %dma_start3A_240, %dma_start3A_241] : memref<2x128x128xf32, #tpu.memory_space<vmem>> -> memref<1x128x128xf32, #tpu.memory_space<vmem>>
      %dma_start3A_243 = tpu.memref_squeeze %dma_start3A_242 : memref<1x128x128xf32, #tpu.memory_space<vmem>> -> memref<128x128xf32, #tpu.memory_space<vmem>>
      %dma_start3A_244 = arith.constant 0 : i32
      %dma_start3A_245 = tpu.memref_slice %arg8[%dma_start3A_238, %dma_start3A_244] : memref<40x128xi32, #tpu.memory_space<vmem>> -> memref<1x128xi32, #tpu.memory_space<vmem>>
      %dma_start3A_246 = tpu.memref_squeeze %dma_start3A_245 : memref<1x128xi32, #tpu.memory_space<vmem>> -> memref<128xi32, #tpu.memory_space<vmem>>
      %dma_start3A_247 = arith.constant 0 : i32
      %dma_start3A_248 = arith.constant 0 : i32
      %dma_start3A_249 = tpu.memref_slice %arg2[%dma_start3A_247, %dma_start3A_248] : memref<10000x128xf32, #tpu.memory_space<hbm>> -> memref<10000x128xf32, #tpu.memory_space<hbm>>
      tpu.enqueue_indirect_dma source(%dma_start3A_249 : memref<10000x128xf32, #tpu.memory_space<hbm>>) target(%dma_start3A_243 : memref<128x128xf32, #tpu.memory_space<vmem>>) offsets(%dma_start3A_246 : memref<128xi32, #tpu.memory_space<vmem>>) semaphore(%arg12 : memref<!tpu.dma_semaphore, #tpu.memory_space<semaphore_mem>>)
      %dma_wait3A_250 = arith.constant 4 : i32
      %dma_wait3A_251 = arith.constant 0 : i32
      %dma_wait3A_252 = arith.constant 0 : i32
      %dma_wait3A_253 = arith.constant 0 : i32
      %dma_wait3A_254 = tpu.memref_slice %arg10[%dma_wait3A_251, %dma_wait3A_252, %dma_wait3A_253] : memref<2x128x128xf32, #tpu.memory_space<vmem>> -> memref<1x128x128xf32, #tpu.memory_space<vmem>>
      %dma_wait3A_255 = tpu.memref_squeeze %dma_wait3A_254 : memref<1x128x128xf32, #tpu.memory_space<vmem>> -> memref<128x128xf32, #tpu.memory_space<vmem>>
      %dma_wait3A_256 = arith.constant 0 : i32
      %dma_wait3A_257 = tpu.memref_slice %arg8[%dma_wait3A_250, %dma_wait3A_256] : memref<40x128xi32, #tpu.memory_space<vmem>> -> memref<1x128xi32, #tpu.memory_space<vmem>>
      %dma_wait3A_258 = tpu.memref_squeeze %dma_wait3A_257 : memref<1x128xi32, #tpu.memory_space<vmem>> -> memref<128xi32, #tpu.memory_space<vmem>>
      %dma_wait3A_259 = arith.constant 0 : i32
      %dma_wait3A_260 = arith.constant 0 : i32
      %dma_wait3A_261 = tpu.memref_slice %arg2[%dma_wait3A_259, %dma_wait3A_260] : memref<10000x128xf32, #tpu.memory_space<hbm>> -> memref<10000x128xf32, #tpu.memory_space<hbm>>
      tpu.wait_indirect_dma semaphore(%arg11 : memref<!tpu.dma_semaphore, #tpu.memory_space<semaphore_mem>>) src(%dma_wait3A_261 : memref<10000x128xf32, #tpu.memory_space<hbm>>) dst(%dma_wait3A_255 : memref<128x128xf32, #tpu.memory_space<vmem>>)
      %dma_start3A_262 = arith.constant 0 : i32
      %dma_start3A_263 = arith.constant 4 : i32
      %dma_start3A_264 = arith.constant 0 : i32
      %dma_start3A_265 = arith.constant 0 : i32
      %dma_start3A_266 = tpu.memref_slice %arg10[%dma_start3A_262, %dma_start3A_264, %dma_start3A_265] : memref<2x128x128xf32, #tpu.memory_space<vmem>> -> memref<1x128x128xf32, #tpu.memory_space<vmem>>
      %dma_start3A_267 = tpu.memref_squeeze %dma_start3A_266 : memref<1x128x128xf32, #tpu.memory_space<vmem>> -> memref<128x128xf32, #tpu.memory_space<vmem>>
      %dma_start3A_268 = arith.constant 0 : i32
      %dma_start3A_269 = tpu.memref_slice %arg9[%dma_start3A_263, %dma_start3A_268] : memref<40x128xi32, #tpu.memory_space<vmem>> -> memref<1x128xi32, #tpu.memory_space<vmem>>
      %dma_start3A_270 = tpu.memref_squeeze %dma_start3A_269 : memref<1x128xi32, #tpu.memory_space<vmem>> -> memref<128xi32, #tpu.memory_space<vmem>>
      %dma_start3A_271 = arith.constant 0 : i32
      %dma_start3A_272 = arith.constant 0 : i32
      %dma_start3A_273 = tpu.memref_slice %arg7[%dma_start3A_271, %dma_start3A_272] : memref<10240x128xf32, #tpu.memory_space<vmem_shared>> -> memref<10240x128xf32, #tpu.memory_space<vmem_shared>>
      tpu.enqueue_indirect_dma source(%dma_start3A_267 : memref<128x128xf32, #tpu.memory_space<vmem>>) target(%dma_start3A_273 : memref<10240x128xf32, #tpu.memory_space<vmem_shared>>) offsets(%dma_start3A_270 : memref<128xi32, #tpu.memory_space<vmem>>) semaphore(%arg13 : memref<!tpu.dma_semaphore, #tpu.memory_space<semaphore_mem>>) {add = true}
      %dma_wait3A_274 = arith.constant 0 : i32
      %dma_wait3A_275 = arith.constant 4 : i32
      %dma_wait3A_276 = arith.constant 0 : i32
      %dma_wait3A_277 = arith.constant 0 : i32
      %dma_wait3A_278 = tpu.memref_slice %arg10[%dma_wait3A_274, %dma_wait3A_276, %dma_wait3A_277] : memref<2x128x128xf32, #tpu.memory_space<vmem>> -> memref<1x128x128xf32, #tpu.memory_space<vmem>>
      %dma_wait3A_279 = tpu.memref_squeeze %dma_wait3A_278 : memref<1x128x128xf32, #tpu.memory_space<vmem>> -> memref<128x128xf32, #tpu.memory_space<vmem>>
      %dma_wait3A_280 = arith.constant 0 : i32
      %dma_wait3A_281 = tpu.memref_slice %arg9[%dma_wait3A_275, %dma_wait3A_280] : memref<40x128xi32, #tpu.memory_space<vmem>> -> memref<1x128xi32, #tpu.memory_space<vmem>>
      %dma_wait3A_282 = tpu.memref_squeeze %dma_wait3A_281 : memref<1x128xi32, #tpu.memory_space<vmem>> -> memref<128xi32, #tpu.memory_space<vmem>>
      %dma_wait3A_283 = arith.constant 0 : i32
      %dma_wait3A_284 = arith.constant 0 : i32
      %dma_wait3A_285 = tpu.memref_slice %arg7[%dma_wait3A_283, %dma_wait3A_284] : memref<10240x128xf32, #tpu.memory_space<vmem_shared>> -> memref<10240x128xf32, #tpu.memory_space<vmem_shared>>
      tpu.wait_indirect_dma semaphore(%arg13 : memref<!tpu.dma_semaphore, #tpu.memory_space<semaphore_mem>>) src(%dma_wait3A_279 : memref<128x128xf32, #tpu.memory_space<vmem>>) dst(%dma_wait3A_285 : memref<10240x128xf32, #tpu.memory_space<vmem_shared>>)
      %dma_start3A_286 = arith.constant 6 : i32
      %dma_start3A_287 = arith.constant 0 : i32
      %dma_start3A_288 = arith.constant 0 : i32
      %dma_start3A_289 = arith.constant 0 : i32
      %dma_start3A_290 = tpu.memref_slice %arg10[%dma_start3A_287, %dma_start3A_288, %dma_start3A_289] : memref<2x128x128xf32, #tpu.memory_space<vmem>> -> memref<1x128x128xf32, #tpu.memory_space<vmem>>
      %dma_start3A_291 = tpu.memref_squeeze %dma_start3A_290 : memref<1x128x128xf32, #tpu.memory_space<vmem>> -> memref<128x128xf32, #tpu.memory_space<vmem>>
      %dma_start3A_292 = arith.constant 0 : i32
      %dma_start3A_293 = tpu.memref_slice %arg8[%dma_start3A_286, %dma_start3A_292] : memref<40x128xi32, #tpu.memory_space<vmem>> -> memref<1x128xi32, #tpu.memory_space<vmem>>
      %dma_start3A_294 = tpu.memref_squeeze %dma_start3A_293 : memref<1x128xi32, #tpu.memory_space<vmem>> -> memref<128xi32, #tpu.memory_space<vmem>>
      %dma_start3A_295 = arith.constant 0 : i32
      %dma_start3A_296 = arith.constant 0 : i32
      %dma_start3A_297 = tpu.memref_slice %arg2[%dma_start3A_295, %dma_start3A_296] : memref<10000x128xf32, #tpu.memory_space<hbm>> -> memref<10000x128xf32, #tpu.memory_space<hbm>>
      tpu.enqueue_indirect_dma source(%dma_start3A_297 : memref<10000x128xf32, #tpu.memory_space<hbm>>) target(%dma_start3A_291 : memref<128x128xf32, #tpu.memory_space<vmem>>) offsets(%dma_start3A_294 : memref<128xi32, #tpu.memory_space<vmem>>) semaphore(%arg11 : memref<!tpu.dma_semaphore, #tpu.memory_space<semaphore_mem>>)
      %dma_wait3A_298 = arith.constant 5 : i32
      %dma_wait3A_299 = arith.constant 1 : i32
      %dma_wait3A_300 = arith.constant 0 : i32
      %dma_wait3A_301 = arith.constant 0 : i32
      %dma_wait3A_302 = tpu.memref_slice %arg10[%dma_wait3A_299, %dma_wait3A_300, %dma_wait3A_301] : memref<2x128x128xf32, #tpu.memory_space<vmem>> -> memref<1x128x128xf32, #tpu.memory_space<vmem>>
      %dma_wait3A_303 = tpu.memref_squeeze %dma_wait3A_302 : memref<1x128x128xf32, #tpu.memory_space<vmem>> -> memref<128x128xf32, #tpu.memory_space<vmem>>
      %dma_wait3A_304 = arith.constant 0 : i32
      %dma_wait3A_305 = tpu.memref_slice %arg8[%dma_wait3A_298, %dma_wait3A_304] : memref<40x128xi32, #tpu.memory_space<vmem>> -> memref<1x128xi32, #tpu.memory_space<vmem>>
      %dma_wait3A_306 = tpu.memref_squeeze %dma_wait3A_305 : memref<1x128xi32, #tpu.memory_space<vmem>> -> memref<128xi32, #tpu.memory_space<vmem>>
      %dma_wait3A_307 = arith.constant 0 : i32
      %dma_wait3A_308 = arith.constant 0 : i32
      %dma_wait3A_309 = tpu.memref_slice %arg2[%dma_wait3A_307, %dma_wait3A_308] : memref<10000x128xf32, #tpu.memory_space<hbm>> -> memref<10000x128xf32, #tpu.memory_space<hbm>>
      tpu.wait_indirect_dma semaphore(%arg12 : memref<!tpu.dma_semaphore, #tpu.memory_space<semaphore_mem>>) src(%dma_wait3A_309 : memref<10000x128xf32, #tpu.memory_space<hbm>>) dst(%dma_wait3A_303 : memref<128x128xf32, #tpu.memory_space<vmem>>)
      %dma_start3A_310 = arith.constant 1 : i32
      %dma_start3A_311 = arith.constant 5 : i32
      %dma_start3A_312 = arith.constant 0 : i32
      %dma_start3A_313 = arith.constant 0 : i32
      %dma_start3A_314 = tpu.memref_slice %arg10[%dma_start3A_310, %dma_start3A_312, %dma_start3A_313] : memref<2x128x128xf32, #tpu.memory_space<vmem>> -> memref<1x128x128xf32, #tpu.memory_space<vmem>>
      %dma_start3A_315 = tpu.memref_squeeze %dma_start3A_314 : memref<1x128x128xf32, #tpu.memory_space<vmem>> -> memref<128x128xf32, #tpu.memory_space<vmem>>
      %dma_start3A_316 = arith.constant 0 : i32
      %dma_start3A_317 = tpu.memref_slice %arg9[%dma_start3A_311, %dma_start3A_316] : memref<40x128xi32, #tpu.memory_space<vmem>> -> memref<1x128xi32, #tpu.memory_space<vmem>>
      %dma_start3A_318 = tpu.memref_squeeze %dma_start3A_317 : memref<1x128xi32, #tpu.memory_space<vmem>> -> memref<128xi32, #tpu.memory_space<vmem>>
      %dma_start3A_319 = arith.constant 0 : i32
      %dma_start3A_320 = arith.constant 0 : i32
      %dma_start3A_321 = tpu.memref_slice %arg7[%dma_start3A_319, %dma_start3A_320] : memref<10240x128xf32, #tpu.memory_space<vmem_shared>> -> memref<10240x128xf32, #tpu.memory_space<vmem_shared>>
      tpu.enqueue_indirect_dma source(%dma_start3A_315 : memref<128x128xf32, #tpu.memory_space<vmem>>) target(%dma_start3A_321 : memref<10240x128xf32, #tpu.memory_space<vmem_shared>>) offsets(%dma_start3A_318 : memref<128xi32, #tpu.memory_space<vmem>>) semaphore(%arg13 : memref<!tpu.dma_semaphore, #tpu.memory_space<semaphore_mem>>) {add = true}
      %dma_wait3A_322 = arith.constant 1 : i32
      %dma_wait3A_323 = arith.constant 5 : i32
      %dma_wait3A_324 = arith.constant 0 : i32
      %dma_wait3A_325 = arith.constant 0 : i32
      %dma_wait3A_326 = tpu.memref_slice %arg10[%dma_wait3A_322, %dma_wait3A_324, %dma_wait3A_325] : memref<2x128x128xf32, #tpu.memory_space<vmem>> -> memref<1x128x128xf32, #tpu.memory_space<vmem>>
      %dma_wait3A_327 = tpu.memref_squeeze %dma_wait3A_326 : memref<1x128x128xf32, #tpu.memory_space<vmem>> -> memref<128x128xf32, #tpu.memory_space<vmem>>
      %dma_wait3A_328 = arith.constant 0 : i32
      %dma_wait3A_329 = tpu.memref_slice %arg9[%dma_wait3A_323, %dma_wait3A_328] : memref<40x128xi32, #tpu.memory_space<vmem>> -> memref<1x128xi32, #tpu.memory_space<vmem>>
      %dma_wait3A_330 = tpu.memref_squeeze %dma_wait3A_329 : memref<1x128xi32, #tpu.memory_space<vmem>> -> memref<128xi32, #tpu.memory_space<vmem>>
      %dma_wait3A_331 = arith.constant 0 : i32
      %dma_wait3A_332 = arith.constant 0 : i32
      %dma_wait3A_333 = tpu.memref_slice %arg7[%dma_wait3A_331, %dma_wait3A_332] : memref<10240x128xf32, #tpu.memory_space<vmem_shared>> -> memref<10240x128xf32, #tpu.memory_space<vmem_shared>>
      tpu.wait_indirect_dma semaphore(%arg13 : memref<!tpu.dma_semaphore, #tpu.memory_space<semaphore_mem>>) src(%dma_wait3A_327 : memref<128x128xf32, #tpu.memory_space<vmem>>) dst(%dma_wait3A_333 : memref<10240x128xf32, #tpu.memory_space<vmem_shared>>)
      %dma_start3A_334 = arith.constant 7 : i32
      %dma_start3A_335 = arith.constant 1 : i32
      %dma_start3A_336 = arith.constant 0 : i32
      %dma_start3A_337 = arith.constant 0 : i32
      %dma_start3A_338 = tpu.memref_slice %arg10[%dma_start3A_335, %dma_start3A_336, %dma_start3A_337] : memref<2x128x128xf32, #tpu.memory_space<vmem>> -> memref<1x128x128xf32, #tpu.memory_space<vmem>>
      %dma_start3A_339 = tpu.memref_squeeze %dma_start3A_338 : memref<1x128x128xf32, #tpu.memory_space<vmem>> -> memref<128x128xf32, #tpu.memory_space<vmem>>
      %dma_start3A_340 = arith.constant 0 : i32
      %dma_start3A_341 = tpu.memref_slice %arg8[%dma_start3A_334, %dma_start3A_340] : memref<40x128xi32, #tpu.memory_space<vmem>> -> memref<1x128xi32, #tpu.memory_space<vmem>>
      %dma_start3A_342 = tpu.memref_squeeze %dma_start3A_341 : memref<1x128xi32, #tpu.memory_space<vmem>> -> memref<128xi32, #tpu.memory_space<vmem>>
      %dma_start3A_343 = arith.constant 0 : i32
      %dma_start3A_344 = arith.constant 0 : i32
      %dma_start3A_345 = tpu.memref_slice %arg2[%dma_start3A_343, %dma_start3A_344] : memref<10000x128xf32, #tpu.memory_space<hbm>> -> memref<10000x128xf32, #tpu.memory_space<hbm>>
      tpu.enqueue_indirect_dma source(%dma_start3A_345 : memref<10000x128xf32, #tpu.memory_space<hbm>>) target(%dma_start3A_339 : memref<128x128xf32, #tpu.memory_space<vmem>>) offsets(%dma_start3A_342 : memref<128xi32, #tpu.memory_space<vmem>>) semaphore(%arg12 : memref<!tpu.dma_semaphore, #tpu.memory_space<semaphore_mem>>)
      %dma_wait3A_346 = arith.constant 6 : i32
      %dma_wait3A_347 = arith.constant 0 : i32
      %dma_wait3A_348 = arith.constant 0 : i32
      %dma_wait3A_349 = arith.constant 0 : i32
      %dma_wait3A_350 = tpu.memref_slice %arg10[%dma_wait3A_347, %dma_wait3A_348, %dma_wait3A_349] : memref<2x128x128xf32, #tpu.memory_space<vmem>> -> memref<1x128x128xf32, #tpu.memory_space<vmem>>
      %dma_wait3A_351 = tpu.memref_squeeze %dma_wait3A_350 : memref<1x128x128xf32, #tpu.memory_space<vmem>> -> memref<128x128xf32, #tpu.memory_space<vmem>>
      %dma_wait3A_352 = arith.constant 0 : i32
      %dma_wait3A_353 = tpu.memref_slice %arg8[%dma_wait3A_346, %dma_wait3A_352] : memref<40x128xi32, #tpu.memory_space<vmem>> -> memref<1x128xi32, #tpu.memory_space<vmem>>
      %dma_wait3A_354 = tpu.memref_squeeze %dma_wait3A_353 : memref<1x128xi32, #tpu.memory_space<vmem>> -> memref<128xi32, #tpu.memory_space<vmem>>
      %dma_wait3A_355 = arith.constant 0 : i32
      %dma_wait3A_356 = arith.constant 0 : i32
      %dma_wait3A_357 = tpu.memref_slice %arg2[%dma_wait3A_355, %dma_wait3A_356] : memref<10000x128xf32, #tpu.memory_space<hbm>> -> memref<10000x128xf32, #tpu.memory_space<hbm>>
      tpu.wait_indirect_dma semaphore(%arg11 : memref<!tpu.dma_semaphore, #tpu.memory_space<semaphore_mem>>) src(%dma_wait3A_357 : memref<10000x128xf32, #tpu.memory_space<hbm>>) dst(%dma_wait3A_351 : memref<128x128xf32, #tpu.memory_space<vmem>>)
      %dma_start3A_358 = arith.constant 0 : i32
      %dma_start3A_359 = arith.constant 6 : i32
      %dma_start3A_360 = arith.constant 0 : i32
      %dma_start3A_361 = arith.constant 0 : i32
      %dma_start3A_362 = tpu.memref_slice %arg10[%dma_start3A_358, %dma_start3A_360, %dma_start3A_361] : memref<2x128x128xf32, #tpu.memory_space<vmem>> -> memref<1x128x128xf32, #tpu.memory_space<vmem>>
      %dma_start3A_363 = tpu.memref_squeeze %dma_start3A_362 : memref<1x128x128xf32, #tpu.memory_space<vmem>> -> memref<128x128xf32, #tpu.memory_space<vmem>>
      %dma_start3A_364 = arith.constant 0 : i32
      %dma_start3A_365 = tpu.memref_slice %arg9[%dma_start3A_359, %dma_start3A_364] : memref<40x128xi32, #tpu.memory_space<vmem>> -> memref<1x128xi32, #tpu.memory_space<vmem>>
      %dma_start3A_366 = tpu.memref_squeeze %dma_start3A_365 : memref<1x128xi32, #tpu.memory_space<vmem>> -> memref<128xi32, #tpu.memory_space<vmem>>
      %dma_start3A_367 = arith.constant 0 : i32
      %dma_start3A_368 = arith.constant 0 : i32
      %dma_start3A_369 = tpu.memref_slice %arg7[%dma_start3A_367, %dma_start3A_368] : memref<10240x128xf32, #tpu.memory_space<vmem_shared>> -> memref<10240x128xf32, #tpu.memory_space<vmem_shared>>
      tpu.enqueue_indirect_dma source(%dma_start3A_363 : memref<128x128xf32, #tpu.memory_space<vmem>>) target(%dma_start3A_369 : memref<10240x128xf32, #tpu.memory_space<vmem_shared>>) offsets(%dma_start3A_366 : memref<128xi32, #tpu.memory_space<vmem>>) semaphore(%arg13 : memref<!tpu.dma_semaphore, #tpu.memory_space<semaphore_mem>>) {add = true}
      %dma_wait3A_370 = arith.constant 0 : i32
      %dma_wait3A_371 = arith.constant 6 : i32
      %dma_wait3A_372 = arith.constant 0 : i32
      %dma_wait3A_373 = arith.constant 0 : i32
      %dma_wait3A_374 = tpu.memref_slice %arg10[%dma_wait3A_370, %dma_wait3A_372, %dma_wait3A_373] : memref<2x128x128xf32, #tpu.memory_space<vmem>> -> memref<1x128x128xf32, #tpu.memory_space<vmem>>
      %dma_wait3A_375 = tpu.memref_squeeze %dma_wait3A_374 : memref<1x128x128xf32, #tpu.memory_space<vmem>> -> memref<128x128xf32, #tpu.memory_space<vmem>>
      %dma_wait3A_376 = arith.constant 0 : i32
      %dma_wait3A_377 = tpu.memref_slice %arg9[%dma_wait3A_371, %dma_wait3A_376] : memref<40x128xi32, #tpu.memory_space<vmem>> -> memref<1x128xi32, #tpu.memory_space<vmem>>
      %dma_wait3A_378 = tpu.memref_squeeze %dma_wait3A_377 : memref<1x128xi32, #tpu.memory_space<vmem>> -> memref<128xi32, #tpu.memory_space<vmem>>
      %dma_wait3A_379 = arith.constant 0 : i32
      %dma_wait3A_380 = arith.constant 0 : i32
      %dma_wait3A_381 = tpu.memref_slice %arg7[%dma_wait3A_379, %dma_wait3A_380] : memref<10240x128xf32, #tpu.memory_space<vmem_shared>> -> memref<10240x128xf32, #tpu.memory_space<vmem_shared>>
      tpu.wait_indirect_dma semaphore(%arg13 : memref<!tpu.dma_semaphore, #tpu.memory_space<semaphore_mem>>) src(%dma_wait3A_375 : memref<128x128xf32, #tpu.memory_space<vmem>>) dst(%dma_wait3A_381 : memref<10240x128xf32, #tpu.memory_space<vmem_shared>>)
      %dma_start3A_382 = arith.constant 8 : i32
      %dma_start3A_383 = arith.constant 0 : i32
      %dma_start3A_384 = arith.constant 0 : i32
      %dma_start3A_385 = arith.constant 0 : i32
      %dma_start3A_386 = tpu.memref_slice %arg10[%dma_start3A_383, %dma_start3A_384, %dma_start3A_385] : memref<2x128x128xf32, #tpu.memory_space<vmem>> -> memref<1x128x128xf32, #tpu.memory_space<vmem>>
      %dma_start3A_387 = tpu.memref_squeeze %dma_start3A_386 : memref<1x128x128xf32, #tpu.memory_space<vmem>> -> memref<128x128xf32, #tpu.memory_space<vmem>>
      %dma_start3A_388 = arith.constant 0 : i32
      %dma_start3A_389 = tpu.memref_slice %arg8[%dma_start3A_382, %dma_start3A_388] : memref<40x128xi32, #tpu.memory_space<vmem>> -> memref<1x128xi32, #tpu.memory_space<vmem>>
      %dma_start3A_390 = tpu.memref_squeeze %dma_start3A_389 : memref<1x128xi32, #tpu.memory_space<vmem>> -> memref<128xi32, #tpu.memory_space<vmem>>
      %dma_start3A_391 = arith.constant 0 : i32
      %dma_start3A_392 = arith.constant 0 : i32
      %dma_start3A_393 = tpu.memref_slice %arg2[%dma_start3A_391, %dma_start3A_392] : memref<10000x128xf32, #tpu.memory_space<hbm>> -> memref<10000x128xf32, #tpu.memory_space<hbm>>
      tpu.enqueue_indirect_dma source(%dma_start3A_393 : memref<10000x128xf32, #tpu.memory_space<hbm>>) target(%dma_start3A_387 : memref<128x128xf32, #tpu.memory_space<vmem>>) offsets(%dma_start3A_390 : memref<128xi32, #tpu.memory_space<vmem>>) semaphore(%arg11 : memref<!tpu.dma_semaphore, #tpu.memory_space<semaphore_mem>>)
      %dma_wait3A_394 = arith.constant 7 : i32
      %dma_wait3A_395 = arith.constant 1 : i32
      %dma_wait3A_396 = arith.constant 0 : i32
      %dma_wait3A_397 = arith.constant 0 : i32
      %dma_wait3A_398 = tpu.memref_slice %arg10[%dma_wait3A_395, %dma_wait3A_396, %dma_wait3A_397] : memref<2x128x128xf32, #tpu.memory_space<vmem>> -> memref<1x128x128xf32, #tpu.memory_space<vmem>>
      %dma_wait3A_399 = tpu.memref_squeeze %dma_wait3A_398 : memref<1x128x128xf32, #tpu.memory_space<vmem>> -> memref<128x128xf32, #tpu.memory_space<vmem>>
      %dma_wait3A_400 = arith.constant 0 : i32
      %dma_wait3A_401 = tpu.memref_slice %arg8[%dma_wait3A_394, %dma_wait3A_400] : memref<40x128xi32, #tpu.memory_space<vmem>> -> memref<1x128xi32, #tpu.memory_space<vmem>>
      %dma_wait3A_402 = tpu.memref_squeeze %dma_wait3A_401 : memref<1x128xi32, #tpu.memory_space<vmem>> -> memref<128xi32, #tpu.memory_space<vmem>>
      %dma_wait3A_403 = arith.constant 0 : i32
      %dma_wait3A_404 = arith.constant 0 : i32
      %dma_wait3A_405 = tpu.memref_slice %arg2[%dma_wait3A_403, %dma_wait3A_404] : memref<10000x128xf32, #tpu.memory_space<hbm>> -> memref<10000x128xf32, #tpu.memory_space<hbm>>
      tpu.wait_indirect_dma semaphore(%arg12 : memref<!tpu.dma_semaphore, #tpu.memory_space<semaphore_mem>>) src(%dma_wait3A_405 : memref<10000x128xf32, #tpu.memory_space<hbm>>) dst(%dma_wait3A_399 : memref<128x128xf32, #tpu.memory_space<vmem>>)
      %dma_start3A_406 = arith.constant 1 : i32
      %dma_start3A_407 = arith.constant 7 : i32
      %dma_start3A_408 = arith.constant 0 : i32
      %dma_start3A_409 = arith.constant 0 : i32
      %dma_start3A_410 = tpu.memref_slice %arg10[%dma_start3A_406, %dma_start3A_408, %dma_start3A_409] : memref<2x128x128xf32, #tpu.memory_space<vmem>> -> memref<1x128x128xf32, #tpu.memory_space<vmem>>
      %dma_start3A_411 = tpu.memref_squeeze %dma_start3A_410 : memref<1x128x128xf32, #tpu.memory_space<vmem>> -> memref<128x128xf32, #tpu.memory_space<vmem>>
      %dma_start3A_412 = arith.constant 0 : i32
      %dma_start3A_413 = tpu.memref_slice %arg9[%dma_start3A_407, %dma_start3A_412] : memref<40x128xi32, #tpu.memory_space<vmem>> -> memref<1x128xi32, #tpu.memory_space<vmem>>
      %dma_start3A_414 = tpu.memref_squeeze %dma_start3A_413 : memref<1x128xi32, #tpu.memory_space<vmem>> -> memref<128xi32, #tpu.memory_space<vmem>>
      %dma_start3A_415 = arith.constant 0 : i32
      %dma_start3A_416 = arith.constant 0 : i32
      %dma_start3A_417 = tpu.memref_slice %arg7[%dma_start3A_415, %dma_start3A_416] : memref<10240x128xf32, #tpu.memory_space<vmem_shared>> -> memref<10240x128xf32, #tpu.memory_space<vmem_shared>>
      tpu.enqueue_indirect_dma source(%dma_start3A_411 : memref<128x128xf32, #tpu.memory_space<vmem>>) target(%dma_start3A_417 : memref<10240x128xf32, #tpu.memory_space<vmem_shared>>) offsets(%dma_start3A_414 : memref<128xi32, #tpu.memory_space<vmem>>) semaphore(%arg13 : memref<!tpu.dma_semaphore, #tpu.memory_space<semaphore_mem>>) {add = true}
      %dma_wait3A_418 = arith.constant 1 : i32
      %dma_wait3A_419 = arith.constant 7 : i32
      %dma_wait3A_420 = arith.constant 0 : i32
      %dma_wait3A_421 = arith.constant 0 : i32
      %dma_wait3A_422 = tpu.memref_slice %arg10[%dma_wait3A_418, %dma_wait3A_420, %dma_wait3A_421] : memref<2x128x128xf32, #tpu.memory_space<vmem>> -> memref<1x128x128xf32, #tpu.memory_space<vmem>>
      %dma_wait3A_423 = tpu.memref_squeeze %dma_wait3A_422 : memref<1x128x128xf32, #tpu.memory_space<vmem>> -> memref<128x128xf32, #tpu.memory_space<vmem>>
      %dma_wait3A_424 = arith.constant 0 : i32
      %dma_wait3A_425 = tpu.memref_slice %arg9[%dma_wait3A_419, %dma_wait3A_424] : memref<40x128xi32, #tpu.memory_space<vmem>> -> memref<1x128xi32, #tpu.memory_space<vmem>>
      %dma_wait3A_426 = tpu.memref_squeeze %dma_wait3A_425 : memref<1x128xi32, #tpu.memory_space<vmem>> -> memref<128xi32, #tpu.memory_space<vmem>>
      %dma_wait3A_427 = arith.constant 0 : i32
      %dma_wait3A_428 = arith.constant 0 : i32
      %dma_wait3A_429 = tpu.memref_slice %arg7[%dma_wait3A_427, %dma_wait3A_428] : memref<10240x128xf32, #tpu.memory_space<vmem_shared>> -> memref<10240x128xf32, #tpu.memory_space<vmem_shared>>
      tpu.wait_indirect_dma semaphore(%arg13 : memref<!tpu.dma_semaphore, #tpu.memory_space<semaphore_mem>>) src(%dma_wait3A_423 : memref<128x128xf32, #tpu.memory_space<vmem>>) dst(%dma_wait3A_429 : memref<10240x128xf32, #tpu.memory_space<vmem_shared>>)
      %dma_start3A_430 = arith.constant 9 : i32
      %dma_start3A_431 = arith.constant 1 : i32
      %dma_start3A_432 = arith.constant 0 : i32
      %dma_start3A_433 = arith.constant 0 : i32
      %dma_start3A_434 = tpu.memref_slice %arg10[%dma_start3A_431, %dma_start3A_432, %dma_start3A_433] : memref<2x128x128xf32, #tpu.memory_space<vmem>> -> memref<1x128x128xf32, #tpu.memory_space<vmem>>
      %dma_start3A_435 = tpu.memref_squeeze %dma_start3A_434 : memref<1x128x128xf32, #tpu.memory_space<vmem>> -> memref<128x128xf32, #tpu.memory_space<vmem>>
      %dma_start3A_436 = arith.constant 0 : i32
      %dma_start3A_437 = tpu.memref_slice %arg8[%dma_start3A_430, %dma_start3A_436] : memref<40x128xi32, #tpu.memory_space<vmem>> -> memref<1x128xi32, #tpu.memory_space<vmem>>
      %dma_start3A_438 = tpu.memref_squeeze %dma_start3A_437 : memref<1x128xi32, #tpu.memory_space<vmem>> -> memref<128xi32, #tpu.memory_space<vmem>>
      %dma_start3A_439 = arith.constant 0 : i32
      %dma_start3A_440 = arith.constant 0 : i32
      %dma_start3A_441 = tpu.memref_slice %arg2[%dma_start3A_439, %dma_start3A_440] : memref<10000x128xf32, #tpu.memory_space<hbm>> -> memref<10000x128xf32, #tpu.memory_space<hbm>>
      tpu.enqueue_indirect_dma source(%dma_start3A_441 : memref<10000x128xf32, #tpu.memory_space<hbm>>) target(%dma_start3A_435 : memref<128x128xf32, #tpu.memory_space<vmem>>) offsets(%dma_start3A_438 : memref<128xi32, #tpu.memory_space<vmem>>) semaphore(%arg12 : memref<!tpu.dma_semaphore, #tpu.memory_space<semaphore_mem>>)
      %dma_wait3A_442 = arith.constant 8 : i32
      %dma_wait3A_443 = arith.constant 0 : i32
      %dma_wait3A_444 = arith.constant 0 : i32
      %dma_wait3A_445 = arith.constant 0 : i32
      %dma_wait3A_446 = tpu.memref_slice %arg10[%dma_wait3A_443, %dma_wait3A_444, %dma_wait3A_445] : memref<2x128x128xf32, #tpu.memory_space<vmem>> -> memref<1x128x128xf32, #tpu.memory_space<vmem>>
      %dma_wait3A_447 = tpu.memref_squeeze %dma_wait3A_446 : memref<1x128x128xf32, #tpu.memory_space<vmem>> -> memref<128x128xf32, #tpu.memory_space<vmem>>
      %dma_wait3A_448 = arith.constant 0 : i32
      %dma_wait3A_449 = tpu.memref_slice %arg8[%dma_wait3A_442, %dma_wait3A_448] : memref<40x128xi32, #tpu.memory_space<vmem>> -> memref<1x128xi32, #tpu.memory_space<vmem>>
      %dma_wait3A_450 = tpu.memref_squeeze %dma_wait3A_449 : memref<1x128xi32, #tpu.memory_space<vmem>> -> memref<128xi32, #tpu.memory_space<vmem>>
      %dma_wait3A_451 = arith.constant 0 : i32
      %dma_wait3A_452 = arith.constant 0 : i32
      %dma_wait3A_453 = tpu.memref_slice %arg2[%dma_wait3A_451, %dma_wait3A_452] : memref<10000x128xf32, #tpu.memory_space<hbm>> -> memref<10000x128xf32, #tpu.memory_space<hbm>>
      tpu.wait_indirect_dma semaphore(%arg11 : memref<!tpu.dma_semaphore, #tpu.memory_space<semaphore_mem>>) src(%dma_wait3A_453 : memref<10000x128xf32, #tpu.memory_space<hbm>>) dst(%dma_wait3A_447 : memref<128x128xf32, #tpu.memory_space<vmem>>)
      %dma_start3A_454 = arith.constant 0 : i32
      %dma_start3A_455 = arith.constant 8 : i32
      %dma_start3A_456 = arith.constant 0 : i32
      %dma_start3A_457 = arith.constant 0 : i32
      %dma_start3A_458 = tpu.memref_slice %arg10[%dma_start3A_454, %dma_start3A_456, %dma_start3A_457] : memref<2x128x128xf32, #tpu.memory_space<vmem>> -> memref<1x128x128xf32, #tpu.memory_space<vmem>>
      %dma_start3A_459 = tpu.memref_squeeze %dma_start3A_458 : memref<1x128x128xf32, #tpu.memory_space<vmem>> -> memref<128x128xf32, #tpu.memory_space<vmem>>
      %dma_start3A_460 = arith.constant 0 : i32
      %dma_start3A_461 = tpu.memref_slice %arg9[%dma_start3A_455, %dma_start3A_460] : memref<40x128xi32, #tpu.memory_space<vmem>> -> memref<1x128xi32, #tpu.memory_space<vmem>>
      %dma_start3A_462 = tpu.memref_squeeze %dma_start3A_461 : memref<1x128xi32, #tpu.memory_space<vmem>> -> memref<128xi32, #tpu.memory_space<vmem>>
      %dma_start3A_463 = arith.constant 0 : i32
      %dma_start3A_464 = arith.constant 0 : i32
      %dma_start3A_465 = tpu.memref_slice %arg7[%dma_start3A_463, %dma_start3A_464] : memref<10240x128xf32, #tpu.memory_space<vmem_shared>> -> memref<10240x128xf32, #tpu.memory_space<vmem_shared>>
      tpu.enqueue_indirect_dma source(%dma_start3A_459 : memref<128x128xf32, #tpu.memory_space<vmem>>) target(%dma_start3A_465 : memref<10240x128xf32, #tpu.memory_space<vmem_shared>>) offsets(%dma_start3A_462 : memref<128xi32, #tpu.memory_space<vmem>>) semaphore(%arg13 : memref<!tpu.dma_semaphore, #tpu.memory_space<semaphore_mem>>) {add = true}
      %dma_wait3A_466 = arith.constant 0 : i32
      %dma_wait3A_467 = arith.constant 8 : i32
      %dma_wait3A_468 = arith.constant 0 : i32
      %dma_wait3A_469 = arith.constant 0 : i32
      %dma_wait3A_470 = tpu.memref_slice %arg10[%dma_wait3A_466, %dma_wait3A_468, %dma_wait3A_469] : memref<2x128x128xf32, #tpu.memory_space<vmem>> -> memref<1x128x128xf32, #tpu.memory_space<vmem>>
      %dma_wait3A_471 = tpu.memref_squeeze %dma_wait3A_470 : memref<1x128x128xf32, #tpu.memory_space<vmem>> -> memref<128x128xf32, #tpu.memory_space<vmem>>
      %dma_wait3A_472 = arith.constant 0 : i32
      %dma_wait3A_473 = tpu.memref_slice %arg9[%dma_wait3A_467, %dma_wait3A_472] : memref<40x128xi32, #tpu.memory_space<vmem>> -> memref<1x128xi32, #tpu.memory_space<vmem>>
      %dma_wait3A_474 = tpu.memref_squeeze %dma_wait3A_473 : memref<1x128xi32, #tpu.memory_space<vmem>> -> memref<128xi32, #tpu.memory_space<vmem>>
      %dma_wait3A_475 = arith.constant 0 : i32
      %dma_wait3A_476 = arith.constant 0 : i32
      %dma_wait3A_477 = tpu.memref_slice %arg7[%dma_wait3A_475, %dma_wait3A_476] : memref<10240x128xf32, #tpu.memory_space<vmem_shared>> -> memref<10240x128xf32, #tpu.memory_space<vmem_shared>>
      tpu.wait_indirect_dma semaphore(%arg13 : memref<!tpu.dma_semaphore, #tpu.memory_space<semaphore_mem>>) src(%dma_wait3A_471 : memref<128x128xf32, #tpu.memory_space<vmem>>) dst(%dma_wait3A_477 : memref<10240x128xf32, #tpu.memory_space<vmem_shared>>)
      %dma_start3A_478 = arith.constant 10 : i32
      %dma_start3A_479 = arith.constant 0 : i32
      %dma_start3A_480 = arith.constant 0 : i32
      %dma_start3A_481 = arith.constant 0 : i32
      %dma_start3A_482 = tpu.memref_slice %arg10[%dma_start3A_479, %dma_start3A_480, %dma_start3A_481] : memref<2x128x128xf32, #tpu.memory_space<vmem>> -> memref<1x128x128xf32, #tpu.memory_space<vmem>>
      %dma_start3A_483 = tpu.memref_squeeze %dma_start3A_482 : memref<1x128x128xf32, #tpu.memory_space<vmem>> -> memref<128x128xf32, #tpu.memory_space<vmem>>
      %dma_start3A_484 = arith.constant 0 : i32
      %dma_start3A_485 = tpu.memref_slice %arg8[%dma_start3A_478, %dma_start3A_484] : memref<40x128xi32, #tpu.memory_space<vmem>> -> memref<1x128xi32, #tpu.memory_space<vmem>>
      %dma_start3A_486 = tpu.memref_squeeze %dma_start3A_485 : memref<1x128xi32, #tpu.memory_space<vmem>> -> memref<128xi32, #tpu.memory_space<vmem>>
      %dma_start3A_487 = arith.constant 0 : i32
      %dma_start3A_488 = arith.constant 0 : i32
      %dma_start3A_489 = tpu.memref_slice %arg2[%dma_start3A_487, %dma_start3A_488] : memref<10000x128xf32, #tpu.memory_space<hbm>> -> memref<10000x128xf32, #tpu.memory_space<hbm>>
      tpu.enqueue_indirect_dma source(%dma_start3A_489 : memref<10000x128xf32, #tpu.memory_space<hbm>>) target(%dma_start3A_483 : memref<128x128xf32, #tpu.memory_space<vmem>>) offsets(%dma_start3A_486 : memref<128xi32, #tpu.memory_space<vmem>>) semaphore(%arg11 : memref<!tpu.dma_semaphore, #tpu.memory_space<semaphore_mem>>)
      %dma_wait3A_490 = arith.constant 9 : i32
      %dma_wait3A_491 = arith.constant 1 : i32
      %dma_wait3A_492 = arith.constant 0 : i32
      %dma_wait3A_493 = arith.constant 0 : i32
      %dma_wait3A_494 = tpu.memref_slice %arg10[%dma_wait3A_491, %dma_wait3A_492, %dma_wait3A_493] : memref<2x128x128xf32, #tpu.memory_space<vmem>> -> memref<1x128x128xf32, #tpu.memory_space<vmem>>
      %dma_wait3A_495 = tpu.memref_squeeze %dma_wait3A_494 : memref<1x128x128xf32, #tpu.memory_space<vmem>> -> memref<128x128xf32, #tpu.memory_space<vmem>>
      %dma_wait3A_496 = arith.constant 0 : i32
      %dma_wait3A_497 = tpu.memref_slice %arg8[%dma_wait3A_490, %dma_wait3A_496] : memref<40x128xi32, #tpu.memory_space<vmem>> -> memref<1x128xi32, #tpu.memory_space<vmem>>
      %dma_wait3A_498 = tpu.memref_squeeze %dma_wait3A_497 : memref<1x128xi32, #tpu.memory_space<vmem>> -> memref<128xi32, #tpu.memory_space<vmem>>
      %dma_wait3A_499 = arith.constant 0 : i32
      %dma_wait3A_500 = arith.constant 0 : i32
      %dma_wait3A_501 = tpu.memref_slice %arg2[%dma_wait3A_499, %dma_wait3A_500] : memref<10000x128xf32, #tpu.memory_space<hbm>> -> memref<10000x128xf32, #tpu.memory_space<hbm>>
      tpu.wait_indirect_dma semaphore(%arg12 : memref<!tpu.dma_semaphore, #tpu.memory_space<semaphore_mem>>) src(%dma_wait3A_501 : memref<10000x128xf32, #tpu.memory_space<hbm>>) dst(%dma_wait3A_495 : memref<128x128xf32, #tpu.memory_space<vmem>>)
      %dma_start3A_502 = arith.constant 1 : i32
      %dma_start3A_503 = arith.constant 9 : i32
      %dma_start3A_504 = arith.constant 0 : i32
      %dma_start3A_505 = arith.constant 0 : i32
      %dma_start3A_506 = tpu.memref_slice %arg10[%dma_start3A_502, %dma_start3A_504, %dma_start3A_505] : memref<2x128x128xf32, #tpu.memory_space<vmem>> -> memref<1x128x128xf32, #tpu.memory_space<vmem>>
      %dma_start3A_507 = tpu.memref_squeeze %dma_start3A_506 : memref<1x128x128xf32, #tpu.memory_space<vmem>> -> memref<128x128xf32, #tpu.memory_space<vmem>>
      %dma_start3A_508 = arith.constant 0 : i32
      %dma_start3A_509 = tpu.memref_slice %arg9[%dma_start3A_503, %dma_start3A_508] : memref<40x128xi32, #tpu.memory_space<vmem>> -> memref<1x128xi32, #tpu.memory_space<vmem>>
      %dma_start3A_510 = tpu.memref_squeeze %dma_start3A_509 : memref<1x128xi32, #tpu.memory_space<vmem>> -> memref<128xi32, #tpu.memory_space<vmem>>
      %dma_start3A_511 = arith.constant 0 : i32
      %dma_start3A_512 = arith.constant 0 : i32
      %dma_start3A_513 = tpu.memref_slice %arg7[%dma_start3A_511, %dma_start3A_512] : memref<10240x128xf32, #tpu.memory_space<vmem_shared>> -> memref<10240x128xf32, #tpu.memory_space<vmem_shared>>
      tpu.enqueue_indirect_dma source(%dma_start3A_507 : memref<128x128xf32, #tpu.memory_space<vmem>>) target(%dma_start3A_513 : memref<10240x128xf32, #tpu.memory_space<vmem_shared>>) offsets(%dma_start3A_510 : memref<128xi32, #tpu.memory_space<vmem>>) semaphore(%arg13 : memref<!tpu.dma_semaphore, #tpu.memory_space<semaphore_mem>>) {add = true}
      %dma_wait3A_514 = arith.constant 1 : i32
      %dma_wait3A_515 = arith.constant 9 : i32
      %dma_wait3A_516 = arith.constant 0 : i32
      %dma_wait3A_517 = arith.constant 0 : i32
      %dma_wait3A_518 = tpu.memref_slice %arg10[%dma_wait3A_514, %dma_wait3A_516, %dma_wait3A_517] : memref<2x128x128xf32, #tpu.memory_space<vmem>> -> memref<1x128x128xf32, #tpu.memory_space<vmem>>
      %dma_wait3A_519 = tpu.memref_squeeze %dma_wait3A_518 : memref<1x128x128xf32, #tpu.memory_space<vmem>> -> memref<128x128xf32, #tpu.memory_space<vmem>>
      %dma_wait3A_520 = arith.constant 0 : i32
      %dma_wait3A_521 = tpu.memref_slice %arg9[%dma_wait3A_515, %dma_wait3A_520] : memref<40x128xi32, #tpu.memory_space<vmem>> -> memref<1x128xi32, #tpu.memory_space<vmem>>
      %dma_wait3A_522 = tpu.memref_squeeze %dma_wait3A_521 : memref<1x128xi32, #tpu.memory_space<vmem>> -> memref<128xi32, #tpu.memory_space<vmem>>
      %dma_wait3A_523 = arith.constant 0 : i32
      %dma_wait3A_524 = arith.constant 0 : i32
      %dma_wait3A_525 = tpu.memref_slice %arg7[%dma_wait3A_523, %dma_wait3A_524] : memref<10240x128xf32, #tpu.memory_space<vmem_shared>> -> memref<10240x128xf32, #tpu.memory_space<vmem_shared>>
      tpu.wait_indirect_dma semaphore(%arg13 : memref<!tpu.dma_semaphore, #tpu.memory_space<semaphore_mem>>) src(%dma_wait3A_519 : memref<128x128xf32, #tpu.memory_space<vmem>>) dst(%dma_wait3A_525 : memref<10240x128xf32, #tpu.memory_space<vmem_shared>>)
      %dma_start3A_526 = arith.constant 11 : i32
      %dma_start3A_527 = arith.constant 1 : i32
      %dma_start3A_528 = arith.constant 0 : i32
      %dma_start3A_529 = arith.constant 0 : i32
      %dma_start3A_530 = tpu.memref_slice %arg10[%dma_start3A_527, %dma_start3A_528, %dma_start3A_529] : memref<2x128x128xf32, #tpu.memory_space<vmem>> -> memref<1x128x128xf32, #tpu.memory_space<vmem>>
      %dma_start3A_531 = tpu.memref_squeeze %dma_start3A_530 : memref<1x128x128xf32, #tpu.memory_space<vmem>> -> memref<128x128xf32, #tpu.memory_space<vmem>>
      %dma_start3A_532 = arith.constant 0 : i32
      %dma_start3A_533 = tpu.memref_slice %arg8[%dma_start3A_526, %dma_start3A_532] : memref<40x128xi32, #tpu.memory_space<vmem>> -> memref<1x128xi32, #tpu.memory_space<vmem>>
      %dma_start3A_534 = tpu.memref_squeeze %dma_start3A_533 : memref<1x128xi32, #tpu.memory_space<vmem>> -> memref<128xi32, #tpu.memory_space<vmem>>
      %dma_start3A_535 = arith.constant 0 : i32
      %dma_start3A_536 = arith.constant 0 : i32
      %dma_start3A_537 = tpu.memref_slice %arg2[%dma_start3A_535, %dma_start3A_536] : memref<10000x128xf32, #tpu.memory_space<hbm>> -> memref<10000x128xf32, #tpu.memory_space<hbm>>
      tpu.enqueue_indirect_dma source(%dma_start3A_537 : memref<10000x128xf32, #tpu.memory_space<hbm>>) target(%dma_start3A_531 : memref<128x128xf32, #tpu.memory_space<vmem>>) offsets(%dma_start3A_534 : memref<128xi32, #tpu.memory_space<vmem>>) semaphore(%arg12 : memref<!tpu.dma_semaphore, #tpu.memory_space<semaphore_mem>>)
      %dma_wait3A_538 = arith.constant 10 : i32
      %dma_wait3A_539 = arith.constant 0 : i32
      %dma_wait3A_540 = arith.constant 0 : i32
      %dma_wait3A_541 = arith.constant 0 : i32
      %dma_wait3A_542 = tpu.memref_slice %arg10[%dma_wait3A_539, %dma_wait3A_540, %dma_wait3A_541] : memref<2x128x128xf32, #tpu.memory_space<vmem>> -> memref<1x128x128xf32, #tpu.memory_space<vmem>>
      %dma_wait3A_543 = tpu.memref_squeeze %dma_wait3A_542 : memref<1x128x128xf32, #tpu.memory_space<vmem>> -> memref<128x128xf32, #tpu.memory_space<vmem>>
      %dma_wait3A_544 = arith.constant 0 : i32
      %dma_wait3A_545 = tpu.memref_slice %arg8[%dma_wait3A_538, %dma_wait3A_544] : memref<40x128xi32, #tpu.memory_space<vmem>> -> memref<1x128xi32, #tpu.memory_space<vmem>>
      %dma_wait3A_546 = tpu.memref_squeeze %dma_wait3A_545 : memref<1x128xi32, #tpu.memory_space<vmem>> -> memref<128xi32, #tpu.memory_space<vmem>>
      %dma_wait3A_547 = arith.constant 0 : i32
      %dma_wait3A_548 = arith.constant 0 : i32
      %dma_wait3A_549 = tpu.memref_slice %arg2[%dma_wait3A_547, %dma_wait3A_548] : memref<10000x128xf32, #tpu.memory_space<hbm>> -> memref<10000x128xf32, #tpu.memory_space<hbm>>
      tpu.wait_indirect_dma semaphore(%arg11 : memref<!tpu.dma_semaphore, #tpu.memory_space<semaphore_mem>>) src(%dma_wait3A_549 : memref<10000x128xf32, #tpu.memory_space<hbm>>) dst(%dma_wait3A_543 : memref<128x128xf32, #tpu.memory_space<vmem>>)
      %dma_start3A_550 = arith.constant 0 : i32
      %dma_start3A_551 = arith.constant 10 : i32
      %dma_start3A_552 = arith.constant 0 : i32
      %dma_start3A_553 = arith.constant 0 : i32
      %dma_start3A_554 = tpu.memref_slice %arg10[%dma_start3A_550, %dma_start3A_552, %dma_start3A_553] : memref<2x128x128xf32, #tpu.memory_space<vmem>> -> memref<1x128x128xf32, #tpu.memory_space<vmem>>
      %dma_start3A_555 = tpu.memref_squeeze %dma_start3A_554 : memref<1x128x128xf32, #tpu.memory_space<vmem>> -> memref<128x128xf32, #tpu.memory_space<vmem>>
      %dma_start3A_556 = arith.constant 0 : i32
      %dma_start3A_557 = tpu.memref_slice %arg9[%dma_start3A_551, %dma_start3A_556] : memref<40x128xi32, #tpu.memory_space<vmem>> -> memref<1x128xi32, #tpu.memory_space<vmem>>
      %dma_start3A_558 = tpu.memref_squeeze %dma_start3A_557 : memref<1x128xi32, #tpu.memory_space<vmem>> -> memref<128xi32, #tpu.memory_space<vmem>>
      %dma_start3A_559 = arith.constant 0 : i32
      %dma_start3A_560 = arith.constant 0 : i32
      %dma_start3A_561 = tpu.memref_slice %arg7[%dma_start3A_559, %dma_start3A_560] : memref<10240x128xf32, #tpu.memory_space<vmem_shared>> -> memref<10240x128xf32, #tpu.memory_space<vmem_shared>>
      tpu.enqueue_indirect_dma source(%dma_start3A_555 : memref<128x128xf32, #tpu.memory_space<vmem>>) target(%dma_start3A_561 : memref<10240x128xf32, #tpu.memory_space<vmem_shared>>) offsets(%dma_start3A_558 : memref<128xi32, #tpu.memory_space<vmem>>) semaphore(%arg13 : memref<!tpu.dma_semaphore, #tpu.memory_space<semaphore_mem>>) {add = true}
      %dma_wait3A_562 = arith.constant 0 : i32
      %dma_wait3A_563 = arith.constant 10 : i32
      %dma_wait3A_564 = arith.constant 0 : i32
      %dma_wait3A_565 = arith.constant 0 : i32
      %dma_wait3A_566 = tpu.memref_slice %arg10[%dma_wait3A_562, %dma_wait3A_564, %dma_wait3A_565] : memref<2x128x128xf32, #tpu.memory_space<vmem>> -> memref<1x128x128xf32, #tpu.memory_space<vmem>>
      %dma_wait3A_567 = tpu.memref_squeeze %dma_wait3A_566 : memref<1x128x128xf32, #tpu.memory_space<vmem>> -> memref<128x128xf32, #tpu.memory_space<vmem>>
      %dma_wait3A_568 = arith.constant 0 : i32
      %dma_wait3A_569 = tpu.memref_slice %arg9[%dma_wait3A_563, %dma_wait3A_568] : memref<40x128xi32, #tpu.memory_space<vmem>> -> memref<1x128xi32, #tpu.memory_space<vmem>>
      %dma_wait3A_570 = tpu.memref_squeeze %dma_wait3A_569 : memref<1x128xi32, #tpu.memory_space<vmem>> -> memref<128xi32, #tpu.memory_space<vmem>>
      %dma_wait3A_571 = arith.constant 0 : i32
      %dma_wait3A_572 = arith.constant 0 : i32
      %dma_wait3A_573 = tpu.memref_slice %arg7[%dma_wait3A_571, %dma_wait3A_572] : memref<10240x128xf32, #tpu.memory_space<vmem_shared>> -> memref<10240x128xf32, #tpu.memory_space<vmem_shared>>
      tpu.wait_indirect_dma semaphore(%arg13 : memref<!tpu.dma_semaphore, #tpu.memory_space<semaphore_mem>>) src(%dma_wait3A_567 : memref<128x128xf32, #tpu.memory_space<vmem>>) dst(%dma_wait3A_573 : memref<10240x128xf32, #tpu.memory_space<vmem_shared>>)
      %dma_start3A_574 = arith.constant 12 : i32
      %dma_start3A_575 = arith.constant 0 : i32
      %dma_start3A_576 = arith.constant 0 : i32
      %dma_start3A_577 = arith.constant 0 : i32
      %dma_start3A_578 = tpu.memref_slice %arg10[%dma_start3A_575, %dma_start3A_576, %dma_start3A_577] : memref<2x128x128xf32, #tpu.memory_space<vmem>> -> memref<1x128x128xf32, #tpu.memory_space<vmem>>
      %dma_start3A_579 = tpu.memref_squeeze %dma_start3A_578 : memref<1x128x128xf32, #tpu.memory_space<vmem>> -> memref<128x128xf32, #tpu.memory_space<vmem>>
      %dma_start3A_580 = arith.constant 0 : i32
      %dma_start3A_581 = tpu.memref_slice %arg8[%dma_start3A_574, %dma_start3A_580] : memref<40x128xi32, #tpu.memory_space<vmem>> -> memref<1x128xi32, #tpu.memory_space<vmem>>
      %dma_start3A_582 = tpu.memref_squeeze %dma_start3A_581 : memref<1x128xi32, #tpu.memory_space<vmem>> -> memref<128xi32, #tpu.memory_space<vmem>>
      %dma_start3A_583 = arith.constant 0 : i32
      %dma_start3A_584 = arith.constant 0 : i32
      %dma_start3A_585 = tpu.memref_slice %arg2[%dma_start3A_583, %dma_start3A_584] : memref<10000x128xf32, #tpu.memory_space<hbm>> -> memref<10000x128xf32, #tpu.memory_space<hbm>>
      tpu.enqueue_indirect_dma source(%dma_start3A_585 : memref<10000x128xf32, #tpu.memory_space<hbm>>) target(%dma_start3A_579 : memref<128x128xf32, #tpu.memory_space<vmem>>) offsets(%dma_start3A_582 : memref<128xi32, #tpu.memory_space<vmem>>) semaphore(%arg11 : memref<!tpu.dma_semaphore, #tpu.memory_space<semaphore_mem>>)
      %dma_wait3A_586 = arith.constant 11 : i32
      %dma_wait3A_587 = arith.constant 1 : i32
      %dma_wait3A_588 = arith.constant 0 : i32
      %dma_wait3A_589 = arith.constant 0 : i32
      %dma_wait3A_590 = tpu.memref_slice %arg10[%dma_wait3A_587, %dma_wait3A_588, %dma_wait3A_589] : memref<2x128x128xf32, #tpu.memory_space<vmem>> -> memref<1x128x128xf32, #tpu.memory_space<vmem>>
      %dma_wait3A_591 = tpu.memref_squeeze %dma_wait3A_590 : memref<1x128x128xf32, #tpu.memory_space<vmem>> -> memref<128x128xf32, #tpu.memory_space<vmem>>
      %dma_wait3A_592 = arith.constant 0 : i32
      %dma_wait3A_593 = tpu.memref_slice %arg8[%dma_wait3A_586, %dma_wait3A_592] : memref<40x128xi32, #tpu.memory_space<vmem>> -> memref<1x128xi32, #tpu.memory_space<vmem>>
      %dma_wait3A_594 = tpu.memref_squeeze %dma_wait3A_593 : memref<1x128xi32, #tpu.memory_space<vmem>> -> memref<128xi32, #tpu.memory_space<vmem>>
      %dma_wait3A_595 = arith.constant 0 : i32
      %dma_wait3A_596 = arith.constant 0 : i32
      %dma_wait3A_597 = tpu.memref_slice %arg2[%dma_wait3A_595, %dma_wait3A_596] : memref<10000x128xf32, #tpu.memory_space<hbm>> -> memref<10000x128xf32, #tpu.memory_space<hbm>>
      tpu.wait_indirect_dma semaphore(%arg12 : memref<!tpu.dma_semaphore, #tpu.memory_space<semaphore_mem>>) src(%dma_wait3A_597 : memref<10000x128xf32, #tpu.memory_space<hbm>>) dst(%dma_wait3A_591 : memref<128x128xf32, #tpu.memory_space<vmem>>)
      %dma_start3A_598 = arith.constant 1 : i32
      %dma_start3A_599 = arith.constant 11 : i32
      %dma_start3A_600 = arith.constant 0 : i32
      %dma_start3A_601 = arith.constant 0 : i32
      %dma_start3A_602 = tpu.memref_slice %arg10[%dma_start3A_598, %dma_start3A_600, %dma_start3A_601] : memref<2x128x128xf32, #tpu.memory_space<vmem>> -> memref<1x128x128xf32, #tpu.memory_space<vmem>>
      %dma_start3A_603 = tpu.memref_squeeze %dma_start3A_602 : memref<1x128x128xf32, #tpu.memory_space<vmem>> -> memref<128x128xf32, #tpu.memory_space<vmem>>
      %dma_start3A_604 = arith.constant 0 : i32
      %dma_start3A_605 = tpu.memref_slice %arg9[%dma_start3A_599, %dma_start3A_604] : memref<40x128xi32, #tpu.memory_space<vmem>> -> memref<1x128xi32, #tpu.memory_space<vmem>>
      %dma_start3A_606 = tpu.memref_squeeze %dma_start3A_605 : memref<1x128xi32, #tpu.memory_space<vmem>> -> memref<128xi32, #tpu.memory_space<vmem>>
      %dma_start3A_607 = arith.constant 0 : i32
      %dma_start3A_608 = arith.constant 0 : i32
      %dma_start3A_609 = tpu.memref_slice %arg7[%dma_start3A_607, %dma_start3A_608] : memref<10240x128xf32, #tpu.memory_space<vmem_shared>> -> memref<10240x128xf32, #tpu.memory_space<vmem_shared>>
      tpu.enqueue_indirect_dma source(%dma_start3A_603 : memref<128x128xf32, #tpu.memory_space<vmem>>) target(%dma_start3A_609 : memref<10240x128xf32, #tpu.memory_space<vmem_shared>>) offsets(%dma_start3A_606 : memref<128xi32, #tpu.memory_space<vmem>>) semaphore(%arg13 : memref<!tpu.dma_semaphore, #tpu.memory_space<semaphore_mem>>) {add = true}
      %dma_wait3A_610 = arith.constant 1 : i32
      %dma_wait3A_611 = arith.constant 11 : i32
      %dma_wait3A_612 = arith.constant 0 : i32
      %dma_wait3A_613 = arith.constant 0 : i32
      %dma_wait3A_614 = tpu.memref_slice %arg10[%dma_wait3A_610, %dma_wait3A_612, %dma_wait3A_613] : memref<2x128x128xf32, #tpu.memory_space<vmem>> -> memref<1x128x128xf32, #tpu.memory_space<vmem>>
      %dma_wait3A_615 = tpu.memref_squeeze %dma_wait3A_614 : memref<1x128x128xf32, #tpu.memory_space<vmem>> -> memref<128x128xf32, #tpu.memory_space<vmem>>
      %dma_wait3A_616 = arith.constant 0 : i32
      %dma_wait3A_617 = tpu.memref_slice %arg9[%dma_wait3A_611, %dma_wait3A_616] : memref<40x128xi32, #tpu.memory_space<vmem>> -> memref<1x128xi32, #tpu.memory_space<vmem>>
      %dma_wait3A_618 = tpu.memref_squeeze %dma_wait3A_617 : memref<1x128xi32, #tpu.memory_space<vmem>> -> memref<128xi32, #tpu.memory_space<vmem>>
      %dma_wait3A_619 = arith.constant 0 : i32
      %dma_wait3A_620 = arith.constant 0 : i32
      %dma_wait3A_621 = tpu.memref_slice %arg7[%dma_wait3A_619, %dma_wait3A_620] : memref<10240x128xf32, #tpu.memory_space<vmem_shared>> -> memref<10240x128xf32, #tpu.memory_space<vmem_shared>>
      tpu.wait_indirect_dma semaphore(%arg13 : memref<!tpu.dma_semaphore, #tpu.memory_space<semaphore_mem>>) src(%dma_wait3A_615 : memref<128x128xf32, #tpu.memory_space<vmem>>) dst(%dma_wait3A_621 : memref<10240x128xf32, #tpu.memory_space<vmem_shared>>)
      %dma_start3A_622 = arith.constant 13 : i32
      %dma_start3A_623 = arith.constant 1 : i32
      %dma_start3A_624 = arith.constant 0 : i32
      %dma_start3A_625 = arith.constant 0 : i32
      %dma_start3A_626 = tpu.memref_slice %arg10[%dma_start3A_623, %dma_start3A_624, %dma_start3A_625] : memref<2x128x128xf32, #tpu.memory_space<vmem>> -> memref<1x128x128xf32, #tpu.memory_space<vmem>>
      %dma_start3A_627 = tpu.memref_squeeze %dma_start3A_626 : memref<1x128x128xf32, #tpu.memory_space<vmem>> -> memref<128x128xf32, #tpu.memory_space<vmem>>
      %dma_start3A_628 = arith.constant 0 : i32
      %dma_start3A_629 = tpu.memref_slice %arg8[%dma_start3A_622, %dma_start3A_628] : memref<40x128xi32, #tpu.memory_space<vmem>> -> memref<1x128xi32, #tpu.memory_space<vmem>>
      %dma_start3A_630 = tpu.memref_squeeze %dma_start3A_629 : memref<1x128xi32, #tpu.memory_space<vmem>> -> memref<128xi32, #tpu.memory_space<vmem>>
      %dma_start3A_631 = arith.constant 0 : i32
      %dma_start3A_632 = arith.constant 0 : i32
      %dma_start3A_633 = tpu.memref_slice %arg2[%dma_start3A_631, %dma_start3A_632] : memref<10000x128xf32, #tpu.memory_space<hbm>> -> memref<10000x128xf32, #tpu.memory_space<hbm>>
      tpu.enqueue_indirect_dma source(%dma_start3A_633 : memref<10000x128xf32, #tpu.memory_space<hbm>>) target(%dma_start3A_627 : memref<128x128xf32, #tpu.memory_space<vmem>>) offsets(%dma_start3A_630 : memref<128xi32, #tpu.memory_space<vmem>>) semaphore(%arg12 : memref<!tpu.dma_semaphore, #tpu.memory_space<semaphore_mem>>)
      %dma_wait3A_634 = arith.constant 12 : i32
      %dma_wait3A_635 = arith.constant 0 : i32
      %dma_wait3A_636 = arith.constant 0 : i32
      %dma_wait3A_637 = arith.constant 0 : i32
      %dma_wait3A_638 = tpu.memref_slice %arg10[%dma_wait3A_635, %dma_wait3A_636, %dma_wait3A_637] : memref<2x128x128xf32, #tpu.memory_space<vmem>> -> memref<1x128x128xf32, #tpu.memory_space<vmem>>
      %dma_wait3A_639 = tpu.memref_squeeze %dma_wait3A_638 : memref<1x128x128xf32, #tpu.memory_space<vmem>> -> memref<128x128xf32, #tpu.memory_space<vmem>>
      %dma_wait3A_640 = arith.constant 0 : i32
      %dma_wait3A_641 = tpu.memref_slice %arg8[%dma_wait3A_634, %dma_wait3A_640] : memref<40x128xi32, #tpu.memory_space<vmem>> -> memref<1x128xi32, #tpu.memory_space<vmem>>
      %dma_wait3A_642 = tpu.memref_squeeze %dma_wait3A_641 : memref<1x128xi32, #tpu.memory_space<vmem>> -> memref<128xi32, #tpu.memory_space<vmem>>
      %dma_wait3A_643 = arith.constant 0 : i32
      %dma_wait3A_644 = arith.constant 0 : i32
      %dma_wait3A_645 = tpu.memref_slice %arg2[%dma_wait3A_643, %dma_wait3A_644] : memref<10000x128xf32, #tpu.memory_space<hbm>> -> memref<10000x128xf32, #tpu.memory_space<hbm>>
      tpu.wait_indirect_dma semaphore(%arg11 : memref<!tpu.dma_semaphore, #tpu.memory_space<semaphore_mem>>) src(%dma_wait3A_645 : memref<10000x128xf32, #tpu.memory_space<hbm>>) dst(%dma_wait3A_639 : memref<128x128xf32, #tpu.memory_space<vmem>>)
      %dma_start3A_646 = arith.constant 0 : i32
      %dma_start3A_647 = arith.constant 12 : i32
      %dma_start3A_648 = arith.constant 0 : i32
      %dma_start3A_649 = arith.constant 0 : i32
      %dma_start3A_650 = tpu.memref_slice %arg10[%dma_start3A_646, %dma_start3A_648, %dma_start3A_649] : memref<2x128x128xf32, #tpu.memory_space<vmem>> -> memref<1x128x128xf32, #tpu.memory_space<vmem>>
      %dma_start3A_651 = tpu.memref_squeeze %dma_start3A_650 : memref<1x128x128xf32, #tpu.memory_space<vmem>> -> memref<128x128xf32, #tpu.memory_space<vmem>>
      %dma_start3A_652 = arith.constant 0 : i32
      %dma_start3A_653 = tpu.memref_slice %arg9[%dma_start3A_647, %dma_start3A_652] : memref<40x128xi32, #tpu.memory_space<vmem>> -> memref<1x128xi32, #tpu.memory_space<vmem>>
      %dma_start3A_654 = tpu.memref_squeeze %dma_start3A_653 : memref<1x128xi32, #tpu.memory_space<vmem>> -> memref<128xi32, #tpu.memory_space<vmem>>
      %dma_start3A_655 = arith.constant 0 : i32
      %dma_start3A_656 = arith.constant 0 : i32
      %dma_start3A_657 = tpu.memref_slice %arg7[%dma_start3A_655, %dma_start3A_656] : memref<10240x128xf32, #tpu.memory_space<vmem_shared>> -> memref<10240x128xf32, #tpu.memory_space<vmem_shared>>
      tpu.enqueue_indirect_dma source(%dma_start3A_651 : memref<128x128xf32, #tpu.memory_space<vmem>>) target(%dma_start3A_657 : memref<10240x128xf32, #tpu.memory_space<vmem_shared>>) offsets(%dma_start3A_654 : memref<128xi32, #tpu.memory_space<vmem>>) semaphore(%arg13 : memref<!tpu.dma_semaphore, #tpu.memory_space<semaphore_mem>>) {add = true}
      %dma_wait3A_658 = arith.constant 0 : i32
      %dma_wait3A_659 = arith.constant 12 : i32
      %dma_wait3A_660 = arith.constant 0 : i32
      %dma_wait3A_661 = arith.constant 0 : i32
      %dma_wait3A_662 = tpu.memref_slice %arg10[%dma_wait3A_658, %dma_wait3A_660, %dma_wait3A_661] : memref<2x128x128xf32, #tpu.memory_space<vmem>> -> memref<1x128x128xf32, #tpu.memory_space<vmem>>
      %dma_wait3A_663 = tpu.memref_squeeze %dma_wait3A_662 : memref<1x128x128xf32, #tpu.memory_space<vmem>> -> memref<128x128xf32, #tpu.memory_space<vmem>>
      %dma_wait3A_664 = arith.constant 0 : i32
      %dma_wait3A_665 = tpu.memref_slice %arg9[%dma_wait3A_659, %dma_wait3A_664] : memref<40x128xi32, #tpu.memory_space<vmem>> -> memref<1x128xi32, #tpu.memory_space<vmem>>
      %dma_wait3A_666 = tpu.memref_squeeze %dma_wait3A_665 : memref<1x128xi32, #tpu.memory_space<vmem>> -> memref<128xi32, #tpu.memory_space<vmem>>
      %dma_wait3A_667 = arith.constant 0 : i32
      %dma_wait3A_668 = arith.constant 0 : i32
      %dma_wait3A_669 = tpu.memref_slice %arg7[%dma_wait3A_667, %dma_wait3A_668] : memref<10240x128xf32, #tpu.memory_space<vmem_shared>> -> memref<10240x128xf32, #tpu.memory_space<vmem_shared>>
      tpu.wait_indirect_dma semaphore(%arg13 : memref<!tpu.dma_semaphore, #tpu.memory_space<semaphore_mem>>) src(%dma_wait3A_663 : memref<128x128xf32, #tpu.memory_space<vmem>>) dst(%dma_wait3A_669 : memref<10240x128xf32, #tpu.memory_space<vmem_shared>>)
      %dma_start3A_670 = arith.constant 14 : i32
      %dma_start3A_671 = arith.constant 0 : i32
      %dma_start3A_672 = arith.constant 0 : i32
      %dma_start3A_673 = arith.constant 0 : i32
      %dma_start3A_674 = tpu.memref_slice %arg10[%dma_start3A_671, %dma_start3A_672, %dma_start3A_673] : memref<2x128x128xf32, #tpu.memory_space<vmem>> -> memref<1x128x128xf32, #tpu.memory_space<vmem>>
      %dma_start3A_675 = tpu.memref_squeeze %dma_start3A_674 : memref<1x128x128xf32, #tpu.memory_space<vmem>> -> memref<128x128xf32, #tpu.memory_space<vmem>>
      %dma_start3A_676 = arith.constant 0 : i32
      %dma_start3A_677 = tpu.memref_slice %arg8[%dma_start3A_670, %dma_start3A_676] : memref<40x128xi32, #tpu.memory_space<vmem>> -> memref<1x128xi32, #tpu.memory_space<vmem>>
      %dma_start3A_678 = tpu.memref_squeeze %dma_start3A_677 : memref<1x128xi32, #tpu.memory_space<vmem>> -> memref<128xi32, #tpu.memory_space<vmem>>
      %dma_start3A_679 = arith.constant 0 : i32
      %dma_start3A_680 = arith.constant 0 : i32
      %dma_start3A_681 = tpu.memref_slice %arg2[%dma_start3A_679, %dma_start3A_680] : memref<10000x128xf32, #tpu.memory_space<hbm>> -> memref<10000x128xf32, #tpu.memory_space<hbm>>
      tpu.enqueue_indirect_dma source(%dma_start3A_681 : memref<10000x128xf32, #tpu.memory_space<hbm>>) target(%dma_start3A_675 : memref<128x128xf32, #tpu.memory_space<vmem>>) offsets(%dma_start3A_678 : memref<128xi32, #tpu.memory_space<vmem>>) semaphore(%arg11 : memref<!tpu.dma_semaphore, #tpu.memory_space<semaphore_mem>>)
      %dma_wait3A_682 = arith.constant 13 : i32
      %dma_wait3A_683 = arith.constant 1 : i32
      %dma_wait3A_684 = arith.constant 0 : i32
      %dma_wait3A_685 = arith.constant 0 : i32
      %dma_wait3A_686 = tpu.memref_slice %arg10[%dma_wait3A_683, %dma_wait3A_684, %dma_wait3A_685] : memref<2x128x128xf32, #tpu.memory_space<vmem>> -> memref<1x128x128xf32, #tpu.memory_space<vmem>>
      %dma_wait3A_687 = tpu.memref_squeeze %dma_wait3A_686 : memref<1x128x128xf32, #tpu.memory_space<vmem>> -> memref<128x128xf32, #tpu.memory_space<vmem>>
      %dma_wait3A_688 = arith.constant 0 : i32
      %dma_wait3A_689 = tpu.memref_slice %arg8[%dma_wait3A_682, %dma_wait3A_688] : memref<40x128xi32, #tpu.memory_space<vmem>> -> memref<1x128xi32, #tpu.memory_space<vmem>>
      %dma_wait3A_690 = tpu.memref_squeeze %dma_wait3A_689 : memref<1x128xi32, #tpu.memory_space<vmem>> -> memref<128xi32, #tpu.memory_space<vmem>>
      %dma_wait3A_691 = arith.constant 0 : i32
      %dma_wait3A_692 = arith.constant 0 : i32
      %dma_wait3A_693 = tpu.memref_slice %arg2[%dma_wait3A_691, %dma_wait3A_692] : memref<10000x128xf32, #tpu.memory_space<hbm>> -> memref<10000x128xf32, #tpu.memory_space<hbm>>
      tpu.wait_indirect_dma semaphore(%arg12 : memref<!tpu.dma_semaphore, #tpu.memory_space<semaphore_mem>>) src(%dma_wait3A_693 : memref<10000x128xf32, #tpu.memory_space<hbm>>) dst(%dma_wait3A_687 : memref<128x128xf32, #tpu.memory_space<vmem>>)
      %dma_start3A_694 = arith.constant 1 : i32
      %dma_start3A_695 = arith.constant 13 : i32
      %dma_start3A_696 = arith.constant 0 : i32
      %dma_start3A_697 = arith.constant 0 : i32
      %dma_start3A_698 = tpu.memref_slice %arg10[%dma_start3A_694, %dma_start3A_696, %dma_start3A_697] : memref<2x128x128xf32, #tpu.memory_space<vmem>> -> memref<1x128x128xf32, #tpu.memory_space<vmem>>
      %dma_start3A_699 = tpu.memref_squeeze %dma_start3A_698 : memref<1x128x128xf32, #tpu.memory_space<vmem>> -> memref<128x128xf32, #tpu.memory_space<vmem>>
      %dma_start3A_700 = arith.constant 0 : i32
      %dma_start3A_701 = tpu.memref_slice %arg9[%dma_start3A_695, %dma_start3A_700] : memref<40x128xi32, #tpu.memory_space<vmem>> -> memref<1x128xi32, #tpu.memory_space<vmem>>
      %dma_start3A_702 = tpu.memref_squeeze %dma_start3A_701 : memref<1x128xi32, #tpu.memory_space<vmem>> -> memref<128xi32, #tpu.memory_space<vmem>>
      %dma_start3A_703 = arith.constant 0 : i32
      %dma_start3A_704 = arith.constant 0 : i32
      %dma_start3A_705 = tpu.memref_slice %arg7[%dma_start3A_703, %dma_start3A_704] : memref<10240x128xf32, #tpu.memory_space<vmem_shared>> -> memref<10240x128xf32, #tpu.memory_space<vmem_shared>>
      tpu.enqueue_indirect_dma source(%dma_start3A_699 : memref<128x128xf32, #tpu.memory_space<vmem>>) target(%dma_start3A_705 : memref<10240x128xf32, #tpu.memory_space<vmem_shared>>) offsets(%dma_start3A_702 : memref<128xi32, #tpu.memory_space<vmem>>) semaphore(%arg13 : memref<!tpu.dma_semaphore, #tpu.memory_space<semaphore_mem>>) {add = true}
      %dma_wait3A_706 = arith.constant 1 : i32
      %dma_wait3A_707 = arith.constant 13 : i32
      %dma_wait3A_708 = arith.constant 0 : i32
      %dma_wait3A_709 = arith.constant 0 : i32
      %dma_wait3A_710 = tpu.memref_slice %arg10[%dma_wait3A_706, %dma_wait3A_708, %dma_wait3A_709] : memref<2x128x128xf32, #tpu.memory_space<vmem>> -> memref<1x128x128xf32, #tpu.memory_space<vmem>>
      %dma_wait3A_711 = tpu.memref_squeeze %dma_wait3A_710 : memref<1x128x128xf32, #tpu.memory_space<vmem>> -> memref<128x128xf32, #tpu.memory_space<vmem>>
      %dma_wait3A_712 = arith.constant 0 : i32
      %dma_wait3A_713 = tpu.memref_slice %arg9[%dma_wait3A_707, %dma_wait3A_712] : memref<40x128xi32, #tpu.memory_space<vmem>> -> memref<1x128xi32, #tpu.memory_space<vmem>>
      %dma_wait3A_714 = tpu.memref_squeeze %dma_wait3A_713 : memref<1x128xi32, #tpu.memory_space<vmem>> -> memref<128xi32, #tpu.memory_space<vmem>>
      %dma_wait3A_715 = arith.constant 0 : i32
      %dma_wait3A_716 = arith.constant 0 : i32
      %dma_wait3A_717 = tpu.memref_slice %arg7[%dma_wait3A_715, %dma_wait3A_716] : memref<10240x128xf32, #tpu.memory_space<vmem_shared>> -> memref<10240x128xf32, #tpu.memory_space<vmem_shared>>
      tpu.wait_indirect_dma semaphore(%arg13 : memref<!tpu.dma_semaphore, #tpu.memory_space<semaphore_mem>>) src(%dma_wait3A_711 : memref<128x128xf32, #tpu.memory_space<vmem>>) dst(%dma_wait3A_717 : memref<10240x128xf32, #tpu.memory_space<vmem_shared>>)
      %dma_start3A_718 = arith.constant 15 : i32
      %dma_start3A_719 = arith.constant 1 : i32
      %dma_start3A_720 = arith.constant 0 : i32
      %dma_start3A_721 = arith.constant 0 : i32
      %dma_start3A_722 = tpu.memref_slice %arg10[%dma_start3A_719, %dma_start3A_720, %dma_start3A_721] : memref<2x128x128xf32, #tpu.memory_space<vmem>> -> memref<1x128x128xf32, #tpu.memory_space<vmem>>
      %dma_start3A_723 = tpu.memref_squeeze %dma_start3A_722 : memref<1x128x128xf32, #tpu.memory_space<vmem>> -> memref<128x128xf32, #tpu.memory_space<vmem>>
      %dma_start3A_724 = arith.constant 0 : i32
      %dma_start3A_725 = tpu.memref_slice %arg8[%dma_start3A_718, %dma_start3A_724] : memref<40x128xi32, #tpu.memory_space<vmem>> -> memref<1x128xi32, #tpu.memory_space<vmem>>
      %dma_start3A_726 = tpu.memref_squeeze %dma_start3A_725 : memref<1x128xi32, #tpu.memory_space<vmem>> -> memref<128xi32, #tpu.memory_space<vmem>>
      %dma_start3A_727 = arith.constant 0 : i32
      %dma_start3A_728 = arith.constant 0 : i32
      %dma_start3A_729 = tpu.memref_slice %arg2[%dma_start3A_727, %dma_start3A_728] : memref<10000x128xf32, #tpu.memory_space<hbm>> -> memref<10000x128xf32, #tpu.memory_space<hbm>>
      tpu.enqueue_indirect_dma source(%dma_start3A_729 : memref<10000x128xf32, #tpu.memory_space<hbm>>) target(%dma_start3A_723 : memref<128x128xf32, #tpu.memory_space<vmem>>) offsets(%dma_start3A_726 : memref<128xi32, #tpu.memory_space<vmem>>) semaphore(%arg12 : memref<!tpu.dma_semaphore, #tpu.memory_space<semaphore_mem>>)
      %dma_wait3A_730 = arith.constant 14 : i32
      %dma_wait3A_731 = arith.constant 0 : i32
      %dma_wait3A_732 = arith.constant 0 : i32
      %dma_wait3A_733 = arith.constant 0 : i32
      %dma_wait3A_734 = tpu.memref_slice %arg10[%dma_wait3A_731, %dma_wait3A_732, %dma_wait3A_733] : memref<2x128x128xf32, #tpu.memory_space<vmem>> -> memref<1x128x128xf32, #tpu.memory_space<vmem>>
      %dma_wait3A_735 = tpu.memref_squeeze %dma_wait3A_734 : memref<1x128x128xf32, #tpu.memory_space<vmem>> -> memref<128x128xf32, #tpu.memory_space<vmem>>
      %dma_wait3A_736 = arith.constant 0 : i32
      %dma_wait3A_737 = tpu.memref_slice %arg8[%dma_wait3A_730, %dma_wait3A_736] : memref<40x128xi32, #tpu.memory_space<vmem>> -> memref<1x128xi32, #tpu.memory_space<vmem>>
      %dma_wait3A_738 = tpu.memref_squeeze %dma_wait3A_737 : memref<1x128xi32, #tpu.memory_space<vmem>> -> memref<128xi32, #tpu.memory_space<vmem>>
      %dma_wait3A_739 = arith.constant 0 : i32
      %dma_wait3A_740 = arith.constant 0 : i32
      %dma_wait3A_741 = tpu.memref_slice %arg2[%dma_wait3A_739, %dma_wait3A_740] : memref<10000x128xf32, #tpu.memory_space<hbm>> -> memref<10000x128xf32, #tpu.memory_space<hbm>>
      tpu.wait_indirect_dma semaphore(%arg11 : memref<!tpu.dma_semaphore, #tpu.memory_space<semaphore_mem>>) src(%dma_wait3A_741 : memref<10000x128xf32, #tpu.memory_space<hbm>>) dst(%dma_wait3A_735 : memref<128x128xf32, #tpu.memory_space<vmem>>)
      %dma_start3A_742 = arith.constant 0 : i32
      %dma_start3A_743 = arith.constant 14 : i32
      %dma_start3A_744 = arith.constant 0 : i32
      %dma_start3A_745 = arith.constant 0 : i32
      %dma_start3A_746 = tpu.memref_slice %arg10[%dma_start3A_742, %dma_start3A_744, %dma_start3A_745] : memref<2x128x128xf32, #tpu.memory_space<vmem>> -> memref<1x128x128xf32, #tpu.memory_space<vmem>>
      %dma_start3A_747 = tpu.memref_squeeze %dma_start3A_746 : memref<1x128x128xf32, #tpu.memory_space<vmem>> -> memref<128x128xf32, #tpu.memory_space<vmem>>
      %dma_start3A_748 = arith.constant 0 : i32
      %dma_start3A_749 = tpu.memref_slice %arg9[%dma_start3A_743, %dma_start3A_748] : memref<40x128xi32, #tpu.memory_space<vmem>> -> memref<1x128xi32, #tpu.memory_space<vmem>>
      %dma_start3A_750 = tpu.memref_squeeze %dma_start3A_749 : memref<1x128xi32, #tpu.memory_space<vmem>> -> memref<128xi32, #tpu.memory_space<vmem>>
      %dma_start3A_751 = arith.constant 0 : i32
      %dma_start3A_752 = arith.constant 0 : i32
      %dma_start3A_753 = tpu.memref_slice %arg7[%dma_start3A_751, %dma_start3A_752] : memref<10240x128xf32, #tpu.memory_space<vmem_shared>> -> memref<10240x128xf32, #tpu.memory_space<vmem_shared>>
      tpu.enqueue_indirect_dma source(%dma_start3A_747 : memref<128x128xf32, #tpu.memory_space<vmem>>) target(%dma_start3A_753 : memref<10240x128xf32, #tpu.memory_space<vmem_shared>>) offsets(%dma_start3A_750 : memref<128xi32, #tpu.memory_space<vmem>>) semaphore(%arg13 : memref<!tpu.dma_semaphore, #tpu.memory_space<semaphore_mem>>) {add = true}
      %dma_wait3A_754 = arith.constant 0 : i32
      %dma_wait3A_755 = arith.constant 14 : i32
      %dma_wait3A_756 = arith.constant 0 : i32
      %dma_wait3A_757 = arith.constant 0 : i32
      %dma_wait3A_758 = tpu.memref_slice %arg10[%dma_wait3A_754, %dma_wait3A_756, %dma_wait3A_757] : memref<2x128x128xf32, #tpu.memory_space<vmem>> -> memref<1x128x128xf32, #tpu.memory_space<vmem>>
      %dma_wait3A_759 = tpu.memref_squeeze %dma_wait3A_758 : memref<1x128x128xf32, #tpu.memory_space<vmem>> -> memref<128x128xf32, #tpu.memory_space<vmem>>
      %dma_wait3A_760 = arith.constant 0 : i32
      %dma_wait3A_761 = tpu.memref_slice %arg9[%dma_wait3A_755, %dma_wait3A_760] : memref<40x128xi32, #tpu.memory_space<vmem>> -> memref<1x128xi32, #tpu.memory_space<vmem>>
      %dma_wait3A_762 = tpu.memref_squeeze %dma_wait3A_761 : memref<1x128xi32, #tpu.memory_space<vmem>> -> memref<128xi32, #tpu.memory_space<vmem>>
      %dma_wait3A_763 = arith.constant 0 : i32
      %dma_wait3A_764 = arith.constant 0 : i32
      %dma_wait3A_765 = tpu.memref_slice %arg7[%dma_wait3A_763, %dma_wait3A_764] : memref<10240x128xf32, #tpu.memory_space<vmem_shared>> -> memref<10240x128xf32, #tpu.memory_space<vmem_shared>>
      tpu.wait_indirect_dma semaphore(%arg13 : memref<!tpu.dma_semaphore, #tpu.memory_space<semaphore_mem>>) src(%dma_wait3A_759 : memref<128x128xf32, #tpu.memory_space<vmem>>) dst(%dma_wait3A_765 : memref<10240x128xf32, #tpu.memory_space<vmem_shared>>)
      %dma_start3A_766 = arith.constant 16 : i32
      %dma_start3A_767 = arith.constant 0 : i32
      %dma_start3A_768 = arith.constant 0 : i32
      %dma_start3A_769 = arith.constant 0 : i32
      %dma_start3A_770 = tpu.memref_slice %arg10[%dma_start3A_767, %dma_start3A_768, %dma_start3A_769] : memref<2x128x128xf32, #tpu.memory_space<vmem>> -> memref<1x128x128xf32, #tpu.memory_space<vmem>>
      %dma_start3A_771 = tpu.memref_squeeze %dma_start3A_770 : memref<1x128x128xf32, #tpu.memory_space<vmem>> -> memref<128x128xf32, #tpu.memory_space<vmem>>
      %dma_start3A_772 = arith.constant 0 : i32
      %dma_start3A_773 = tpu.memref_slice %arg8[%dma_start3A_766, %dma_start3A_772] : memref<40x128xi32, #tpu.memory_space<vmem>> -> memref<1x128xi32, #tpu.memory_space<vmem>>
      %dma_start3A_774 = tpu.memref_squeeze %dma_start3A_773 : memref<1x128xi32, #tpu.memory_space<vmem>> -> memref<128xi32, #tpu.memory_space<vmem>>
      %dma_start3A_775 = arith.constant 0 : i32
      %dma_start3A_776 = arith.constant 0 : i32
      %dma_start3A_777 = tpu.memref_slice %arg2[%dma_start3A_775, %dma_start3A_776] : memref<10000x128xf32, #tpu.memory_space<hbm>> -> memref<10000x128xf32, #tpu.memory_space<hbm>>
      tpu.enqueue_indirect_dma source(%dma_start3A_777 : memref<10000x128xf32, #tpu.memory_space<hbm>>) target(%dma_start3A_771 : memref<128x128xf32, #tpu.memory_space<vmem>>) offsets(%dma_start3A_774 : memref<128xi32, #tpu.memory_space<vmem>>) semaphore(%arg11 : memref<!tpu.dma_semaphore, #tpu.memory_space<semaphore_mem>>)
      %dma_wait3A_778 = arith.constant 15 : i32
      %dma_wait3A_779 = arith.constant 1 : i32
      %dma_wait3A_780 = arith.constant 0 : i32
      %dma_wait3A_781 = arith.constant 0 : i32
      %dma_wait3A_782 = tpu.memref_slice %arg10[%dma_wait3A_779, %dma_wait3A_780, %dma_wait3A_781] : memref<2x128x128xf32, #tpu.memory_space<vmem>> -> memref<1x128x128xf32, #tpu.memory_space<vmem>>
      %dma_wait3A_783 = tpu.memref_squeeze %dma_wait3A_782 : memref<1x128x128xf32, #tpu.memory_space<vmem>> -> memref<128x128xf32, #tpu.memory_space<vmem>>
      %dma_wait3A_784 = arith.constant 0 : i32
      %dma_wait3A_785 = tpu.memref_slice %arg8[%dma_wait3A_778, %dma_wait3A_784] : memref<40x128xi32, #tpu.memory_space<vmem>> -> memref<1x128xi32, #tpu.memory_space<vmem>>
      %dma_wait3A_786 = tpu.memref_squeeze %dma_wait3A_785 : memref<1x128xi32, #tpu.memory_space<vmem>> -> memref<128xi32, #tpu.memory_space<vmem>>
      %dma_wait3A_787 = arith.constant 0 : i32
      %dma_wait3A_788 = arith.constant 0 : i32
      %dma_wait3A_789 = tpu.memref_slice %arg2[%dma_wait3A_787, %dma_wait3A_788] : memref<10000x128xf32, #tpu.memory_space<hbm>> -> memref<10000x128xf32, #tpu.memory_space<hbm>>
      tpu.wait_indirect_dma semaphore(%arg12 : memref<!tpu.dma_semaphore, #tpu.memory_space<semaphore_mem>>) src(%dma_wait3A_789 : memref<10000x128xf32, #tpu.memory_space<hbm>>) dst(%dma_wait3A_783 : memref<128x128xf32, #tpu.memory_space<vmem>>)
      %dma_start3A_790 = arith.constant 1 : i32
      %dma_start3A_791 = arith.constant 15 : i32
      %dma_start3A_792 = arith.constant 0 : i32
      %dma_start3A_793 = arith.constant 0 : i32
      %dma_start3A_794 = tpu.memref_slice %arg10[%dma_start3A_790, %dma_start3A_792, %dma_start3A_793] : memref<2x128x128xf32, #tpu.memory_space<vmem>> -> memref<1x128x128xf32, #tpu.memory_space<vmem>>
      %dma_start3A_795 = tpu.memref_squeeze %dma_start3A_794 : memref<1x128x128xf32, #tpu.memory_space<vmem>> -> memref<128x128xf32, #tpu.memory_space<vmem>>
      %dma_start3A_796 = arith.constant 0 : i32
      %dma_start3A_797 = tpu.memref_slice %arg9[%dma_start3A_791, %dma_start3A_796] : memref<40x128xi32, #tpu.memory_space<vmem>> -> memref<1x128xi32, #tpu.memory_space<vmem>>
      %dma_start3A_798 = tpu.memref_squeeze %dma_start3A_797 : memref<1x128xi32, #tpu.memory_space<vmem>> -> memref<128xi32, #tpu.memory_space<vmem>>
      %dma_start3A_799 = arith.constant 0 : i32
      %dma_start3A_800 = arith.constant 0 : i32
      %dma_start3A_801 = tpu.memref_slice %arg7[%dma_start3A_799, %dma_start3A_800] : memref<10240x128xf32, #tpu.memory_space<vmem_shared>> -> memref<10240x128xf32, #tpu.memory_space<vmem_shared>>
      tpu.enqueue_indirect_dma source(%dma_start3A_795 : memref<128x128xf32, #tpu.memory_space<vmem>>) target(%dma_start3A_801 : memref<10240x128xf32, #tpu.memory_space<vmem_shared>>) offsets(%dma_start3A_798 : memref<128xi32, #tpu.memory_space<vmem>>) semaphore(%arg13 : memref<!tpu.dma_semaphore, #tpu.memory_space<semaphore_mem>>) {add = true}
      %dma_wait3A_802 = arith.constant 1 : i32
      %dma_wait3A_803 = arith.constant 15 : i32
      %dma_wait3A_804 = arith.constant 0 : i32
      %dma_wait3A_805 = arith.constant 0 : i32
      %dma_wait3A_806 = tpu.memref_slice %arg10[%dma_wait3A_802, %dma_wait3A_804, %dma_wait3A_805] : memref<2x128x128xf32, #tpu.memory_space<vmem>> -> memref<1x128x128xf32, #tpu.memory_space<vmem>>
      %dma_wait3A_807 = tpu.memref_squeeze %dma_wait3A_806 : memref<1x128x128xf32, #tpu.memory_space<vmem>> -> memref<128x128xf32, #tpu.memory_space<vmem>>
      %dma_wait3A_808 = arith.constant 0 : i32
      %dma_wait3A_809 = tpu.memref_slice %arg9[%dma_wait3A_803, %dma_wait3A_808] : memref<40x128xi32, #tpu.memory_space<vmem>> -> memref<1x128xi32, #tpu.memory_space<vmem>>
      %dma_wait3A_810 = tpu.memref_squeeze %dma_wait3A_809 : memref<1x128xi32, #tpu.memory_space<vmem>> -> memref<128xi32, #tpu.memory_space<vmem>>
      %dma_wait3A_811 = arith.constant 0 : i32
      %dma_wait3A_812 = arith.constant 0 : i32
      %dma_wait3A_813 = tpu.memref_slice %arg7[%dma_wait3A_811, %dma_wait3A_812] : memref<10240x128xf32, #tpu.memory_space<vmem_shared>> -> memref<10240x128xf32, #tpu.memory_space<vmem_shared>>
      tpu.wait_indirect_dma semaphore(%arg13 : memref<!tpu.dma_semaphore, #tpu.memory_space<semaphore_mem>>) src(%dma_wait3A_807 : memref<128x128xf32, #tpu.memory_space<vmem>>) dst(%dma_wait3A_813 : memref<10240x128xf32, #tpu.memory_space<vmem_shared>>)
      %dma_start3A_814 = arith.constant 17 : i32
      %dma_start3A_815 = arith.constant 1 : i32
      %dma_start3A_816 = arith.constant 0 : i32
      %dma_start3A_817 = arith.constant 0 : i32
      %dma_start3A_818 = tpu.memref_slice %arg10[%dma_start3A_815, %dma_start3A_816, %dma_start3A_817] : memref<2x128x128xf32, #tpu.memory_space<vmem>> -> memref<1x128x128xf32, #tpu.memory_space<vmem>>
      %dma_start3A_819 = tpu.memref_squeeze %dma_start3A_818 : memref<1x128x128xf32, #tpu.memory_space<vmem>> -> memref<128x128xf32, #tpu.memory_space<vmem>>
      %dma_start3A_820 = arith.constant 0 : i32
      %dma_start3A_821 = tpu.memref_slice %arg8[%dma_start3A_814, %dma_start3A_820] : memref<40x128xi32, #tpu.memory_space<vmem>> -> memref<1x128xi32, #tpu.memory_space<vmem>>
      %dma_start3A_822 = tpu.memref_squeeze %dma_start3A_821 : memref<1x128xi32, #tpu.memory_space<vmem>> -> memref<128xi32, #tpu.memory_space<vmem>>
      %dma_start3A_823 = arith.constant 0 : i32
      %dma_start3A_824 = arith.constant 0 : i32
      %dma_start3A_825 = tpu.memref_slice %arg2[%dma_start3A_823, %dma_start3A_824] : memref<10000x128xf32, #tpu.memory_space<hbm>> -> memref<10000x128xf32, #tpu.memory_space<hbm>>
      tpu.enqueue_indirect_dma source(%dma_start3A_825 : memref<10000x128xf32, #tpu.memory_space<hbm>>) target(%dma_start3A_819 : memref<128x128xf32, #tpu.memory_space<vmem>>) offsets(%dma_start3A_822 : memref<128xi32, #tpu.memory_space<vmem>>) semaphore(%arg12 : memref<!tpu.dma_semaphore, #tpu.memory_space<semaphore_mem>>)
      %dma_wait3A_826 = arith.constant 16 : i32
      %dma_wait3A_827 = arith.constant 0 : i32
      %dma_wait3A_828 = arith.constant 0 : i32
      %dma_wait3A_829 = arith.constant 0 : i32
      %dma_wait3A_830 = tpu.memref_slice %arg10[%dma_wait3A_827, %dma_wait3A_828, %dma_wait3A_829] : memref<2x128x128xf32, #tpu.memory_space<vmem>> -> memref<1x128x128xf32, #tpu.memory_space<vmem>>
      %dma_wait3A_831 = tpu.memref_squeeze %dma_wait3A_830 : memref<1x128x128xf32, #tpu.memory_space<vmem>> -> memref<128x128xf32, #tpu.memory_space<vmem>>
      %dma_wait3A_832 = arith.constant 0 : i32
      %dma_wait3A_833 = tpu.memref_slice %arg8[%dma_wait3A_826, %dma_wait3A_832] : memref<40x128xi32, #tpu.memory_space<vmem>> -> memref<1x128xi32, #tpu.memory_space<vmem>>
      %dma_wait3A_834 = tpu.memref_squeeze %dma_wait3A_833 : memref<1x128xi32, #tpu.memory_space<vmem>> -> memref<128xi32, #tpu.memory_space<vmem>>
      %dma_wait3A_835 = arith.constant 0 : i32
      %dma_wait3A_836 = arith.constant 0 : i32
      %dma_wait3A_837 = tpu.memref_slice %arg2[%dma_wait3A_835, %dma_wait3A_836] : memref<10000x128xf32, #tpu.memory_space<hbm>> -> memref<10000x128xf32, #tpu.memory_space<hbm>>
      tpu.wait_indirect_dma semaphore(%arg11 : memref<!tpu.dma_semaphore, #tpu.memory_space<semaphore_mem>>) src(%dma_wait3A_837 : memref<10000x128xf32, #tpu.memory_space<hbm>>) dst(%dma_wait3A_831 : memref<128x128xf32, #tpu.memory_space<vmem>>)
      %dma_start3A_838 = arith.constant 0 : i32
      %dma_start3A_839 = arith.constant 16 : i32
      %dma_start3A_840 = arith.constant 0 : i32
      %dma_start3A_841 = arith.constant 0 : i32
      %dma_start3A_842 = tpu.memref_slice %arg10[%dma_start3A_838, %dma_start3A_840, %dma_start3A_841] : memref<2x128x128xf32, #tpu.memory_space<vmem>> -> memref<1x128x128xf32, #tpu.memory_space<vmem>>
      %dma_start3A_843 = tpu.memref_squeeze %dma_start3A_842 : memref<1x128x128xf32, #tpu.memory_space<vmem>> -> memref<128x128xf32, #tpu.memory_space<vmem>>
      %dma_start3A_844 = arith.constant 0 : i32
      %dma_start3A_845 = tpu.memref_slice %arg9[%dma_start3A_839, %dma_start3A_844] : memref<40x128xi32, #tpu.memory_space<vmem>> -> memref<1x128xi32, #tpu.memory_space<vmem>>
      %dma_start3A_846 = tpu.memref_squeeze %dma_start3A_845 : memref<1x128xi32, #tpu.memory_space<vmem>> -> memref<128xi32, #tpu.memory_space<vmem>>
      %dma_start3A_847 = arith.constant 0 : i32
      %dma_start3A_848 = arith.constant 0 : i32
      %dma_start3A_849 = tpu.memref_slice %arg7[%dma_start3A_847, %dma_start3A_848] : memref<10240x128xf32, #tpu.memory_space<vmem_shared>> -> memref<10240x128xf32, #tpu.memory_space<vmem_shared>>
      tpu.enqueue_indirect_dma source(%dma_start3A_843 : memref<128x128xf32, #tpu.memory_space<vmem>>) target(%dma_start3A_849 : memref<10240x128xf32, #tpu.memory_space<vmem_shared>>) offsets(%dma_start3A_846 : memref<128xi32, #tpu.memory_space<vmem>>) semaphore(%arg13 : memref<!tpu.dma_semaphore, #tpu.memory_space<semaphore_mem>>) {add = true}
      %dma_wait3A_850 = arith.constant 0 : i32
      %dma_wait3A_851 = arith.constant 16 : i32
      %dma_wait3A_852 = arith.constant 0 : i32
      %dma_wait3A_853 = arith.constant 0 : i32
      %dma_wait3A_854 = tpu.memref_slice %arg10[%dma_wait3A_850, %dma_wait3A_852, %dma_wait3A_853] : memref<2x128x128xf32, #tpu.memory_space<vmem>> -> memref<1x128x128xf32, #tpu.memory_space<vmem>>
      %dma_wait3A_855 = tpu.memref_squeeze %dma_wait3A_854 : memref<1x128x128xf32, #tpu.memory_space<vmem>> -> memref<128x128xf32, #tpu.memory_space<vmem>>
      %dma_wait3A_856 = arith.constant 0 : i32
      %dma_wait3A_857 = tpu.memref_slice %arg9[%dma_wait3A_851, %dma_wait3A_856] : memref<40x128xi32, #tpu.memory_space<vmem>> -> memref<1x128xi32, #tpu.memory_space<vmem>>
      %dma_wait3A_858 = tpu.memref_squeeze %dma_wait3A_857 : memref<1x128xi32, #tpu.memory_space<vmem>> -> memref<128xi32, #tpu.memory_space<vmem>>
      %dma_wait3A_859 = arith.constant 0 : i32
      %dma_wait3A_860 = arith.constant 0 : i32
      %dma_wait3A_861 = tpu.memref_slice %arg7[%dma_wait3A_859, %dma_wait3A_860] : memref<10240x128xf32, #tpu.memory_space<vmem_shared>> -> memref<10240x128xf32, #tpu.memory_space<vmem_shared>>
      tpu.wait_indirect_dma semaphore(%arg13 : memref<!tpu.dma_semaphore, #tpu.memory_space<semaphore_mem>>) src(%dma_wait3A_855 : memref<128x128xf32, #tpu.memory_space<vmem>>) dst(%dma_wait3A_861 : memref<10240x128xf32, #tpu.memory_space<vmem_shared>>)
      %dma_start3A_862 = arith.constant 18 : i32
      %dma_start3A_863 = arith.constant 0 : i32
      %dma_start3A_864 = arith.constant 0 : i32
      %dma_start3A_865 = arith.constant 0 : i32
      %dma_start3A_866 = tpu.memref_slice %arg10[%dma_start3A_863, %dma_start3A_864, %dma_start3A_865] : memref<2x128x128xf32, #tpu.memory_space<vmem>> -> memref<1x128x128xf32, #tpu.memory_space<vmem>>
      %dma_start3A_867 = tpu.memref_squeeze %dma_start3A_866 : memref<1x128x128xf32, #tpu.memory_space<vmem>> -> memref<128x128xf32, #tpu.memory_space<vmem>>
      %dma_start3A_868 = arith.constant 0 : i32
      %dma_start3A_869 = tpu.memref_slice %arg8[%dma_start3A_862, %dma_start3A_868] : memref<40x128xi32, #tpu.memory_space<vmem>> -> memref<1x128xi32, #tpu.memory_space<vmem>>
      %dma_start3A_870 = tpu.memref_squeeze %dma_start3A_869 : memref<1x128xi32, #tpu.memory_space<vmem>> -> memref<128xi32, #tpu.memory_space<vmem>>
      %dma_start3A_871 = arith.constant 0 : i32
      %dma_start3A_872 = arith.constant 0 : i32
      %dma_start3A_873 = tpu.memref_slice %arg2[%dma_start3A_871, %dma_start3A_872] : memref<10000x128xf32, #tpu.memory_space<hbm>> -> memref<10000x128xf32, #tpu.memory_space<hbm>>
      tpu.enqueue_indirect_dma source(%dma_start3A_873 : memref<10000x128xf32, #tpu.memory_space<hbm>>) target(%dma_start3A_867 : memref<128x128xf32, #tpu.memory_space<vmem>>) offsets(%dma_start3A_870 : memref<128xi32, #tpu.memory_space<vmem>>) semaphore(%arg11 : memref<!tpu.dma_semaphore, #tpu.memory_space<semaphore_mem>>)
      %dma_wait3A_874 = arith.constant 17 : i32
      %dma_wait3A_875 = arith.constant 1 : i32
      %dma_wait3A_876 = arith.constant 0 : i32
      %dma_wait3A_877 = arith.constant 0 : i32
      %dma_wait3A_878 = tpu.memref_slice %arg10[%dma_wait3A_875, %dma_wait3A_876, %dma_wait3A_877] : memref<2x128x128xf32, #tpu.memory_space<vmem>> -> memref<1x128x128xf32, #tpu.memory_space<vmem>>
      %dma_wait3A_879 = tpu.memref_squeeze %dma_wait3A_878 : memref<1x128x128xf32, #tpu.memory_space<vmem>> -> memref<128x128xf32, #tpu.memory_space<vmem>>
      %dma_wait3A_880 = arith.constant 0 : i32
      %dma_wait3A_881 = tpu.memref_slice %arg8[%dma_wait3A_874, %dma_wait3A_880] : memref<40x128xi32, #tpu.memory_space<vmem>> -> memref<1x128xi32, #tpu.memory_space<vmem>>
      %dma_wait3A_882 = tpu.memref_squeeze %dma_wait3A_881 : memref<1x128xi32, #tpu.memory_space<vmem>> -> memref<128xi32, #tpu.memory_space<vmem>>
      %dma_wait3A_883 = arith.constant 0 : i32
      %dma_wait3A_884 = arith.constant 0 : i32
      %dma_wait3A_885 = tpu.memref_slice %arg2[%dma_wait3A_883, %dma_wait3A_884] : memref<10000x128xf32, #tpu.memory_space<hbm>> -> memref<10000x128xf32, #tpu.memory_space<hbm>>
      tpu.wait_indirect_dma semaphore(%arg12 : memref<!tpu.dma_semaphore, #tpu.memory_space<semaphore_mem>>) src(%dma_wait3A_885 : memref<10000x128xf32, #tpu.memory_space<hbm>>) dst(%dma_wait3A_879 : memref<128x128xf32, #tpu.memory_space<vmem>>)
      %dma_start3A_886 = arith.constant 1 : i32
      %dma_start3A_887 = arith.constant 17 : i32
      %dma_start3A_888 = arith.constant 0 : i32
      %dma_start3A_889 = arith.constant 0 : i32
      %dma_start3A_890 = tpu.memref_slice %arg10[%dma_start3A_886, %dma_start3A_888, %dma_start3A_889] : memref<2x128x128xf32, #tpu.memory_space<vmem>> -> memref<1x128x128xf32, #tpu.memory_space<vmem>>
      %dma_start3A_891 = tpu.memref_squeeze %dma_start3A_890 : memref<1x128x128xf32, #tpu.memory_space<vmem>> -> memref<128x128xf32, #tpu.memory_space<vmem>>
      %dma_start3A_892 = arith.constant 0 : i32
      %dma_start3A_893 = tpu.memref_slice %arg9[%dma_start3A_887, %dma_start3A_892] : memref<40x128xi32, #tpu.memory_space<vmem>> -> memref<1x128xi32, #tpu.memory_space<vmem>>
      %dma_start3A_894 = tpu.memref_squeeze %dma_start3A_893 : memref<1x128xi32, #tpu.memory_space<vmem>> -> memref<128xi32, #tpu.memory_space<vmem>>
      %dma_start3A_895 = arith.constant 0 : i32
      %dma_start3A_896 = arith.constant 0 : i32
      %dma_start3A_897 = tpu.memref_slice %arg7[%dma_start3A_895, %dma_start3A_896] : memref<10240x128xf32, #tpu.memory_space<vmem_shared>> -> memref<10240x128xf32, #tpu.memory_space<vmem_shared>>
      tpu.enqueue_indirect_dma source(%dma_start3A_891 : memref<128x128xf32, #tpu.memory_space<vmem>>) target(%dma_start3A_897 : memref<10240x128xf32, #tpu.memory_space<vmem_shared>>) offsets(%dma_start3A_894 : memref<128xi32, #tpu.memory_space<vmem>>) semaphore(%arg13 : memref<!tpu.dma_semaphore, #tpu.memory_space<semaphore_mem>>) {add = true}
      %dma_wait3A_898 = arith.constant 1 : i32
      %dma_wait3A_899 = arith.constant 17 : i32
      %dma_wait3A_900 = arith.constant 0 : i32
      %dma_wait3A_901 = arith.constant 0 : i32
      %dma_wait3A_902 = tpu.memref_slice %arg10[%dma_wait3A_898, %dma_wait3A_900, %dma_wait3A_901] : memref<2x128x128xf32, #tpu.memory_space<vmem>> -> memref<1x128x128xf32, #tpu.memory_space<vmem>>
      %dma_wait3A_903 = tpu.memref_squeeze %dma_wait3A_902 : memref<1x128x128xf32, #tpu.memory_space<vmem>> -> memref<128x128xf32, #tpu.memory_space<vmem>>
      %dma_wait3A_904 = arith.constant 0 : i32
      %dma_wait3A_905 = tpu.memref_slice %arg9[%dma_wait3A_899, %dma_wait3A_904] : memref<40x128xi32, #tpu.memory_space<vmem>> -> memref<1x128xi32, #tpu.memory_space<vmem>>
      %dma_wait3A_906 = tpu.memref_squeeze %dma_wait3A_905 : memref<1x128xi32, #tpu.memory_space<vmem>> -> memref<128xi32, #tpu.memory_space<vmem>>
      %dma_wait3A_907 = arith.constant 0 : i32
      %dma_wait3A_908 = arith.constant 0 : i32
      %dma_wait3A_909 = tpu.memref_slice %arg7[%dma_wait3A_907, %dma_wait3A_908] : memref<10240x128xf32, #tpu.memory_space<vmem_shared>> -> memref<10240x128xf32, #tpu.memory_space<vmem_shared>>
      tpu.wait_indirect_dma semaphore(%arg13 : memref<!tpu.dma_semaphore, #tpu.memory_space<semaphore_mem>>) src(%dma_wait3A_903 : memref<128x128xf32, #tpu.memory_space<vmem>>) dst(%dma_wait3A_909 : memref<10240x128xf32, #tpu.memory_space<vmem_shared>>)
      %dma_start3A_910 = arith.constant 19 : i32
      %dma_start3A_911 = arith.constant 1 : i32
      %dma_start3A_912 = arith.constant 0 : i32
      %dma_start3A_913 = arith.constant 0 : i32
      %dma_start3A_914 = tpu.memref_slice %arg10[%dma_start3A_911, %dma_start3A_912, %dma_start3A_913] : memref<2x128x128xf32, #tpu.memory_space<vmem>> -> memref<1x128x128xf32, #tpu.memory_space<vmem>>
      %dma_start3A_915 = tpu.memref_squeeze %dma_start3A_914 : memref<1x128x128xf32, #tpu.memory_space<vmem>> -> memref<128x128xf32, #tpu.memory_space<vmem>>
      %dma_start3A_916 = arith.constant 0 : i32
      %dma_start3A_917 = tpu.memref_slice %arg8[%dma_start3A_910, %dma_start3A_916] : memref<40x128xi32, #tpu.memory_space<vmem>> -> memref<1x128xi32, #tpu.memory_space<vmem>>
      %dma_start3A_918 = tpu.memref_squeeze %dma_start3A_917 : memref<1x128xi32, #tpu.memory_space<vmem>> -> memref<128xi32, #tpu.memory_space<vmem>>
      %dma_start3A_919 = arith.constant 0 : i32
      %dma_start3A_920 = arith.constant 0 : i32
      %dma_start3A_921 = tpu.memref_slice %arg2[%dma_start3A_919, %dma_start3A_920] : memref<10000x128xf32, #tpu.memory_space<hbm>> -> memref<10000x128xf32, #tpu.memory_space<hbm>>
      tpu.enqueue_indirect_dma source(%dma_start3A_921 : memref<10000x128xf32, #tpu.memory_space<hbm>>) target(%dma_start3A_915 : memref<128x128xf32, #tpu.memory_space<vmem>>) offsets(%dma_start3A_918 : memref<128xi32, #tpu.memory_space<vmem>>) semaphore(%arg12 : memref<!tpu.dma_semaphore, #tpu.memory_space<semaphore_mem>>)
      %dma_wait3A_922 = arith.constant 18 : i32
      %dma_wait3A_923 = arith.constant 0 : i32
      %dma_wait3A_924 = arith.constant 0 : i32
      %dma_wait3A_925 = arith.constant 0 : i32
      %dma_wait3A_926 = tpu.memref_slice %arg10[%dma_wait3A_923, %dma_wait3A_924, %dma_wait3A_925] : memref<2x128x128xf32, #tpu.memory_space<vmem>> -> memref<1x128x128xf32, #tpu.memory_space<vmem>>
      %dma_wait3A_927 = tpu.memref_squeeze %dma_wait3A_926 : memref<1x128x128xf32, #tpu.memory_space<vmem>> -> memref<128x128xf32, #tpu.memory_space<vmem>>
      %dma_wait3A_928 = arith.constant 0 : i32
      %dma_wait3A_929 = tpu.memref_slice %arg8[%dma_wait3A_922, %dma_wait3A_928] : memref<40x128xi32, #tpu.memory_space<vmem>> -> memref<1x128xi32, #tpu.memory_space<vmem>>
      %dma_wait3A_930 = tpu.memref_squeeze %dma_wait3A_929 : memref<1x128xi32, #tpu.memory_space<vmem>> -> memref<128xi32, #tpu.memory_space<vmem>>
      %dma_wait3A_931 = arith.constant 0 : i32
      %dma_wait3A_932 = arith.constant 0 : i32
      %dma_wait3A_933 = tpu.memref_slice %arg2[%dma_wait3A_931, %dma_wait3A_932] : memref<10000x128xf32, #tpu.memory_space<hbm>> -> memref<10000x128xf32, #tpu.memory_space<hbm>>
      tpu.wait_indirect_dma semaphore(%arg11 : memref<!tpu.dma_semaphore, #tpu.memory_space<semaphore_mem>>) src(%dma_wait3A_933 : memref<10000x128xf32, #tpu.memory_space<hbm>>) dst(%dma_wait3A_927 : memref<128x128xf32, #tpu.memory_space<vmem>>)
      %dma_start3A_934 = arith.constant 0 : i32
      %dma_start3A_935 = arith.constant 18 : i32
      %dma_start3A_936 = arith.constant 0 : i32
      %dma_start3A_937 = arith.constant 0 : i32
      %dma_start3A_938 = tpu.memref_slice %arg10[%dma_start3A_934, %dma_start3A_936, %dma_start3A_937] : memref<2x128x128xf32, #tpu.memory_space<vmem>> -> memref<1x128x128xf32, #tpu.memory_space<vmem>>
      %dma_start3A_939 = tpu.memref_squeeze %dma_start3A_938 : memref<1x128x128xf32, #tpu.memory_space<vmem>> -> memref<128x128xf32, #tpu.memory_space<vmem>>
      %dma_start3A_940 = arith.constant 0 : i32
      %dma_start3A_941 = tpu.memref_slice %arg9[%dma_start3A_935, %dma_start3A_940] : memref<40x128xi32, #tpu.memory_space<vmem>> -> memref<1x128xi32, #tpu.memory_space<vmem>>
      %dma_start3A_942 = tpu.memref_squeeze %dma_start3A_941 : memref<1x128xi32, #tpu.memory_space<vmem>> -> memref<128xi32, #tpu.memory_space<vmem>>
      %dma_start3A_943 = arith.constant 0 : i32
      %dma_start3A_944 = arith.constant 0 : i32
      %dma_start3A_945 = tpu.memref_slice %arg7[%dma_start3A_943, %dma_start3A_944] : memref<10240x128xf32, #tpu.memory_space<vmem_shared>> -> memref<10240x128xf32, #tpu.memory_space<vmem_shared>>
      tpu.enqueue_indirect_dma source(%dma_start3A_939 : memref<128x128xf32, #tpu.memory_space<vmem>>) target(%dma_start3A_945 : memref<10240x128xf32, #tpu.memory_space<vmem_shared>>) offsets(%dma_start3A_942 : memref<128xi32, #tpu.memory_space<vmem>>) semaphore(%arg13 : memref<!tpu.dma_semaphore, #tpu.memory_space<semaphore_mem>>) {add = true}
      %dma_wait3A_946 = arith.constant 0 : i32
      %dma_wait3A_947 = arith.constant 18 : i32
      %dma_wait3A_948 = arith.constant 0 : i32
      %dma_wait3A_949 = arith.constant 0 : i32
      %dma_wait3A_950 = tpu.memref_slice %arg10[%dma_wait3A_946, %dma_wait3A_948, %dma_wait3A_949] : memref<2x128x128xf32, #tpu.memory_space<vmem>> -> memref<1x128x128xf32, #tpu.memory_space<vmem>>
      %dma_wait3A_951 = tpu.memref_squeeze %dma_wait3A_950 : memref<1x128x128xf32, #tpu.memory_space<vmem>> -> memref<128x128xf32, #tpu.memory_space<vmem>>
      %dma_wait3A_952 = arith.constant 0 : i32
      %dma_wait3A_953 = tpu.memref_slice %arg9[%dma_wait3A_947, %dma_wait3A_952] : memref<40x128xi32, #tpu.memory_space<vmem>> -> memref<1x128xi32, #tpu.memory_space<vmem>>
      %dma_wait3A_954 = tpu.memref_squeeze %dma_wait3A_953 : memref<1x128xi32, #tpu.memory_space<vmem>> -> memref<128xi32, #tpu.memory_space<vmem>>
      %dma_wait3A_955 = arith.constant 0 : i32
      %dma_wait3A_956 = arith.constant 0 : i32
      %dma_wait3A_957 = tpu.memref_slice %arg7[%dma_wait3A_955, %dma_wait3A_956] : memref<10240x128xf32, #tpu.memory_space<vmem_shared>> -> memref<10240x128xf32, #tpu.memory_space<vmem_shared>>
      tpu.wait_indirect_dma semaphore(%arg13 : memref<!tpu.dma_semaphore, #tpu.memory_space<semaphore_mem>>) src(%dma_wait3A_951 : memref<128x128xf32, #tpu.memory_space<vmem>>) dst(%dma_wait3A_957 : memref<10240x128xf32, #tpu.memory_space<vmem_shared>>)
      %dma_start3A_958 = arith.constant 20 : i32
      %dma_start3A_959 = arith.constant 0 : i32
      %dma_start3A_960 = arith.constant 0 : i32
      %dma_start3A_961 = arith.constant 0 : i32
      %dma_start3A_962 = tpu.memref_slice %arg10[%dma_start3A_959, %dma_start3A_960, %dma_start3A_961] : memref<2x128x128xf32, #tpu.memory_space<vmem>> -> memref<1x128x128xf32, #tpu.memory_space<vmem>>
      %dma_start3A_963 = tpu.memref_squeeze %dma_start3A_962 : memref<1x128x128xf32, #tpu.memory_space<vmem>> -> memref<128x128xf32, #tpu.memory_space<vmem>>
      %dma_start3A_964 = arith.constant 0 : i32
      %dma_start3A_965 = tpu.memref_slice %arg8[%dma_start3A_958, %dma_start3A_964] : memref<40x128xi32, #tpu.memory_space<vmem>> -> memref<1x128xi32, #tpu.memory_space<vmem>>
      %dma_start3A_966 = tpu.memref_squeeze %dma_start3A_965 : memref<1x128xi32, #tpu.memory_space<vmem>> -> memref<128xi32, #tpu.memory_space<vmem>>
      %dma_start3A_967 = arith.constant 0 : i32
      %dma_start3A_968 = arith.constant 0 : i32
      %dma_start3A_969 = tpu.memref_slice %arg2[%dma_start3A_967, %dma_start3A_968] : memref<10000x128xf32, #tpu.memory_space<hbm>> -> memref<10000x128xf32, #tpu.memory_space<hbm>>
      tpu.enqueue_indirect_dma source(%dma_start3A_969 : memref<10000x128xf32, #tpu.memory_space<hbm>>) target(%dma_start3A_963 : memref<128x128xf32, #tpu.memory_space<vmem>>) offsets(%dma_start3A_966 : memref<128xi32, #tpu.memory_space<vmem>>) semaphore(%arg11 : memref<!tpu.dma_semaphore, #tpu.memory_space<semaphore_mem>>)
      %dma_wait3A_970 = arith.constant 19 : i32
      %dma_wait3A_971 = arith.constant 1 : i32
      %dma_wait3A_972 = arith.constant 0 : i32
      %dma_wait3A_973 = arith.constant 0 : i32
      %dma_wait3A_974 = tpu.memref_slice %arg10[%dma_wait3A_971, %dma_wait3A_972, %dma_wait3A_973] : memref<2x128x128xf32, #tpu.memory_space<vmem>> -> memref<1x128x128xf32, #tpu.memory_space<vmem>>
      %dma_wait3A_975 = tpu.memref_squeeze %dma_wait3A_974 : memref<1x128x128xf32, #tpu.memory_space<vmem>> -> memref<128x128xf32, #tpu.memory_space<vmem>>
      %dma_wait3A_976 = arith.constant 0 : i32
      %dma_wait3A_977 = tpu.memref_slice %arg8[%dma_wait3A_970, %dma_wait3A_976] : memref<40x128xi32, #tpu.memory_space<vmem>> -> memref<1x128xi32, #tpu.memory_space<vmem>>
      %dma_wait3A_978 = tpu.memref_squeeze %dma_wait3A_977 : memref<1x128xi32, #tpu.memory_space<vmem>> -> memref<128xi32, #tpu.memory_space<vmem>>
      %dma_wait3A_979 = arith.constant 0 : i32
      %dma_wait3A_980 = arith.constant 0 : i32
      %dma_wait3A_981 = tpu.memref_slice %arg2[%dma_wait3A_979, %dma_wait3A_980] : memref<10000x128xf32, #tpu.memory_space<hbm>> -> memref<10000x128xf32, #tpu.memory_space<hbm>>
      tpu.wait_indirect_dma semaphore(%arg12 : memref<!tpu.dma_semaphore, #tpu.memory_space<semaphore_mem>>) src(%dma_wait3A_981 : memref<10000x128xf32, #tpu.memory_space<hbm>>) dst(%dma_wait3A_975 : memref<128x128xf32, #tpu.memory_space<vmem>>)
      %dma_start3A_982 = arith.constant 1 : i32
      %dma_start3A_983 = arith.constant 19 : i32
      %dma_start3A_984 = arith.constant 0 : i32
      %dma_start3A_985 = arith.constant 0 : i32
      %dma_start3A_986 = tpu.memref_slice %arg10[%dma_start3A_982, %dma_start3A_984, %dma_start3A_985] : memref<2x128x128xf32, #tpu.memory_space<vmem>> -> memref<1x128x128xf32, #tpu.memory_space<vmem>>
      %dma_start3A_987 = tpu.memref_squeeze %dma_start3A_986 : memref<1x128x128xf32, #tpu.memory_space<vmem>> -> memref<128x128xf32, #tpu.memory_space<vmem>>
      %dma_start3A_988 = arith.constant 0 : i32
      %dma_start3A_989 = tpu.memref_slice %arg9[%dma_start3A_983, %dma_start3A_988] : memref<40x128xi32, #tpu.memory_space<vmem>> -> memref<1x128xi32, #tpu.memory_space<vmem>>
      %dma_start3A_990 = tpu.memref_squeeze %dma_start3A_989 : memref<1x128xi32, #tpu.memory_space<vmem>> -> memref<128xi32, #tpu.memory_space<vmem>>
      %dma_start3A_991 = arith.constant 0 : i32
      %dma_start3A_992 = arith.constant 0 : i32
      %dma_start3A_993 = tpu.memref_slice %arg7[%dma_start3A_991, %dma_start3A_992] : memref<10240x128xf32, #tpu.memory_space<vmem_shared>> -> memref<10240x128xf32, #tpu.memory_space<vmem_shared>>
      tpu.enqueue_indirect_dma source(%dma_start3A_987 : memref<128x128xf32, #tpu.memory_space<vmem>>) target(%dma_start3A_993 : memref<10240x128xf32, #tpu.memory_space<vmem_shared>>) offsets(%dma_start3A_990 : memref<128xi32, #tpu.memory_space<vmem>>) semaphore(%arg13 : memref<!tpu.dma_semaphore, #tpu.memory_space<semaphore_mem>>) {add = true}
      %dma_wait3A_994 = arith.constant 1 : i32
      %dma_wait3A_995 = arith.constant 19 : i32
      %dma_wait3A_996 = arith.constant 0 : i32
      %dma_wait3A_997 = arith.constant 0 : i32
      %dma_wait3A_998 = tpu.memref_slice %arg10[%dma_wait3A_994, %dma_wait3A_996, %dma_wait3A_997] : memref<2x128x128xf32, #tpu.memory_space<vmem>> -> memref<1x128x128xf32, #tpu.memory_space<vmem>>
      %dma_wait3A_999 = tpu.memref_squeeze %dma_wait3A_998 : memref<1x128x128xf32, #tpu.memory_space<vmem>> -> memref<128x128xf32, #tpu.memory_space<vmem>>
      %dma_wait3A_1000 = arith.constant 0 : i32
      %dma_wait3A_1001 = tpu.memref_slice %arg9[%dma_wait3A_995, %dma_wait3A_1000] : memref<40x128xi32, #tpu.memory_space<vmem>> -> memref<1x128xi32, #tpu.memory_space<vmem>>
      %dma_wait3A_1002 = tpu.memref_squeeze %dma_wait3A_1001 : memref<1x128xi32, #tpu.memory_space<vmem>> -> memref<128xi32, #tpu.memory_space<vmem>>
      %dma_wait3A_1003 = arith.constant 0 : i32
      %dma_wait3A_1004 = arith.constant 0 : i32
      %dma_wait3A_1005 = tpu.memref_slice %arg7[%dma_wait3A_1003, %dma_wait3A_1004] : memref<10240x128xf32, #tpu.memory_space<vmem_shared>> -> memref<10240x128xf32, #tpu.memory_space<vmem_shared>>
      tpu.wait_indirect_dma semaphore(%arg13 : memref<!tpu.dma_semaphore, #tpu.memory_space<semaphore_mem>>) src(%dma_wait3A_999 : memref<128x128xf32, #tpu.memory_space<vmem>>) dst(%dma_wait3A_1005 : memref<10240x128xf32, #tpu.memory_space<vmem_shared>>)
      %dma_start3A_1006 = arith.constant 21 : i32
      %dma_start3A_1007 = arith.constant 1 : i32
      %dma_start3A_1008 = arith.constant 0 : i32
      %dma_start3A_1009 = arith.constant 0 : i32
      %dma_start3A_1010 = tpu.memref_slice %arg10[%dma_start3A_1007, %dma_start3A_1008, %dma_start3A_1009] : memref<2x128x128xf32, #tpu.memory_space<vmem>> -> memref<1x128x128xf32, #tpu.memory_space<vmem>>
      %dma_start3A_1011 = tpu.memref_squeeze %dma_start3A_1010 : memref<1x128x128xf32, #tpu.memory_space<vmem>> -> memref<128x128xf32, #tpu.memory_space<vmem>>
      %dma_start3A_1012 = arith.constant 0 : i32
      %dma_start3A_1013 = tpu.memref_slice %arg8[%dma_start3A_1006, %dma_start3A_1012] : memref<40x128xi32, #tpu.memory_space<vmem>> -> memref<1x128xi32, #tpu.memory_space<vmem>>
      %dma_start3A_1014 = tpu.memref_squeeze %dma_start3A_1013 : memref<1x128xi32, #tpu.memory_space<vmem>> -> memref<128xi32, #tpu.memory_space<vmem>>
      %dma_start3A_1015 = arith.constant 0 : i32
      %dma_start3A_1016 = arith.constant 0 : i32
      %dma_start3A_1017 = tpu.memref_slice %arg2[%dma_start3A_1015, %dma_start3A_1016] : memref<10000x128xf32, #tpu.memory_space<hbm>> -> memref<10000x128xf32, #tpu.memory_space<hbm>>
      tpu.enqueue_indirect_dma source(%dma_start3A_1017 : memref<10000x128xf32, #tpu.memory_space<hbm>>) target(%dma_start3A_1011 : memref<128x128xf32, #tpu.memory_space<vmem>>) offsets(%dma_start3A_1014 : memref<128xi32, #tpu.memory_space<vmem>>) semaphore(%arg12 : memref<!tpu.dma_semaphore, #tpu.memory_space<semaphore_mem>>)
      %dma_wait3A_1018 = arith.constant 20 : i32
      %dma_wait3A_1019 = arith.constant 0 : i32
      %dma_wait3A_1020 = arith.constant 0 : i32
      %dma_wait3A_1021 = arith.constant 0 : i32
      %dma_wait3A_1022 = tpu.memref_slice %arg10[%dma_wait3A_1019, %dma_wait3A_1020, %dma_wait3A_1021] : memref<2x128x128xf32, #tpu.memory_space<vmem>> -> memref<1x128x128xf32, #tpu.memory_space<vmem>>
      %dma_wait3A_1023 = tpu.memref_squeeze %dma_wait3A_1022 : memref<1x128x128xf32, #tpu.memory_space<vmem>> -> memref<128x128xf32, #tpu.memory_space<vmem>>
      %dma_wait3A_1024 = arith.constant 0 : i32
      %dma_wait3A_1025 = tpu.memref_slice %arg8[%dma_wait3A_1018, %dma_wait3A_1024] : memref<40x128xi32, #tpu.memory_space<vmem>> -> memref<1x128xi32, #tpu.memory_space<vmem>>
      %dma_wait3A_1026 = tpu.memref_squeeze %dma_wait3A_1025 : memref<1x128xi32, #tpu.memory_space<vmem>> -> memref<128xi32, #tpu.memory_space<vmem>>
      %dma_wait3A_1027 = arith.constant 0 : i32
      %dma_wait3A_1028 = arith.constant 0 : i32
      %dma_wait3A_1029 = tpu.memref_slice %arg2[%dma_wait3A_1027, %dma_wait3A_1028] : memref<10000x128xf32, #tpu.memory_space<hbm>> -> memref<10000x128xf32, #tpu.memory_space<hbm>>
      tpu.wait_indirect_dma semaphore(%arg11 : memref<!tpu.dma_semaphore, #tpu.memory_space<semaphore_mem>>) src(%dma_wait3A_1029 : memref<10000x128xf32, #tpu.memory_space<hbm>>) dst(%dma_wait3A_1023 : memref<128x128xf32, #tpu.memory_space<vmem>>)
      %dma_start3A_1030 = arith.constant 0 : i32
      %dma_start3A_1031 = arith.constant 20 : i32
      %dma_start3A_1032 = arith.constant 0 : i32
      %dma_start3A_1033 = arith.constant 0 : i32
      %dma_start3A_1034 = tpu.memref_slice %arg10[%dma_start3A_1030, %dma_start3A_1032, %dma_start3A_1033] : memref<2x128x128xf32, #tpu.memory_space<vmem>> -> memref<1x128x128xf32, #tpu.memory_space<vmem>>
      %dma_start3A_1035 = tpu.memref_squeeze %dma_start3A_1034 : memref<1x128x128xf32, #tpu.memory_space<vmem>> -> memref<128x128xf32, #tpu.memory_space<vmem>>
      %dma_start3A_1036 = arith.constant 0 : i32
      %dma_start3A_1037 = tpu.memref_slice %arg9[%dma_start3A_1031, %dma_start3A_1036] : memref<40x128xi32, #tpu.memory_space<vmem>> -> memref<1x128xi32, #tpu.memory_space<vmem>>
      %dma_start3A_1038 = tpu.memref_squeeze %dma_start3A_1037 : memref<1x128xi32, #tpu.memory_space<vmem>> -> memref<128xi32, #tpu.memory_space<vmem>>
      %dma_start3A_1039 = arith.constant 0 : i32
      %dma_start3A_1040 = arith.constant 0 : i32
      %dma_start3A_1041 = tpu.memref_slice %arg7[%dma_start3A_1039, %dma_start3A_1040] : memref<10240x128xf32, #tpu.memory_space<vmem_shared>> -> memref<10240x128xf32, #tpu.memory_space<vmem_shared>>
      tpu.enqueue_indirect_dma source(%dma_start3A_1035 : memref<128x128xf32, #tpu.memory_space<vmem>>) target(%dma_start3A_1041 : memref<10240x128xf32, #tpu.memory_space<vmem_shared>>) offsets(%dma_start3A_1038 : memref<128xi32, #tpu.memory_space<vmem>>) semaphore(%arg13 : memref<!tpu.dma_semaphore, #tpu.memory_space<semaphore_mem>>) {add = true}
      %dma_wait3A_1042 = arith.constant 0 : i32
      %dma_wait3A_1043 = arith.constant 20 : i32
      %dma_wait3A_1044 = arith.constant 0 : i32
      %dma_wait3A_1045 = arith.constant 0 : i32
      %dma_wait3A_1046 = tpu.memref_slice %arg10[%dma_wait3A_1042, %dma_wait3A_1044, %dma_wait3A_1045] : memref<2x128x128xf32, #tpu.memory_space<vmem>> -> memref<1x128x128xf32, #tpu.memory_space<vmem>>
      %dma_wait3A_1047 = tpu.memref_squeeze %dma_wait3A_1046 : memref<1x128x128xf32, #tpu.memory_space<vmem>> -> memref<128x128xf32, #tpu.memory_space<vmem>>
      %dma_wait3A_1048 = arith.constant 0 : i32
      %dma_wait3A_1049 = tpu.memref_slice %arg9[%dma_wait3A_1043, %dma_wait3A_1048] : memref<40x128xi32, #tpu.memory_space<vmem>> -> memref<1x128xi32, #tpu.memory_space<vmem>>
      %dma_wait3A_1050 = tpu.memref_squeeze %dma_wait3A_1049 : memref<1x128xi32, #tpu.memory_space<vmem>> -> memref<128xi32, #tpu.memory_space<vmem>>
      %dma_wait3A_1051 = arith.constant 0 : i32
      %dma_wait3A_1052 = arith.constant 0 : i32
      %dma_wait3A_1053 = tpu.memref_slice %arg7[%dma_wait3A_1051, %dma_wait3A_1052] : memref<10240x128xf32, #tpu.memory_space<vmem_shared>> -> memref<10240x128xf32, #tpu.memory_space<vmem_shared>>
      tpu.wait_indirect_dma semaphore(%arg13 : memref<!tpu.dma_semaphore, #tpu.memory_space<semaphore_mem>>) src(%dma_wait3A_1047 : memref<128x128xf32, #tpu.memory_space<vmem>>) dst(%dma_wait3A_1053 : memref<10240x128xf32, #tpu.memory_space<vmem_shared>>)
      %dma_start3A_1054 = arith.constant 22 : i32
      %dma_start3A_1055 = arith.constant 0 : i32
      %dma_start3A_1056 = arith.constant 0 : i32
      %dma_start3A_1057 = arith.constant 0 : i32
      %dma_start3A_1058 = tpu.memref_slice %arg10[%dma_start3A_1055, %dma_start3A_1056, %dma_start3A_1057] : memref<2x128x128xf32, #tpu.memory_space<vmem>> -> memref<1x128x128xf32, #tpu.memory_space<vmem>>
      %dma_start3A_1059 = tpu.memref_squeeze %dma_start3A_1058 : memref<1x128x128xf32, #tpu.memory_space<vmem>> -> memref<128x128xf32, #tpu.memory_space<vmem>>
      %dma_start3A_1060 = arith.constant 0 : i32
      %dma_start3A_1061 = tpu.memref_slice %arg8[%dma_start3A_1054, %dma_start3A_1060] : memref<40x128xi32, #tpu.memory_space<vmem>> -> memref<1x128xi32, #tpu.memory_space<vmem>>
      %dma_start3A_1062 = tpu.memref_squeeze %dma_start3A_1061 : memref<1x128xi32, #tpu.memory_space<vmem>> -> memref<128xi32, #tpu.memory_space<vmem>>
      %dma_start3A_1063 = arith.constant 0 : i32
      %dma_start3A_1064 = arith.constant 0 : i32
      %dma_start3A_1065 = tpu.memref_slice %arg2[%dma_start3A_1063, %dma_start3A_1064] : memref<10000x128xf32, #tpu.memory_space<hbm>> -> memref<10000x128xf32, #tpu.memory_space<hbm>>
      tpu.enqueue_indirect_dma source(%dma_start3A_1065 : memref<10000x128xf32, #tpu.memory_space<hbm>>) target(%dma_start3A_1059 : memref<128x128xf32, #tpu.memory_space<vmem>>) offsets(%dma_start3A_1062 : memref<128xi32, #tpu.memory_space<vmem>>) semaphore(%arg11 : memref<!tpu.dma_semaphore, #tpu.memory_space<semaphore_mem>>)
      %dma_wait3A_1066 = arith.constant 21 : i32
      %dma_wait3A_1067 = arith.constant 1 : i32
      %dma_wait3A_1068 = arith.constant 0 : i32
      %dma_wait3A_1069 = arith.constant 0 : i32
      %dma_wait3A_1070 = tpu.memref_slice %arg10[%dma_wait3A_1067, %dma_wait3A_1068, %dma_wait3A_1069] : memref<2x128x128xf32, #tpu.memory_space<vmem>> -> memref<1x128x128xf32, #tpu.memory_space<vmem>>
      %dma_wait3A_1071 = tpu.memref_squeeze %dma_wait3A_1070 : memref<1x128x128xf32, #tpu.memory_space<vmem>> -> memref<128x128xf32, #tpu.memory_space<vmem>>
      %dma_wait3A_1072 = arith.constant 0 : i32
      %dma_wait3A_1073 = tpu.memref_slice %arg8[%dma_wait3A_1066, %dma_wait3A_1072] : memref<40x128xi32, #tpu.memory_space<vmem>> -> memref<1x128xi32, #tpu.memory_space<vmem>>
      %dma_wait3A_1074 = tpu.memref_squeeze %dma_wait3A_1073 : memref<1x128xi32, #tpu.memory_space<vmem>> -> memref<128xi32, #tpu.memory_space<vmem>>
      %dma_wait3A_1075 = arith.constant 0 : i32
      %dma_wait3A_1076 = arith.constant 0 : i32
      %dma_wait3A_1077 = tpu.memref_slice %arg2[%dma_wait3A_1075, %dma_wait3A_1076] : memref<10000x128xf32, #tpu.memory_space<hbm>> -> memref<10000x128xf32, #tpu.memory_space<hbm>>
      tpu.wait_indirect_dma semaphore(%arg12 : memref<!tpu.dma_semaphore, #tpu.memory_space<semaphore_mem>>) src(%dma_wait3A_1077 : memref<10000x128xf32, #tpu.memory_space<hbm>>) dst(%dma_wait3A_1071 : memref<128x128xf32, #tpu.memory_space<vmem>>)
      %dma_start3A_1078 = arith.constant 1 : i32
      %dma_start3A_1079 = arith.constant 21 : i32
      %dma_start3A_1080 = arith.constant 0 : i32
      %dma_start3A_1081 = arith.constant 0 : i32
      %dma_start3A_1082 = tpu.memref_slice %arg10[%dma_start3A_1078, %dma_start3A_1080, %dma_start3A_1081] : memref<2x128x128xf32, #tpu.memory_space<vmem>> -> memref<1x128x128xf32, #tpu.memory_space<vmem>>
      %dma_start3A_1083 = tpu.memref_squeeze %dma_start3A_1082 : memref<1x128x128xf32, #tpu.memory_space<vmem>> -> memref<128x128xf32, #tpu.memory_space<vmem>>
      %dma_start3A_1084 = arith.constant 0 : i32
      %dma_start3A_1085 = tpu.memref_slice %arg9[%dma_start3A_1079, %dma_start3A_1084] : memref<40x128xi32, #tpu.memory_space<vmem>> -> memref<1x128xi32, #tpu.memory_space<vmem>>
      %dma_start3A_1086 = tpu.memref_squeeze %dma_start3A_1085 : memref<1x128xi32, #tpu.memory_space<vmem>> -> memref<128xi32, #tpu.memory_space<vmem>>
      %dma_start3A_1087 = arith.constant 0 : i32
      %dma_start3A_1088 = arith.constant 0 : i32
      %dma_start3A_1089 = tpu.memref_slice %arg7[%dma_start3A_1087, %dma_start3A_1088] : memref<10240x128xf32, #tpu.memory_space<vmem_shared>> -> memref<10240x128xf32, #tpu.memory_space<vmem_shared>>
      tpu.enqueue_indirect_dma source(%dma_start3A_1083 : memref<128x128xf32, #tpu.memory_space<vmem>>) target(%dma_start3A_1089 : memref<10240x128xf32, #tpu.memory_space<vmem_shared>>) offsets(%dma_start3A_1086 : memref<128xi32, #tpu.memory_space<vmem>>) semaphore(%arg13 : memref<!tpu.dma_semaphore, #tpu.memory_space<semaphore_mem>>) {add = true}
      %dma_wait3A_1090 = arith.constant 1 : i32
      %dma_wait3A_1091 = arith.constant 21 : i32
      %dma_wait3A_1092 = arith.constant 0 : i32
      %dma_wait3A_1093 = arith.constant 0 : i32
      %dma_wait3A_1094 = tpu.memref_slice %arg10[%dma_wait3A_1090, %dma_wait3A_1092, %dma_wait3A_1093] : memref<2x128x128xf32, #tpu.memory_space<vmem>> -> memref<1x128x128xf32, #tpu.memory_space<vmem>>
      %dma_wait3A_1095 = tpu.memref_squeeze %dma_wait3A_1094 : memref<1x128x128xf32, #tpu.memory_space<vmem>> -> memref<128x128xf32, #tpu.memory_space<vmem>>
      %dma_wait3A_1096 = arith.constant 0 : i32
      %dma_wait3A_1097 = tpu.memref_slice %arg9[%dma_wait3A_1091, %dma_wait3A_1096] : memref<40x128xi32, #tpu.memory_space<vmem>> -> memref<1x128xi32, #tpu.memory_space<vmem>>
      %dma_wait3A_1098 = tpu.memref_squeeze %dma_wait3A_1097 : memref<1x128xi32, #tpu.memory_space<vmem>> -> memref<128xi32, #tpu.memory_space<vmem>>
      %dma_wait3A_1099 = arith.constant 0 : i32
      %dma_wait3A_1100 = arith.constant 0 : i32
      %dma_wait3A_1101 = tpu.memref_slice %arg7[%dma_wait3A_1099, %dma_wait3A_1100] : memref<10240x128xf32, #tpu.memory_space<vmem_shared>> -> memref<10240x128xf32, #tpu.memory_space<vmem_shared>>
      tpu.wait_indirect_dma semaphore(%arg13 : memref<!tpu.dma_semaphore, #tpu.memory_space<semaphore_mem>>) src(%dma_wait3A_1095 : memref<128x128xf32, #tpu.memory_space<vmem>>) dst(%dma_wait3A_1101 : memref<10240x128xf32, #tpu.memory_space<vmem_shared>>)
      %dma_start3A_1102 = arith.constant 23 : i32
      %dma_start3A_1103 = arith.constant 1 : i32
      %dma_start3A_1104 = arith.constant 0 : i32
      %dma_start3A_1105 = arith.constant 0 : i32
      %dma_start3A_1106 = tpu.memref_slice %arg10[%dma_start3A_1103, %dma_start3A_1104, %dma_start3A_1105] : memref<2x128x128xf32, #tpu.memory_space<vmem>> -> memref<1x128x128xf32, #tpu.memory_space<vmem>>
      %dma_start3A_1107 = tpu.memref_squeeze %dma_start3A_1106 : memref<1x128x128xf32, #tpu.memory_space<vmem>> -> memref<128x128xf32, #tpu.memory_space<vmem>>
      %dma_start3A_1108 = arith.constant 0 : i32
      %dma_start3A_1109 = tpu.memref_slice %arg8[%dma_start3A_1102, %dma_start3A_1108] : memref<40x128xi32, #tpu.memory_space<vmem>> -> memref<1x128xi32, #tpu.memory_space<vmem>>
      %dma_start3A_1110 = tpu.memref_squeeze %dma_start3A_1109 : memref<1x128xi32, #tpu.memory_space<vmem>> -> memref<128xi32, #tpu.memory_space<vmem>>
      %dma_start3A_1111 = arith.constant 0 : i32
      %dma_start3A_1112 = arith.constant 0 : i32
      %dma_start3A_1113 = tpu.memref_slice %arg2[%dma_start3A_1111, %dma_start3A_1112] : memref<10000x128xf32, #tpu.memory_space<hbm>> -> memref<10000x128xf32, #tpu.memory_space<hbm>>
      tpu.enqueue_indirect_dma source(%dma_start3A_1113 : memref<10000x128xf32, #tpu.memory_space<hbm>>) target(%dma_start3A_1107 : memref<128x128xf32, #tpu.memory_space<vmem>>) offsets(%dma_start3A_1110 : memref<128xi32, #tpu.memory_space<vmem>>) semaphore(%arg12 : memref<!tpu.dma_semaphore, #tpu.memory_space<semaphore_mem>>)
      %dma_wait3A_1114 = arith.constant 22 : i32
      %dma_wait3A_1115 = arith.constant 0 : i32
      %dma_wait3A_1116 = arith.constant 0 : i32
      %dma_wait3A_1117 = arith.constant 0 : i32
      %dma_wait3A_1118 = tpu.memref_slice %arg10[%dma_wait3A_1115, %dma_wait3A_1116, %dma_wait3A_1117] : memref<2x128x128xf32, #tpu.memory_space<vmem>> -> memref<1x128x128xf32, #tpu.memory_space<vmem>>
      %dma_wait3A_1119 = tpu.memref_squeeze %dma_wait3A_1118 : memref<1x128x128xf32, #tpu.memory_space<vmem>> -> memref<128x128xf32, #tpu.memory_space<vmem>>
      %dma_wait3A_1120 = arith.constant 0 : i32
      %dma_wait3A_1121 = tpu.memref_slice %arg8[%dma_wait3A_1114, %dma_wait3A_1120] : memref<40x128xi32, #tpu.memory_space<vmem>> -> memref<1x128xi32, #tpu.memory_space<vmem>>
      %dma_wait3A_1122 = tpu.memref_squeeze %dma_wait3A_1121 : memref<1x128xi32, #tpu.memory_space<vmem>> -> memref<128xi32, #tpu.memory_space<vmem>>
      %dma_wait3A_1123 = arith.constant 0 : i32
      %dma_wait3A_1124 = arith.constant 0 : i32
      %dma_wait3A_1125 = tpu.memref_slice %arg2[%dma_wait3A_1123, %dma_wait3A_1124] : memref<10000x128xf32, #tpu.memory_space<hbm>> -> memref<10000x128xf32, #tpu.memory_space<hbm>>
      tpu.wait_indirect_dma semaphore(%arg11 : memref<!tpu.dma_semaphore, #tpu.memory_space<semaphore_mem>>) src(%dma_wait3A_1125 : memref<10000x128xf32, #tpu.memory_space<hbm>>) dst(%dma_wait3A_1119 : memref<128x128xf32, #tpu.memory_space<vmem>>)
      %dma_start3A_1126 = arith.constant 0 : i32
      %dma_start3A_1127 = arith.constant 22 : i32
      %dma_start3A_1128 = arith.constant 0 : i32
      %dma_start3A_1129 = arith.constant 0 : i32
      %dma_start3A_1130 = tpu.memref_slice %arg10[%dma_start3A_1126, %dma_start3A_1128, %dma_start3A_1129] : memref<2x128x128xf32, #tpu.memory_space<vmem>> -> memref<1x128x128xf32, #tpu.memory_space<vmem>>
      %dma_start3A_1131 = tpu.memref_squeeze %dma_start3A_1130 : memref<1x128x128xf32, #tpu.memory_space<vmem>> -> memref<128x128xf32, #tpu.memory_space<vmem>>
      %dma_start3A_1132 = arith.constant 0 : i32
      %dma_start3A_1133 = tpu.memref_slice %arg9[%dma_start3A_1127, %dma_start3A_1132] : memref<40x128xi32, #tpu.memory_space<vmem>> -> memref<1x128xi32, #tpu.memory_space<vmem>>
      %dma_start3A_1134 = tpu.memref_squeeze %dma_start3A_1133 : memref<1x128xi32, #tpu.memory_space<vmem>> -> memref<128xi32, #tpu.memory_space<vmem>>
      %dma_start3A_1135 = arith.constant 0 : i32
      %dma_start3A_1136 = arith.constant 0 : i32
      %dma_start3A_1137 = tpu.memref_slice %arg7[%dma_start3A_1135, %dma_start3A_1136] : memref<10240x128xf32, #tpu.memory_space<vmem_shared>> -> memref<10240x128xf32, #tpu.memory_space<vmem_shared>>
      tpu.enqueue_indirect_dma source(%dma_start3A_1131 : memref<128x128xf32, #tpu.memory_space<vmem>>) target(%dma_start3A_1137 : memref<10240x128xf32, #tpu.memory_space<vmem_shared>>) offsets(%dma_start3A_1134 : memref<128xi32, #tpu.memory_space<vmem>>) semaphore(%arg13 : memref<!tpu.dma_semaphore, #tpu.memory_space<semaphore_mem>>) {add = true}
      %dma_wait3A_1138 = arith.constant 0 : i32
      %dma_wait3A_1139 = arith.constant 22 : i32
      %dma_wait3A_1140 = arith.constant 0 : i32
      %dma_wait3A_1141 = arith.constant 0 : i32
      %dma_wait3A_1142 = tpu.memref_slice %arg10[%dma_wait3A_1138, %dma_wait3A_1140, %dma_wait3A_1141] : memref<2x128x128xf32, #tpu.memory_space<vmem>> -> memref<1x128x128xf32, #tpu.memory_space<vmem>>
      %dma_wait3A_1143 = tpu.memref_squeeze %dma_wait3A_1142 : memref<1x128x128xf32, #tpu.memory_space<vmem>> -> memref<128x128xf32, #tpu.memory_space<vmem>>
      %dma_wait3A_1144 = arith.constant 0 : i32
      %dma_wait3A_1145 = tpu.memref_slice %arg9[%dma_wait3A_1139, %dma_wait3A_1144] : memref<40x128xi32, #tpu.memory_space<vmem>> -> memref<1x128xi32, #tpu.memory_space<vmem>>
      %dma_wait3A_1146 = tpu.memref_squeeze %dma_wait3A_1145 : memref<1x128xi32, #tpu.memory_space<vmem>> -> memref<128xi32, #tpu.memory_space<vmem>>
      %dma_wait3A_1147 = arith.constant 0 : i32
      %dma_wait3A_1148 = arith.constant 0 : i32
      %dma_wait3A_1149 = tpu.memref_slice %arg7[%dma_wait3A_1147, %dma_wait3A_1148] : memref<10240x128xf32, #tpu.memory_space<vmem_shared>> -> memref<10240x128xf32, #tpu.memory_space<vmem_shared>>
      tpu.wait_indirect_dma semaphore(%arg13 : memref<!tpu.dma_semaphore, #tpu.memory_space<semaphore_mem>>) src(%dma_wait3A_1143 : memref<128x128xf32, #tpu.memory_space<vmem>>) dst(%dma_wait3A_1149 : memref<10240x128xf32, #tpu.memory_space<vmem_shared>>)
      %dma_start3A_1150 = arith.constant 24 : i32
      %dma_start3A_1151 = arith.constant 0 : i32
      %dma_start3A_1152 = arith.constant 0 : i32
      %dma_start3A_1153 = arith.constant 0 : i32
      %dma_start3A_1154 = tpu.memref_slice %arg10[%dma_start3A_1151, %dma_start3A_1152, %dma_start3A_1153] : memref<2x128x128xf32, #tpu.memory_space<vmem>> -> memref<1x128x128xf32, #tpu.memory_space<vmem>>
      %dma_start3A_1155 = tpu.memref_squeeze %dma_start3A_1154 : memref<1x128x128xf32, #tpu.memory_space<vmem>> -> memref<128x128xf32, #tpu.memory_space<vmem>>
      %dma_start3A_1156 = arith.constant 0 : i32
      %dma_start3A_1157 = tpu.memref_slice %arg8[%dma_start3A_1150, %dma_start3A_1156] : memref<40x128xi32, #tpu.memory_space<vmem>> -> memref<1x128xi32, #tpu.memory_space<vmem>>
      %dma_start3A_1158 = tpu.memref_squeeze %dma_start3A_1157 : memref<1x128xi32, #tpu.memory_space<vmem>> -> memref<128xi32, #tpu.memory_space<vmem>>
      %dma_start3A_1159 = arith.constant 0 : i32
      %dma_start3A_1160 = arith.constant 0 : i32
      %dma_start3A_1161 = tpu.memref_slice %arg2[%dma_start3A_1159, %dma_start3A_1160] : memref<10000x128xf32, #tpu.memory_space<hbm>> -> memref<10000x128xf32, #tpu.memory_space<hbm>>
      tpu.enqueue_indirect_dma source(%dma_start3A_1161 : memref<10000x128xf32, #tpu.memory_space<hbm>>) target(%dma_start3A_1155 : memref<128x128xf32, #tpu.memory_space<vmem>>) offsets(%dma_start3A_1158 : memref<128xi32, #tpu.memory_space<vmem>>) semaphore(%arg11 : memref<!tpu.dma_semaphore, #tpu.memory_space<semaphore_mem>>)
      %dma_wait3A_1162 = arith.constant 23 : i32
      %dma_wait3A_1163 = arith.constant 1 : i32
      %dma_wait3A_1164 = arith.constant 0 : i32
      %dma_wait3A_1165 = arith.constant 0 : i32
      %dma_wait3A_1166 = tpu.memref_slice %arg10[%dma_wait3A_1163, %dma_wait3A_1164, %dma_wait3A_1165] : memref<2x128x128xf32, #tpu.memory_space<vmem>> -> memref<1x128x128xf32, #tpu.memory_space<vmem>>
      %dma_wait3A_1167 = tpu.memref_squeeze %dma_wait3A_1166 : memref<1x128x128xf32, #tpu.memory_space<vmem>> -> memref<128x128xf32, #tpu.memory_space<vmem>>
      %dma_wait3A_1168 = arith.constant 0 : i32
      %dma_wait3A_1169 = tpu.memref_slice %arg8[%dma_wait3A_1162, %dma_wait3A_1168] : memref<40x128xi32, #tpu.memory_space<vmem>> -> memref<1x128xi32, #tpu.memory_space<vmem>>
      %dma_wait3A_1170 = tpu.memref_squeeze %dma_wait3A_1169 : memref<1x128xi32, #tpu.memory_space<vmem>> -> memref<128xi32, #tpu.memory_space<vmem>>
      %dma_wait3A_1171 = arith.constant 0 : i32
      %dma_wait3A_1172 = arith.constant 0 : i32
      %dma_wait3A_1173 = tpu.memref_slice %arg2[%dma_wait3A_1171, %dma_wait3A_1172] : memref<10000x128xf32, #tpu.memory_space<hbm>> -> memref<10000x128xf32, #tpu.memory_space<hbm>>
      tpu.wait_indirect_dma semaphore(%arg12 : memref<!tpu.dma_semaphore, #tpu.memory_space<semaphore_mem>>) src(%dma_wait3A_1173 : memref<10000x128xf32, #tpu.memory_space<hbm>>) dst(%dma_wait3A_1167 : memref<128x128xf32, #tpu.memory_space<vmem>>)
      %dma_start3A_1174 = arith.constant 1 : i32
      %dma_start3A_1175 = arith.constant 23 : i32
      %dma_start3A_1176 = arith.constant 0 : i32
      %dma_start3A_1177 = arith.constant 0 : i32
      %dma_start3A_1178 = tpu.memref_slice %arg10[%dma_start3A_1174, %dma_start3A_1176, %dma_start3A_1177] : memref<2x128x128xf32, #tpu.memory_space<vmem>> -> memref<1x128x128xf32, #tpu.memory_space<vmem>>
      %dma_start3A_1179 = tpu.memref_squeeze %dma_start3A_1178 : memref<1x128x128xf32, #tpu.memory_space<vmem>> -> memref<128x128xf32, #tpu.memory_space<vmem>>
      %dma_start3A_1180 = arith.constant 0 : i32
      %dma_start3A_1181 = tpu.memref_slice %arg9[%dma_start3A_1175, %dma_start3A_1180] : memref<40x128xi32, #tpu.memory_space<vmem>> -> memref<1x128xi32, #tpu.memory_space<vmem>>
      %dma_start3A_1182 = tpu.memref_squeeze %dma_start3A_1181 : memref<1x128xi32, #tpu.memory_space<vmem>> -> memref<128xi32, #tpu.memory_space<vmem>>
      %dma_start3A_1183 = arith.constant 0 : i32
      %dma_start3A_1184 = arith.constant 0 : i32
      %dma_start3A_1185 = tpu.memref_slice %arg7[%dma_start3A_1183, %dma_start3A_1184] : memref<10240x128xf32, #tpu.memory_space<vmem_shared>> -> memref<10240x128xf32, #tpu.memory_space<vmem_shared>>
      tpu.enqueue_indirect_dma source(%dma_start3A_1179 : memref<128x128xf32, #tpu.memory_space<vmem>>) target(%dma_start3A_1185 : memref<10240x128xf32, #tpu.memory_space<vmem_shared>>) offsets(%dma_start3A_1182 : memref<128xi32, #tpu.memory_space<vmem>>) semaphore(%arg13 : memref<!tpu.dma_semaphore, #tpu.memory_space<semaphore_mem>>) {add = true}
      %dma_wait3A_1186 = arith.constant 1 : i32
      %dma_wait3A_1187 = arith.constant 23 : i32
      %dma_wait3A_1188 = arith.constant 0 : i32
      %dma_wait3A_1189 = arith.constant 0 : i32
      %dma_wait3A_1190 = tpu.memref_slice %arg10[%dma_wait3A_1186, %dma_wait3A_1188, %dma_wait3A_1189] : memref<2x128x128xf32, #tpu.memory_space<vmem>> -> memref<1x128x128xf32, #tpu.memory_space<vmem>>
      %dma_wait3A_1191 = tpu.memref_squeeze %dma_wait3A_1190 : memref<1x128x128xf32, #tpu.memory_space<vmem>> -> memref<128x128xf32, #tpu.memory_space<vmem>>
      %dma_wait3A_1192 = arith.constant 0 : i32
      %dma_wait3A_1193 = tpu.memref_slice %arg9[%dma_wait3A_1187, %dma_wait3A_1192] : memref<40x128xi32, #tpu.memory_space<vmem>> -> memref<1x128xi32, #tpu.memory_space<vmem>>
      %dma_wait3A_1194 = tpu.memref_squeeze %dma_wait3A_1193 : memref<1x128xi32, #tpu.memory_space<vmem>> -> memref<128xi32, #tpu.memory_space<vmem>>
      %dma_wait3A_1195 = arith.constant 0 : i32
      %dma_wait3A_1196 = arith.constant 0 : i32
      %dma_wait3A_1197 = tpu.memref_slice %arg7[%dma_wait3A_1195, %dma_wait3A_1196] : memref<10240x128xf32, #tpu.memory_space<vmem_shared>> -> memref<10240x128xf32, #tpu.memory_space<vmem_shared>>
      tpu.wait_indirect_dma semaphore(%arg13 : memref<!tpu.dma_semaphore, #tpu.memory_space<semaphore_mem>>) src(%dma_wait3A_1191 : memref<128x128xf32, #tpu.memory_space<vmem>>) dst(%dma_wait3A_1197 : memref<10240x128xf32, #tpu.memory_space<vmem_shared>>)
      %dma_start3A_1198 = arith.constant 25 : i32
      %dma_start3A_1199 = arith.constant 1 : i32
      %dma_start3A_1200 = arith.constant 0 : i32
      %dma_start3A_1201 = arith.constant 0 : i32
      %dma_start3A_1202 = tpu.memref_slice %arg10[%dma_start3A_1199, %dma_start3A_1200, %dma_start3A_1201] : memref<2x128x128xf32, #tpu.memory_space<vmem>> -> memref<1x128x128xf32, #tpu.memory_space<vmem>>
      %dma_start3A_1203 = tpu.memref_squeeze %dma_start3A_1202 : memref<1x128x128xf32, #tpu.memory_space<vmem>> -> memref<128x128xf32, #tpu.memory_space<vmem>>
      %dma_start3A_1204 = arith.constant 0 : i32
      %dma_start3A_1205 = tpu.memref_slice %arg8[%dma_start3A_1198, %dma_start3A_1204] : memref<40x128xi32, #tpu.memory_space<vmem>> -> memref<1x128xi32, #tpu.memory_space<vmem>>
      %dma_start3A_1206 = tpu.memref_squeeze %dma_start3A_1205 : memref<1x128xi32, #tpu.memory_space<vmem>> -> memref<128xi32, #tpu.memory_space<vmem>>
      %dma_start3A_1207 = arith.constant 0 : i32
      %dma_start3A_1208 = arith.constant 0 : i32
      %dma_start3A_1209 = tpu.memref_slice %arg2[%dma_start3A_1207, %dma_start3A_1208] : memref<10000x128xf32, #tpu.memory_space<hbm>> -> memref<10000x128xf32, #tpu.memory_space<hbm>>
      tpu.enqueue_indirect_dma source(%dma_start3A_1209 : memref<10000x128xf32, #tpu.memory_space<hbm>>) target(%dma_start3A_1203 : memref<128x128xf32, #tpu.memory_space<vmem>>) offsets(%dma_start3A_1206 : memref<128xi32, #tpu.memory_space<vmem>>) semaphore(%arg12 : memref<!tpu.dma_semaphore, #tpu.memory_space<semaphore_mem>>)
      %dma_wait3A_1210 = arith.constant 24 : i32
      %dma_wait3A_1211 = arith.constant 0 : i32
      %dma_wait3A_1212 = arith.constant 0 : i32
      %dma_wait3A_1213 = arith.constant 0 : i32
      %dma_wait3A_1214 = tpu.memref_slice %arg10[%dma_wait3A_1211, %dma_wait3A_1212, %dma_wait3A_1213] : memref<2x128x128xf32, #tpu.memory_space<vmem>> -> memref<1x128x128xf32, #tpu.memory_space<vmem>>
      %dma_wait3A_1215 = tpu.memref_squeeze %dma_wait3A_1214 : memref<1x128x128xf32, #tpu.memory_space<vmem>> -> memref<128x128xf32, #tpu.memory_space<vmem>>
      %dma_wait3A_1216 = arith.constant 0 : i32
      %dma_wait3A_1217 = tpu.memref_slice %arg8[%dma_wait3A_1210, %dma_wait3A_1216] : memref<40x128xi32, #tpu.memory_space<vmem>> -> memref<1x128xi32, #tpu.memory_space<vmem>>
      %dma_wait3A_1218 = tpu.memref_squeeze %dma_wait3A_1217 : memref<1x128xi32, #tpu.memory_space<vmem>> -> memref<128xi32, #tpu.memory_space<vmem>>
      %dma_wait3A_1219 = arith.constant 0 : i32
      %dma_wait3A_1220 = arith.constant 0 : i32
      %dma_wait3A_1221 = tpu.memref_slice %arg2[%dma_wait3A_1219, %dma_wait3A_1220] : memref<10000x128xf32, #tpu.memory_space<hbm>> -> memref<10000x128xf32, #tpu.memory_space<hbm>>
      tpu.wait_indirect_dma semaphore(%arg11 : memref<!tpu.dma_semaphore, #tpu.memory_space<semaphore_mem>>) src(%dma_wait3A_1221 : memref<10000x128xf32, #tpu.memory_space<hbm>>) dst(%dma_wait3A_1215 : memref<128x128xf32, #tpu.memory_space<vmem>>)
      %dma_start3A_1222 = arith.constant 0 : i32
      %dma_start3A_1223 = arith.constant 24 : i32
      %dma_start3A_1224 = arith.constant 0 : i32
      %dma_start3A_1225 = arith.constant 0 : i32
      %dma_start3A_1226 = tpu.memref_slice %arg10[%dma_start3A_1222, %dma_start3A_1224, %dma_start3A_1225] : memref<2x128x128xf32, #tpu.memory_space<vmem>> -> memref<1x128x128xf32, #tpu.memory_space<vmem>>
      %dma_start3A_1227 = tpu.memref_squeeze %dma_start3A_1226 : memref<1x128x128xf32, #tpu.memory_space<vmem>> -> memref<128x128xf32, #tpu.memory_space<vmem>>
      %dma_start3A_1228 = arith.constant 0 : i32
      %dma_start3A_1229 = tpu.memref_slice %arg9[%dma_start3A_1223, %dma_start3A_1228] : memref<40x128xi32, #tpu.memory_space<vmem>> -> memref<1x128xi32, #tpu.memory_space<vmem>>
      %dma_start3A_1230 = tpu.memref_squeeze %dma_start3A_1229 : memref<1x128xi32, #tpu.memory_space<vmem>> -> memref<128xi32, #tpu.memory_space<vmem>>
      %dma_start3A_1231 = arith.constant 0 : i32
      %dma_start3A_1232 = arith.constant 0 : i32
      %dma_start3A_1233 = tpu.memref_slice %arg7[%dma_start3A_1231, %dma_start3A_1232] : memref<10240x128xf32, #tpu.memory_space<vmem_shared>> -> memref<10240x128xf32, #tpu.memory_space<vmem_shared>>
      tpu.enqueue_indirect_dma source(%dma_start3A_1227 : memref<128x128xf32, #tpu.memory_space<vmem>>) target(%dma_start3A_1233 : memref<10240x128xf32, #tpu.memory_space<vmem_shared>>) offsets(%dma_start3A_1230 : memref<128xi32, #tpu.memory_space<vmem>>) semaphore(%arg13 : memref<!tpu.dma_semaphore, #tpu.memory_space<semaphore_mem>>) {add = true}
      %dma_wait3A_1234 = arith.constant 0 : i32
      %dma_wait3A_1235 = arith.constant 24 : i32
      %dma_wait3A_1236 = arith.constant 0 : i32
      %dma_wait3A_1237 = arith.constant 0 : i32
      %dma_wait3A_1238 = tpu.memref_slice %arg10[%dma_wait3A_1234, %dma_wait3A_1236, %dma_wait3A_1237] : memref<2x128x128xf32, #tpu.memory_space<vmem>> -> memref<1x128x128xf32, #tpu.memory_space<vmem>>
      %dma_wait3A_1239 = tpu.memref_squeeze %dma_wait3A_1238 : memref<1x128x128xf32, #tpu.memory_space<vmem>> -> memref<128x128xf32, #tpu.memory_space<vmem>>
      %dma_wait3A_1240 = arith.constant 0 : i32
      %dma_wait3A_1241 = tpu.memref_slice %arg9[%dma_wait3A_1235, %dma_wait3A_1240] : memref<40x128xi32, #tpu.memory_space<vmem>> -> memref<1x128xi32, #tpu.memory_space<vmem>>
      %dma_wait3A_1242 = tpu.memref_squeeze %dma_wait3A_1241 : memref<1x128xi32, #tpu.memory_space<vmem>> -> memref<128xi32, #tpu.memory_space<vmem>>
      %dma_wait3A_1243 = arith.constant 0 : i32
      %dma_wait3A_1244 = arith.constant 0 : i32
      %dma_wait3A_1245 = tpu.memref_slice %arg7[%dma_wait3A_1243, %dma_wait3A_1244] : memref<10240x128xf32, #tpu.memory_space<vmem_shared>> -> memref<10240x128xf32, #tpu.memory_space<vmem_shared>>
      tpu.wait_indirect_dma semaphore(%arg13 : memref<!tpu.dma_semaphore, #tpu.memory_space<semaphore_mem>>) src(%dma_wait3A_1239 : memref<128x128xf32, #tpu.memory_space<vmem>>) dst(%dma_wait3A_1245 : memref<10240x128xf32, #tpu.memory_space<vmem_shared>>)
      %dma_start3A_1246 = arith.constant 26 : i32
      %dma_start3A_1247 = arith.constant 0 : i32
      %dma_start3A_1248 = arith.constant 0 : i32
      %dma_start3A_1249 = arith.constant 0 : i32
      %dma_start3A_1250 = tpu.memref_slice %arg10[%dma_start3A_1247, %dma_start3A_1248, %dma_start3A_1249] : memref<2x128x128xf32, #tpu.memory_space<vmem>> -> memref<1x128x128xf32, #tpu.memory_space<vmem>>
      %dma_start3A_1251 = tpu.memref_squeeze %dma_start3A_1250 : memref<1x128x128xf32, #tpu.memory_space<vmem>> -> memref<128x128xf32, #tpu.memory_space<vmem>>
      %dma_start3A_1252 = arith.constant 0 : i32
      %dma_start3A_1253 = tpu.memref_slice %arg8[%dma_start3A_1246, %dma_start3A_1252] : memref<40x128xi32, #tpu.memory_space<vmem>> -> memref<1x128xi32, #tpu.memory_space<vmem>>
      %dma_start3A_1254 = tpu.memref_squeeze %dma_start3A_1253 : memref<1x128xi32, #tpu.memory_space<vmem>> -> memref<128xi32, #tpu.memory_space<vmem>>
      %dma_start3A_1255 = arith.constant 0 : i32
      %dma_start3A_1256 = arith.constant 0 : i32
      %dma_start3A_1257 = tpu.memref_slice %arg2[%dma_start3A_1255, %dma_start3A_1256] : memref<10000x128xf32, #tpu.memory_space<hbm>> -> memref<10000x128xf32, #tpu.memory_space<hbm>>
      tpu.enqueue_indirect_dma source(%dma_start3A_1257 : memref<10000x128xf32, #tpu.memory_space<hbm>>) target(%dma_start3A_1251 : memref<128x128xf32, #tpu.memory_space<vmem>>) offsets(%dma_start3A_1254 : memref<128xi32, #tpu.memory_space<vmem>>) semaphore(%arg11 : memref<!tpu.dma_semaphore, #tpu.memory_space<semaphore_mem>>)
      %dma_wait3A_1258 = arith.constant 25 : i32
      %dma_wait3A_1259 = arith.constant 1 : i32
      %dma_wait3A_1260 = arith.constant 0 : i32
      %dma_wait3A_1261 = arith.constant 0 : i32
      %dma_wait3A_1262 = tpu.memref_slice %arg10[%dma_wait3A_1259, %dma_wait3A_1260, %dma_wait3A_1261] : memref<2x128x128xf32, #tpu.memory_space<vmem>> -> memref<1x128x128xf32, #tpu.memory_space<vmem>>
      %dma_wait3A_1263 = tpu.memref_squeeze %dma_wait3A_1262 : memref<1x128x128xf32, #tpu.memory_space<vmem>> -> memref<128x128xf32, #tpu.memory_space<vmem>>
      %dma_wait3A_1264 = arith.constant 0 : i32
      %dma_wait3A_1265 = tpu.memref_slice %arg8[%dma_wait3A_1258, %dma_wait3A_1264] : memref<40x128xi32, #tpu.memory_space<vmem>> -> memref<1x128xi32, #tpu.memory_space<vmem>>
      %dma_wait3A_1266 = tpu.memref_squeeze %dma_wait3A_1265 : memref<1x128xi32, #tpu.memory_space<vmem>> -> memref<128xi32, #tpu.memory_space<vmem>>
      %dma_wait3A_1267 = arith.constant 0 : i32
      %dma_wait3A_1268 = arith.constant 0 : i32
      %dma_wait3A_1269 = tpu.memref_slice %arg2[%dma_wait3A_1267, %dma_wait3A_1268] : memref<10000x128xf32, #tpu.memory_space<hbm>> -> memref<10000x128xf32, #tpu.memory_space<hbm>>
      tpu.wait_indirect_dma semaphore(%arg12 : memref<!tpu.dma_semaphore, #tpu.memory_space<semaphore_mem>>) src(%dma_wait3A_1269 : memref<10000x128xf32, #tpu.memory_space<hbm>>) dst(%dma_wait3A_1263 : memref<128x128xf32, #tpu.memory_space<vmem>>)
      %dma_start3A_1270 = arith.constant 1 : i32
      %dma_start3A_1271 = arith.constant 25 : i32
      %dma_start3A_1272 = arith.constant 0 : i32
      %dma_start3A_1273 = arith.constant 0 : i32
      %dma_start3A_1274 = tpu.memref_slice %arg10[%dma_start3A_1270, %dma_start3A_1272, %dma_start3A_1273] : memref<2x128x128xf32, #tpu.memory_space<vmem>> -> memref<1x128x128xf32, #tpu.memory_space<vmem>>
      %dma_start3A_1275 = tpu.memref_squeeze %dma_start3A_1274 : memref<1x128x128xf32, #tpu.memory_space<vmem>> -> memref<128x128xf32, #tpu.memory_space<vmem>>
      %dma_start3A_1276 = arith.constant 0 : i32
      %dma_start3A_1277 = tpu.memref_slice %arg9[%dma_start3A_1271, %dma_start3A_1276] : memref<40x128xi32, #tpu.memory_space<vmem>> -> memref<1x128xi32, #tpu.memory_space<vmem>>
      %dma_start3A_1278 = tpu.memref_squeeze %dma_start3A_1277 : memref<1x128xi32, #tpu.memory_space<vmem>> -> memref<128xi32, #tpu.memory_space<vmem>>
      %dma_start3A_1279 = arith.constant 0 : i32
      %dma_start3A_1280 = arith.constant 0 : i32
      %dma_start3A_1281 = tpu.memref_slice %arg7[%dma_start3A_1279, %dma_start3A_1280] : memref<10240x128xf32, #tpu.memory_space<vmem_shared>> -> memref<10240x128xf32, #tpu.memory_space<vmem_shared>>
      tpu.enqueue_indirect_dma source(%dma_start3A_1275 : memref<128x128xf32, #tpu.memory_space<vmem>>) target(%dma_start3A_1281 : memref<10240x128xf32, #tpu.memory_space<vmem_shared>>) offsets(%dma_start3A_1278 : memref<128xi32, #tpu.memory_space<vmem>>) semaphore(%arg13 : memref<!tpu.dma_semaphore, #tpu.memory_space<semaphore_mem>>) {add = true}
      %dma_wait3A_1282 = arith.constant 1 : i32
      %dma_wait3A_1283 = arith.constant 25 : i32
      %dma_wait3A_1284 = arith.constant 0 : i32
      %dma_wait3A_1285 = arith.constant 0 : i32
      %dma_wait3A_1286 = tpu.memref_slice %arg10[%dma_wait3A_1282, %dma_wait3A_1284, %dma_wait3A_1285] : memref<2x128x128xf32, #tpu.memory_space<vmem>> -> memref<1x128x128xf32, #tpu.memory_space<vmem>>
      %dma_wait3A_1287 = tpu.memref_squeeze %dma_wait3A_1286 : memref<1x128x128xf32, #tpu.memory_space<vmem>> -> memref<128x128xf32, #tpu.memory_space<vmem>>
      %dma_wait3A_1288 = arith.constant 0 : i32
      %dma_wait3A_1289 = tpu.memref_slice %arg9[%dma_wait3A_1283, %dma_wait3A_1288] : memref<40x128xi32, #tpu.memory_space<vmem>> -> memref<1x128xi32, #tpu.memory_space<vmem>>
      %dma_wait3A_1290 = tpu.memref_squeeze %dma_wait3A_1289 : memref<1x128xi32, #tpu.memory_space<vmem>> -> memref<128xi32, #tpu.memory_space<vmem>>
      %dma_wait3A_1291 = arith.constant 0 : i32
      %dma_wait3A_1292 = arith.constant 0 : i32
      %dma_wait3A_1293 = tpu.memref_slice %arg7[%dma_wait3A_1291, %dma_wait3A_1292] : memref<10240x128xf32, #tpu.memory_space<vmem_shared>> -> memref<10240x128xf32, #tpu.memory_space<vmem_shared>>
      tpu.wait_indirect_dma semaphore(%arg13 : memref<!tpu.dma_semaphore, #tpu.memory_space<semaphore_mem>>) src(%dma_wait3A_1287 : memref<128x128xf32, #tpu.memory_space<vmem>>) dst(%dma_wait3A_1293 : memref<10240x128xf32, #tpu.memory_space<vmem_shared>>)
      %dma_start3A_1294 = arith.constant 27 : i32
      %dma_start3A_1295 = arith.constant 1 : i32
      %dma_start3A_1296 = arith.constant 0 : i32
      %dma_start3A_1297 = arith.constant 0 : i32
      %dma_start3A_1298 = tpu.memref_slice %arg10[%dma_start3A_1295, %dma_start3A_1296, %dma_start3A_1297] : memref<2x128x128xf32, #tpu.memory_space<vmem>> -> memref<1x128x128xf32, #tpu.memory_space<vmem>>
      %dma_start3A_1299 = tpu.memref_squeeze %dma_start3A_1298 : memref<1x128x128xf32, #tpu.memory_space<vmem>> -> memref<128x128xf32, #tpu.memory_space<vmem>>
      %dma_start3A_1300 = arith.constant 0 : i32
      %dma_start3A_1301 = tpu.memref_slice %arg8[%dma_start3A_1294, %dma_start3A_1300] : memref<40x128xi32, #tpu.memory_space<vmem>> -> memref<1x128xi32, #tpu.memory_space<vmem>>
      %dma_start3A_1302 = tpu.memref_squeeze %dma_start3A_1301 : memref<1x128xi32, #tpu.memory_space<vmem>> -> memref<128xi32, #tpu.memory_space<vmem>>
      %dma_start3A_1303 = arith.constant 0 : i32
      %dma_start3A_1304 = arith.constant 0 : i32
      %dma_start3A_1305 = tpu.memref_slice %arg2[%dma_start3A_1303, %dma_start3A_1304] : memref<10000x128xf32, #tpu.memory_space<hbm>> -> memref<10000x128xf32, #tpu.memory_space<hbm>>
      tpu.enqueue_indirect_dma source(%dma_start3A_1305 : memref<10000x128xf32, #tpu.memory_space<hbm>>) target(%dma_start3A_1299 : memref<128x128xf32, #tpu.memory_space<vmem>>) offsets(%dma_start3A_1302 : memref<128xi32, #tpu.memory_space<vmem>>) semaphore(%arg12 : memref<!tpu.dma_semaphore, #tpu.memory_space<semaphore_mem>>)
      %dma_wait3A_1306 = arith.constant 26 : i32
      %dma_wait3A_1307 = arith.constant 0 : i32
      %dma_wait3A_1308 = arith.constant 0 : i32
      %dma_wait3A_1309 = arith.constant 0 : i32
      %dma_wait3A_1310 = tpu.memref_slice %arg10[%dma_wait3A_1307, %dma_wait3A_1308, %dma_wait3A_1309] : memref<2x128x128xf32, #tpu.memory_space<vmem>> -> memref<1x128x128xf32, #tpu.memory_space<vmem>>
      %dma_wait3A_1311 = tpu.memref_squeeze %dma_wait3A_1310 : memref<1x128x128xf32, #tpu.memory_space<vmem>> -> memref<128x128xf32, #tpu.memory_space<vmem>>
      %dma_wait3A_1312 = arith.constant 0 : i32
      %dma_wait3A_1313 = tpu.memref_slice %arg8[%dma_wait3A_1306, %dma_wait3A_1312] : memref<40x128xi32, #tpu.memory_space<vmem>> -> memref<1x128xi32, #tpu.memory_space<vmem>>
      %dma_wait3A_1314 = tpu.memref_squeeze %dma_wait3A_1313 : memref<1x128xi32, #tpu.memory_space<vmem>> -> memref<128xi32, #tpu.memory_space<vmem>>
      %dma_wait3A_1315 = arith.constant 0 : i32
      %dma_wait3A_1316 = arith.constant 0 : i32
      %dma_wait3A_1317 = tpu.memref_slice %arg2[%dma_wait3A_1315, %dma_wait3A_1316] : memref<10000x128xf32, #tpu.memory_space<hbm>> -> memref<10000x128xf32, #tpu.memory_space<hbm>>
      tpu.wait_indirect_dma semaphore(%arg11 : memref<!tpu.dma_semaphore, #tpu.memory_space<semaphore_mem>>) src(%dma_wait3A_1317 : memref<10000x128xf32, #tpu.memory_space<hbm>>) dst(%dma_wait3A_1311 : memref<128x128xf32, #tpu.memory_space<vmem>>)
      %dma_start3A_1318 = arith.constant 0 : i32
      %dma_start3A_1319 = arith.constant 26 : i32
      %dma_start3A_1320 = arith.constant 0 : i32
      %dma_start3A_1321 = arith.constant 0 : i32
      %dma_start3A_1322 = tpu.memref_slice %arg10[%dma_start3A_1318, %dma_start3A_1320, %dma_start3A_1321] : memref<2x128x128xf32, #tpu.memory_space<vmem>> -> memref<1x128x128xf32, #tpu.memory_space<vmem>>
      %dma_start3A_1323 = tpu.memref_squeeze %dma_start3A_1322 : memref<1x128x128xf32, #tpu.memory_space<vmem>> -> memref<128x128xf32, #tpu.memory_space<vmem>>
      %dma_start3A_1324 = arith.constant 0 : i32
      %dma_start3A_1325 = tpu.memref_slice %arg9[%dma_start3A_1319, %dma_start3A_1324] : memref<40x128xi32, #tpu.memory_space<vmem>> -> memref<1x128xi32, #tpu.memory_space<vmem>>
      %dma_start3A_1326 = tpu.memref_squeeze %dma_start3A_1325 : memref<1x128xi32, #tpu.memory_space<vmem>> -> memref<128xi32, #tpu.memory_space<vmem>>
      %dma_start3A_1327 = arith.constant 0 : i32
      %dma_start3A_1328 = arith.constant 0 : i32
      %dma_start3A_1329 = tpu.memref_slice %arg7[%dma_start3A_1327, %dma_start3A_1328] : memref<10240x128xf32, #tpu.memory_space<vmem_shared>> -> memref<10240x128xf32, #tpu.memory_space<vmem_shared>>
      tpu.enqueue_indirect_dma source(%dma_start3A_1323 : memref<128x128xf32, #tpu.memory_space<vmem>>) target(%dma_start3A_1329 : memref<10240x128xf32, #tpu.memory_space<vmem_shared>>) offsets(%dma_start3A_1326 : memref<128xi32, #tpu.memory_space<vmem>>) semaphore(%arg13 : memref<!tpu.dma_semaphore, #tpu.memory_space<semaphore_mem>>) {add = true}
      %dma_wait3A_1330 = arith.constant 0 : i32
      %dma_wait3A_1331 = arith.constant 26 : i32
      %dma_wait3A_1332 = arith.constant 0 : i32
      %dma_wait3A_1333 = arith.constant 0 : i32
      %dma_wait3A_1334 = tpu.memref_slice %arg10[%dma_wait3A_1330, %dma_wait3A_1332, %dma_wait3A_1333] : memref<2x128x128xf32, #tpu.memory_space<vmem>> -> memref<1x128x128xf32, #tpu.memory_space<vmem>>
      %dma_wait3A_1335 = tpu.memref_squeeze %dma_wait3A_1334 : memref<1x128x128xf32, #tpu.memory_space<vmem>> -> memref<128x128xf32, #tpu.memory_space<vmem>>
      %dma_wait3A_1336 = arith.constant 0 : i32
      %dma_wait3A_1337 = tpu.memref_slice %arg9[%dma_wait3A_1331, %dma_wait3A_1336] : memref<40x128xi32, #tpu.memory_space<vmem>> -> memref<1x128xi32, #tpu.memory_space<vmem>>
      %dma_wait3A_1338 = tpu.memref_squeeze %dma_wait3A_1337 : memref<1x128xi32, #tpu.memory_space<vmem>> -> memref<128xi32, #tpu.memory_space<vmem>>
      %dma_wait3A_1339 = arith.constant 0 : i32
      %dma_wait3A_1340 = arith.constant 0 : i32
      %dma_wait3A_1341 = tpu.memref_slice %arg7[%dma_wait3A_1339, %dma_wait3A_1340] : memref<10240x128xf32, #tpu.memory_space<vmem_shared>> -> memref<10240x128xf32, #tpu.memory_space<vmem_shared>>
      tpu.wait_indirect_dma semaphore(%arg13 : memref<!tpu.dma_semaphore, #tpu.memory_space<semaphore_mem>>) src(%dma_wait3A_1335 : memref<128x128xf32, #tpu.memory_space<vmem>>) dst(%dma_wait3A_1341 : memref<10240x128xf32, #tpu.memory_space<vmem_shared>>)
      %dma_start3A_1342 = arith.constant 28 : i32
      %dma_start3A_1343 = arith.constant 0 : i32
      %dma_start3A_1344 = arith.constant 0 : i32
      %dma_start3A_1345 = arith.constant 0 : i32
      %dma_start3A_1346 = tpu.memref_slice %arg10[%dma_start3A_1343, %dma_start3A_1344, %dma_start3A_1345] : memref<2x128x128xf32, #tpu.memory_space<vmem>> -> memref<1x128x128xf32, #tpu.memory_space<vmem>>
      %dma_start3A_1347 = tpu.memref_squeeze %dma_start3A_1346 : memref<1x128x128xf32, #tpu.memory_space<vmem>> -> memref<128x128xf32, #tpu.memory_space<vmem>>
      %dma_start3A_1348 = arith.constant 0 : i32
      %dma_start3A_1349 = tpu.memref_slice %arg8[%dma_start3A_1342, %dma_start3A_1348] : memref<40x128xi32, #tpu.memory_space<vmem>> -> memref<1x128xi32, #tpu.memory_space<vmem>>
      %dma_start3A_1350 = tpu.memref_squeeze %dma_start3A_1349 : memref<1x128xi32, #tpu.memory_space<vmem>> -> memref<128xi32, #tpu.memory_space<vmem>>
      %dma_start3A_1351 = arith.constant 0 : i32
      %dma_start3A_1352 = arith.constant 0 : i32
      %dma_start3A_1353 = tpu.memref_slice %arg2[%dma_start3A_1351, %dma_start3A_1352] : memref<10000x128xf32, #tpu.memory_space<hbm>> -> memref<10000x128xf32, #tpu.memory_space<hbm>>
      tpu.enqueue_indirect_dma source(%dma_start3A_1353 : memref<10000x128xf32, #tpu.memory_space<hbm>>) target(%dma_start3A_1347 : memref<128x128xf32, #tpu.memory_space<vmem>>) offsets(%dma_start3A_1350 : memref<128xi32, #tpu.memory_space<vmem>>) semaphore(%arg11 : memref<!tpu.dma_semaphore, #tpu.memory_space<semaphore_mem>>)
      %dma_wait3A_1354 = arith.constant 27 : i32
      %dma_wait3A_1355 = arith.constant 1 : i32
      %dma_wait3A_1356 = arith.constant 0 : i32
      %dma_wait3A_1357 = arith.constant 0 : i32
      %dma_wait3A_1358 = tpu.memref_slice %arg10[%dma_wait3A_1355, %dma_wait3A_1356, %dma_wait3A_1357] : memref<2x128x128xf32, #tpu.memory_space<vmem>> -> memref<1x128x128xf32, #tpu.memory_space<vmem>>
      %dma_wait3A_1359 = tpu.memref_squeeze %dma_wait3A_1358 : memref<1x128x128xf32, #tpu.memory_space<vmem>> -> memref<128x128xf32, #tpu.memory_space<vmem>>
      %dma_wait3A_1360 = arith.constant 0 : i32
      %dma_wait3A_1361 = tpu.memref_slice %arg8[%dma_wait3A_1354, %dma_wait3A_1360] : memref<40x128xi32, #tpu.memory_space<vmem>> -> memref<1x128xi32, #tpu.memory_space<vmem>>
      %dma_wait3A_1362 = tpu.memref_squeeze %dma_wait3A_1361 : memref<1x128xi32, #tpu.memory_space<vmem>> -> memref<128xi32, #tpu.memory_space<vmem>>
      %dma_wait3A_1363 = arith.constant 0 : i32
      %dma_wait3A_1364 = arith.constant 0 : i32
      %dma_wait3A_1365 = tpu.memref_slice %arg2[%dma_wait3A_1363, %dma_wait3A_1364] : memref<10000x128xf32, #tpu.memory_space<hbm>> -> memref<10000x128xf32, #tpu.memory_space<hbm>>
      tpu.wait_indirect_dma semaphore(%arg12 : memref<!tpu.dma_semaphore, #tpu.memory_space<semaphore_mem>>) src(%dma_wait3A_1365 : memref<10000x128xf32, #tpu.memory_space<hbm>>) dst(%dma_wait3A_1359 : memref<128x128xf32, #tpu.memory_space<vmem>>)
      %dma_start3A_1366 = arith.constant 1 : i32
      %dma_start3A_1367 = arith.constant 27 : i32
      %dma_start3A_1368 = arith.constant 0 : i32
      %dma_start3A_1369 = arith.constant 0 : i32
      %dma_start3A_1370 = tpu.memref_slice %arg10[%dma_start3A_1366, %dma_start3A_1368, %dma_start3A_1369] : memref<2x128x128xf32, #tpu.memory_space<vmem>> -> memref<1x128x128xf32, #tpu.memory_space<vmem>>
      %dma_start3A_1371 = tpu.memref_squeeze %dma_start3A_1370 : memref<1x128x128xf32, #tpu.memory_space<vmem>> -> memref<128x128xf32, #tpu.memory_space<vmem>>
      %dma_start3A_1372 = arith.constant 0 : i32
      %dma_start3A_1373 = tpu.memref_slice %arg9[%dma_start3A_1367, %dma_start3A_1372] : memref<40x128xi32, #tpu.memory_space<vmem>> -> memref<1x128xi32, #tpu.memory_space<vmem>>
      %dma_start3A_1374 = tpu.memref_squeeze %dma_start3A_1373 : memref<1x128xi32, #tpu.memory_space<vmem>> -> memref<128xi32, #tpu.memory_space<vmem>>
      %dma_start3A_1375 = arith.constant 0 : i32
      %dma_start3A_1376 = arith.constant 0 : i32
      %dma_start3A_1377 = tpu.memref_slice %arg7[%dma_start3A_1375, %dma_start3A_1376] : memref<10240x128xf32, #tpu.memory_space<vmem_shared>> -> memref<10240x128xf32, #tpu.memory_space<vmem_shared>>
      tpu.enqueue_indirect_dma source(%dma_start3A_1371 : memref<128x128xf32, #tpu.memory_space<vmem>>) target(%dma_start3A_1377 : memref<10240x128xf32, #tpu.memory_space<vmem_shared>>) offsets(%dma_start3A_1374 : memref<128xi32, #tpu.memory_space<vmem>>) semaphore(%arg13 : memref<!tpu.dma_semaphore, #tpu.memory_space<semaphore_mem>>) {add = true}
      %dma_wait3A_1378 = arith.constant 1 : i32
      %dma_wait3A_1379 = arith.constant 27 : i32
      %dma_wait3A_1380 = arith.constant 0 : i32
      %dma_wait3A_1381 = arith.constant 0 : i32
      %dma_wait3A_1382 = tpu.memref_slice %arg10[%dma_wait3A_1378, %dma_wait3A_1380, %dma_wait3A_1381] : memref<2x128x128xf32, #tpu.memory_space<vmem>> -> memref<1x128x128xf32, #tpu.memory_space<vmem>>
      %dma_wait3A_1383 = tpu.memref_squeeze %dma_wait3A_1382 : memref<1x128x128xf32, #tpu.memory_space<vmem>> -> memref<128x128xf32, #tpu.memory_space<vmem>>
      %dma_wait3A_1384 = arith.constant 0 : i32
      %dma_wait3A_1385 = tpu.memref_slice %arg9[%dma_wait3A_1379, %dma_wait3A_1384] : memref<40x128xi32, #tpu.memory_space<vmem>> -> memref<1x128xi32, #tpu.memory_space<vmem>>
      %dma_wait3A_1386 = tpu.memref_squeeze %dma_wait3A_1385 : memref<1x128xi32, #tpu.memory_space<vmem>> -> memref<128xi32, #tpu.memory_space<vmem>>
      %dma_wait3A_1387 = arith.constant 0 : i32
      %dma_wait3A_1388 = arith.constant 0 : i32
      %dma_wait3A_1389 = tpu.memref_slice %arg7[%dma_wait3A_1387, %dma_wait3A_1388] : memref<10240x128xf32, #tpu.memory_space<vmem_shared>> -> memref<10240x128xf32, #tpu.memory_space<vmem_shared>>
      tpu.wait_indirect_dma semaphore(%arg13 : memref<!tpu.dma_semaphore, #tpu.memory_space<semaphore_mem>>) src(%dma_wait3A_1383 : memref<128x128xf32, #tpu.memory_space<vmem>>) dst(%dma_wait3A_1389 : memref<10240x128xf32, #tpu.memory_space<vmem_shared>>)
      %dma_start3A_1390 = arith.constant 29 : i32
      %dma_start3A_1391 = arith.constant 1 : i32
      %dma_start3A_1392 = arith.constant 0 : i32
      %dma_start3A_1393 = arith.constant 0 : i32
      %dma_start3A_1394 = tpu.memref_slice %arg10[%dma_start3A_1391, %dma_start3A_1392, %dma_start3A_1393] : memref<2x128x128xf32, #tpu.memory_space<vmem>> -> memref<1x128x128xf32, #tpu.memory_space<vmem>>
      %dma_start3A_1395 = tpu.memref_squeeze %dma_start3A_1394 : memref<1x128x128xf32, #tpu.memory_space<vmem>> -> memref<128x128xf32, #tpu.memory_space<vmem>>
      %dma_start3A_1396 = arith.constant 0 : i32
      %dma_start3A_1397 = tpu.memref_slice %arg8[%dma_start3A_1390, %dma_start3A_1396] : memref<40x128xi32, #tpu.memory_space<vmem>> -> memref<1x128xi32, #tpu.memory_space<vmem>>
      %dma_start3A_1398 = tpu.memref_squeeze %dma_start3A_1397 : memref<1x128xi32, #tpu.memory_space<vmem>> -> memref<128xi32, #tpu.memory_space<vmem>>
      %dma_start3A_1399 = arith.constant 0 : i32
      %dma_start3A_1400 = arith.constant 0 : i32
      %dma_start3A_1401 = tpu.memref_slice %arg2[%dma_start3A_1399, %dma_start3A_1400] : memref<10000x128xf32, #tpu.memory_space<hbm>> -> memref<10000x128xf32, #tpu.memory_space<hbm>>
      tpu.enqueue_indirect_dma source(%dma_start3A_1401 : memref<10000x128xf32, #tpu.memory_space<hbm>>) target(%dma_start3A_1395 : memref<128x128xf32, #tpu.memory_space<vmem>>) offsets(%dma_start3A_1398 : memref<128xi32, #tpu.memory_space<vmem>>) semaphore(%arg12 : memref<!tpu.dma_semaphore, #tpu.memory_space<semaphore_mem>>)
      %dma_wait3A_1402 = arith.constant 28 : i32
      %dma_wait3A_1403 = arith.constant 0 : i32
      %dma_wait3A_1404 = arith.constant 0 : i32
      %dma_wait3A_1405 = arith.constant 0 : i32
      %dma_wait3A_1406 = tpu.memref_slice %arg10[%dma_wait3A_1403, %dma_wait3A_1404, %dma_wait3A_1405] : memref<2x128x128xf32, #tpu.memory_space<vmem>> -> memref<1x128x128xf32, #tpu.memory_space<vmem>>
      %dma_wait3A_1407 = tpu.memref_squeeze %dma_wait3A_1406 : memref<1x128x128xf32, #tpu.memory_space<vmem>> -> memref<128x128xf32, #tpu.memory_space<vmem>>
      %dma_wait3A_1408 = arith.constant 0 : i32
      %dma_wait3A_1409 = tpu.memref_slice %arg8[%dma_wait3A_1402, %dma_wait3A_1408] : memref<40x128xi32, #tpu.memory_space<vmem>> -> memref<1x128xi32, #tpu.memory_space<vmem>>
      %dma_wait3A_1410 = tpu.memref_squeeze %dma_wait3A_1409 : memref<1x128xi32, #tpu.memory_space<vmem>> -> memref<128xi32, #tpu.memory_space<vmem>>
      %dma_wait3A_1411 = arith.constant 0 : i32
      %dma_wait3A_1412 = arith.constant 0 : i32
      %dma_wait3A_1413 = tpu.memref_slice %arg2[%dma_wait3A_1411, %dma_wait3A_1412] : memref<10000x128xf32, #tpu.memory_space<hbm>> -> memref<10000x128xf32, #tpu.memory_space<hbm>>
      tpu.wait_indirect_dma semaphore(%arg11 : memref<!tpu.dma_semaphore, #tpu.memory_space<semaphore_mem>>) src(%dma_wait3A_1413 : memref<10000x128xf32, #tpu.memory_space<hbm>>) dst(%dma_wait3A_1407 : memref<128x128xf32, #tpu.memory_space<vmem>>)
      %dma_start3A_1414 = arith.constant 0 : i32
      %dma_start3A_1415 = arith.constant 28 : i32
      %dma_start3A_1416 = arith.constant 0 : i32
      %dma_start3A_1417 = arith.constant 0 : i32
      %dma_start3A_1418 = tpu.memref_slice %arg10[%dma_start3A_1414, %dma_start3A_1416, %dma_start3A_1417] : memref<2x128x128xf32, #tpu.memory_space<vmem>> -> memref<1x128x128xf32, #tpu.memory_space<vmem>>
      %dma_start3A_1419 = tpu.memref_squeeze %dma_start3A_1418 : memref<1x128x128xf32, #tpu.memory_space<vmem>> -> memref<128x128xf32, #tpu.memory_space<vmem>>
      %dma_start3A_1420 = arith.constant 0 : i32
      %dma_start3A_1421 = tpu.memref_slice %arg9[%dma_start3A_1415, %dma_start3A_1420] : memref<40x128xi32, #tpu.memory_space<vmem>> -> memref<1x128xi32, #tpu.memory_space<vmem>>
      %dma_start3A_1422 = tpu.memref_squeeze %dma_start3A_1421 : memref<1x128xi32, #tpu.memory_space<vmem>> -> memref<128xi32, #tpu.memory_space<vmem>>
      %dma_start3A_1423 = arith.constant 0 : i32
      %dma_start3A_1424 = arith.constant 0 : i32
      %dma_start3A_1425 = tpu.memref_slice %arg7[%dma_start3A_1423, %dma_start3A_1424] : memref<10240x128xf32, #tpu.memory_space<vmem_shared>> -> memref<10240x128xf32, #tpu.memory_space<vmem_shared>>
      tpu.enqueue_indirect_dma source(%dma_start3A_1419 : memref<128x128xf32, #tpu.memory_space<vmem>>) target(%dma_start3A_1425 : memref<10240x128xf32, #tpu.memory_space<vmem_shared>>) offsets(%dma_start3A_1422 : memref<128xi32, #tpu.memory_space<vmem>>) semaphore(%arg13 : memref<!tpu.dma_semaphore, #tpu.memory_space<semaphore_mem>>) {add = true}
      %dma_wait3A_1426 = arith.constant 0 : i32
      %dma_wait3A_1427 = arith.constant 28 : i32
      %dma_wait3A_1428 = arith.constant 0 : i32
      %dma_wait3A_1429 = arith.constant 0 : i32
      %dma_wait3A_1430 = tpu.memref_slice %arg10[%dma_wait3A_1426, %dma_wait3A_1428, %dma_wait3A_1429] : memref<2x128x128xf32, #tpu.memory_space<vmem>> -> memref<1x128x128xf32, #tpu.memory_space<vmem>>
      %dma_wait3A_1431 = tpu.memref_squeeze %dma_wait3A_1430 : memref<1x128x128xf32, #tpu.memory_space<vmem>> -> memref<128x128xf32, #tpu.memory_space<vmem>>
      %dma_wait3A_1432 = arith.constant 0 : i32
      %dma_wait3A_1433 = tpu.memref_slice %arg9[%dma_wait3A_1427, %dma_wait3A_1432] : memref<40x128xi32, #tpu.memory_space<vmem>> -> memref<1x128xi32, #tpu.memory_space<vmem>>
      %dma_wait3A_1434 = tpu.memref_squeeze %dma_wait3A_1433 : memref<1x128xi32, #tpu.memory_space<vmem>> -> memref<128xi32, #tpu.memory_space<vmem>>
      %dma_wait3A_1435 = arith.constant 0 : i32
      %dma_wait3A_1436 = arith.constant 0 : i32
      %dma_wait3A_1437 = tpu.memref_slice %arg7[%dma_wait3A_1435, %dma_wait3A_1436] : memref<10240x128xf32, #tpu.memory_space<vmem_shared>> -> memref<10240x128xf32, #tpu.memory_space<vmem_shared>>
      tpu.wait_indirect_dma semaphore(%arg13 : memref<!tpu.dma_semaphore, #tpu.memory_space<semaphore_mem>>) src(%dma_wait3A_1431 : memref<128x128xf32, #tpu.memory_space<vmem>>) dst(%dma_wait3A_1437 : memref<10240x128xf32, #tpu.memory_space<vmem_shared>>)
      %dma_start3A_1438 = arith.constant 30 : i32
      %dma_start3A_1439 = arith.constant 0 : i32
      %dma_start3A_1440 = arith.constant 0 : i32
      %dma_start3A_1441 = arith.constant 0 : i32
      %dma_start3A_1442 = tpu.memref_slice %arg10[%dma_start3A_1439, %dma_start3A_1440, %dma_start3A_1441] : memref<2x128x128xf32, #tpu.memory_space<vmem>> -> memref<1x128x128xf32, #tpu.memory_space<vmem>>
      %dma_start3A_1443 = tpu.memref_squeeze %dma_start3A_1442 : memref<1x128x128xf32, #tpu.memory_space<vmem>> -> memref<128x128xf32, #tpu.memory_space<vmem>>
      %dma_start3A_1444 = arith.constant 0 : i32
      %dma_start3A_1445 = tpu.memref_slice %arg8[%dma_start3A_1438, %dma_start3A_1444] : memref<40x128xi32, #tpu.memory_space<vmem>> -> memref<1x128xi32, #tpu.memory_space<vmem>>
      %dma_start3A_1446 = tpu.memref_squeeze %dma_start3A_1445 : memref<1x128xi32, #tpu.memory_space<vmem>> -> memref<128xi32, #tpu.memory_space<vmem>>
      %dma_start3A_1447 = arith.constant 0 : i32
      %dma_start3A_1448 = arith.constant 0 : i32
      %dma_start3A_1449 = tpu.memref_slice %arg2[%dma_start3A_1447, %dma_start3A_1448] : memref<10000x128xf32, #tpu.memory_space<hbm>> -> memref<10000x128xf32, #tpu.memory_space<hbm>>
      tpu.enqueue_indirect_dma source(%dma_start3A_1449 : memref<10000x128xf32, #tpu.memory_space<hbm>>) target(%dma_start3A_1443 : memref<128x128xf32, #tpu.memory_space<vmem>>) offsets(%dma_start3A_1446 : memref<128xi32, #tpu.memory_space<vmem>>) semaphore(%arg11 : memref<!tpu.dma_semaphore, #tpu.memory_space<semaphore_mem>>)
      %dma_wait3A_1450 = arith.constant 29 : i32
      %dma_wait3A_1451 = arith.constant 1 : i32
      %dma_wait3A_1452 = arith.constant 0 : i32
      %dma_wait3A_1453 = arith.constant 0 : i32
      %dma_wait3A_1454 = tpu.memref_slice %arg10[%dma_wait3A_1451, %dma_wait3A_1452, %dma_wait3A_1453] : memref<2x128x128xf32, #tpu.memory_space<vmem>> -> memref<1x128x128xf32, #tpu.memory_space<vmem>>
      %dma_wait3A_1455 = tpu.memref_squeeze %dma_wait3A_1454 : memref<1x128x128xf32, #tpu.memory_space<vmem>> -> memref<128x128xf32, #tpu.memory_space<vmem>>
      %dma_wait3A_1456 = arith.constant 0 : i32
      %dma_wait3A_1457 = tpu.memref_slice %arg8[%dma_wait3A_1450, %dma_wait3A_1456] : memref<40x128xi32, #tpu.memory_space<vmem>> -> memref<1x128xi32, #tpu.memory_space<vmem>>
      %dma_wait3A_1458 = tpu.memref_squeeze %dma_wait3A_1457 : memref<1x128xi32, #tpu.memory_space<vmem>> -> memref<128xi32, #tpu.memory_space<vmem>>
      %dma_wait3A_1459 = arith.constant 0 : i32
      %dma_wait3A_1460 = arith.constant 0 : i32
      %dma_wait3A_1461 = tpu.memref_slice %arg2[%dma_wait3A_1459, %dma_wait3A_1460] : memref<10000x128xf32, #tpu.memory_space<hbm>> -> memref<10000x128xf32, #tpu.memory_space<hbm>>
      tpu.wait_indirect_dma semaphore(%arg12 : memref<!tpu.dma_semaphore, #tpu.memory_space<semaphore_mem>>) src(%dma_wait3A_1461 : memref<10000x128xf32, #tpu.memory_space<hbm>>) dst(%dma_wait3A_1455 : memref<128x128xf32, #tpu.memory_space<vmem>>)
      %dma_start3A_1462 = arith.constant 1 : i32
      %dma_start3A_1463 = arith.constant 29 : i32
      %dma_start3A_1464 = arith.constant 0 : i32
      %dma_start3A_1465 = arith.constant 0 : i32
      %dma_start3A_1466 = tpu.memref_slice %arg10[%dma_start3A_1462, %dma_start3A_1464, %dma_start3A_1465] : memref<2x128x128xf32, #tpu.memory_space<vmem>> -> memref<1x128x128xf32, #tpu.memory_space<vmem>>
      %dma_start3A_1467 = tpu.memref_squeeze %dma_start3A_1466 : memref<1x128x128xf32, #tpu.memory_space<vmem>> -> memref<128x128xf32, #tpu.memory_space<vmem>>
      %dma_start3A_1468 = arith.constant 0 : i32
      %dma_start3A_1469 = tpu.memref_slice %arg9[%dma_start3A_1463, %dma_start3A_1468] : memref<40x128xi32, #tpu.memory_space<vmem>> -> memref<1x128xi32, #tpu.memory_space<vmem>>
      %dma_start3A_1470 = tpu.memref_squeeze %dma_start3A_1469 : memref<1x128xi32, #tpu.memory_space<vmem>> -> memref<128xi32, #tpu.memory_space<vmem>>
      %dma_start3A_1471 = arith.constant 0 : i32
      %dma_start3A_1472 = arith.constant 0 : i32
      %dma_start3A_1473 = tpu.memref_slice %arg7[%dma_start3A_1471, %dma_start3A_1472] : memref<10240x128xf32, #tpu.memory_space<vmem_shared>> -> memref<10240x128xf32, #tpu.memory_space<vmem_shared>>
      tpu.enqueue_indirect_dma source(%dma_start3A_1467 : memref<128x128xf32, #tpu.memory_space<vmem>>) target(%dma_start3A_1473 : memref<10240x128xf32, #tpu.memory_space<vmem_shared>>) offsets(%dma_start3A_1470 : memref<128xi32, #tpu.memory_space<vmem>>) semaphore(%arg13 : memref<!tpu.dma_semaphore, #tpu.memory_space<semaphore_mem>>) {add = true}
      %dma_wait3A_1474 = arith.constant 1 : i32
      %dma_wait3A_1475 = arith.constant 29 : i32
      %dma_wait3A_1476 = arith.constant 0 : i32
      %dma_wait3A_1477 = arith.constant 0 : i32
      %dma_wait3A_1478 = tpu.memref_slice %arg10[%dma_wait3A_1474, %dma_wait3A_1476, %dma_wait3A_1477] : memref<2x128x128xf32, #tpu.memory_space<vmem>> -> memref<1x128x128xf32, #tpu.memory_space<vmem>>
      %dma_wait3A_1479 = tpu.memref_squeeze %dma_wait3A_1478 : memref<1x128x128xf32, #tpu.memory_space<vmem>> -> memref<128x128xf32, #tpu.memory_space<vmem>>
      %dma_wait3A_1480 = arith.constant 0 : i32
      %dma_wait3A_1481 = tpu.memref_slice %arg9[%dma_wait3A_1475, %dma_wait3A_1480] : memref<40x128xi32, #tpu.memory_space<vmem>> -> memref<1x128xi32, #tpu.memory_space<vmem>>
      %dma_wait3A_1482 = tpu.memref_squeeze %dma_wait3A_1481 : memref<1x128xi32, #tpu.memory_space<vmem>> -> memref<128xi32, #tpu.memory_space<vmem>>
      %dma_wait3A_1483 = arith.constant 0 : i32
      %dma_wait3A_1484 = arith.constant 0 : i32
      %dma_wait3A_1485 = tpu.memref_slice %arg7[%dma_wait3A_1483, %dma_wait3A_1484] : memref<10240x128xf32, #tpu.memory_space<vmem_shared>> -> memref<10240x128xf32, #tpu.memory_space<vmem_shared>>
      tpu.wait_indirect_dma semaphore(%arg13 : memref<!tpu.dma_semaphore, #tpu.memory_space<semaphore_mem>>) src(%dma_wait3A_1479 : memref<128x128xf32, #tpu.memory_space<vmem>>) dst(%dma_wait3A_1485 : memref<10240x128xf32, #tpu.memory_space<vmem_shared>>)
      %dma_start3A_1486 = arith.constant 31 : i32
      %dma_start3A_1487 = arith.constant 1 : i32
      %dma_start3A_1488 = arith.constant 0 : i32
      %dma_start3A_1489 = arith.constant 0 : i32
      %dma_start3A_1490 = tpu.memref_slice %arg10[%dma_start3A_1487, %dma_start3A_1488, %dma_start3A_1489] : memref<2x128x128xf32, #tpu.memory_space<vmem>> -> memref<1x128x128xf32, #tpu.memory_space<vmem>>
      %dma_start3A_1491 = tpu.memref_squeeze %dma_start3A_1490 : memref<1x128x128xf32, #tpu.memory_space<vmem>> -> memref<128x128xf32, #tpu.memory_space<vmem>>
      %dma_start3A_1492 = arith.constant 0 : i32
      %dma_start3A_1493 = tpu.memref_slice %arg8[%dma_start3A_1486, %dma_start3A_1492] : memref<40x128xi32, #tpu.memory_space<vmem>> -> memref<1x128xi32, #tpu.memory_space<vmem>>
      %dma_start3A_1494 = tpu.memref_squeeze %dma_start3A_1493 : memref<1x128xi32, #tpu.memory_space<vmem>> -> memref<128xi32, #tpu.memory_space<vmem>>
      %dma_start3A_1495 = arith.constant 0 : i32
      %dma_start3A_1496 = arith.constant 0 : i32
      %dma_start3A_1497 = tpu.memref_slice %arg2[%dma_start3A_1495, %dma_start3A_1496] : memref<10000x128xf32, #tpu.memory_space<hbm>> -> memref<10000x128xf32, #tpu.memory_space<hbm>>
      tpu.enqueue_indirect_dma source(%dma_start3A_1497 : memref<10000x128xf32, #tpu.memory_space<hbm>>) target(%dma_start3A_1491 : memref<128x128xf32, #tpu.memory_space<vmem>>) offsets(%dma_start3A_1494 : memref<128xi32, #tpu.memory_space<vmem>>) semaphore(%arg12 : memref<!tpu.dma_semaphore, #tpu.memory_space<semaphore_mem>>)
      %dma_wait3A_1498 = arith.constant 30 : i32
      %dma_wait3A_1499 = arith.constant 0 : i32
      %dma_wait3A_1500 = arith.constant 0 : i32
      %dma_wait3A_1501 = arith.constant 0 : i32
      %dma_wait3A_1502 = tpu.memref_slice %arg10[%dma_wait3A_1499, %dma_wait3A_1500, %dma_wait3A_1501] : memref<2x128x128xf32, #tpu.memory_space<vmem>> -> memref<1x128x128xf32, #tpu.memory_space<vmem>>
      %dma_wait3A_1503 = tpu.memref_squeeze %dma_wait3A_1502 : memref<1x128x128xf32, #tpu.memory_space<vmem>> -> memref<128x128xf32, #tpu.memory_space<vmem>>
      %dma_wait3A_1504 = arith.constant 0 : i32
      %dma_wait3A_1505 = tpu.memref_slice %arg8[%dma_wait3A_1498, %dma_wait3A_1504] : memref<40x128xi32, #tpu.memory_space<vmem>> -> memref<1x128xi32, #tpu.memory_space<vmem>>
      %dma_wait3A_1506 = tpu.memref_squeeze %dma_wait3A_1505 : memref<1x128xi32, #tpu.memory_space<vmem>> -> memref<128xi32, #tpu.memory_space<vmem>>
      %dma_wait3A_1507 = arith.constant 0 : i32
      %dma_wait3A_1508 = arith.constant 0 : i32
      %dma_wait3A_1509 = tpu.memref_slice %arg2[%dma_wait3A_1507, %dma_wait3A_1508] : memref<10000x128xf32, #tpu.memory_space<hbm>> -> memref<10000x128xf32, #tpu.memory_space<hbm>>
      tpu.wait_indirect_dma semaphore(%arg11 : memref<!tpu.dma_semaphore, #tpu.memory_space<semaphore_mem>>) src(%dma_wait3A_1509 : memref<10000x128xf32, #tpu.memory_space<hbm>>) dst(%dma_wait3A_1503 : memref<128x128xf32, #tpu.memory_space<vmem>>)
      %dma_start3A_1510 = arith.constant 0 : i32
      %dma_start3A_1511 = arith.constant 30 : i32
      %dma_start3A_1512 = arith.constant 0 : i32
      %dma_start3A_1513 = arith.constant 0 : i32
      %dma_start3A_1514 = tpu.memref_slice %arg10[%dma_start3A_1510, %dma_start3A_1512, %dma_start3A_1513] : memref<2x128x128xf32, #tpu.memory_space<vmem>> -> memref<1x128x128xf32, #tpu.memory_space<vmem>>
      %dma_start3A_1515 = tpu.memref_squeeze %dma_start3A_1514 : memref<1x128x128xf32, #tpu.memory_space<vmem>> -> memref<128x128xf32, #tpu.memory_space<vmem>>
      %dma_start3A_1516 = arith.constant 0 : i32
      %dma_start3A_1517 = tpu.memref_slice %arg9[%dma_start3A_1511, %dma_start3A_1516] : memref<40x128xi32, #tpu.memory_space<vmem>> -> memref<1x128xi32, #tpu.memory_space<vmem>>
      %dma_start3A_1518 = tpu.memref_squeeze %dma_start3A_1517 : memref<1x128xi32, #tpu.memory_space<vmem>> -> memref<128xi32, #tpu.memory_space<vmem>>
      %dma_start3A_1519 = arith.constant 0 : i32
      %dma_start3A_1520 = arith.constant 0 : i32
      %dma_start3A_1521 = tpu.memref_slice %arg7[%dma_start3A_1519, %dma_start3A_1520] : memref<10240x128xf32, #tpu.memory_space<vmem_shared>> -> memref<10240x128xf32, #tpu.memory_space<vmem_shared>>
      tpu.enqueue_indirect_dma source(%dma_start3A_1515 : memref<128x128xf32, #tpu.memory_space<vmem>>) target(%dma_start3A_1521 : memref<10240x128xf32, #tpu.memory_space<vmem_shared>>) offsets(%dma_start3A_1518 : memref<128xi32, #tpu.memory_space<vmem>>) semaphore(%arg13 : memref<!tpu.dma_semaphore, #tpu.memory_space<semaphore_mem>>) {add = true}
      %dma_wait3A_1522 = arith.constant 0 : i32
      %dma_wait3A_1523 = arith.constant 30 : i32
      %dma_wait3A_1524 = arith.constant 0 : i32
      %dma_wait3A_1525 = arith.constant 0 : i32
      %dma_wait3A_1526 = tpu.memref_slice %arg10[%dma_wait3A_1522, %dma_wait3A_1524, %dma_wait3A_1525] : memref<2x128x128xf32, #tpu.memory_space<vmem>> -> memref<1x128x128xf32, #tpu.memory_space<vmem>>
      %dma_wait3A_1527 = tpu.memref_squeeze %dma_wait3A_1526 : memref<1x128x128xf32, #tpu.memory_space<vmem>> -> memref<128x128xf32, #tpu.memory_space<vmem>>
      %dma_wait3A_1528 = arith.constant 0 : i32
      %dma_wait3A_1529 = tpu.memref_slice %arg9[%dma_wait3A_1523, %dma_wait3A_1528] : memref<40x128xi32, #tpu.memory_space<vmem>> -> memref<1x128xi32, #tpu.memory_space<vmem>>
      %dma_wait3A_1530 = tpu.memref_squeeze %dma_wait3A_1529 : memref<1x128xi32, #tpu.memory_space<vmem>> -> memref<128xi32, #tpu.memory_space<vmem>>
      %dma_wait3A_1531 = arith.constant 0 : i32
      %dma_wait3A_1532 = arith.constant 0 : i32
      %dma_wait3A_1533 = tpu.memref_slice %arg7[%dma_wait3A_1531, %dma_wait3A_1532] : memref<10240x128xf32, #tpu.memory_space<vmem_shared>> -> memref<10240x128xf32, #tpu.memory_space<vmem_shared>>
      tpu.wait_indirect_dma semaphore(%arg13 : memref<!tpu.dma_semaphore, #tpu.memory_space<semaphore_mem>>) src(%dma_wait3A_1527 : memref<128x128xf32, #tpu.memory_space<vmem>>) dst(%dma_wait3A_1533 : memref<10240x128xf32, #tpu.memory_space<vmem_shared>>)
      %dma_start3A_1534 = arith.constant 32 : i32
      %dma_start3A_1535 = arith.constant 0 : i32
      %dma_start3A_1536 = arith.constant 0 : i32
      %dma_start3A_1537 = arith.constant 0 : i32
      %dma_start3A_1538 = tpu.memref_slice %arg10[%dma_start3A_1535, %dma_start3A_1536, %dma_start3A_1537] : memref<2x128x128xf32, #tpu.memory_space<vmem>> -> memref<1x128x128xf32, #tpu.memory_space<vmem>>
      %dma_start3A_1539 = tpu.memref_squeeze %dma_start3A_1538 : memref<1x128x128xf32, #tpu.memory_space<vmem>> -> memref<128x128xf32, #tpu.memory_space<vmem>>
      %dma_start3A_1540 = arith.constant 0 : i32
      %dma_start3A_1541 = tpu.memref_slice %arg8[%dma_start3A_1534, %dma_start3A_1540] : memref<40x128xi32, #tpu.memory_space<vmem>> -> memref<1x128xi32, #tpu.memory_space<vmem>>
      %dma_start3A_1542 = tpu.memref_squeeze %dma_start3A_1541 : memref<1x128xi32, #tpu.memory_space<vmem>> -> memref<128xi32, #tpu.memory_space<vmem>>
      %dma_start3A_1543 = arith.constant 0 : i32
      %dma_start3A_1544 = arith.constant 0 : i32
      %dma_start3A_1545 = tpu.memref_slice %arg2[%dma_start3A_1543, %dma_start3A_1544] : memref<10000x128xf32, #tpu.memory_space<hbm>> -> memref<10000x128xf32, #tpu.memory_space<hbm>>
      tpu.enqueue_indirect_dma source(%dma_start3A_1545 : memref<10000x128xf32, #tpu.memory_space<hbm>>) target(%dma_start3A_1539 : memref<128x128xf32, #tpu.memory_space<vmem>>) offsets(%dma_start3A_1542 : memref<128xi32, #tpu.memory_space<vmem>>) semaphore(%arg11 : memref<!tpu.dma_semaphore, #tpu.memory_space<semaphore_mem>>)
      %dma_wait3A_1546 = arith.constant 31 : i32
      %dma_wait3A_1547 = arith.constant 1 : i32
      %dma_wait3A_1548 = arith.constant 0 : i32
      %dma_wait3A_1549 = arith.constant 0 : i32
      %dma_wait3A_1550 = tpu.memref_slice %arg10[%dma_wait3A_1547, %dma_wait3A_1548, %dma_wait3A_1549] : memref<2x128x128xf32, #tpu.memory_space<vmem>> -> memref<1x128x128xf32, #tpu.memory_space<vmem>>
      %dma_wait3A_1551 = tpu.memref_squeeze %dma_wait3A_1550 : memref<1x128x128xf32, #tpu.memory_space<vmem>> -> memref<128x128xf32, #tpu.memory_space<vmem>>
      %dma_wait3A_1552 = arith.constant 0 : i32
      %dma_wait3A_1553 = tpu.memref_slice %arg8[%dma_wait3A_1546, %dma_wait3A_1552] : memref<40x128xi32, #tpu.memory_space<vmem>> -> memref<1x128xi32, #tpu.memory_space<vmem>>
      %dma_wait3A_1554 = tpu.memref_squeeze %dma_wait3A_1553 : memref<1x128xi32, #tpu.memory_space<vmem>> -> memref<128xi32, #tpu.memory_space<vmem>>
      %dma_wait3A_1555 = arith.constant 0 : i32
      %dma_wait3A_1556 = arith.constant 0 : i32
      %dma_wait3A_1557 = tpu.memref_slice %arg2[%dma_wait3A_1555, %dma_wait3A_1556] : memref<10000x128xf32, #tpu.memory_space<hbm>> -> memref<10000x128xf32, #tpu.memory_space<hbm>>
      tpu.wait_indirect_dma semaphore(%arg12 : memref<!tpu.dma_semaphore, #tpu.memory_space<semaphore_mem>>) src(%dma_wait3A_1557 : memref<10000x128xf32, #tpu.memory_space<hbm>>) dst(%dma_wait3A_1551 : memref<128x128xf32, #tpu.memory_space<vmem>>)
      %dma_start3A_1558 = arith.constant 1 : i32
      %dma_start3A_1559 = arith.constant 31 : i32
      %dma_start3A_1560 = arith.constant 0 : i32
      %dma_start3A_1561 = arith.constant 0 : i32
      %dma_start3A_1562 = tpu.memref_slice %arg10[%dma_start3A_1558, %dma_start3A_1560, %dma_start3A_1561] : memref<2x128x128xf32, #tpu.memory_space<vmem>> -> memref<1x128x128xf32, #tpu.memory_space<vmem>>
      %dma_start3A_1563 = tpu.memref_squeeze %dma_start3A_1562 : memref<1x128x128xf32, #tpu.memory_space<vmem>> -> memref<128x128xf32, #tpu.memory_space<vmem>>
      %dma_start3A_1564 = arith.constant 0 : i32
      %dma_start3A_1565 = tpu.memref_slice %arg9[%dma_start3A_1559, %dma_start3A_1564] : memref<40x128xi32, #tpu.memory_space<vmem>> -> memref<1x128xi32, #tpu.memory_space<vmem>>
      %dma_start3A_1566 = tpu.memref_squeeze %dma_start3A_1565 : memref<1x128xi32, #tpu.memory_space<vmem>> -> memref<128xi32, #tpu.memory_space<vmem>>
      %dma_start3A_1567 = arith.constant 0 : i32
      %dma_start3A_1568 = arith.constant 0 : i32
      %dma_start3A_1569 = tpu.memref_slice %arg7[%dma_start3A_1567, %dma_start3A_1568] : memref<10240x128xf32, #tpu.memory_space<vmem_shared>> -> memref<10240x128xf32, #tpu.memory_space<vmem_shared>>
      tpu.enqueue_indirect_dma source(%dma_start3A_1563 : memref<128x128xf32, #tpu.memory_space<vmem>>) target(%dma_start3A_1569 : memref<10240x128xf32, #tpu.memory_space<vmem_shared>>) offsets(%dma_start3A_1566 : memref<128xi32, #tpu.memory_space<vmem>>) semaphore(%arg13 : memref<!tpu.dma_semaphore, #tpu.memory_space<semaphore_mem>>) {add = true}
      %dma_wait3A_1570 = arith.constant 1 : i32
      %dma_wait3A_1571 = arith.constant 31 : i32
      %dma_wait3A_1572 = arith.constant 0 : i32
      %dma_wait3A_1573 = arith.constant 0 : i32
      %dma_wait3A_1574 = tpu.memref_slice %arg10[%dma_wait3A_1570, %dma_wait3A_1572, %dma_wait3A_1573] : memref<2x128x128xf32, #tpu.memory_space<vmem>> -> memref<1x128x128xf32, #tpu.memory_space<vmem>>
      %dma_wait3A_1575 = tpu.memref_squeeze %dma_wait3A_1574 : memref<1x128x128xf32, #tpu.memory_space<vmem>> -> memref<128x128xf32, #tpu.memory_space<vmem>>
      %dma_wait3A_1576 = arith.constant 0 : i32
      %dma_wait3A_1577 = tpu.memref_slice %arg9[%dma_wait3A_1571, %dma_wait3A_1576] : memref<40x128xi32, #tpu.memory_space<vmem>> -> memref<1x128xi32, #tpu.memory_space<vmem>>
      %dma_wait3A_1578 = tpu.memref_squeeze %dma_wait3A_1577 : memref<1x128xi32, #tpu.memory_space<vmem>> -> memref<128xi32, #tpu.memory_space<vmem>>
      %dma_wait3A_1579 = arith.constant 0 : i32
      %dma_wait3A_1580 = arith.constant 0 : i32
      %dma_wait3A_1581 = tpu.memref_slice %arg7[%dma_wait3A_1579, %dma_wait3A_1580] : memref<10240x128xf32, #tpu.memory_space<vmem_shared>> -> memref<10240x128xf32, #tpu.memory_space<vmem_shared>>
      tpu.wait_indirect_dma semaphore(%arg13 : memref<!tpu.dma_semaphore, #tpu.memory_space<semaphore_mem>>) src(%dma_wait3A_1575 : memref<128x128xf32, #tpu.memory_space<vmem>>) dst(%dma_wait3A_1581 : memref<10240x128xf32, #tpu.memory_space<vmem_shared>>)
      %dma_start3A_1582 = arith.constant 33 : i32
      %dma_start3A_1583 = arith.constant 1 : i32
      %dma_start3A_1584 = arith.constant 0 : i32
      %dma_start3A_1585 = arith.constant 0 : i32
      %dma_start3A_1586 = tpu.memref_slice %arg10[%dma_start3A_1583, %dma_start3A_1584, %dma_start3A_1585] : memref<2x128x128xf32, #tpu.memory_space<vmem>> -> memref<1x128x128xf32, #tpu.memory_space<vmem>>
      %dma_start3A_1587 = tpu.memref_squeeze %dma_start3A_1586 : memref<1x128x128xf32, #tpu.memory_space<vmem>> -> memref<128x128xf32, #tpu.memory_space<vmem>>
      %dma_start3A_1588 = arith.constant 0 : i32
      %dma_start3A_1589 = tpu.memref_slice %arg8[%dma_start3A_1582, %dma_start3A_1588] : memref<40x128xi32, #tpu.memory_space<vmem>> -> memref<1x128xi32, #tpu.memory_space<vmem>>
      %dma_start3A_1590 = tpu.memref_squeeze %dma_start3A_1589 : memref<1x128xi32, #tpu.memory_space<vmem>> -> memref<128xi32, #tpu.memory_space<vmem>>
      %dma_start3A_1591 = arith.constant 0 : i32
      %dma_start3A_1592 = arith.constant 0 : i32
      %dma_start3A_1593 = tpu.memref_slice %arg2[%dma_start3A_1591, %dma_start3A_1592] : memref<10000x128xf32, #tpu.memory_space<hbm>> -> memref<10000x128xf32, #tpu.memory_space<hbm>>
      tpu.enqueue_indirect_dma source(%dma_start3A_1593 : memref<10000x128xf32, #tpu.memory_space<hbm>>) target(%dma_start3A_1587 : memref<128x128xf32, #tpu.memory_space<vmem>>) offsets(%dma_start3A_1590 : memref<128xi32, #tpu.memory_space<vmem>>) semaphore(%arg12 : memref<!tpu.dma_semaphore, #tpu.memory_space<semaphore_mem>>)
      %dma_wait3A_1594 = arith.constant 32 : i32
      %dma_wait3A_1595 = arith.constant 0 : i32
      %dma_wait3A_1596 = arith.constant 0 : i32
      %dma_wait3A_1597 = arith.constant 0 : i32
      %dma_wait3A_1598 = tpu.memref_slice %arg10[%dma_wait3A_1595, %dma_wait3A_1596, %dma_wait3A_1597] : memref<2x128x128xf32, #tpu.memory_space<vmem>> -> memref<1x128x128xf32, #tpu.memory_space<vmem>>
      %dma_wait3A_1599 = tpu.memref_squeeze %dma_wait3A_1598 : memref<1x128x128xf32, #tpu.memory_space<vmem>> -> memref<128x128xf32, #tpu.memory_space<vmem>>
      %dma_wait3A_1600 = arith.constant 0 : i32
      %dma_wait3A_1601 = tpu.memref_slice %arg8[%dma_wait3A_1594, %dma_wait3A_1600] : memref<40x128xi32, #tpu.memory_space<vmem>> -> memref<1x128xi32, #tpu.memory_space<vmem>>
      %dma_wait3A_1602 = tpu.memref_squeeze %dma_wait3A_1601 : memref<1x128xi32, #tpu.memory_space<vmem>> -> memref<128xi32, #tpu.memory_space<vmem>>
      %dma_wait3A_1603 = arith.constant 0 : i32
      %dma_wait3A_1604 = arith.constant 0 : i32
      %dma_wait3A_1605 = tpu.memref_slice %arg2[%dma_wait3A_1603, %dma_wait3A_1604] : memref<10000x128xf32, #tpu.memory_space<hbm>> -> memref<10000x128xf32, #tpu.memory_space<hbm>>
      tpu.wait_indirect_dma semaphore(%arg11 : memref<!tpu.dma_semaphore, #tpu.memory_space<semaphore_mem>>) src(%dma_wait3A_1605 : memref<10000x128xf32, #tpu.memory_space<hbm>>) dst(%dma_wait3A_1599 : memref<128x128xf32, #tpu.memory_space<vmem>>)
      %dma_start3A_1606 = arith.constant 0 : i32
      %dma_start3A_1607 = arith.constant 32 : i32
      %dma_start3A_1608 = arith.constant 0 : i32
      %dma_start3A_1609 = arith.constant 0 : i32
      %dma_start3A_1610 = tpu.memref_slice %arg10[%dma_start3A_1606, %dma_start3A_1608, %dma_start3A_1609] : memref<2x128x128xf32, #tpu.memory_space<vmem>> -> memref<1x128x128xf32, #tpu.memory_space<vmem>>
      %dma_start3A_1611 = tpu.memref_squeeze %dma_start3A_1610 : memref<1x128x128xf32, #tpu.memory_space<vmem>> -> memref<128x128xf32, #tpu.memory_space<vmem>>
      %dma_start3A_1612 = arith.constant 0 : i32
      %dma_start3A_1613 = tpu.memref_slice %arg9[%dma_start3A_1607, %dma_start3A_1612] : memref<40x128xi32, #tpu.memory_space<vmem>> -> memref<1x128xi32, #tpu.memory_space<vmem>>
      %dma_start3A_1614 = tpu.memref_squeeze %dma_start3A_1613 : memref<1x128xi32, #tpu.memory_space<vmem>> -> memref<128xi32, #tpu.memory_space<vmem>>
      %dma_start3A_1615 = arith.constant 0 : i32
      %dma_start3A_1616 = arith.constant 0 : i32
      %dma_start3A_1617 = tpu.memref_slice %arg7[%dma_start3A_1615, %dma_start3A_1616] : memref<10240x128xf32, #tpu.memory_space<vmem_shared>> -> memref<10240x128xf32, #tpu.memory_space<vmem_shared>>
      tpu.enqueue_indirect_dma source(%dma_start3A_1611 : memref<128x128xf32, #tpu.memory_space<vmem>>) target(%dma_start3A_1617 : memref<10240x128xf32, #tpu.memory_space<vmem_shared>>) offsets(%dma_start3A_1614 : memref<128xi32, #tpu.memory_space<vmem>>) semaphore(%arg13 : memref<!tpu.dma_semaphore, #tpu.memory_space<semaphore_mem>>) {add = true}
      %dma_wait3A_1618 = arith.constant 0 : i32
      %dma_wait3A_1619 = arith.constant 32 : i32
      %dma_wait3A_1620 = arith.constant 0 : i32
      %dma_wait3A_1621 = arith.constant 0 : i32
      %dma_wait3A_1622 = tpu.memref_slice %arg10[%dma_wait3A_1618, %dma_wait3A_1620, %dma_wait3A_1621] : memref<2x128x128xf32, #tpu.memory_space<vmem>> -> memref<1x128x128xf32, #tpu.memory_space<vmem>>
      %dma_wait3A_1623 = tpu.memref_squeeze %dma_wait3A_1622 : memref<1x128x128xf32, #tpu.memory_space<vmem>> -> memref<128x128xf32, #tpu.memory_space<vmem>>
      %dma_wait3A_1624 = arith.constant 0 : i32
      %dma_wait3A_1625 = tpu.memref_slice %arg9[%dma_wait3A_1619, %dma_wait3A_1624] : memref<40x128xi32, #tpu.memory_space<vmem>> -> memref<1x128xi32, #tpu.memory_space<vmem>>
      %dma_wait3A_1626 = tpu.memref_squeeze %dma_wait3A_1625 : memref<1x128xi32, #tpu.memory_space<vmem>> -> memref<128xi32, #tpu.memory_space<vmem>>
      %dma_wait3A_1627 = arith.constant 0 : i32
      %dma_wait3A_1628 = arith.constant 0 : i32
      %dma_wait3A_1629 = tpu.memref_slice %arg7[%dma_wait3A_1627, %dma_wait3A_1628] : memref<10240x128xf32, #tpu.memory_space<vmem_shared>> -> memref<10240x128xf32, #tpu.memory_space<vmem_shared>>
      tpu.wait_indirect_dma semaphore(%arg13 : memref<!tpu.dma_semaphore, #tpu.memory_space<semaphore_mem>>) src(%dma_wait3A_1623 : memref<128x128xf32, #tpu.memory_space<vmem>>) dst(%dma_wait3A_1629 : memref<10240x128xf32, #tpu.memory_space<vmem_shared>>)
      %dma_start3A_1630 = arith.constant 34 : i32
      %dma_start3A_1631 = arith.constant 0 : i32
      %dma_start3A_1632 = arith.constant 0 : i32
      %dma_start3A_1633 = arith.constant 0 : i32
      %dma_start3A_1634 = tpu.memref_slice %arg10[%dma_start3A_1631, %dma_start3A_1632, %dma_start3A_1633] : memref<2x128x128xf32, #tpu.memory_space<vmem>> -> memref<1x128x128xf32, #tpu.memory_space<vmem>>
      %dma_start3A_1635 = tpu.memref_squeeze %dma_start3A_1634 : memref<1x128x128xf32, #tpu.memory_space<vmem>> -> memref<128x128xf32, #tpu.memory_space<vmem>>
      %dma_start3A_1636 = arith.constant 0 : i32
      %dma_start3A_1637 = tpu.memref_slice %arg8[%dma_start3A_1630, %dma_start3A_1636] : memref<40x128xi32, #tpu.memory_space<vmem>> -> memref<1x128xi32, #tpu.memory_space<vmem>>
      %dma_start3A_1638 = tpu.memref_squeeze %dma_start3A_1637 : memref<1x128xi32, #tpu.memory_space<vmem>> -> memref<128xi32, #tpu.memory_space<vmem>>
      %dma_start3A_1639 = arith.constant 0 : i32
      %dma_start3A_1640 = arith.constant 0 : i32
      %dma_start3A_1641 = tpu.memref_slice %arg2[%dma_start3A_1639, %dma_start3A_1640] : memref<10000x128xf32, #tpu.memory_space<hbm>> -> memref<10000x128xf32, #tpu.memory_space<hbm>>
      tpu.enqueue_indirect_dma source(%dma_start3A_1641 : memref<10000x128xf32, #tpu.memory_space<hbm>>) target(%dma_start3A_1635 : memref<128x128xf32, #tpu.memory_space<vmem>>) offsets(%dma_start3A_1638 : memref<128xi32, #tpu.memory_space<vmem>>) semaphore(%arg11 : memref<!tpu.dma_semaphore, #tpu.memory_space<semaphore_mem>>)
      %dma_wait3A_1642 = arith.constant 33 : i32
      %dma_wait3A_1643 = arith.constant 1 : i32
      %dma_wait3A_1644 = arith.constant 0 : i32
      %dma_wait3A_1645 = arith.constant 0 : i32
      %dma_wait3A_1646 = tpu.memref_slice %arg10[%dma_wait3A_1643, %dma_wait3A_1644, %dma_wait3A_1645] : memref<2x128x128xf32, #tpu.memory_space<vmem>> -> memref<1x128x128xf32, #tpu.memory_space<vmem>>
      %dma_wait3A_1647 = tpu.memref_squeeze %dma_wait3A_1646 : memref<1x128x128xf32, #tpu.memory_space<vmem>> -> memref<128x128xf32, #tpu.memory_space<vmem>>
      %dma_wait3A_1648 = arith.constant 0 : i32
      %dma_wait3A_1649 = tpu.memref_slice %arg8[%dma_wait3A_1642, %dma_wait3A_1648] : memref<40x128xi32, #tpu.memory_space<vmem>> -> memref<1x128xi32, #tpu.memory_space<vmem>>
      %dma_wait3A_1650 = tpu.memref_squeeze %dma_wait3A_1649 : memref<1x128xi32, #tpu.memory_space<vmem>> -> memref<128xi32, #tpu.memory_space<vmem>>
      %dma_wait3A_1651 = arith.constant 0 : i32
      %dma_wait3A_1652 = arith.constant 0 : i32
      %dma_wait3A_1653 = tpu.memref_slice %arg2[%dma_wait3A_1651, %dma_wait3A_1652] : memref<10000x128xf32, #tpu.memory_space<hbm>> -> memref<10000x128xf32, #tpu.memory_space<hbm>>
      tpu.wait_indirect_dma semaphore(%arg12 : memref<!tpu.dma_semaphore, #tpu.memory_space<semaphore_mem>>) src(%dma_wait3A_1653 : memref<10000x128xf32, #tpu.memory_space<hbm>>) dst(%dma_wait3A_1647 : memref<128x128xf32, #tpu.memory_space<vmem>>)
      %dma_start3A_1654 = arith.constant 1 : i32
      %dma_start3A_1655 = arith.constant 33 : i32
      %dma_start3A_1656 = arith.constant 0 : i32
      %dma_start3A_1657 = arith.constant 0 : i32
      %dma_start3A_1658 = tpu.memref_slice %arg10[%dma_start3A_1654, %dma_start3A_1656, %dma_start3A_1657] : memref<2x128x128xf32, #tpu.memory_space<vmem>> -> memref<1x128x128xf32, #tpu.memory_space<vmem>>
      %dma_start3A_1659 = tpu.memref_squeeze %dma_start3A_1658 : memref<1x128x128xf32, #tpu.memory_space<vmem>> -> memref<128x128xf32, #tpu.memory_space<vmem>>
      %dma_start3A_1660 = arith.constant 0 : i32
      %dma_start3A_1661 = tpu.memref_slice %arg9[%dma_start3A_1655, %dma_start3A_1660] : memref<40x128xi32, #tpu.memory_space<vmem>> -> memref<1x128xi32, #tpu.memory_space<vmem>>
      %dma_start3A_1662 = tpu.memref_squeeze %dma_start3A_1661 : memref<1x128xi32, #tpu.memory_space<vmem>> -> memref<128xi32, #tpu.memory_space<vmem>>
      %dma_start3A_1663 = arith.constant 0 : i32
      %dma_start3A_1664 = arith.constant 0 : i32
      %dma_start3A_1665 = tpu.memref_slice %arg7[%dma_start3A_1663, %dma_start3A_1664] : memref<10240x128xf32, #tpu.memory_space<vmem_shared>> -> memref<10240x128xf32, #tpu.memory_space<vmem_shared>>
      tpu.enqueue_indirect_dma source(%dma_start3A_1659 : memref<128x128xf32, #tpu.memory_space<vmem>>) target(%dma_start3A_1665 : memref<10240x128xf32, #tpu.memory_space<vmem_shared>>) offsets(%dma_start3A_1662 : memref<128xi32, #tpu.memory_space<vmem>>) semaphore(%arg13 : memref<!tpu.dma_semaphore, #tpu.memory_space<semaphore_mem>>) {add = true}
      %dma_wait3A_1666 = arith.constant 1 : i32
      %dma_wait3A_1667 = arith.constant 33 : i32
      %dma_wait3A_1668 = arith.constant 0 : i32
      %dma_wait3A_1669 = arith.constant 0 : i32
      %dma_wait3A_1670 = tpu.memref_slice %arg10[%dma_wait3A_1666, %dma_wait3A_1668, %dma_wait3A_1669] : memref<2x128x128xf32, #tpu.memory_space<vmem>> -> memref<1x128x128xf32, #tpu.memory_space<vmem>>
      %dma_wait3A_1671 = tpu.memref_squeeze %dma_wait3A_1670 : memref<1x128x128xf32, #tpu.memory_space<vmem>> -> memref<128x128xf32, #tpu.memory_space<vmem>>
      %dma_wait3A_1672 = arith.constant 0 : i32
      %dma_wait3A_1673 = tpu.memref_slice %arg9[%dma_wait3A_1667, %dma_wait3A_1672] : memref<40x128xi32, #tpu.memory_space<vmem>> -> memref<1x128xi32, #tpu.memory_space<vmem>>
      %dma_wait3A_1674 = tpu.memref_squeeze %dma_wait3A_1673 : memref<1x128xi32, #tpu.memory_space<vmem>> -> memref<128xi32, #tpu.memory_space<vmem>>
      %dma_wait3A_1675 = arith.constant 0 : i32
      %dma_wait3A_1676 = arith.constant 0 : i32
      %dma_wait3A_1677 = tpu.memref_slice %arg7[%dma_wait3A_1675, %dma_wait3A_1676] : memref<10240x128xf32, #tpu.memory_space<vmem_shared>> -> memref<10240x128xf32, #tpu.memory_space<vmem_shared>>
      tpu.wait_indirect_dma semaphore(%arg13 : memref<!tpu.dma_semaphore, #tpu.memory_space<semaphore_mem>>) src(%dma_wait3A_1671 : memref<128x128xf32, #tpu.memory_space<vmem>>) dst(%dma_wait3A_1677 : memref<10240x128xf32, #tpu.memory_space<vmem_shared>>)
      %dma_start3A_1678 = arith.constant 35 : i32
      %dma_start3A_1679 = arith.constant 1 : i32
      %dma_start3A_1680 = arith.constant 0 : i32
      %dma_start3A_1681 = arith.constant 0 : i32
      %dma_start3A_1682 = tpu.memref_slice %arg10[%dma_start3A_1679, %dma_start3A_1680, %dma_start3A_1681] : memref<2x128x128xf32, #tpu.memory_space<vmem>> -> memref<1x128x128xf32, #tpu.memory_space<vmem>>
      %dma_start3A_1683 = tpu.memref_squeeze %dma_start3A_1682 : memref<1x128x128xf32, #tpu.memory_space<vmem>> -> memref<128x128xf32, #tpu.memory_space<vmem>>
      %dma_start3A_1684 = arith.constant 0 : i32
      %dma_start3A_1685 = tpu.memref_slice %arg8[%dma_start3A_1678, %dma_start3A_1684] : memref<40x128xi32, #tpu.memory_space<vmem>> -> memref<1x128xi32, #tpu.memory_space<vmem>>
      %dma_start3A_1686 = tpu.memref_squeeze %dma_start3A_1685 : memref<1x128xi32, #tpu.memory_space<vmem>> -> memref<128xi32, #tpu.memory_space<vmem>>
      %dma_start3A_1687 = arith.constant 0 : i32
      %dma_start3A_1688 = arith.constant 0 : i32
      %dma_start3A_1689 = tpu.memref_slice %arg2[%dma_start3A_1687, %dma_start3A_1688] : memref<10000x128xf32, #tpu.memory_space<hbm>> -> memref<10000x128xf32, #tpu.memory_space<hbm>>
      tpu.enqueue_indirect_dma source(%dma_start3A_1689 : memref<10000x128xf32, #tpu.memory_space<hbm>>) target(%dma_start3A_1683 : memref<128x128xf32, #tpu.memory_space<vmem>>) offsets(%dma_start3A_1686 : memref<128xi32, #tpu.memory_space<vmem>>) semaphore(%arg12 : memref<!tpu.dma_semaphore, #tpu.memory_space<semaphore_mem>>)
      %dma_wait3A_1690 = arith.constant 34 : i32
      %dma_wait3A_1691 = arith.constant 0 : i32
      %dma_wait3A_1692 = arith.constant 0 : i32
      %dma_wait3A_1693 = arith.constant 0 : i32
      %dma_wait3A_1694 = tpu.memref_slice %arg10[%dma_wait3A_1691, %dma_wait3A_1692, %dma_wait3A_1693] : memref<2x128x128xf32, #tpu.memory_space<vmem>> -> memref<1x128x128xf32, #tpu.memory_space<vmem>>
      %dma_wait3A_1695 = tpu.memref_squeeze %dma_wait3A_1694 : memref<1x128x128xf32, #tpu.memory_space<vmem>> -> memref<128x128xf32, #tpu.memory_space<vmem>>
      %dma_wait3A_1696 = arith.constant 0 : i32
      %dma_wait3A_1697 = tpu.memref_slice %arg8[%dma_wait3A_1690, %dma_wait3A_1696] : memref<40x128xi32, #tpu.memory_space<vmem>> -> memref<1x128xi32, #tpu.memory_space<vmem>>
      %dma_wait3A_1698 = tpu.memref_squeeze %dma_wait3A_1697 : memref<1x128xi32, #tpu.memory_space<vmem>> -> memref<128xi32, #tpu.memory_space<vmem>>
      %dma_wait3A_1699 = arith.constant 0 : i32
      %dma_wait3A_1700 = arith.constant 0 : i32
      %dma_wait3A_1701 = tpu.memref_slice %arg2[%dma_wait3A_1699, %dma_wait3A_1700] : memref<10000x128xf32, #tpu.memory_space<hbm>> -> memref<10000x128xf32, #tpu.memory_space<hbm>>
      tpu.wait_indirect_dma semaphore(%arg11 : memref<!tpu.dma_semaphore, #tpu.memory_space<semaphore_mem>>) src(%dma_wait3A_1701 : memref<10000x128xf32, #tpu.memory_space<hbm>>) dst(%dma_wait3A_1695 : memref<128x128xf32, #tpu.memory_space<vmem>>)
      %dma_start3A_1702 = arith.constant 0 : i32
      %dma_start3A_1703 = arith.constant 34 : i32
      %dma_start3A_1704 = arith.constant 0 : i32
      %dma_start3A_1705 = arith.constant 0 : i32
      %dma_start3A_1706 = tpu.memref_slice %arg10[%dma_start3A_1702, %dma_start3A_1704, %dma_start3A_1705] : memref<2x128x128xf32, #tpu.memory_space<vmem>> -> memref<1x128x128xf32, #tpu.memory_space<vmem>>
      %dma_start3A_1707 = tpu.memref_squeeze %dma_start3A_1706 : memref<1x128x128xf32, #tpu.memory_space<vmem>> -> memref<128x128xf32, #tpu.memory_space<vmem>>
      %dma_start3A_1708 = arith.constant 0 : i32
      %dma_start3A_1709 = tpu.memref_slice %arg9[%dma_start3A_1703, %dma_start3A_1708] : memref<40x128xi32, #tpu.memory_space<vmem>> -> memref<1x128xi32, #tpu.memory_space<vmem>>
      %dma_start3A_1710 = tpu.memref_squeeze %dma_start3A_1709 : memref<1x128xi32, #tpu.memory_space<vmem>> -> memref<128xi32, #tpu.memory_space<vmem>>
      %dma_start3A_1711 = arith.constant 0 : i32
      %dma_start3A_1712 = arith.constant 0 : i32
      %dma_start3A_1713 = tpu.memref_slice %arg7[%dma_start3A_1711, %dma_start3A_1712] : memref<10240x128xf32, #tpu.memory_space<vmem_shared>> -> memref<10240x128xf32, #tpu.memory_space<vmem_shared>>
      tpu.enqueue_indirect_dma source(%dma_start3A_1707 : memref<128x128xf32, #tpu.memory_space<vmem>>) target(%dma_start3A_1713 : memref<10240x128xf32, #tpu.memory_space<vmem_shared>>) offsets(%dma_start3A_1710 : memref<128xi32, #tpu.memory_space<vmem>>) semaphore(%arg13 : memref<!tpu.dma_semaphore, #tpu.memory_space<semaphore_mem>>) {add = true}
      %dma_wait3A_1714 = arith.constant 0 : i32
      %dma_wait3A_1715 = arith.constant 34 : i32
      %dma_wait3A_1716 = arith.constant 0 : i32
      %dma_wait3A_1717 = arith.constant 0 : i32
      %dma_wait3A_1718 = tpu.memref_slice %arg10[%dma_wait3A_1714, %dma_wait3A_1716, %dma_wait3A_1717] : memref<2x128x128xf32, #tpu.memory_space<vmem>> -> memref<1x128x128xf32, #tpu.memory_space<vmem>>
      %dma_wait3A_1719 = tpu.memref_squeeze %dma_wait3A_1718 : memref<1x128x128xf32, #tpu.memory_space<vmem>> -> memref<128x128xf32, #tpu.memory_space<vmem>>
      %dma_wait3A_1720 = arith.constant 0 : i32
      %dma_wait3A_1721 = tpu.memref_slice %arg9[%dma_wait3A_1715, %dma_wait3A_1720] : memref<40x128xi32, #tpu.memory_space<vmem>> -> memref<1x128xi32, #tpu.memory_space<vmem>>
      %dma_wait3A_1722 = tpu.memref_squeeze %dma_wait3A_1721 : memref<1x128xi32, #tpu.memory_space<vmem>> -> memref<128xi32, #tpu.memory_space<vmem>>
      %dma_wait3A_1723 = arith.constant 0 : i32
      %dma_wait3A_1724 = arith.constant 0 : i32
      %dma_wait3A_1725 = tpu.memref_slice %arg7[%dma_wait3A_1723, %dma_wait3A_1724] : memref<10240x128xf32, #tpu.memory_space<vmem_shared>> -> memref<10240x128xf32, #tpu.memory_space<vmem_shared>>
      tpu.wait_indirect_dma semaphore(%arg13 : memref<!tpu.dma_semaphore, #tpu.memory_space<semaphore_mem>>) src(%dma_wait3A_1719 : memref<128x128xf32, #tpu.memory_space<vmem>>) dst(%dma_wait3A_1725 : memref<10240x128xf32, #tpu.memory_space<vmem_shared>>)
      %dma_start3A_1726 = arith.constant 36 : i32
      %dma_start3A_1727 = arith.constant 0 : i32
      %dma_start3A_1728 = arith.constant 0 : i32
      %dma_start3A_1729 = arith.constant 0 : i32
      %dma_start3A_1730 = tpu.memref_slice %arg10[%dma_start3A_1727, %dma_start3A_1728, %dma_start3A_1729] : memref<2x128x128xf32, #tpu.memory_space<vmem>> -> memref<1x128x128xf32, #tpu.memory_space<vmem>>
      %dma_start3A_1731 = tpu.memref_squeeze %dma_start3A_1730 : memref<1x128x128xf32, #tpu.memory_space<vmem>> -> memref<128x128xf32, #tpu.memory_space<vmem>>
      %dma_start3A_1732 = arith.constant 0 : i32
      %dma_start3A_1733 = tpu.memref_slice %arg8[%dma_start3A_1726, %dma_start3A_1732] : memref<40x128xi32, #tpu.memory_space<vmem>> -> memref<1x128xi32, #tpu.memory_space<vmem>>
      %dma_start3A_1734 = tpu.memref_squeeze %dma_start3A_1733 : memref<1x128xi32, #tpu.memory_space<vmem>> -> memref<128xi32, #tpu.memory_space<vmem>>
      %dma_start3A_1735 = arith.constant 0 : i32
      %dma_start3A_1736 = arith.constant 0 : i32
      %dma_start3A_1737 = tpu.memref_slice %arg2[%dma_start3A_1735, %dma_start3A_1736] : memref<10000x128xf32, #tpu.memory_space<hbm>> -> memref<10000x128xf32, #tpu.memory_space<hbm>>
      tpu.enqueue_indirect_dma source(%dma_start3A_1737 : memref<10000x128xf32, #tpu.memory_space<hbm>>) target(%dma_start3A_1731 : memref<128x128xf32, #tpu.memory_space<vmem>>) offsets(%dma_start3A_1734 : memref<128xi32, #tpu.memory_space<vmem>>) semaphore(%arg11 : memref<!tpu.dma_semaphore, #tpu.memory_space<semaphore_mem>>)
      %dma_wait3A_1738 = arith.constant 35 : i32
      %dma_wait3A_1739 = arith.constant 1 : i32
      %dma_wait3A_1740 = arith.constant 0 : i32
      %dma_wait3A_1741 = arith.constant 0 : i32
      %dma_wait3A_1742 = tpu.memref_slice %arg10[%dma_wait3A_1739, %dma_wait3A_1740, %dma_wait3A_1741] : memref<2x128x128xf32, #tpu.memory_space<vmem>> -> memref<1x128x128xf32, #tpu.memory_space<vmem>>
      %dma_wait3A_1743 = tpu.memref_squeeze %dma_wait3A_1742 : memref<1x128x128xf32, #tpu.memory_space<vmem>> -> memref<128x128xf32, #tpu.memory_space<vmem>>
      %dma_wait3A_1744 = arith.constant 0 : i32
      %dma_wait3A_1745 = tpu.memref_slice %arg8[%dma_wait3A_1738, %dma_wait3A_1744] : memref<40x128xi32, #tpu.memory_space<vmem>> -> memref<1x128xi32, #tpu.memory_space<vmem>>
      %dma_wait3A_1746 = tpu.memref_squeeze %dma_wait3A_1745 : memref<1x128xi32, #tpu.memory_space<vmem>> -> memref<128xi32, #tpu.memory_space<vmem>>
      %dma_wait3A_1747 = arith.constant 0 : i32
      %dma_wait3A_1748 = arith.constant 0 : i32
      %dma_wait3A_1749 = tpu.memref_slice %arg2[%dma_wait3A_1747, %dma_wait3A_1748] : memref<10000x128xf32, #tpu.memory_space<hbm>> -> memref<10000x128xf32, #tpu.memory_space<hbm>>
      tpu.wait_indirect_dma semaphore(%arg12 : memref<!tpu.dma_semaphore, #tpu.memory_space<semaphore_mem>>) src(%dma_wait3A_1749 : memref<10000x128xf32, #tpu.memory_space<hbm>>) dst(%dma_wait3A_1743 : memref<128x128xf32, #tpu.memory_space<vmem>>)
      %dma_start3A_1750 = arith.constant 1 : i32
      %dma_start3A_1751 = arith.constant 35 : i32
      %dma_start3A_1752 = arith.constant 0 : i32
      %dma_start3A_1753 = arith.constant 0 : i32
      %dma_start3A_1754 = tpu.memref_slice %arg10[%dma_start3A_1750, %dma_start3A_1752, %dma_start3A_1753] : memref<2x128x128xf32, #tpu.memory_space<vmem>> -> memref<1x128x128xf32, #tpu.memory_space<vmem>>
      %dma_start3A_1755 = tpu.memref_squeeze %dma_start3A_1754 : memref<1x128x128xf32, #tpu.memory_space<vmem>> -> memref<128x128xf32, #tpu.memory_space<vmem>>
      %dma_start3A_1756 = arith.constant 0 : i32
      %dma_start3A_1757 = tpu.memref_slice %arg9[%dma_start3A_1751, %dma_start3A_1756] : memref<40x128xi32, #tpu.memory_space<vmem>> -> memref<1x128xi32, #tpu.memory_space<vmem>>
      %dma_start3A_1758 = tpu.memref_squeeze %dma_start3A_1757 : memref<1x128xi32, #tpu.memory_space<vmem>> -> memref<128xi32, #tpu.memory_space<vmem>>
      %dma_start3A_1759 = arith.constant 0 : i32
      %dma_start3A_1760 = arith.constant 0 : i32
      %dma_start3A_1761 = tpu.memref_slice %arg7[%dma_start3A_1759, %dma_start3A_1760] : memref<10240x128xf32, #tpu.memory_space<vmem_shared>> -> memref<10240x128xf32, #tpu.memory_space<vmem_shared>>
      tpu.enqueue_indirect_dma source(%dma_start3A_1755 : memref<128x128xf32, #tpu.memory_space<vmem>>) target(%dma_start3A_1761 : memref<10240x128xf32, #tpu.memory_space<vmem_shared>>) offsets(%dma_start3A_1758 : memref<128xi32, #tpu.memory_space<vmem>>) semaphore(%arg13 : memref<!tpu.dma_semaphore, #tpu.memory_space<semaphore_mem>>) {add = true}
      %dma_wait3A_1762 = arith.constant 1 : i32
      %dma_wait3A_1763 = arith.constant 35 : i32
      %dma_wait3A_1764 = arith.constant 0 : i32
      %dma_wait3A_1765 = arith.constant 0 : i32
      %dma_wait3A_1766 = tpu.memref_slice %arg10[%dma_wait3A_1762, %dma_wait3A_1764, %dma_wait3A_1765] : memref<2x128x128xf32, #tpu.memory_space<vmem>> -> memref<1x128x128xf32, #tpu.memory_space<vmem>>
      %dma_wait3A_1767 = tpu.memref_squeeze %dma_wait3A_1766 : memref<1x128x128xf32, #tpu.memory_space<vmem>> -> memref<128x128xf32, #tpu.memory_space<vmem>>
      %dma_wait3A_1768 = arith.constant 0 : i32
      %dma_wait3A_1769 = tpu.memref_slice %arg9[%dma_wait3A_1763, %dma_wait3A_1768] : memref<40x128xi32, #tpu.memory_space<vmem>> -> memref<1x128xi32, #tpu.memory_space<vmem>>
      %dma_wait3A_1770 = tpu.memref_squeeze %dma_wait3A_1769 : memref<1x128xi32, #tpu.memory_space<vmem>> -> memref<128xi32, #tpu.memory_space<vmem>>
      %dma_wait3A_1771 = arith.constant 0 : i32
      %dma_wait3A_1772 = arith.constant 0 : i32
      %dma_wait3A_1773 = tpu.memref_slice %arg7[%dma_wait3A_1771, %dma_wait3A_1772] : memref<10240x128xf32, #tpu.memory_space<vmem_shared>> -> memref<10240x128xf32, #tpu.memory_space<vmem_shared>>
      tpu.wait_indirect_dma semaphore(%arg13 : memref<!tpu.dma_semaphore, #tpu.memory_space<semaphore_mem>>) src(%dma_wait3A_1767 : memref<128x128xf32, #tpu.memory_space<vmem>>) dst(%dma_wait3A_1773 : memref<10240x128xf32, #tpu.memory_space<vmem_shared>>)
      %dma_start3A_1774 = arith.constant 37 : i32
      %dma_start3A_1775 = arith.constant 1 : i32
      %dma_start3A_1776 = arith.constant 0 : i32
      %dma_start3A_1777 = arith.constant 0 : i32
      %dma_start3A_1778 = tpu.memref_slice %arg10[%dma_start3A_1775, %dma_start3A_1776, %dma_start3A_1777] : memref<2x128x128xf32, #tpu.memory_space<vmem>> -> memref<1x128x128xf32, #tpu.memory_space<vmem>>
      %dma_start3A_1779 = tpu.memref_squeeze %dma_start3A_1778 : memref<1x128x128xf32, #tpu.memory_space<vmem>> -> memref<128x128xf32, #tpu.memory_space<vmem>>
      %dma_start3A_1780 = arith.constant 0 : i32
      %dma_start3A_1781 = tpu.memref_slice %arg8[%dma_start3A_1774, %dma_start3A_1780] : memref<40x128xi32, #tpu.memory_space<vmem>> -> memref<1x128xi32, #tpu.memory_space<vmem>>
      %dma_start3A_1782 = tpu.memref_squeeze %dma_start3A_1781 : memref<1x128xi32, #tpu.memory_space<vmem>> -> memref<128xi32, #tpu.memory_space<vmem>>
      %dma_start3A_1783 = arith.constant 0 : i32
      %dma_start3A_1784 = arith.constant 0 : i32
      %dma_start3A_1785 = tpu.memref_slice %arg2[%dma_start3A_1783, %dma_start3A_1784] : memref<10000x128xf32, #tpu.memory_space<hbm>> -> memref<10000x128xf32, #tpu.memory_space<hbm>>
      tpu.enqueue_indirect_dma source(%dma_start3A_1785 : memref<10000x128xf32, #tpu.memory_space<hbm>>) target(%dma_start3A_1779 : memref<128x128xf32, #tpu.memory_space<vmem>>) offsets(%dma_start3A_1782 : memref<128xi32, #tpu.memory_space<vmem>>) semaphore(%arg12 : memref<!tpu.dma_semaphore, #tpu.memory_space<semaphore_mem>>)
      %dma_wait3A_1786 = arith.constant 36 : i32
      %dma_wait3A_1787 = arith.constant 0 : i32
      %dma_wait3A_1788 = arith.constant 0 : i32
      %dma_wait3A_1789 = arith.constant 0 : i32
      %dma_wait3A_1790 = tpu.memref_slice %arg10[%dma_wait3A_1787, %dma_wait3A_1788, %dma_wait3A_1789] : memref<2x128x128xf32, #tpu.memory_space<vmem>> -> memref<1x128x128xf32, #tpu.memory_space<vmem>>
      %dma_wait3A_1791 = tpu.memref_squeeze %dma_wait3A_1790 : memref<1x128x128xf32, #tpu.memory_space<vmem>> -> memref<128x128xf32, #tpu.memory_space<vmem>>
      %dma_wait3A_1792 = arith.constant 0 : i32
      %dma_wait3A_1793 = tpu.memref_slice %arg8[%dma_wait3A_1786, %dma_wait3A_1792] : memref<40x128xi32, #tpu.memory_space<vmem>> -> memref<1x128xi32, #tpu.memory_space<vmem>>
      %dma_wait3A_1794 = tpu.memref_squeeze %dma_wait3A_1793 : memref<1x128xi32, #tpu.memory_space<vmem>> -> memref<128xi32, #tpu.memory_space<vmem>>
      %dma_wait3A_1795 = arith.constant 0 : i32
      %dma_wait3A_1796 = arith.constant 0 : i32
      %dma_wait3A_1797 = tpu.memref_slice %arg2[%dma_wait3A_1795, %dma_wait3A_1796] : memref<10000x128xf32, #tpu.memory_space<hbm>> -> memref<10000x128xf32, #tpu.memory_space<hbm>>
      tpu.wait_indirect_dma semaphore(%arg11 : memref<!tpu.dma_semaphore, #tpu.memory_space<semaphore_mem>>) src(%dma_wait3A_1797 : memref<10000x128xf32, #tpu.memory_space<hbm>>) dst(%dma_wait3A_1791 : memref<128x128xf32, #tpu.memory_space<vmem>>)
      %dma_start3A_1798 = arith.constant 0 : i32
      %dma_start3A_1799 = arith.constant 36 : i32
      %dma_start3A_1800 = arith.constant 0 : i32
      %dma_start3A_1801 = arith.constant 0 : i32
      %dma_start3A_1802 = tpu.memref_slice %arg10[%dma_start3A_1798, %dma_start3A_1800, %dma_start3A_1801] : memref<2x128x128xf32, #tpu.memory_space<vmem>> -> memref<1x128x128xf32, #tpu.memory_space<vmem>>
      %dma_start3A_1803 = tpu.memref_squeeze %dma_start3A_1802 : memref<1x128x128xf32, #tpu.memory_space<vmem>> -> memref<128x128xf32, #tpu.memory_space<vmem>>
      %dma_start3A_1804 = arith.constant 0 : i32
      %dma_start3A_1805 = tpu.memref_slice %arg9[%dma_start3A_1799, %dma_start3A_1804] : memref<40x128xi32, #tpu.memory_space<vmem>> -> memref<1x128xi32, #tpu.memory_space<vmem>>
      %dma_start3A_1806 = tpu.memref_squeeze %dma_start3A_1805 : memref<1x128xi32, #tpu.memory_space<vmem>> -> memref<128xi32, #tpu.memory_space<vmem>>
      %dma_start3A_1807 = arith.constant 0 : i32
      %dma_start3A_1808 = arith.constant 0 : i32
      %dma_start3A_1809 = tpu.memref_slice %arg7[%dma_start3A_1807, %dma_start3A_1808] : memref<10240x128xf32, #tpu.memory_space<vmem_shared>> -> memref<10240x128xf32, #tpu.memory_space<vmem_shared>>
      tpu.enqueue_indirect_dma source(%dma_start3A_1803 : memref<128x128xf32, #tpu.memory_space<vmem>>) target(%dma_start3A_1809 : memref<10240x128xf32, #tpu.memory_space<vmem_shared>>) offsets(%dma_start3A_1806 : memref<128xi32, #tpu.memory_space<vmem>>) semaphore(%arg13 : memref<!tpu.dma_semaphore, #tpu.memory_space<semaphore_mem>>) {add = true}
      %dma_wait3A_1810 = arith.constant 0 : i32
      %dma_wait3A_1811 = arith.constant 36 : i32
      %dma_wait3A_1812 = arith.constant 0 : i32
      %dma_wait3A_1813 = arith.constant 0 : i32
      %dma_wait3A_1814 = tpu.memref_slice %arg10[%dma_wait3A_1810, %dma_wait3A_1812, %dma_wait3A_1813] : memref<2x128x128xf32, #tpu.memory_space<vmem>> -> memref<1x128x128xf32, #tpu.memory_space<vmem>>
      %dma_wait3A_1815 = tpu.memref_squeeze %dma_wait3A_1814 : memref<1x128x128xf32, #tpu.memory_space<vmem>> -> memref<128x128xf32, #tpu.memory_space<vmem>>
      %dma_wait3A_1816 = arith.constant 0 : i32
      %dma_wait3A_1817 = tpu.memref_slice %arg9[%dma_wait3A_1811, %dma_wait3A_1816] : memref<40x128xi32, #tpu.memory_space<vmem>> -> memref<1x128xi32, #tpu.memory_space<vmem>>
      %dma_wait3A_1818 = tpu.memref_squeeze %dma_wait3A_1817 : memref<1x128xi32, #tpu.memory_space<vmem>> -> memref<128xi32, #tpu.memory_space<vmem>>
      %dma_wait3A_1819 = arith.constant 0 : i32
      %dma_wait3A_1820 = arith.constant 0 : i32
      %dma_wait3A_1821 = tpu.memref_slice %arg7[%dma_wait3A_1819, %dma_wait3A_1820] : memref<10240x128xf32, #tpu.memory_space<vmem_shared>> -> memref<10240x128xf32, #tpu.memory_space<vmem_shared>>
      tpu.wait_indirect_dma semaphore(%arg13 : memref<!tpu.dma_semaphore, #tpu.memory_space<semaphore_mem>>) src(%dma_wait3A_1815 : memref<128x128xf32, #tpu.memory_space<vmem>>) dst(%dma_wait3A_1821 : memref<10240x128xf32, #tpu.memory_space<vmem_shared>>)
      %dma_start3A_1822 = arith.constant 38 : i32
      %dma_start3A_1823 = arith.constant 0 : i32
      %dma_start3A_1824 = arith.constant 0 : i32
      %dma_start3A_1825 = arith.constant 0 : i32
      %dma_start3A_1826 = tpu.memref_slice %arg10[%dma_start3A_1823, %dma_start3A_1824, %dma_start3A_1825] : memref<2x128x128xf32, #tpu.memory_space<vmem>> -> memref<1x128x128xf32, #tpu.memory_space<vmem>>
      %dma_start3A_1827 = tpu.memref_squeeze %dma_start3A_1826 : memref<1x128x128xf32, #tpu.memory_space<vmem>> -> memref<128x128xf32, #tpu.memory_space<vmem>>
      %dma_start3A_1828 = arith.constant 0 : i32
      %dma_start3A_1829 = tpu.memref_slice %arg8[%dma_start3A_1822, %dma_start3A_1828] : memref<40x128xi32, #tpu.memory_space<vmem>> -> memref<1x128xi32, #tpu.memory_space<vmem>>
      %dma_start3A_1830 = tpu.memref_squeeze %dma_start3A_1829 : memref<1x128xi32, #tpu.memory_space<vmem>> -> memref<128xi32, #tpu.memory_space<vmem>>
      %dma_start3A_1831 = arith.constant 0 : i32
      %dma_start3A_1832 = arith.constant 0 : i32
      %dma_start3A_1833 = tpu.memref_slice %arg2[%dma_start3A_1831, %dma_start3A_1832] : memref<10000x128xf32, #tpu.memory_space<hbm>> -> memref<10000x128xf32, #tpu.memory_space<hbm>>
      tpu.enqueue_indirect_dma source(%dma_start3A_1833 : memref<10000x128xf32, #tpu.memory_space<hbm>>) target(%dma_start3A_1827 : memref<128x128xf32, #tpu.memory_space<vmem>>) offsets(%dma_start3A_1830 : memref<128xi32, #tpu.memory_space<vmem>>) semaphore(%arg11 : memref<!tpu.dma_semaphore, #tpu.memory_space<semaphore_mem>>)
      %dma_wait3A_1834 = arith.constant 37 : i32
      %dma_wait3A_1835 = arith.constant 1 : i32
      %dma_wait3A_1836 = arith.constant 0 : i32
      %dma_wait3A_1837 = arith.constant 0 : i32
      %dma_wait3A_1838 = tpu.memref_slice %arg10[%dma_wait3A_1835, %dma_wait3A_1836, %dma_wait3A_1837] : memref<2x128x128xf32, #tpu.memory_space<vmem>> -> memref<1x128x128xf32, #tpu.memory_space<vmem>>
      %dma_wait3A_1839 = tpu.memref_squeeze %dma_wait3A_1838 : memref<1x128x128xf32, #tpu.memory_space<vmem>> -> memref<128x128xf32, #tpu.memory_space<vmem>>
      %dma_wait3A_1840 = arith.constant 0 : i32
      %dma_wait3A_1841 = tpu.memref_slice %arg8[%dma_wait3A_1834, %dma_wait3A_1840] : memref<40x128xi32, #tpu.memory_space<vmem>> -> memref<1x128xi32, #tpu.memory_space<vmem>>
      %dma_wait3A_1842 = tpu.memref_squeeze %dma_wait3A_1841 : memref<1x128xi32, #tpu.memory_space<vmem>> -> memref<128xi32, #tpu.memory_space<vmem>>
      %dma_wait3A_1843 = arith.constant 0 : i32
      %dma_wait3A_1844 = arith.constant 0 : i32
      %dma_wait3A_1845 = tpu.memref_slice %arg2[%dma_wait3A_1843, %dma_wait3A_1844] : memref<10000x128xf32, #tpu.memory_space<hbm>> -> memref<10000x128xf32, #tpu.memory_space<hbm>>
      tpu.wait_indirect_dma semaphore(%arg12 : memref<!tpu.dma_semaphore, #tpu.memory_space<semaphore_mem>>) src(%dma_wait3A_1845 : memref<10000x128xf32, #tpu.memory_space<hbm>>) dst(%dma_wait3A_1839 : memref<128x128xf32, #tpu.memory_space<vmem>>)
      %dma_start3A_1846 = arith.constant 1 : i32
      %dma_start3A_1847 = arith.constant 37 : i32
      %dma_start3A_1848 = arith.constant 0 : i32
      %dma_start3A_1849 = arith.constant 0 : i32
      %dma_start3A_1850 = tpu.memref_slice %arg10[%dma_start3A_1846, %dma_start3A_1848, %dma_start3A_1849] : memref<2x128x128xf32, #tpu.memory_space<vmem>> -> memref<1x128x128xf32, #tpu.memory_space<vmem>>
      %dma_start3A_1851 = tpu.memref_squeeze %dma_start3A_1850 : memref<1x128x128xf32, #tpu.memory_space<vmem>> -> memref<128x128xf32, #tpu.memory_space<vmem>>
      %dma_start3A_1852 = arith.constant 0 : i32
      %dma_start3A_1853 = tpu.memref_slice %arg9[%dma_start3A_1847, %dma_start3A_1852] : memref<40x128xi32, #tpu.memory_space<vmem>> -> memref<1x128xi32, #tpu.memory_space<vmem>>
      %dma_start3A_1854 = tpu.memref_squeeze %dma_start3A_1853 : memref<1x128xi32, #tpu.memory_space<vmem>> -> memref<128xi32, #tpu.memory_space<vmem>>
      %dma_start3A_1855 = arith.constant 0 : i32
      %dma_start3A_1856 = arith.constant 0 : i32
      %dma_start3A_1857 = tpu.memref_slice %arg7[%dma_start3A_1855, %dma_start3A_1856] : memref<10240x128xf32, #tpu.memory_space<vmem_shared>> -> memref<10240x128xf32, #tpu.memory_space<vmem_shared>>
      tpu.enqueue_indirect_dma source(%dma_start3A_1851 : memref<128x128xf32, #tpu.memory_space<vmem>>) target(%dma_start3A_1857 : memref<10240x128xf32, #tpu.memory_space<vmem_shared>>) offsets(%dma_start3A_1854 : memref<128xi32, #tpu.memory_space<vmem>>) semaphore(%arg13 : memref<!tpu.dma_semaphore, #tpu.memory_space<semaphore_mem>>) {add = true}
      %dma_wait3A_1858 = arith.constant 1 : i32
      %dma_wait3A_1859 = arith.constant 37 : i32
      %dma_wait3A_1860 = arith.constant 0 : i32
      %dma_wait3A_1861 = arith.constant 0 : i32
      %dma_wait3A_1862 = tpu.memref_slice %arg10[%dma_wait3A_1858, %dma_wait3A_1860, %dma_wait3A_1861] : memref<2x128x128xf32, #tpu.memory_space<vmem>> -> memref<1x128x128xf32, #tpu.memory_space<vmem>>
      %dma_wait3A_1863 = tpu.memref_squeeze %dma_wait3A_1862 : memref<1x128x128xf32, #tpu.memory_space<vmem>> -> memref<128x128xf32, #tpu.memory_space<vmem>>
      %dma_wait3A_1864 = arith.constant 0 : i32
      %dma_wait3A_1865 = tpu.memref_slice %arg9[%dma_wait3A_1859, %dma_wait3A_1864] : memref<40x128xi32, #tpu.memory_space<vmem>> -> memref<1x128xi32, #tpu.memory_space<vmem>>
      %dma_wait3A_1866 = tpu.memref_squeeze %dma_wait3A_1865 : memref<1x128xi32, #tpu.memory_space<vmem>> -> memref<128xi32, #tpu.memory_space<vmem>>
      %dma_wait3A_1867 = arith.constant 0 : i32
      %dma_wait3A_1868 = arith.constant 0 : i32
      %dma_wait3A_1869 = tpu.memref_slice %arg7[%dma_wait3A_1867, %dma_wait3A_1868] : memref<10240x128xf32, #tpu.memory_space<vmem_shared>> -> memref<10240x128xf32, #tpu.memory_space<vmem_shared>>
      tpu.wait_indirect_dma semaphore(%arg13 : memref<!tpu.dma_semaphore, #tpu.memory_space<semaphore_mem>>) src(%dma_wait3A_1863 : memref<128x128xf32, #tpu.memory_space<vmem>>) dst(%dma_wait3A_1869 : memref<10240x128xf32, #tpu.memory_space<vmem_shared>>)
      %dma_start3A_1870 = arith.constant 39 : i32
      %dma_start3A_1871 = arith.constant 1 : i32
      %dma_start3A_1872 = arith.constant 0 : i32
      %dma_start3A_1873 = arith.constant 0 : i32
      %dma_start3A_1874 = tpu.memref_slice %arg10[%dma_start3A_1871, %dma_start3A_1872, %dma_start3A_1873] : memref<2x128x128xf32, #tpu.memory_space<vmem>> -> memref<1x128x128xf32, #tpu.memory_space<vmem>>
      %dma_start3A_1875 = tpu.memref_squeeze %dma_start3A_1874 : memref<1x128x128xf32, #tpu.memory_space<vmem>> -> memref<128x128xf32, #tpu.memory_space<vmem>>
      %dma_start3A_1876 = arith.constant 0 : i32
      %dma_start3A_1877 = tpu.memref_slice %arg8[%dma_start3A_1870, %dma_start3A_1876] : memref<40x128xi32, #tpu.memory_space<vmem>> -> memref<1x128xi32, #tpu.memory_space<vmem>>
      %dma_start3A_1878 = tpu.memref_squeeze %dma_start3A_1877 : memref<1x128xi32, #tpu.memory_space<vmem>> -> memref<128xi32, #tpu.memory_space<vmem>>
      %dma_start3A_1879 = arith.constant 0 : i32
      %dma_start3A_1880 = arith.constant 0 : i32
      %dma_start3A_1881 = tpu.memref_slice %arg2[%dma_start3A_1879, %dma_start3A_1880] : memref<10000x128xf32, #tpu.memory_space<hbm>> -> memref<10000x128xf32, #tpu.memory_space<hbm>>
      tpu.enqueue_indirect_dma source(%dma_start3A_1881 : memref<10000x128xf32, #tpu.memory_space<hbm>>) target(%dma_start3A_1875 : memref<128x128xf32, #tpu.memory_space<vmem>>) offsets(%dma_start3A_1878 : memref<128xi32, #tpu.memory_space<vmem>>) semaphore(%arg12 : memref<!tpu.dma_semaphore, #tpu.memory_space<semaphore_mem>>)
      %dma_wait3A_1882 = arith.constant 38 : i32
      %dma_wait3A_1883 = arith.constant 0 : i32
      %dma_wait3A_1884 = arith.constant 0 : i32
      %dma_wait3A_1885 = arith.constant 0 : i32
      %dma_wait3A_1886 = tpu.memref_slice %arg10[%dma_wait3A_1883, %dma_wait3A_1884, %dma_wait3A_1885] : memref<2x128x128xf32, #tpu.memory_space<vmem>> -> memref<1x128x128xf32, #tpu.memory_space<vmem>>
      %dma_wait3A_1887 = tpu.memref_squeeze %dma_wait3A_1886 : memref<1x128x128xf32, #tpu.memory_space<vmem>> -> memref<128x128xf32, #tpu.memory_space<vmem>>
      %dma_wait3A_1888 = arith.constant 0 : i32
      %dma_wait3A_1889 = tpu.memref_slice %arg8[%dma_wait3A_1882, %dma_wait3A_1888] : memref<40x128xi32, #tpu.memory_space<vmem>> -> memref<1x128xi32, #tpu.memory_space<vmem>>
      %dma_wait3A_1890 = tpu.memref_squeeze %dma_wait3A_1889 : memref<1x128xi32, #tpu.memory_space<vmem>> -> memref<128xi32, #tpu.memory_space<vmem>>
      %dma_wait3A_1891 = arith.constant 0 : i32
      %dma_wait3A_1892 = arith.constant 0 : i32
      %dma_wait3A_1893 = tpu.memref_slice %arg2[%dma_wait3A_1891, %dma_wait3A_1892] : memref<10000x128xf32, #tpu.memory_space<hbm>> -> memref<10000x128xf32, #tpu.memory_space<hbm>>
      tpu.wait_indirect_dma semaphore(%arg11 : memref<!tpu.dma_semaphore, #tpu.memory_space<semaphore_mem>>) src(%dma_wait3A_1893 : memref<10000x128xf32, #tpu.memory_space<hbm>>) dst(%dma_wait3A_1887 : memref<128x128xf32, #tpu.memory_space<vmem>>)
      %dma_start3A_1894 = arith.constant 0 : i32
      %dma_start3A_1895 = arith.constant 38 : i32
      %dma_start3A_1896 = arith.constant 0 : i32
      %dma_start3A_1897 = arith.constant 0 : i32
      %dma_start3A_1898 = tpu.memref_slice %arg10[%dma_start3A_1894, %dma_start3A_1896, %dma_start3A_1897] : memref<2x128x128xf32, #tpu.memory_space<vmem>> -> memref<1x128x128xf32, #tpu.memory_space<vmem>>
      %dma_start3A_1899 = tpu.memref_squeeze %dma_start3A_1898 : memref<1x128x128xf32, #tpu.memory_space<vmem>> -> memref<128x128xf32, #tpu.memory_space<vmem>>
      %dma_start3A_1900 = arith.constant 0 : i32
      %dma_start3A_1901 = tpu.memref_slice %arg9[%dma_start3A_1895, %dma_start3A_1900] : memref<40x128xi32, #tpu.memory_space<vmem>> -> memref<1x128xi32, #tpu.memory_space<vmem>>
      %dma_start3A_1902 = tpu.memref_squeeze %dma_start3A_1901 : memref<1x128xi32, #tpu.memory_space<vmem>> -> memref<128xi32, #tpu.memory_space<vmem>>
      %dma_start3A_1903 = arith.constant 0 : i32
      %dma_start3A_1904 = arith.constant 0 : i32
      %dma_start3A_1905 = tpu.memref_slice %arg7[%dma_start3A_1903, %dma_start3A_1904] : memref<10240x128xf32, #tpu.memory_space<vmem_shared>> -> memref<10240x128xf32, #tpu.memory_space<vmem_shared>>
      tpu.enqueue_indirect_dma source(%dma_start3A_1899 : memref<128x128xf32, #tpu.memory_space<vmem>>) target(%dma_start3A_1905 : memref<10240x128xf32, #tpu.memory_space<vmem_shared>>) offsets(%dma_start3A_1902 : memref<128xi32, #tpu.memory_space<vmem>>) semaphore(%arg13 : memref<!tpu.dma_semaphore, #tpu.memory_space<semaphore_mem>>) {add = true}
      %dma_wait3A_1906 = arith.constant 0 : i32
      %dma_wait3A_1907 = arith.constant 38 : i32
      %dma_wait3A_1908 = arith.constant 0 : i32
      %dma_wait3A_1909 = arith.constant 0 : i32
      %dma_wait3A_1910 = tpu.memref_slice %arg10[%dma_wait3A_1906, %dma_wait3A_1908, %dma_wait3A_1909] : memref<2x128x128xf32, #tpu.memory_space<vmem>> -> memref<1x128x128xf32, #tpu.memory_space<vmem>>
      %dma_wait3A_1911 = tpu.memref_squeeze %dma_wait3A_1910 : memref<1x128x128xf32, #tpu.memory_space<vmem>> -> memref<128x128xf32, #tpu.memory_space<vmem>>
      %dma_wait3A_1912 = arith.constant 0 : i32
      %dma_wait3A_1913 = tpu.memref_slice %arg9[%dma_wait3A_1907, %dma_wait3A_1912] : memref<40x128xi32, #tpu.memory_space<vmem>> -> memref<1x128xi32, #tpu.memory_space<vmem>>
      %dma_wait3A_1914 = tpu.memref_squeeze %dma_wait3A_1913 : memref<1x128xi32, #tpu.memory_space<vmem>> -> memref<128xi32, #tpu.memory_space<vmem>>
      %dma_wait3A_1915 = arith.constant 0 : i32
      %dma_wait3A_1916 = arith.constant 0 : i32
      %dma_wait3A_1917 = tpu.memref_slice %arg7[%dma_wait3A_1915, %dma_wait3A_1916] : memref<10240x128xf32, #tpu.memory_space<vmem_shared>> -> memref<10240x128xf32, #tpu.memory_space<vmem_shared>>
      tpu.wait_indirect_dma semaphore(%arg13 : memref<!tpu.dma_semaphore, #tpu.memory_space<semaphore_mem>>) src(%dma_wait3A_1911 : memref<128x128xf32, #tpu.memory_space<vmem>>) dst(%dma_wait3A_1917 : memref<10240x128xf32, #tpu.memory_space<vmem_shared>>)
      %dma_wait3A_1918 = arith.constant 39 : i32
      %dma_wait3A_1919 = arith.constant 1 : i32
      %dma_wait3A_1920 = arith.constant 0 : i32
      %dma_wait3A_1921 = arith.constant 0 : i32
      %dma_wait3A_1922 = tpu.memref_slice %arg10[%dma_wait3A_1919, %dma_wait3A_1920, %dma_wait3A_1921] : memref<2x128x128xf32, #tpu.memory_space<vmem>> -> memref<1x128x128xf32, #tpu.memory_space<vmem>>
      %dma_wait3A_1923 = tpu.memref_squeeze %dma_wait3A_1922 : memref<1x128x128xf32, #tpu.memory_space<vmem>> -> memref<128x128xf32, #tpu.memory_space<vmem>>
      %dma_wait3A_1924 = arith.constant 0 : i32
      %dma_wait3A_1925 = tpu.memref_slice %arg8[%dma_wait3A_1918, %dma_wait3A_1924] : memref<40x128xi32, #tpu.memory_space<vmem>> -> memref<1x128xi32, #tpu.memory_space<vmem>>
      %dma_wait3A_1926 = tpu.memref_squeeze %dma_wait3A_1925 : memref<1x128xi32, #tpu.memory_space<vmem>> -> memref<128xi32, #tpu.memory_space<vmem>>
      %dma_wait3A_1927 = arith.constant 0 : i32
      %dma_wait3A_1928 = arith.constant 0 : i32
      %dma_wait3A_1929 = tpu.memref_slice %arg2[%dma_wait3A_1927, %dma_wait3A_1928] : memref<10000x128xf32, #tpu.memory_space<hbm>> -> memref<10000x128xf32, #tpu.memory_space<hbm>>
      tpu.wait_indirect_dma semaphore(%arg12 : memref<!tpu.dma_semaphore, #tpu.memory_space<semaphore_mem>>) src(%dma_wait3A_1929 : memref<10000x128xf32, #tpu.memory_space<hbm>>) dst(%dma_wait3A_1923 : memref<128x128xf32, #tpu.memory_space<vmem>>)
      %dma_start3A_1930 = arith.constant 1 : i32
      %dma_start3A_1931 = arith.constant 39 : i32
      %dma_start3A_1932 = arith.constant 0 : i32
      %dma_start3A_1933 = arith.constant 0 : i32
      %dma_start3A_1934 = tpu.memref_slice %arg10[%dma_start3A_1930, %dma_start3A_1932, %dma_start3A_1933] : memref<2x128x128xf32, #tpu.memory_space<vmem>> -> memref<1x128x128xf32, #tpu.memory_space<vmem>>
      %dma_start3A_1935 = tpu.memref_squeeze %dma_start3A_1934 : memref<1x128x128xf32, #tpu.memory_space<vmem>> -> memref<128x128xf32, #tpu.memory_space<vmem>>
      %dma_start3A_1936 = arith.constant 0 : i32
      %dma_start3A_1937 = tpu.memref_slice %arg9[%dma_start3A_1931, %dma_start3A_1936] : memref<40x128xi32, #tpu.memory_space<vmem>> -> memref<1x128xi32, #tpu.memory_space<vmem>>
      %dma_start3A_1938 = tpu.memref_squeeze %dma_start3A_1937 : memref<1x128xi32, #tpu.memory_space<vmem>> -> memref<128xi32, #tpu.memory_space<vmem>>
      %dma_start3A_1939 = arith.constant 0 : i32
      %dma_start3A_1940 = arith.constant 0 : i32
      %dma_start3A_1941 = tpu.memref_slice %arg7[%dma_start3A_1939, %dma_start3A_1940] : memref<10240x128xf32, #tpu.memory_space<vmem_shared>> -> memref<10240x128xf32, #tpu.memory_space<vmem_shared>>
      tpu.enqueue_indirect_dma source(%dma_start3A_1935 : memref<128x128xf32, #tpu.memory_space<vmem>>) target(%dma_start3A_1941 : memref<10240x128xf32, #tpu.memory_space<vmem_shared>>) offsets(%dma_start3A_1938 : memref<128xi32, #tpu.memory_space<vmem>>) semaphore(%arg13 : memref<!tpu.dma_semaphore, #tpu.memory_space<semaphore_mem>>) {add = true}
      %dma_wait3A_1942 = arith.constant 1 : i32
      %dma_wait3A_1943 = arith.constant 39 : i32
      %dma_wait3A_1944 = arith.constant 0 : i32
      %dma_wait3A_1945 = arith.constant 0 : i32
      %dma_wait3A_1946 = tpu.memref_slice %arg10[%dma_wait3A_1942, %dma_wait3A_1944, %dma_wait3A_1945] : memref<2x128x128xf32, #tpu.memory_space<vmem>> -> memref<1x128x128xf32, #tpu.memory_space<vmem>>
      %dma_wait3A_1947 = tpu.memref_squeeze %dma_wait3A_1946 : memref<1x128x128xf32, #tpu.memory_space<vmem>> -> memref<128x128xf32, #tpu.memory_space<vmem>>
      %dma_wait3A_1948 = arith.constant 0 : i32
      %dma_wait3A_1949 = tpu.memref_slice %arg9[%dma_wait3A_1943, %dma_wait3A_1948] : memref<40x128xi32, #tpu.memory_space<vmem>> -> memref<1x128xi32, #tpu.memory_space<vmem>>
      %dma_wait3A_1950 = tpu.memref_squeeze %dma_wait3A_1949 : memref<1x128xi32, #tpu.memory_space<vmem>> -> memref<128xi32, #tpu.memory_space<vmem>>
      %dma_wait3A_1951 = arith.constant 0 : i32
      %dma_wait3A_1952 = arith.constant 0 : i32
      %dma_wait3A_1953 = tpu.memref_slice %arg7[%dma_wait3A_1951, %dma_wait3A_1952] : memref<10240x128xf32, #tpu.memory_space<vmem_shared>> -> memref<10240x128xf32, #tpu.memory_space<vmem_shared>>
      tpu.wait_indirect_dma semaphore(%arg13 : memref<!tpu.dma_semaphore, #tpu.memory_space<semaphore_mem>>) src(%dma_wait3A_1947 : memref<128x128xf32, #tpu.memory_space<vmem>>) dst(%dma_wait3A_1953 : memref<10240x128xf32, #tpu.memory_space<vmem_shared>>)
    }
    %scan3A_17 = arith.constant 2 : i32
    %barrier3A_18 = arith.constant 0 : index
    tpu.barrier barrier_id(%barrier3A_18)
    %mul3A_19 = arith.constant 640 : i32
    %mul3A_20 = arith.muli %arg1, %mul3A_19 : i32
    %mul3A_21 = arith.constant 640 : i32
    %mul3A_22 = arith.muli %arg1, %mul3A_21 : i32
    "tpu.region"() ({
      %run_scoped3A = tpu.sem_alloc : memref<!tpu.dma_semaphore, #tpu.memory_space<semaphore_mem>>
      %dma_start3A_23 = arith.constant 0 : i32
      %dma_start3A_24 = tpu.memref_slice %arg6[%arg0, %mul3A_22, %dma_start3A_23] : memref<2x10240x128xf32, #tpu.memory_space<hbm>> -> memref<1x640x128xf32, #tpu.memory_space<hbm>>
      %dma_start3A_25 = tpu.memref_squeeze %dma_start3A_24 : memref<1x640x128xf32, #tpu.memory_space<hbm>> -> memref<640x128xf32, #tpu.memory_space<hbm>>
      %dma_start3A_26 = arith.constant 0 : i32
      %dma_start3A_27 = tpu.memref_slice %arg7[%mul3A_20, %dma_start3A_26] : memref<10240x128xf32, #tpu.memory_space<vmem_shared>> -> memref<640x128xf32, #tpu.memory_space<vmem_shared>>
      tpu.enqueue_dma source(%dma_start3A_27 : memref<640x128xf32, #tpu.memory_space<vmem_shared>>) target(%dma_start3A_25 : memref<640x128xf32, #tpu.memory_space<hbm>>) target_semaphore(%run_scoped3A : memref<!tpu.dma_semaphore, #tpu.memory_space<semaphore_mem>>)
      %dma_wait3A = arith.constant 0 : i32
      %dma_wait3A_28 = tpu.memref_slice %arg6[%arg0, %mul3A_22, %dma_wait3A] : memref<2x10240x128xf32, #tpu.memory_space<hbm>> -> memref<1x640x128xf32, #tpu.memory_space<hbm>>
      %dma_wait3A_29 = tpu.memref_squeeze %dma_wait3A_28 : memref<1x640x128xf32, #tpu.memory_space<hbm>> -> memref<640x128xf32, #tpu.memory_space<hbm>>
      %dma_wait3A_30 = arith.constant 0 : i32
      %dma_wait3A_31 = tpu.memref_slice %arg7[%mul3A_20, %dma_wait3A_30] : memref<10240x128xf32, #tpu.memory_space<vmem_shared>> -> memref<640x128xf32, #tpu.memory_space<vmem_shared>>
      tpu.wait_dma2 semaphore(%run_scoped3A : memref<!tpu.dma_semaphore, #tpu.memory_space<semaphore_mem>>) src(%dma_wait3A_31 : memref<640x128xf32, #tpu.memory_space<vmem_shared>>) dst(%dma_wait3A_29 : memref<640x128xf32, #tpu.memory_space<hbm>>)
      tpu.yield
    }) : () -> ()
    return
  }
}

module attributes {stable_mosaic.version = 14 : i64} {
  func.func @_mm_body(%arg0: i32, %arg1: memref<400x128xf32, #tpu.memory_space<vmem>>, %arg2: memref<128x128xf32, #tpu.memory_space<vmem>>, %arg3: memref<400x1xf32, #tpu.memory_space<vmem>>, %arg4: memref<400x1xf32, #tpu.memory_space<vmem>>, %arg5: memref<400x128xf32, #tpu.memory_space<vmem>>, %arg6: memref<400x1xf32, #tpu.memory_space<vmem>>) attributes {dimension_semantics = [#tpu.dimension_semantics<arbitrary>], iteration_bounds = array<i64: 25>, scalar_prefetch = 0 : i64, scratch_operands = 0 : i64, tpu.core_type = #tpu.core_type<tc>, window_params = [{transform_indices = @transform_0, window_bounds = array<i64: 400, 128>}, {pipeline_mode = #tpu.pipeline_mode<synchronous>, transform_indices = @transform_1, window_bounds = array<i64: 128, 128>}, {transform_indices = @transform_2, window_bounds = array<i64: 400, 1>}, {transform_indices = @transform_3, window_bounds = array<i64: 400, 1>}, {transform_indices = @transform_4, window_bounds = array<i64: 400, 128>}, {transform_indices = @transform_5, window_bounds = array<i64: 400, 1>}]} {
    %get3A = arith.constant 0 : index
    %get3A_0 = arith.constant 0 : index
    %get3A_1 = vector.load %arg1[%get3A, %get3A_0] : memref<400x128xf32, #tpu.memory_space<vmem>>, vector<400x128xf32>
    %get3A_2 = arith.constant 0 : index
    %get3A_3 = arith.constant 0 : index
    %get3A_4 = vector.load %arg2[%get3A_2, %get3A_3] : memref<128x128xf32, #tpu.memory_space<vmem>>, vector<128x128xf32>
    %dot_general3A = arith.constant dense<0.000000e+00> : vector<400x128xf32>
    %dot_general3A_5 = tpu.matmul %get3A_1, %get3A_4, %dot_general3A {dimension_numbers = #tpu.dot_dimension_numbers<[1], [0], [0], [1], [0, 0, 1, 1], [], []>, transpose_lhs_hint = false} : vector<400x128xf32>, vector<128x128xf32>, vector<400x128xf32> -> vector<400x128xf32>
    %get3A_6 = arith.constant 0 : index
    %get3A_7 = arith.constant 0 : index
    %get3A_8 = vector.load %arg3[%get3A_6, %get3A_7] : memref<400x1xf32, #tpu.memory_space<vmem>>, vector<400x1xf32>
    %get3A_9 = arith.constant 0 : index
    %get3A_10 = arith.constant 0 : index
    %get3A_11 = vector.load %arg4[%get3A_9, %get3A_10] : memref<400x1xf32, #tpu.memory_space<vmem>>, vector<400x1xf32>
    %add3A = arith.addf %get3A_8, %get3A_11 : vector<400x1xf32>
    %swap3A = arith.constant 0 : index
    %swap3A_12 = arith.constant 0 : index
    %swap3A_13 = vector.load %arg6[%swap3A, %swap3A_12] : memref<400x1xf32, #tpu.memory_space<vmem>>, vector<400x1xf32>
    tpu.vector_store %arg6[%swap3A, %swap3A_12], %add3A {strides = array<i32>} : memref<400x1xf32, #tpu.memory_space<vmem>>, vector<400x1xf32>,
    %gt3A = arith.constant 0.000000e+00 : f32
    %gt3A_14 = vector.broadcast %gt3A : f32 to vector<400x1xf32>
    %gt3A_15 = arith.cmpf ogt, %add3A, %gt3A_14 : vector<400x1xf32>
    %rsqrt3A = math.rsqrt %add3A : vector<400x1xf32>
    %jit3A = arith.constant 0.000000e+00 : f32
    %broadcast_in_dim3A = vector.broadcast %jit3A : f32 to vector<400x1xf32>
    %select_n3A = arith.select %gt3A_15, %rsqrt3A, %broadcast_in_dim3A : vector<400x1xi1>, vector<400x1xf32>
    %mul3A = vector.broadcast %select_n3A : vector<400x1xf32> to vector<400x128xf32>
    %mul3A_16 = arith.mulf %dot_general3A_5, %mul3A : vector<400x128xf32>
    %swap3A_17 = arith.constant 0 : index
    %swap3A_18 = arith.constant 0 : index
    %swap3A_19 = vector.load %arg5[%swap3A_17, %swap3A_18] : memref<400x128xf32, #tpu.memory_space<vmem>>, vector<400x128xf32>
    tpu.vector_store %arg5[%swap3A_17, %swap3A_18], %mul3A_16 {strides = array<i32>} : memref<400x128xf32, #tpu.memory_space<vmem>>, vector<400x128xf32>,
    return
  }
  func.func @transform_0(%arg0: i32) -> (i32, i32) {
    %c0_i32 = arith.constant 0 : i32
    %c0_i32_0 = arith.constant 0 : i32
    return %arg0, %c0_i32 : i32, i32
  }
  func.func @transform_1(%arg0: i32) -> (i32, i32) {
    %c0_i32 = arith.constant 0 : i32
    %c0_i32_0 = arith.constant 0 : i32
    %c0_i32_1 = arith.constant 0 : i32
    return %c0_i32, %c0_i32_0 : i32, i32
  }
  func.func @transform_2(%arg0: i32) -> (i32, i32) {
    %c0_i32 = arith.constant 0 : i32
    %c0_i32_0 = arith.constant 0 : i32
    return %arg0, %c0_i32 : i32, i32
  }
  func.func @transform_3(%arg0: i32) -> (i32, i32) {
    %c0_i32 = arith.constant 0 : i32
    %c0_i32_0 = arith.constant 0 : i32
    return %arg0, %c0_i32 : i32, i32
  }
  func.func @transform_4(%arg0: i32) -> (i32, i32) {
    %c0_i32 = arith.constant 0 : i32
    %c0_i32_0 = arith.constant 0 : i32
    return %arg0, %c0_i32 : i32, i32
  }
  func.func @transform_5(%arg0: i32) -> (i32, i32) {
    %c0_i32 = arith.constant 0 : i32
    %c0_i32_0 = arith.constant 0 : i32
    return %arg0, %c0_i32 : i32, i32
  }
}

module attributes {stable_mosaic.version = 14 : i64} {
  func.func @_fin_body(%arg0: i32, %arg1: memref<2x400x128xf32, #tpu.memory_space<vmem>>, %arg2: memref<400x1xf32, #tpu.memory_space<vmem>>, %arg3: memref<1x128xf32, #tpu.memory_space<vmem>>, %arg4: memref<400x128xf32, #tpu.memory_space<vmem>>) attributes {dimension_semantics = [#tpu.dimension_semantics<arbitrary>], iteration_bounds = array<i64: 25>, scalar_prefetch = 0 : i64, scratch_operands = 0 : i64, tpu.core_type = #tpu.core_type<tc>, window_params = [{transform_indices = @transform_0, window_bounds = array<i64: 2, 400, 128>}, {transform_indices = @transform_1, window_bounds = array<i64: 400, 1>}, {pipeline_mode = #tpu.pipeline_mode<synchronous>, transform_indices = @transform_2, window_bounds = array<i64: 1, 128>}, {transform_indices = @transform_3, window_bounds = array<i64: 400, 128>}]} {
    %get3A = arith.constant 0 : index
    %get3A_0 = arith.constant 0 : index
    %get3A_1 = arith.constant 0 : index
    %get3A_2 = vector.load %arg1[%get3A, %get3A_0, %get3A_1] : memref<2x400x128xf32, #tpu.memory_space<vmem>>, vector<1x400x128xf32>
    %get3A_3 = vector.shape_cast %get3A_2 : vector<1x400x128xf32> to vector<400x128xf32>
    %get3A_4 = arith.constant 1 : index
    %get3A_5 = arith.constant 0 : index
    %get3A_6 = arith.constant 0 : index
    %get3A_7 = vector.load %arg1[%get3A_4, %get3A_5, %get3A_6] : memref<2x400x128xf32, #tpu.memory_space<vmem>>, vector<1x400x128xf32>
    %get3A_8 = vector.shape_cast %get3A_7 : vector<1x400x128xf32> to vector<400x128xf32>
    %add3A = arith.addf %get3A_3, %get3A_8 : vector<400x128xf32>
    %get3A_9 = arith.constant 0 : index
    %get3A_10 = arith.constant 0 : index
    %get3A_11 = vector.load %arg2[%get3A_9, %get3A_10] : memref<400x1xf32, #tpu.memory_space<vmem>>, vector<400x1xf32>
    %gt3A = arith.constant 0.000000e+00 : f32
    %gt3A_12 = vector.broadcast %gt3A : f32 to vector<400x1xf32>
    %gt3A_13 = arith.cmpf ogt, %get3A_11, %gt3A_12 : vector<400x1xf32>
    %rsqrt3A = math.rsqrt %get3A_11 : vector<400x1xf32>
    %jit3A = arith.constant 0.000000e+00 : f32
    %broadcast_in_dim3A = vector.broadcast %jit3A : f32 to vector<400x1xf32>
    %select_n3A = arith.select %gt3A_13, %rsqrt3A, %broadcast_in_dim3A : vector<400x1xi1>, vector<400x1xf32>
    %mul3A = vector.broadcast %select_n3A : vector<400x1xf32> to vector<400x128xf32>
    %mul3A_14 = arith.mulf %add3A, %mul3A : vector<400x128xf32>
    %get3A_15 = arith.constant 0 : index
    %get3A_16 = arith.constant 0 : index
    %get3A_17 = vector.load %arg3[%get3A_15, %get3A_16] : memref<1x128xf32, #tpu.memory_space<vmem>>, vector<1x128xf32>
    %add3A_18 = vector.broadcast %get3A_17 : vector<1x128xf32> to vector<400x128xf32>
    %add3A_19 = arith.addf %mul3A_14, %add3A_18 : vector<400x128xf32>
    %logistic3A = arith.negf %add3A_19 : vector<400x128xf32>
    %logistic3A_20 = math.exp %logistic3A : vector<400x128xf32>
    %logistic3A_21 = arith.constant 1.000000e+00 : f32
    %logistic3A_22 = vector.broadcast %logistic3A_21 : f32 to vector<400x128xf32>
    %logistic3A_23 = arith.addf %logistic3A_22, %logistic3A_20 : vector<400x128xf32>
    %logistic3A_24 = arith.divf %logistic3A_22, %logistic3A_23 : vector<400x128xf32>
    %swap3A = arith.constant 0 : index
    %swap3A_25 = arith.constant 0 : index
    %swap3A_26 = vector.load %arg4[%swap3A, %swap3A_25] : memref<400x128xf32, #tpu.memory_space<vmem>>, vector<400x128xf32>
    tpu.vector_store %arg4[%swap3A, %swap3A_25], %logistic3A_24 {strides = array<i32>} : memref<400x128xf32, #tpu.memory_space<vmem>>, vector<400x128xf32>,
    return
  }
  func.func @transform_0(%arg0: i32) -> (i32, i32, i32) {
    %c0_i32 = arith.constant 0 : i32
    %c0_i32_0 = arith.constant 0 : i32
    %c0_i32_1 = arith.constant 0 : i32
    return %c0_i32, %arg0, %c0_i32_0 : i32, i32, i32
  }
  func.func @transform_1(%arg0: i32) -> (i32, i32) {
    %c0_i32 = arith.constant 0 : i32
    %c0_i32_0 = arith.constant 0 : i32
    return %arg0, %c0_i32 : i32, i32
  }
  func.func @transform_2(%arg0: i32) -> (i32, i32) {
    %c0_i32 = arith.constant 0 : i32
    %c0_i32_0 = arith.constant 0 : i32
    %c0_i32_1 = arith.constant 0 : i32
    return %c0_i32, %c0_i32_0 : i32, i32
  }
  func.func @transform_3(%arg0: i32) -> (i32, i32) {
    %c0_i32 = arith.constant 0 : i32
    %c0_i32_0 = arith.constant 0 : i32
    return %arg0, %c0_i32 : i32, i32
  }
}

</mosaic_0001>

<sc_bundles>
// kernel: kernel.6.cloned.1.call-start
scs
__scs_entry_jumppad:
0x0: {  	(pc) =	sbr.rel $0x88, $3  }
0x1: {  	(tag) =	ssettag $0x0;
	lr =	simm.s32 $0x1  }
0x2: {  	[smem:$0x3F9D] =	sst lr;
	_ =	strace $0xD0000000  }
0x3: {  	_ = 	snop  }
0x4: {  	_ = 	snop  }
0x5: {  	_ = 	snop  }
0x6: {  	_ = 	snop  }
0x7: {  	_ = 	snop  }
__scs_overlays_trampoline_lowered:
0x8: {  	[smem:$0x3FAC] =	sst s0  }
0x9: {  	[smem:$0x3FAD] =	sst s1  }
0xa: {  	[smem:$0x3FAE] =	sst s2  }
0xb: {  	[smem:$0x3FAF] =	sst s3  }
0xc: {  	[smem:$0x3FB0] =	sst s4  }
0xd: {  	[smem:$0x3FB1] =	sst s5  }
0xe: {  	[smem:$0x3FB2] =	sst s6  }
0xf: {  	[smem:$0x3FB3] =	sst s7  }
0x10: {  	[smem:$0x3FB4] =	sst s8  }
0x11: {  	[smem:$0x3FB5] =	sst s9;
	s0 =	simm.s32 @!p0 $0x0  }
0x12: {  	s1 =	sld [smem:$0x3F9B];
	s0 =	simm.s32 @p0 $0x1  }
0x13: {  	[smem:$0x3FB6] =	sst s0;
	s0 =	simm.s32 @!p1 $0x0  }
0x14: {  	s2 =	sld [smem:$0x3F9A];
	s0 =	simm.s32 @p1 $0x1  }
0x15: {  	[smem:$0x3FB7] =	sst s0;
	s0 =	simm.s32 @!p2 $0x0  }
0x16: {  	s3 =	sld [smem:$0x3FDB];
	s0 =	simm.s32 @p2 $0x1  }
0x17: {  	s4 =	simm.s32 $0x1BF5;
	[smem:$0x3FB9] =	sst s0  }
0x18: {  	s0 =	sld [smem:$0x3F9C];
	_ =	swait.ge [sflag:s4], $0x0  }
0x19: {  	s7 =	sld [smem:$0x3F9D]  }
0x1a: {  	s8 =	sadd.s32 $0xFFFFE003, lr  }
0x1b: {  	s9 =	sadd.s32 $0xFFFFFEF7, lr;
	s5 =	simm.s32 $0xFFFFFFFF;
	p2 =	slt.u32 s8, $0xFFFFF086  }
0x1c: {  	p1 =	slt.u32 s9, $0xF7A;
	s5 =	simm.s32 @!p2 $0x0  }
0x1d: {  	s5 =	simm.s32 @p1 $0x1;
	p0 =	seq.s32 s7, s2  }
0x1e: {  	s7 =	smul.u32 @!p0 $0xF7A, s2;
	p2 =	seq.s32 @!p0 s5, $0x0  }
0x1f: {  	s9 =	smul.u32 $0xF7A, s1;
	s8 =	simm.s32 @!p0 $0x1BF5;
	p2 =	por !p2, p0  }
0x20: {  	[sflag:s8] =	ssyncset.s32 @!p0 $0xFFFFF086;
	s6 =	sadd.s32 @!p0 s3, s7;
	s7 =	simm.s32 @!p0 $0x108  }
0x21: {  	s3 =	sadd.s32 s3, s9;
	s6 =	sadd.s32 @!p0 $0x88, s6;
	s7 =	simm.s32 @p2 $0x1082  }
0x22: {  	[simem:s7], [sflag:s8] =	dma.local @!p0 [hbm:s6], $0xF7A  }
0x23: {  	s9 =	sor.u32 $0xD0000000, s2;
	s6 =	simm.s32 $0x108;
	_ =	swait.ge @!p0 [sflag:s8], $0x0  }
0x24: {  	s3 =	sadd.s32 $0x88, s3;
	s6 =	simm.s32 @!p1 $0x1082;
	[sflag:s4] =	ssyncset.s32 $0xFFFFF086  }
0x25: {  	[simem:s6], [sflag:s4] =	dma.local [hbm:s3], $0xF7A  }
0x26: {  	[smem:$0x3F9D] =	sst s1;
	(tag) =	ssettag s2;
	_ =	strace s9  }
0x27: {  	s1 =	sld [smem:$0x3FAD]  }
0x28: {  	s2 =	sld [smem:$0x3FAE]  }
0x29: {  	s4 =	sld [smem:$0x3FB0]  }
0x2a: {  	p0 =	seq.s32 s5, $0x0;
	s5 =	sld [smem:$0x3FB1]  }
0x2b: {  	s6 =	sld [smem:$0x3FB2]  }
0x2c: {  	s7 =	sld [smem:$0x3FB3]  }
0x2d: {  	s3 =	simm.s32 $0x108;
	s8 =	sld [smem:$0x3FB4]  }
0x2e: {  	s3 =	simm.s32 @!p0 $0x1082;
	s9 =	sld [smem:$0x3FB5]  }
0x2f: {  	lr =	sadd.s32 s0, s3;
	s0 =	sld [smem:$0x3FAC]  }
0x30: {  	s3 =	sld [smem:$0x3FAF]  }
0x31: {  	[smem:$0x3FB8] =	sst s10  }
0x32: {  	s10 =	sld [smem:$0x3FB6];
	_ =	sdelay $0x3  }
0x33: {  	p0 =	seq.s32 s10, $0x1;
	s10 =	sld [smem:$0x3FB8];
	_ =	sdelay $0x3  }
0x34: {  	[smem:$0x3FB8] =	sst s10  }
0x35: {  	s10 =	sld [smem:$0x3FB7];
	_ =	sdelay $0x3  }
0x36: {  	p1 =	seq.s32 s10, $0x1;
	s10 =	sld [smem:$0x3FB8];
	_ =	sdelay $0x3  }
0x37: {  	[smem:$0x3FB8] =	sst s10  }
0x38: {  	s10 =	sld [smem:$0x3FB9]  }
0x39: {  	_ = 	snop;
	(pc) =	sbr.ind lr, $3  }
0x3a: {  	_ = 	snop  }
0x3b: {  	_ = 	snop  }
0x3c: {  	p2 =	seq.s32 s10, $0x1;
	s10 =	sld [smem:$0x3FB8]  }
0x3d: {  	_ =	shalt  }
0x3e: {  	_ =	shalt  }
0x3f: {  	_ =	shalt  }
0x40: {  	_ =	shalt  }
0x41: {  	_ =	shalt  }
0x42: {  	_ =	shalt  }
0x43: {  	_ =	shalt  }
0x44: {  	_ =	shalt  }
0x45: {  	_ =	shalt  }
0x46: {  	_ =	shalt  }
0x47: {  	_ =	shalt  }
0x48: {  	_ =	shalt  }
0x49: {  	_ =	shalt  }
0x4a: {  	_ =	shalt  }
0x4b: {  	_ =	shalt  }
0x4c: {  	_ =	shalt  }
0x4d: {  	_ =	shalt  }
0x4e: {  	_ =	shalt  }
0x4f: {  	_ =	shalt  }
0x50: {  	_ =	shalt  }
0x51: {  	_ =	shalt  }
0x52: {  	_ =	shalt  }
0x53: {  	_ =	shalt  }
0x54: {  	_ =	shalt  }
0x55: {  	_ =	shalt  }
0x56: {  	_ =	shalt  }
0x57: {  	_ =	shalt  }
0x58: {  	_ =	shalt  }
0x59: {  	_ =	shalt  }
0x5a: {  	_ =	shalt  }
0x5b: {  	_ =	shalt  }
0x5c: {  	_ =	shalt  }
0x5d: {  	_ =	shalt  }
0x5e: {  	_ =	shalt  }
0x5f: {  	_ =	shalt  }
0x60: {  	_ =	shalt  }
0x61: {  	_ =	shalt  }
0x62: {  	_ =	shalt  }
0x63: {  	_ =	shalt  }
0x64: {  	_ =	shalt  }
0x65: {  	_ =	shalt  }
0x66: {  	_ =	shalt  }
0x67: {  	_ =	shalt  }
0x68: {  	_ =	shalt  }
0x69: {  	_ =	shalt  }
0x6a: {  	_ =	shalt  }
0x6b: {  	_ =	shalt  }
0x6c: {  	_ =	shalt  }
0x6d: {  	_ =	shalt  }
0x6e: {  	_ =	shalt  }
0x6f: {  	_ =	shalt  }
0x70: {  	_ =	shalt  }
0x71: {  	_ =	shalt  }
0x72: {  	_ =	shalt  }
0x73: {  	_ =	shalt  }
0x74: {  	_ =	shalt  }
0x75: {  	_ =	shalt  }
0x76: {  	_ =	shalt  }
0x77: {  	_ =	shalt  }
0x78: {  	_ =	shalt  }
0x79: {  	_ =	shalt  }
0x7a: {  	_ =	shalt  }
0x7b: {  	_ =	shalt  }
0x7c: {  	_ =	shalt  }
0x7d: {  	_ =	shalt  }
0x7e: {  	_ =	shalt  }
0x7f: {  	_ =	shalt  }
0x80: {  	_ =	shalt  }
0x81: {  	_ =	shalt  }
0x82: {  	_ =	shalt  }
0x83: {  	_ =	shalt  }
0x84: {  	_ =	shalt  }
0x85: {  	_ =	shalt  }
0x86: {  	_ =	shalt  }
0x87: {  	_ =	shalt  }
.Lfunc_end0:
.L_simem_size_0:
called_computation_lowered:
.L_overlay_start_0:
0x88: {  	s2 =	sld [smem:$0x3FD9]  }
0x89: {  	s3 =	sld [smem:$0x3FFE];
	_ =	sdelay $0x1  }
0x8a: {  	s1 =	srdreg.scid  }
0x8b: {  	s0 =	sand.u32 $0x1, s1  }
0x8c: {  	s17 =	sshll.u32 s0, $0xA;
	s2 =	sadd.s32 s3, s2  }
0x8d: {  	s2 =	sadd.s32 s2, s17  }
0x8e: {  	[smem:$0x3FC4] =	sst s2  }
0x8f: {  	_ = 	snop  }
0x90: {  	s2 =	sld [smem:$0x3FD0];
	(tm) =	ssettm $0x1  }
0x91: {  	s18 =	sld [smem:$0x3FFB];
	_ =	sdelay $0x3  }
0x92: {  	_ =	strace s18  }
0x93: {  	s3 =	sld [smem:$0x3FFC];
	_ =	sdelay $0x3  }
0x94: {  	_ =	strace s3  }
0x95: {  	s3 =	sld [smem:$0x3FFD];
	_ =	sdelay $0x3  }
0x96: {  	_ =	strace s3  }
0x97: {  	_ =	strace $0x8FFFFFFF  }
0x98: {  	s19 =	sld [smem:$0x3FDB];
	_ =	sdelay $0x1  }
0x99: {  	s4 =	simm.s32 $_scs_section_size  }
0x9a: {  	s5 =	simm.s32 $_size__tile_overlayer_lowered;
	s6 =	simm.s32 $_tile_overlayer_lowered  }
0x9b: {  	s22 =	simm.s32 $0x1BFF;
	s21 =	sshll.u32 s6, $0x1;
	s3 =	sadd.s32 s4, s19  }
0x9c: {  	s7 =	simm.s32 $0x0;
	s20 =	sshll.u32 s5, $0x1;
	s5 =	sadd.s32 s21, s3  }
0x9d: {  	[timem:s7], [sflag:s22] =	dma.local [hbm:s5], s20  }
0x9e: {  	_ =	swait.ge [sflag:s22], s20  }
0x9f: {  	s4 =	ssub.s32 $0x0, s20;
	[sflag:s22] =	ssyncset.done $0x0  }
0xa0: {  	[sflag:s22] =	ssyncadd.s32 s4;
	_ =	sdelay $0x1  }
0xa1: {  	s23 =	simm.s32 $0x1B8B  }
0xa2: {  	_ =	swait.ge [sflag:s23], $0x1  }
0xa3: {  	[sflag:s23] =	ssyncset.done $0x0  }
0xa4: {  	s25 =	simm.s32 $0x1B8E;
	s24 =	sld [smem:$0x3FFE];
	[sflag:s23] =	ssyncadd.s32 $0xFFFFFFFF  }
0xa5: {  	s26 =	simm.s32 $execute0_lowered;
	[smem:$0x3FD2] =	sst s25  }
0xa6: {  	s5 =	sshll.u32 s26, $0x1;
	_ =	strace $0x80000046;
	[dreg:$0x1] =	wrdreg $0xFFFFFFFF  }
0xa7: {  	s28 =	simm.s32 $_size_execute0_lowered;
	s3 =	sadd.s32 s3, s5;
	[dreg:$0x0] =	wrdreg $0x0  }
0xa8: {  	s5 =	sshll.u32 s28, $0x1;
	[dreg:$0x2] =	wrdreg s3  }
0xa9: {  	[dreg:$0x3] =	wrdreg s5  }
0xaa: {  	[dreg:$0x4] =	wrdreg $0xC0  }
0xab: {  	_ =	task [dreg:s7], $0x5FFFF  }
0xac: {  	[dreg:$0x1] =	wrdreg $0xFFFFFFFF  }
0xad: {  	[dreg:$0x0] =	wrdreg $0x60  }
0xae: {  	[dreg:$0x2] =	wrdreg s24  }
0xaf: {  	[dreg:$0x3] =	wrdreg s2  }
0xb0: {  	[dreg:$0x4] =	wrdreg $0x0  }
0xb1: {  	[dreg:$0x5] =	wrdreg $0x9  }
0xb2: {  	_ =	task.clear_ibuf [dreg:s7], $0x6FFFF;
	_ =	strace $0x90000046  }
0xb3: {  	s29 =	simm.s32 $0x9;
	_ =	strace $0x80000048  }
0xb4: {  	_ =	swait.ge [sflag:s29], $0x1  }
0xb5: {  	[sflag:s29] =	ssyncadd.s32 $0xFFFFFFFF  }
0xb6: {  	_ =	strace $0x90000048  }
0xb7: {  	_ =	sfence  }
0xb8: {  	s30 =	sld [smem:$0x0];
	_ =	sdelay $0x2  }
0xb9: {  	s31 =	sshll.u32 s1, $0xD;
	s1 =	sshrl.u32 s1, $0x2  }
0xba: {  	s3 =	sand.u32 $0x4000, s31;
	s1 =	sadd.s32 s1, s30  }
0xbb: {  	s0 =	sor.u32 s3, s0;
	s1 =	sshll.u32 s1, $0x11  }
0xbc: {  	s0 =	sor.u32 s1, s0  }
0xbd: {  	s0 =	sadd.s32 $0x8F2B, s0  }
0xbe: {  	[sflag:s0] =	ssyncadd.remote.s32 $0x1  }
0xbf: {  	_ =	sfence.sel $0xFFFF  }
0xc0: {  	[dreg:$0x0] =	wrdreg $0xFFFFFFFF;
	(pc) =	sbr.abs _section_cstart, $3  }
0xc1: {  	[dreg:$0x1] =	wrdreg $0xFFFFFFFF  }
0xc2: {  	_ =	task.clear_ibuf [dreg:s7], $0x2FFFF;
	_ =	strace $0x9FFFFFFF  }
0xc3: {  	(tm) =	ssettm $0x7FFFFFFF  }
tec
execute0_lowered:
.L_overlay_start_1:
0x0: {  	(tag) =	ssettag $0x1  }
0x1: {  	s0 =	rddreg [dreg:$0x0]  }
0x2: {  	s2 =	rddreg [dreg:$0x1]  }
0x3: {  	s1 =	srdreg.scid;
	s3 =	rddreg [dreg:$0x2]  }
0x4: {  	s8 =	stileid.u32;
	s6 =	simm.s32 $0x0;
	s1 =	sand.u32 $0x1, s1  }
0x5: {  	s5 =	sshrl.u32 s8, $0x3;
	[smem:$0x7FF] =	sst s6;
	s4 =	sshll.u32 s1, $0x4  }
0x6: {  	s7 =	smul.u32 $0x5000, s8;
	s9 =	ssub.s32 $0x2, s1;
	s4 =	sor.u32 s8, s4  }
0x7: {  	s11 =	sshll.u32 s8, $0x7;
	s10 =	sshrl.u32 s9, $0x1;
	s4 =	smul.u32 $0x500, s4  }
0x8: {  	s22 =	smul.u32 $0x500, s8;
	_ =	strace $0x80000047;
	s6 =	ssub.s32 s9, s10  }
0x9: {  	s13 =	sshrl.u32 s7, $0x2;
	s8 =	smax.u32 s6, $0x1;
	s0 =	sadd.s32 s4, s0  }
0xa: {  	s4 =	sadd.s32 s13, s3;
	[dreg:$0x16] =	wrdreg s8;
	s0 =	sadd.s32 $0x1600, s0  }
0xb: {  	s15 =	sadd.s32 $0x80, s4;
	[dreg:$0x4] =	wrdreg s0  }
0xc: {  	s16 =	sadd.s32 $0x100, s4;
	[dreg:$0x6] =	wrdreg s15  }
0xd: {  	s17 =	sadd.s32 $0x180, s4;
	[dreg:$0x7] =	wrdreg s16  }
0xe: {  	s18 =	sadd.s32 $0x200, s4;
	[dreg:$0x8] =	wrdreg s17  }
0xf: {  	s5 =	smul.u32 $0x50000, s5;
	s19 =	sadd.s32 $0x280, s4;
	[dreg:$0x9] =	wrdreg s18  }
0x10: {  	s20 =	sadd.s32 $0x300, s4;
	[dreg:$0xa] =	wrdreg s19  }
0x11: {  	s12 =	sshrl.u32 s5, $0x2;
	s21 =	sadd.s32 $0x380, s4;
	[dreg:$0xb] =	wrdreg s20  }
0x12: {  	s14 =	sadd.s32 s12, s3;
	s3 =	sadd.s32 $0x14000, s4;
	[dreg:$0xc] =	wrdreg s21  }
0x13: {  	s23 =	sadd.s32 $0x14080, s4;
	[dreg:$0xd] =	wrdreg s3  }
0x14: {  	s24 =	sadd.s32 $0x14100, s4;
	[dreg:$0xe] =	wrdreg s23  }
0x15: {  	s25 =	sadd.s32 $0x14180, s4;
	[dreg:$0xf] =	wrdreg s24  }
0x16: {  	s26 =	sadd.s32 $0x14200, s4;
	[dreg:$0x10] =	wrdreg s25  }
0x17: {  	s5 =	sadd.s32 $0x14300, s4;
	[dreg:$0x11] =	wrdreg s26  }
0x18: {  	s7 =	sadd.s32 $0x14380, s4;
	[dreg:$0x13] =	wrdreg s5  }
0x19: {  	s9 =	sadd.s32 $0x400, s4;
	[dreg:$0x14] =	wrdreg s7  }
0x1a: {  	s10 =	sadd.s32 $0x800, s4;
	[dreg:$0x17] =	wrdreg s9  }
0x1b: {  	s12 =	sadd.s32 $0x1000, s4;
	[dreg:$0x18] =	wrdreg s10  }
0x1c: {  	s13 =	sadd.s32 $0x480, s4;
	[dreg:$0x1a] =	wrdreg s12  }
0x1d: {  	s6 =	sadd.s32 $0xE80, s4;
	[dreg:$0x1b] =	wrdreg s13  }
0x1e: {  	s8 =	sadd.s32 $0x700, s4;
	[smem:$0x7E9] =	sst s6  }
0x1f: {  	s3 =	sadd.s32 $0x14280, s4;
	[smem:$0x7EB] =	sst s8  }
0x20: {  	s0 =	sand.u32 $0x380, s11;
	s11 =	sadd.s32 $0xC00, s4;
	[dreg:$0x12] =	wrdreg s3  }
0x21: {  	s15 =	sadd.s32 $0xC80, s4;
	[dreg:$0x19] =	wrdreg s11  }
0x22: {  	s16 =	sadd.s32 $0x1080, s4;
	[dreg:$0x1d] =	wrdreg s15  }
0x23: {  	s17 =	sadd.s32 $0x500, s4;
	[dreg:$0x1e] =	wrdreg s16  }
0x24: {  	s18 =	sadd.s32 $0x900, s4;
	[dreg:$0x1f] =	wrdreg s17  }
0x25: {  	s19 =	sadd.s32 $0xD00, s4;
	[smem:$0x7DC] =	sst s18  }
0x26: {  	s20 =	sadd.s32 $0x1100, s4;
	[smem:$0x7DD] =	sst s19  }
0x27: {  	s21 =	sadd.s32 $0x580, s4;
	[smem:$0x7DE] =	sst s20  }
0x28: {  	s23 =	sadd.s32 $0xD80, s4;
	[smem:$0x7DF] =	sst s21  }
0x29: {  	s24 =	sadd.s32 $0x1180, s4;
	[smem:$0x7E1] =	sst s23  }
0x2a: {  	s25 =	sadd.s32 $0x600, s4;
	[smem:$0x7E2] =	sst s24  }
0x2b: {  	s26 =	sadd.s32 $0xA00, s4;
	[smem:$0x7E3] =	sst s25  }
0x2c: {  	s5 =	sadd.s32 $0xA80, s4;
	[smem:$0x7E4] =	sst s26  }
0x2d: {  	s7 =	sadd.s32 $0x1280, s4;
	[smem:$0x7E8] =	sst s5  }
0x2e: {  	s9 =	sadd.s32 $0xB00, s4;
	[smem:$0x7EA] =	sst s7  }
0x2f: {  	s10 =	sadd.s32 $0xF00, s4;
	[smem:$0x7EC] =	sst s9  }
0x30: {  	s12 =	sadd.s32 $0x780, s4;
	[smem:$0x7ED] =	sst s10  }
0x31: {  	s13 =	sadd.s32 $0xB80, s4;
	[smem:$0x7EF] =	sst s12  }
0x32: {  	s0 =	sadd.s32 s0, s14;
	[smem:$0x7F0] =	sst s13  }
0x33: {  	s28 =	simm.s32 $0x1;
	s14 =	sadd.s32 $0x880, s4;
	[dreg:$0x5] =	wrdreg s0  }
0x34: {  	s29 =	simm.s32 $0x5000;
	s3 =	sadd.s32 $0x680, s4;
	[dreg:$0x1c] =	wrdreg s14  }
0x35: {  	s30 =	simm.s32 $0x80;
	s11 =	sadd.s32 $0x1300, s4;
	[smem:$0x7E7] =	sst s3  }
0x36: {  	s31 =	simm.s32 $0x0;
	s15 =	sadd.s32 $0x1380, s4;
	[smem:$0x7EE] =	sst s11  }
0x37: {  	s1 =	sshll.u32 s1, $0x7;
	s16 =	sadd.s32 $0x14400, s4;
	[smem:$0x7F2] =	sst s15  }
0x38: {  	s6 =	sadd.s32 $0x15100, s4;
	s17 =	sadd.s32 $0x14800, s4;
	[smem:$0x7F3] =	sst s16  }
0x39: {  	s8 =	sadd.s32 $0x14980, s4;
	s18 =	sadd.s32 $0x14C00, s4;
	[smem:$0x7F4] =	sst s17  }
0x3a: {  	s19 =	sadd.s32 $0x15000, s4;
	s20 =	sadd.s32 $0x14480, s4;
	[smem:$0x7F5] =	sst s18  }
0x3b: {  	s21 =	sadd.s32 $0x14880, s4;
	s23 =	sadd.s32 $0x15080, s4;
	[smem:$0x7F6] =	sst s19  }
0x3c: {  	s24 =	sadd.s32 $0x14500, s4;
	s25 =	sadd.s32 $0x14900, s4;
	[smem:$0x7F7] =	sst s20  }
0x3d: {  	s26 =	sadd.s32 $0x14D00, s4;
	s7 =	sadd.s32 $0x14580, s4;
	[smem:$0x7F8] =	sst s21  }
0x3e: {  	s9 =	sadd.s32 $0x14D80, s4;
	s10 =	sadd.s32 $0x15180, s4;
	[smem:$0x7FA] =	sst s23  }
0x3f: {  	s12 =	sadd.s32 $0x14A00, s4;
	s13 =	sadd.s32 $0x14E00, s4;
	[smem:$0x7FB] =	sst s24  }
0x40: {  	s0 =	sor.u32 s1, s22;
	s22 =	sadd.s32 $0x980, s4;
	[smem:$0x7FC] =	sst s25  }
0x41: {  	s1 =	sadd.s32 $0xE00, s4;
	s14 =	sadd.s32 $0xF80, s4;
	[smem:$0x7FD] =	sst s26  }
0x42: {  	s11 =	sadd.s32 $0x14600, s4;
	s15 =	sadd.s32 $0x14680, s4;
	s16 =	sadd.s32 $0x14A80, s4  }
0x43: {  	s17 =	sadd.s32 $0x14E80, s4;
	s18 =	sadd.s32 $0x15280, s4;
	s19 =	sadd.s32 $0x14700, s4  }
0x44: {  	s20 =	sadd.s32 $0x14B00, s4;
	s21 =	sadd.s32 $0x14F00, s4;
	[smem:$0x7E0] =	sst s22  }
0x45: {  	s23 =	sadd.s32 $0x14780, s4;
	s24 =	sadd.s32 $0x14B80, s4;
	[smem:$0x7E5] =	sst s1  }
0x46: {  	s0 =	sshrl.u32 s0, $0x3;
	[smem:$0x7F1] =	sst s14;
	s22 =	sadd.s32 $0x14C80, s4  }
0x47: {  	s25 =	sadd.s32 $0x14F80, s4;
	s0 =	sadd.s32 s2, s0;
	[smem:$0x7F9] =	sst s22  }
0x48: {  	s26 =	sadd.s32 $0x15380, s4;
	s2 =	sadd.s32 $0x1200, s4;
	[dreg:$0x15] =	wrdreg s0  }
0x49: {  	v0 =	vimm.f32 $0.0e+00;
	v1 =	vimm.f32 $1.000000000e+00;
	s14 =	sadd.s32 $0x15200, s4;
	s22 =	sadd.s32 $0x15300, s4;
	[smem:$0x7E6] =	sst s2  }
.LBB2_1:
0x4a: {  	s0 =	simm.s32 $0x0;
	s1 =	rddreg [dreg:$0x4];
	s2 =	simm.s32 $0x2800  }
0x4b: {  	[tilespmem:s2], [sflag:$0x1] =	stream.linear.gather [hbm4b:s1+s0], $0x2800, $0x38;
	[tilespmem:$0xA280] =	vst v63  }
0x4c: {  	_ =	swait.ge [sflag:s28], $0x2800  }
0x4d: {  	[sflag:s28] =	ssyncset.done $0x0  }
0x4e: {  	s0 =	simm.s32 $0x0;
	[sflag:s28] =	ssyncadd.s32 $0xFFFFD800  }
.LBB2_2:
0x4f: {  	p0 =	sne.s32 s0, $0x9FC0  }
.Ltmp0:
0x50: {  	_ = 	snop;
	(pc) =	sbr.rel @p0 .LBB2_2-.Ltmp0, $3  }
0x51: {  	_ =	sdelay $0x1  }
0x52: {  	s1 =	sshra.s32 s0, $0x2  }
0x53: {  	s0 =	sadd.s32 $0x40, s0;
	[tilespmem:s1+$0x5000] =	vst v0  }
0x54: {  	s0 =	simm.s32 $0x0  }
.LBB2_4:
0x55: {  	s1 =	sshra.s32 s0, $0x2  }
0x56: {  	v2 =	vld [tilespmem:s1+$0x2800];
	_ =	sdelay $0x7  }
0x57: {  	[tilespmem:v2+s29+$0x0] =	vst.idx.add.f32.msk $0xffff, v1  }
0x58: {  	v2 =	vld [tilespmem:s1+$0x2810];
	_ =	sdelay $0x7  }
0x59: {  	[tilespmem:v2+s29+$0x0] =	vst.idx.add.f32.msk $0xffff, v1  }
0x5a: {  	v2 =	vld [tilespmem:s1+$0x2820];
	_ =	sdelay $0x7  }
0x5b: {  	[tilespmem:v2+s29+$0x0] =	vst.idx.add.f32.msk $0xffff, v1  }
0x5c: {  	v2 =	vld [tilespmem:s1+$0x2830];
	_ =	sdelay $0x7  }
0x5d: {  	[tilespmem:v2+s29+$0x0] =	vst.idx.add.f32.msk $0xffff, v1  }
0x5e: {  	v2 =	vld [tilespmem:s1+$0x2840];
	_ =	sdelay $0x7  }
0x5f: {  	[tilespmem:v2+s29+$0x0] =	vst.idx.add.f32.msk $0xffff, v1  }
0x60: {  	v2 =	vld [tilespmem:s1+$0x2850];
	_ =	sdelay $0x7  }
0x61: {  	[tilespmem:v2+s29+$0x0] =	vst.idx.add.f32.msk $0xffff, v1  }
0x62: {  	v2 =	vld [tilespmem:s1+$0x2860];
	_ =	sdelay $0x7  }
0x63: {  	[tilespmem:v2+s29+$0x0] =	vst.idx.add.f32.msk $0xffff, v1  }
0x64: {  	v2 =	vld [tilespmem:s1+$0x2870];
	_ =	sdelay $0x2  }
0x65: {  	p0 =	sne.s32 s0, $0x9E00  }
.Ltmp1:
0x66: {  	_ = 	snop;
	(pc) =	sbr.rel @p0 .LBB2_4-.Ltmp1, $2  }
0x67: {  	_ =	sdelay $0x2  }
0x68: {  	s0 =	sadd.s32 $0x200, s0;
	[tilespmem:v2+s29+$0x0] =	vst.idx.add.f32.msk $0xffff, v1  }
0x69: {  	s0 =	rddreg [dreg:$0x5];
	s1 =	simm.s32 $0x400  }
0x6a: {  	[spmem:s0] =	stream.strided.scatter [tilespmem:s29], [sflag:$0x1], $0x2800, s1, s30, $0x38;
	[tilespmem:$0xA280] =	vst v63  }
0x6b: {  	_ =	swait.ge [sflag:s28], $0x2800  }
0x6c: {  	[sflag:s28] =	ssyncset.done $0x0  }
0x6d: {  	[sflag:s28] =	ssyncadd.s32 $0xFFFFD800  }
0x6e: {  	s2 =	simm.s32 $0x7800;
	[bflag:$0x0] =	sbarrier.arrive $0xFFFF  }
0x6f: {  	[tilespmem:s2], [sflag:$0x1] =	stream.linear.gather [spmem:s4], $0x80, $0x38;
	[tilespmem:$0xA280] =	vst v63  }
0x70: {  	s5 =	simm.s32 $0x7C00;
	s3 =	rddreg [dreg:$0x17]  }
0x71: {  	[tilespmem:s5], [sflag:$0x1] =	stream.linear.gather [spmem:s3], $0x80, $0x38;
	[tilespmem:$0xA280] =	vst v63  }
0x72: {  	s1 =	rddreg [dreg:$0x18];
	s2 =	simm.s32 $0x8000  }
0x73: {  	[tilespmem:s2], [sflag:$0x1] =	stream.linear.gather [spmem:s1], $0x80, $0x38;
	[tilespmem:$0xA280] =	vst v63  }
0x74: {  	s3 =	rddreg [dreg:$0x19];
	s5 =	simm.s32 $0x8400  }
0x75: {  	[tilespmem:s5], [sflag:$0x1] =	stream.linear.gather [spmem:s3], $0x80, $0x38;
	[tilespmem:$0xA280] =	vst v63  }
0x76: {  	s1 =	rddreg [dreg:$0x1a];
	s2 =	simm.s32 $0x8800  }
0x77: {  	[tilespmem:s2], [sflag:$0x1] =	stream.linear.gather [spmem:s1], $0x80, $0x38;
	[tilespmem:$0xA280] =	vst v63  }
0x78: {  	_ =	swait.ge [sflag:s28], $0x280  }
0x79: {  	[sflag:s28] =	ssyncset.done $0x0  }
0x7a: {  	s5 =	simm.s32 $0x7880;
	s3 =	rddreg [dreg:$0x6];
	[sflag:s28] =	ssyncadd.s32 $0xFFFFFD80  }
0x7b: {  	[tilespmem:s5], [sflag:$0x1] =	stream.linear.gather [spmem:s3], $0x80, $0x38;
	[tilespmem:$0xA280] =	vst v63  }
0x7c: {  	s2 =	simm.s32 $0x7C80;
	s1 =	rddreg [dreg:$0x1b]  }
0x7d: {  	[tilespmem:s2], [sflag:$0x1] =	stream.linear.gather [spmem:s1], $0x80, $0x38;
	[tilespmem:$0xA280] =	vst v63  }
0x7e: {  	s3 =	rddreg [dreg:$0x1c];
	s5 =	simm.s32 $0x8080  }
0x7f: {  	[tilespmem:s5], [sflag:$0x1] =	stream.linear.gather [spmem:s3], $0x80, $0x38;
	[tilespmem:$0xA280] =	vst v63  }
0x80: {  	s1 =	rddreg [dreg:$0x1d];
	s2 =	simm.s32 $0x8480  }
0x81: {  	[tilespmem:s2], [sflag:$0x1] =	stream.linear.gather [spmem:s1], $0x80, $0x38;
	[tilespmem:$0xA280] =	vst v63  }
0x82: {  	s3 =	rddreg [dreg:$0x1e];
	s5 =	simm.s32 $0x8880  }
0x83: {  	[tilespmem:s5], [sflag:$0x1] =	stream.linear.gather [spmem:s3], $0x80, $0x38;
	[tilespmem:$0xA280] =	vst v63  }
0x84: {  	_ =	swait.ge [sflag:s28], $0x280  }
0x85: {  	[sflag:s28] =	ssyncset.done $0x0;
	s1 =	rddreg [dreg:$0x7]  }
0x86: {  	s2 =	simm.s32 $0x7900;
	s3 =	rddreg [dreg:$0x1f];
	[sflag:s28] =	ssyncadd.s32 $0xFFFFFD80  }
0x87: {  	[tilespmem:s2], [sflag:$0x1] =	stream.linear.gather [spmem:s1], $0x80, $0x38;
	[tilespmem:$0xA280] =	vst v63  }
0x88: {  	s5 =	simm.s32 $0x7D00;
	s1 =	sld [smem:$0x7DC]  }
0x89: {  	[tilespmem:s5], [sflag:$0x1] =	stream.linear.gather [spmem:s3], $0x80, $0x38;
	[tilespmem:$0xA280] =	vst v63  }
0x8a: {  	s2 =	simm.s32 $0x8100;
	s3 =	sld [smem:$0x7DD]  }
0x8b: {  	[tilespmem:s2], [sflag:$0x1] =	stream.linear.gather [spmem:s1], $0x80, $0x38;
	[tilespmem:$0xA280] =	vst v63  }
0x8c: {  	s5 =	simm.s32 $0x8500;
	s1 =	sld [smem:$0x7DE]  }
0x8d: {  	[tilespmem:s5], [sflag:$0x1] =	stream.linear.gather [spmem:s3], $0x80, $0x38;
	[tilespmem:$0xA280] =	vst v63  }
0x8e: {  	s2 =	simm.s32 $0x8900  }
0x8f: {  	[tilespmem:s2], [sflag:$0x1] =	stream.linear.gather [spmem:s1], $0x80, $0x38;
	[tilespmem:$0xA280] =	vst v63  }
0x90: {  	_ =	swait.ge [sflag:s28], $0x280  }
0x91: {  	[sflag:s28] =	ssyncset.done $0x0;
	s3 =	rddreg [dreg:$0x8]  }
0x92: {  	s5 =	simm.s32 $0x7980;
	s1 =	sld [smem:$0x7DF];
	[sflag:s28] =	ssyncadd.s32 $0xFFFFFD80  }
0x93: {  	[tilespmem:s5], [sflag:$0x1] =	stream.linear.gather [spmem:s3], $0x80, $0x38;
	[tilespmem:$0xA280] =	vst v63  }
0x94: {  	s2 =	simm.s32 $0x7D80;
	s3 =	sld [smem:$0x7E0]  }
0x95: {  	[tilespmem:s2], [sflag:$0x1] =	stream.linear.gather [spmem:s1], $0x80, $0x38;
	[tilespmem:$0xA280] =	vst v63  }
0x96: {  	s5 =	simm.s32 $0x8180;
	s1 =	sld [smem:$0x7E1]  }
0x97: {  	[tilespmem:s5], [sflag:$0x1] =	stream.linear.gather [spmem:s3], $0x80, $0x38;
	[tilespmem:$0xA280] =	vst v63  }
0x98: {  	s2 =	simm.s32 $0x8580;
	s3 =	sld [smem:$0x7E2]  }
0x99: {  	[tilespmem:s2], [sflag:$0x1] =	stream.linear.gather [spmem:s1], $0x80, $0x38;
	[tilespmem:$0xA280] =	vst v63  }
0x9a: {  	s5 =	simm.s32 $0x8980  }
0x9b: {  	[tilespmem:s5], [sflag:$0x1] =	stream.linear.gather [spmem:s3], $0x80, $0x38;
	[tilespmem:$0xA280] =	vst v63  }
0x9c: {  	_ =	swait.ge [sflag:s28], $0x280  }
0x9d: {  	[sflag:s28] =	ssyncset.done $0x0;
	s1 =	rddreg [dreg:$0x9]  }
0x9e: {  	s2 =	simm.s32 $0x7A00;
	s3 =	sld [smem:$0x7E3];
	[sflag:s28] =	ssyncadd.s32 $0xFFFFFD80  }
0x9f: {  	[tilespmem:s2], [sflag:$0x1] =	stream.linear.gather [spmem:s1], $0x80, $0x38;
	[tilespmem:$0xA280] =	vst v63  }
0xa0: {  	s5 =	simm.s32 $0x7E00;
	s1 =	sld [smem:$0x7E4]  }
0xa1: {  	[tilespmem:s5], [sflag:$0x1] =	stream.linear.gather [spmem:s3], $0x80, $0x38;
	[tilespmem:$0xA280] =	vst v63  }
0xa2: {  	s2 =	simm.s32 $0x8200;
	s3 =	sld [smem:$0x7E5]  }
0xa3: {  	[tilespmem:s2], [sflag:$0x1] =	stream.linear.gather [spmem:s1], $0x80, $0x38;
	[tilespmem:$0xA280] =	vst v63  }
0xa4: {  	s5 =	simm.s32 $0x8600;
	s1 =	sld [smem:$0x7E6]  }
0xa5: {  	[tilespmem:s5], [sflag:$0x1] =	stream.linear.gather [spmem:s3], $0x80, $0x38;
	[tilespmem:$0xA280] =	vst v63  }
0xa6: {  	s2 =	simm.s32 $0x8A00  }
0xa7: {  	[tilespmem:s2], [sflag:$0x1] =	stream.linear.gather [spmem:s1], $0x80, $0x38;
	[tilespmem:$0xA280] =	vst v63  }
0xa8: {  	_ =	swait.ge [sflag:s28], $0x280  }
0xa9: {  	[sflag:s28] =	ssyncset.done $0x0;
	s3 =	rddreg [dreg:$0xa]  }
0xaa: {  	s5 =	simm.s32 $0x7A80;
	s1 =	sld [smem:$0x7E7];
	[sflag:s28] =	ssyncadd.s32 $0xFFFFFD80  }
0xab: {  	[tilespmem:s5], [sflag:$0x1] =	stream.linear.gather [spmem:s3], $0x80, $0x38;
	[tilespmem:$0xA280] =	vst v63  }
0xac: {  	s2 =	simm.s32 $0x7E80;
	s3 =	sld [smem:$0x7E8]  }
0xad: {  	[tilespmem:s2], [sflag:$0x1] =	stream.linear.gather [spmem:s1], $0x80, $0x38;
	[tilespmem:$0xA280] =	vst v63  }
0xae: {  	s5 =	simm.s32 $0x8280;
	s1 =	sld [smem:$0x7E9]  }
0xaf: {  	[tilespmem:s5], [sflag:$0x1] =	stream.linear.gather [spmem:s3], $0x80, $0x38;
	[tilespmem:$0xA280] =	vst v63  }
0xb0: {  	s2 =	simm.s32 $0x8680;
	s3 =	sld [smem:$0x7EA]  }
0xb1: {  	[tilespmem:s2], [sflag:$0x1] =	stream.linear.gather [spmem:s1], $0x80, $0x38;
	[tilespmem:$0xA280] =	vst v63  }
0xb2: {  	s5 =	simm.s32 $0x8A80  }
0xb3: {  	[tilespmem:s5], [sflag:$0x1] =	stream.linear.gather [spmem:s3], $0x80, $0x38;
	[tilespmem:$0xA280] =	vst v63  }
0xb4: {  	_ =	swait.ge [sflag:s28], $0x280  }
0xb5: {  	[sflag:s28] =	ssyncset.done $0x0;
	s1 =	rddreg [dreg:$0xb]  }
0xb6: {  	s2 =	simm.s32 $0x7B00;
	s3 =	sld [smem:$0x7EB];
	[sflag:s28] =	ssyncadd.s32 $0xFFFFFD80  }
0xb7: {  	[tilespmem:s2], [sflag:$0x1] =	stream.linear.gather [spmem:s1], $0x80, $0x38;
	[tilespmem:$0xA280] =	vst v63  }
0xb8: {  	s5 =	simm.s32 $0x7F00;
	s1 =	sld [smem:$0x7EC]  }
0xb9: {  	[tilespmem:s5], [sflag:$0x1] =	stream.linear.gather [spmem:s3], $0x80, $0x38;
	[tilespmem:$0xA280] =	vst v63  }
0xba: {  	s2 =	simm.s32 $0x8300;
	s3 =	sld [smem:$0x7ED]  }
0xbb: {  	[tilespmem:s2], [sflag:$0x1] =	stream.linear.gather [spmem:s1], $0x80, $0x38;
	[tilespmem:$0xA280] =	vst v63  }
0xbc: {  	s5 =	simm.s32 $0x8700;
	s1 =	sld [smem:$0x7EE]  }
0xbd: {  	[tilespmem:s5], [sflag:$0x1] =	stream.linear.gather [spmem:s3], $0x80, $0x38;
	[tilespmem:$0xA280] =	vst v63  }
0xbe: {  	s2 =	simm.s32 $0x8B00  }
0xbf: {  	[tilespmem:s2], [sflag:$0x1] =	stream.linear.gather [spmem:s1], $0x80, $0x38;
	[tilespmem:$0xA280] =	vst v63  }
0xc0: {  	_ =	swait.ge [sflag:s28], $0x280  }
0xc1: {  	[sflag:s28] =	ssyncset.done $0x0;
	s3 =	rddreg [dreg:$0xc]  }
0xc2: {  	s5 =	simm.s32 $0x7B80;
	s1 =	sld [smem:$0x7EF];
	[sflag:s28] =	ssyncadd.s32 $0xFFFFFD80  }
0xc3: {  	[tilespmem:s5], [sflag:$0x1] =	stream.linear.gather [spmem:s3], $0x80, $0x38;
	[tilespmem:$0xA280] =	vst v63  }
0xc4: {  	s2 =	simm.s32 $0x7F80;
	s3 =	sld [smem:$0x7F0]  }
0xc5: {  	[tilespmem:s2], [sflag:$0x1] =	stream.linear.gather [spmem:s1], $0x80, $0x38;
	[tilespmem:$0xA280] =	vst v63  }
0xc6: {  	s5 =	simm.s32 $0x8380;
	s1 =	sld [smem:$0x7F1]  }
0xc7: {  	[tilespmem:s5], [sflag:$0x1] =	stream.linear.gather [spmem:s3], $0x80, $0x38;
	[tilespmem:$0xA280] =	vst v63  }
0xc8: {  	s2 =	simm.s32 $0x8780;
	s3 =	sld [smem:$0x7F2]  }
0xc9: {  	[tilespmem:s2], [sflag:$0x1] =	stream.linear.gather [spmem:s1], $0x80, $0x38;
	[tilespmem:$0xA280] =	vst v63  }
0xca: {  	s5 =	simm.s32 $0x8B80  }
0xcb: {  	[tilespmem:s5], [sflag:$0x1] =	stream.linear.gather [spmem:s3], $0x80, $0x38;
	[tilespmem:$0xA280] =	vst v63  }
0xcc: {  	_ =	swait.ge [sflag:s28], $0x280  }
0xcd: {  	[sflag:s28] =	ssyncset.done $0x0;
	s1 =	rddreg [dreg:$0xd]  }
0xce: {  	s2 =	simm.s32 $0x8C00;
	s3 =	sld [smem:$0x7F3];
	[sflag:s28] =	ssyncadd.s32 $0xFFFFFD80  }
0xcf: {  	[tilespmem:s2], [sflag:$0x1] =	stream.linear.gather [spmem:s1], $0x80, $0x38;
	[tilespmem:$0xA280] =	vst v63  }
0xd0: {  	s5 =	simm.s32 $0x9000;
	s1 =	sld [smem:$0x7F4]  }
0xd1: {  	[tilespmem:s5], [sflag:$0x1] =	stream.linear.gather [spmem:s3], $0x80, $0x38;
	[tilespmem:$0xA280] =	vst v63  }
0xd2: {  	s2 =	simm.s32 $0x9400;
	s3 =	sld [smem:$0x7F5]  }
0xd3: {  	[tilespmem:s2], [sflag:$0x1] =	stream.linear.gather [spmem:s1], $0x80, $0x38;
	[tilespmem:$0xA280] =	vst v63  }
0xd4: {  	s5 =	simm.s32 $0x9800;
	s1 =	sld [smem:$0x7F6]  }
0xd5: {  	[tilespmem:s5], [sflag:$0x1] =	stream.linear.gather [spmem:s3], $0x80, $0x38;
	[tilespmem:$0xA280] =	vst v63  }
0xd6: {  	s2 =	simm.s32 $0x9C00  }
0xd7: {  	[tilespmem:s2], [sflag:$0x1] =	stream.linear.gather [spmem:s1], $0x80, $0x38;
	[tilespmem:$0xA280] =	vst v63  }
0xd8: {  	_ =	swait.ge [sflag:s28], $0x280  }
0xd9: {  	[sflag:s28] =	ssyncset.done $0x0;
	s3 =	rddreg [dreg:$0xe]  }
0xda: {  	s5 =	simm.s32 $0x8C80;
	s1 =	sld [smem:$0x7F7];
	[sflag:s28] =	ssyncadd.s32 $0xFFFFFD80  }
0xdb: {  	[tilespmem:s5], [sflag:$0x1] =	stream.linear.gather [spmem:s3], $0x80, $0x38;
	[tilespmem:$0xA280] =	vst v63  }
0xdc: {  	s2 =	simm.s32 $0x9080;
	s3 =	sld [smem:$0x7F8]  }
0xdd: {  	[tilespmem:s2], [sflag:$0x1] =	stream.linear.gather [spmem:s1], $0x80, $0x38;
	[tilespmem:$0xA280] =	vst v63  }
0xde: {  	s5 =	simm.s32 $0x9480;
	s1 =	sld [smem:$0x7F9]  }
0xdf: {  	[tilespmem:s5], [sflag:$0x1] =	stream.linear.gather [spmem:s3], $0x80, $0x38;
	[tilespmem:$0xA280] =	vst v63  }
0xe0: {  	s2 =	simm.s32 $0x9880;
	s3 =	sld [smem:$0x7FA]  }
0xe1: {  	[tilespmem:s2], [sflag:$0x1] =	stream.linear.gather [spmem:s1], $0x80, $0x38;
	[tilespmem:$0xA280] =	vst v63  }
0xe2: {  	s5 =	simm.s32 $0x9C80  }
0xe3: {  	[tilespmem:s5], [sflag:$0x1] =	stream.linear.gather [spmem:s3], $0x80, $0x38;
	[tilespmem:$0xA280] =	vst v63  }
0xe4: {  	_ =	swait.ge [sflag:s28], $0x280  }
0xe5: {  	[sflag:s28] =	ssyncset.done $0x0;
	s1 =	rddreg [dreg:$0xf]  }
0xe6: {  	s2 =	simm.s32 $0x8D00;
	s3 =	sld [smem:$0x7FB];
	[sflag:s28] =	ssyncadd.s32 $0xFFFFFD80  }
0xe7: {  	[tilespmem:s2], [sflag:$0x1] =	stream.linear.gather [spmem:s1], $0x80, $0x38;
	[tilespmem:$0xA280] =	vst v63  }
0xe8: {  	s5 =	simm.s32 $0x9100;
	s1 =	sld [smem:$0x7FC]  }
0xe9: {  	[tilespmem:s5], [sflag:$0x1] =	stream.linear.gather [spmem:s3], $0x80, $0x38;
	[tilespmem:$0xA280] =	vst v63  }
0xea: {  	s2 =	simm.s32 $0x9500;
	s3 =	sld [smem:$0x7FD]  }
0xeb: {  	[tilespmem:s2], [sflag:$0x1] =	stream.linear.gather [spmem:s1], $0x80, $0x38;
	[tilespmem:$0xA280] =	vst v63  }
0xec: {  	s5 =	simm.s32 $0x9900  }
0xed: {  	[tilespmem:s5], [sflag:$0x1] =	stream.linear.gather [spmem:s3], $0x80, $0x38;
	[tilespmem:$0xA280] =	vst v63  }
0xee: {  	s2 =	simm.s32 $0x9D00  }
0xef: {  	[tilespmem:s2], [sflag:$0x1] =	stream.linear.gather [spmem:s6], $0x80, $0x38;
	[tilespmem:$0xA280] =	vst v63  }
0xf0: {  	_ =	swait.ge [sflag:s28], $0x280  }
0xf1: {  	[sflag:s28] =	ssyncset.done $0x0  }
0xf2: {  	s5 =	simm.s32 $0x8D80;
	s3 =	rddreg [dreg:$0x10];
	[sflag:s28] =	ssyncadd.s32 $0xFFFFFD80  }
0xf3: {  	[tilespmem:s5], [sflag:$0x1] =	stream.linear.gather [spmem:s3], $0x80, $0x38;
	[tilespmem:$0xA280] =	vst v63  }
0xf4: {  	s1 =	simm.s32 $0x9180  }
0xf5: {  	[tilespmem:s1], [sflag:$0x1] =	stream.linear.gather [spmem:s7], $0x80, $0x38;
	[tilespmem:$0xA280] =	vst v63  }
0xf6: {  	s2 =	simm.s32 $0x9580  }
0xf7: {  	[tilespmem:s2], [sflag:$0x1] =	stream.linear.gather [spmem:s8], $0x80, $0x38;
	[tilespmem:$0xA280] =	vst v63  }
0xf8: {  	s3 =	simm.s32 $0x9980  }
0xf9: {  	[tilespmem:s3], [sflag:$0x1] =	stream.linear.gather [spmem:s9], $0x80, $0x38;
	[tilespmem:$0xA280] =	vst v63  }
0xfa: {  	s5 =	simm.s32 $0x9D80  }
0xfb: {  	[tilespmem:s5], [sflag:$0x1] =	stream.linear.gather [spmem:s10], $0x80, $0x38;
	[tilespmem:$0xA280] =	vst v63  }
0xfc: {  	_ =	swait.ge [sflag:s28], $0x280  }
0xfd: {  	[sflag:s28] =	ssyncset.done $0x0  }
0xfe: {  	s2 =	simm.s32 $0x8E00;
	s1 =	rddreg [dreg:$0x11];
	[sflag:s28] =	ssyncadd.s32 $0xFFFFFD80  }
0xff: {  	[tilespmem:s2], [sflag:$0x1] =	stream.linear.gather [spmem:s1], $0x80, $0x38;
	[tilespmem:$0xA280] =	vst v63  }
0x100: {  	s3 =	simm.s32 $0x9200  }
0x101: {  	[tilespmem:s3], [sflag:$0x1] =	stream.linear.gather [spmem:s11], $0x80, $0x38;
	[tilespmem:$0xA280] =	vst v63  }
0x102: {  	s5 =	simm.s32 $0x9600  }
0x103: {  	[tilespmem:s5], [sflag:$0x1] =	stream.linear.gather [spmem:s12], $0x80, $0x38;
	[tilespmem:$0xA280] =	vst v63  }
0x104: {  	s1 =	simm.s32 $0x9A00  }
0x105: {  	[tilespmem:s1], [sflag:$0x1] =	stream.linear.gather [spmem:s13], $0x80, $0x38;
	[tilespmem:$0xA280] =	vst v63  }
0x106: {  	s2 =	simm.s32 $0x9E00  }
0x107: {  	[tilespmem:s2], [sflag:$0x1] =	stream.linear.gather [spmem:s14], $0x80, $0x38;
	[tilespmem:$0xA280] =	vst v63  }
0x108: {  	_ =	swait.ge [sflag:s28], $0x280  }
0x109: {  	[sflag:s28] =	ssyncset.done $0x0  }
0x10a: {  	s5 =	simm.s32 $0x8E80;
	s3 =	rddreg [dreg:$0x12];
	[sflag:s28] =	ssyncadd.s32 $0xFFFFFD80  }
0x10b: {  	[tilespmem:s5], [sflag:$0x1] =	stream.linear.gather [spmem:s3], $0x80, $0x38;
	[tilespmem:$0xA280] =	vst v63  }
0x10c: {  	s1 =	simm.s32 $0x9280  }
0x10d: {  	[tilespmem:s1], [sflag:$0x1] =	stream.linear.gather [spmem:s15], $0x80, $0x38;
	[tilespmem:$0xA280] =	vst v63  }
0x10e: {  	s2 =	simm.s32 $0x9680  }
0x10f: {  	[tilespmem:s2], [sflag:$0x1] =	stream.linear.gather [spmem:s16], $0x80, $0x38;
	[tilespmem:$0xA280] =	vst v63  }
0x110: {  	s3 =	simm.s32 $0x9A80  }
0x111: {  	[tilespmem:s3], [sflag:$0x1] =	stream.linear.gather [spmem:s17], $0x80, $0x38;
	[tilespmem:$0xA280] =	vst v63  }
0x112: {  	s5 =	simm.s32 $0x9E80  }
0x113: {  	[tilespmem:s5], [sflag:$0x1] =	stream.linear.gather [spmem:s18], $0x80, $0x38;
	[tilespmem:$0xA280] =	vst v63  }
0x114: {  	_ =	swait.ge [sflag:s28], $0x280  }
0x115: {  	[sflag:s28] =	ssyncset.done $0x0  }
0x116: {  	s2 =	simm.s32 $0x8F00;
	s1 =	rddreg [dreg:$0x13];
	[sflag:s28] =	ssyncadd.s32 $0xFFFFFD80  }
0x117: {  	[tilespmem:s2], [sflag:$0x1] =	stream.linear.gather [spmem:s1], $0x80, $0x38;
	[tilespmem:$0xA280] =	vst v63  }
0x118: {  	s3 =	simm.s32 $0x9300  }
0x119: {  	[tilespmem:s3], [sflag:$0x1] =	stream.linear.gather [spmem:s19], $0x80, $0x38;
	[tilespmem:$0xA280] =	vst v63  }
0x11a: {  	s5 =	simm.s32 $0x9700  }
0x11b: {  	[tilespmem:s5], [sflag:$0x1] =	stream.linear.gather [spmem:s20], $0x80, $0x38;
	[tilespmem:$0xA280] =	vst v63  }
0x11c: {  	s1 =	simm.s32 $0x9B00  }
0x11d: {  	[tilespmem:s1], [sflag:$0x1] =	stream.linear.gather [spmem:s21], $0x80, $0x38;
	[tilespmem:$0xA280] =	vst v63  }
0x11e: {  	s2 =	simm.s32 $0x9F00  }
0x11f: {  	[tilespmem:s2], [sflag:$0x1] =	stream.linear.gather [spmem:s22], $0x80, $0x38;
	[tilespmem:$0xA280] =	vst v63  }
0x120: {  	_ =	swait.ge [sflag:s28], $0x280  }
0x121: {  	[sflag:s28] =	ssyncset.done $0x0  }
0x122: {  	s5 =	simm.s32 $0x8F80;
	s3 =	rddreg [dreg:$0x14];
	[sflag:s28] =	ssyncadd.s32 $0xFFFFFD80  }
0x123: {  	[tilespmem:s5], [sflag:$0x1] =	stream.linear.gather [spmem:s3], $0x80, $0x38;
	[tilespmem:$0xA280] =	vst v63  }
0x124: {  	s2 =	simm.s32 $0x9380  }
0x125: {  	[tilespmem:s2], [sflag:$0x1] =	stream.linear.gather [spmem:s23], $0x80, $0x38;
	[tilespmem:$0xA280] =	vst v63  }
0x126: {  	s3 =	simm.s32 $0x9780  }
0x127: {  	[tilespmem:s3], [sflag:$0x1] =	stream.linear.gather [spmem:s24], $0x80, $0x38;
	[tilespmem:$0xA280] =	vst v63  }
0x128: {  	s5 =	simm.s32 $0x9B80  }
0x129: {  	[tilespmem:s5], [sflag:$0x1] =	stream.linear.gather [spmem:s25], $0x80, $0x38;
	[tilespmem:$0xA280] =	vst v63  }
0x12a: {  	s1 =	simm.s32 $0x9F80  }
0x12b: {  	[tilespmem:s1], [sflag:$0x1] =	stream.linear.gather [spmem:s26], $0x80, $0x38;
	[tilespmem:$0xA280] =	vst v63  }
0x12c: {  	s2 =	simm.s32 $0x0;
	_ =	swait.ge [sflag:s28], $0x280  }
0x12d: {  	s0 =	sand.u32 $0x1C00, s2;
	s3 =	sand.u32 $0x70, s2;
	[sflag:s28] =	ssyncset.done $0x0  }
0x12e: {  	s0 =	sor.u32 s3, s0;
	[sflag:s28] =	ssyncadd.s32 $0xFFFFFD80  }
0x12f: {  	v2 =	vld [tilespmem:s0+$0x7880]  }
0x130: {  	v3 =	vld [tilespmem:s0+$0x7800];
	_ =	sdelay $0x1  }
0x131: {  	v4 =	vld [tilespmem:s0+$0x7900];
	_ =	sdelay $0x1  }
0x132: {  	v5 =	vld [tilespmem:s0+$0x7980]  }
0x133: {  	v2 =	vadd.f32 v2, v3  }
0x134: {  	v3 =	vld [tilespmem:s0+$0x7A00]  }
0x135: {  	v2 =	vadd.f32 v4, v2  }
0x136: {  	v56 =	vld [tilespmem:s0+$0x7A80]  }
0x137: {  	v2 =	vadd.f32 v5, v2  }
0x138: {  	v57 =	vld [tilespmem:s0+$0x7B00]  }
0x139: {  	v2 =	vadd.f32 v3, v2  }
0x13a: {  	v3 =	vld [tilespmem:s0+$0x7B80]  }
0x13b: {  	v2 =	vadd.f32 v56, v2  }
0x13c: {  	v58 =	vld [tilespmem:s0+$0x8C00]  }
0x13d: {  	v2 =	vadd.f32 v57, v2  }
0x13e: {  	v59 =	vld [tilespmem:s0+$0x8C80]  }
0x13f: {  	v2 =	vadd.f32 v3, v2  }
0x140: {  	v3 =	vld [tilespmem:s0+$0x8D00]  }
0x141: {  	v2 =	vadd.f32 v58, v2  }
0x142: {  	v60 =	vld [tilespmem:s0+$0x8D80]  }
0x143: {  	v2 =	vadd.f32 v59, v2  }
0x144: {  	v61 =	vld [tilespmem:s0+$0x8E00]  }
0x145: {  	v2 =	vadd.f32 v3, v2  }
0x146: {  	v3 =	vld [tilespmem:s0+$0x8E80]  }
0x147: {  	v2 =	vadd.f32 v60, v2  }
0x148: {  	v62 =	vld [tilespmem:s0+$0x8F00]  }
0x149: {  	v2 =	vadd.f32 v61, v2  }
0x14a: {  	v63 =	vld [tilespmem:s0+$0x8F80]  }
0x14b: {  	v2 =	vadd.f32 v3, v2;
	_ =	sdelay $0x1  }
0x14c: {  	v2 =	vadd.f32 v62, v2;
	_ =	sdelay $0x1  }
0x14d: {  	s2 =	simm.s32 $0x80;
	s5 =	simm.s32 $0x10;
	v2 =	vadd.f32 v63, v2  }
0x14e: {  	s3 =	sand.u32 $0x1C00, s2;
	s1 =	sand.u32 $0x70, s5;
	s0 =	simm.s32 $0xA000  }
0x14f: {  	s1 =	sor.u32 s1, s3;
	s3 =	simm.s32 $0x20;
	[tilespmem:s0+$0x0] =	vst v2  }
.LBB2_6:
0x150: {  	p0 =	sne.s32 s3, $0x270;
	v2 =	vld [tilespmem:s1+$0x7880]  }
0x151: {  	v3 =	vld [tilespmem:s1+$0x7800];
	_ =	sdelay $0x1  }
0x152: {  	v4 =	vld [tilespmem:s1+$0x7900];
	_ =	sdelay $0x1  }
0x153: {  	v5 =	vld [tilespmem:s1+$0x7980]  }
0x154: {  	v2 =	vadd.f32 v2, v3  }
0x155: {  	v3 =	vld [tilespmem:s1+$0x7A00]  }
0x156: {  	v2 =	vadd.f32 v4, v2  }
0x157: {  	v4 =	vld [tilespmem:s1+$0x7A80]  }
0x158: {  	v2 =	vadd.f32 v5, v2  }
0x159: {  	v5 =	vld [tilespmem:s1+$0x7B00]  }
0x15a: {  	v2 =	vadd.f32 v3, v2  }
0x15b: {  	v3 =	vld [tilespmem:s1+$0x7B80]  }
0x15c: {  	v2 =	vadd.f32 v4, v2  }
0x15d: {  	v4 =	vld [tilespmem:s1+$0x8C00]  }
0x15e: {  	v2 =	vadd.f32 v5, v2  }
0x15f: {  	v5 =	vld [tilespmem:s1+$0x8C80]  }
0x160: {  	v2 =	vadd.f32 v3, v2  }
0x161: {  	v3 =	vld [tilespmem:s1+$0x8D00]  }
0x162: {  	v2 =	vadd.f32 v4, v2  }
0x163: {  	v4 =	vld [tilespmem:s1+$0x8D80]  }
0x164: {  	v2 =	vadd.f32 v5, v2  }
0x165: {  	v5 =	vld [tilespmem:s1+$0x8E00]  }
0x166: {  	v2 =	vadd.f32 v3, v2  }
0x167: {  	v3 =	vld [tilespmem:s1+$0x8E80]  }
0x168: {  	v2 =	vadd.f32 v4, v2  }
0x169: {  	v4 =	vld [tilespmem:s1+$0x8F00]  }
0x16a: {  	v2 =	vadd.f32 v5, v2  }
0x16b: {  	v5 =	vld [tilespmem:s1+$0x8F80]  }
0x16c: {  	v2 =	vadd.f32 v3, v2;
	_ =	sdelay $0x1  }
.Ltmp2:
0x16d: {  	v2 =	vadd.f32 v4, v2;
	(pc) =	sbr.rel @p0 .LBB2_6-.Ltmp2, $4  }
0x16e: {  	_ = 	snop  }
0x16f: {  	s2 =	sadd.s32 $0x80, s2;
	v2 =	vadd.f32 v5, v2  }
0x170: {  	s0 =	sadd.s32 $0x10, s0;
	s5 =	sand.u32 $0x1C00, s2;
	s1 =	sand.u32 $0x70, s3  }
0x171: {  	s3 =	sadd.s32 $0x10, s3;
	s1 =	sor.u32 s1, s5;
	[tilespmem:s0+$0x0] =	vst v2  }
0x172: {  	v2 =	vld [tilespmem:s1+$0x7880]  }
0x173: {  	v3 =	vld [tilespmem:s1+$0x7800];
	_ =	sdelay $0x1  }
0x174: {  	v4 =	vld [tilespmem:s1+$0x7900];
	_ =	sdelay $0x1  }
0x175: {  	v5 =	vld [tilespmem:s1+$0x7980]  }
0x176: {  	v2 =	vadd.f32 v2, v3  }
0x177: {  	v3 =	vld [tilespmem:s1+$0x7A00]  }
0x178: {  	v2 =	vadd.f32 v4, v2  }
0x179: {  	v56 =	vld [tilespmem:s1+$0x7A80]  }
0x17a: {  	v2 =	vadd.f32 v5, v2  }
0x17b: {  	v57 =	vld [tilespmem:s1+$0x7B00]  }
0x17c: {  	v2 =	vadd.f32 v3, v2  }
0x17d: {  	v3 =	vld [tilespmem:s1+$0x7B80]  }
0x17e: {  	v2 =	vadd.f32 v56, v2  }
0x17f: {  	v58 =	vld [tilespmem:s1+$0x8C00]  }
0x180: {  	v2 =	vadd.f32 v57, v2  }
0x181: {  	v59 =	vld [tilespmem:s1+$0x8C80]  }
0x182: {  	v2 =	vadd.f32 v3, v2  }
0x183: {  	v3 =	vld [tilespmem:s1+$0x8D00]  }
0x184: {  	v2 =	vadd.f32 v58, v2  }
0x185: {  	v60 =	vld [tilespmem:s1+$0x8D80]  }
0x186: {  	v2 =	vadd.f32 v59, v2  }
0x187: {  	v61 =	vld [tilespmem:s1+$0x8E00]  }
0x188: {  	v2 =	vadd.f32 v3, v2  }
0x189: {  	v3 =	vld [tilespmem:s1+$0x8E80]  }
0x18a: {  	v2 =	vadd.f32 v60, v2  }
0x18b: {  	v62 =	vld [tilespmem:s1+$0x8F00]  }
0x18c: {  	v2 =	vadd.f32 v61, v2  }
0x18d: {  	v63 =	vld [tilespmem:s1+$0x8F80]  }
0x18e: {  	v2 =	vadd.f32 v3, v2;
	_ =	sdelay $0x1  }
0x18f: {  	v2 =	vadd.f32 v62, v2;
	_ =	sdelay $0x1  }
0x190: {  	v2 =	vadd.f32 v63, v2  }
0x191: {  	s0 =	sadd.s32 $0x10, s0  }
0x192: {  	s3 =	simm.s32 $0x100;
	s2 =	simm.s32 $0xA000;
	s1 =	rddreg [dreg:$0x15];
	[tilespmem:s0+$0x0] =	vst v2  }
0x193: {  	[hbm4b:s1+s30] =	stream.strided.scatter [tilespmem:s2], [sflag:$0x1], $0x280, s3, s30, $0x38;
	[tilespmem:$0xA280] =	vst v63  }
0x194: {  	_ =	swait.ge [sflag:s28], $0x280  }
0x195: {  	s31 =	sadd.s32 $0x1, s31;
	s5 =	rddreg [dreg:$0x16]  }
0x196: {  	p0 =	sne.s32 s31, s5  }
.Ltmp3:
0x197: {  	_ = 	snop;
	(pc) =	sbr.rel @p0 .LBB2_1-.Ltmp3, $3  }
0x198: {  	_ =	sdelay $0x1  }
0x199: {  	[sflag:s28] =	ssyncset.done $0x0  }
0x19a: {  	[sflag:s28] =	ssyncadd.s32 $0xFFFFFD80  }
0x19b: {  	_ =	sfence.sel $0x180000  }
0x19c: {  	[bflag:$0x0] =	sbarrier.arrive $0xFFFF  }
0x19d: {  	_ =	strace $0x90000047  }
0x19e: {  	s0 =	stileid.u32;
	[bflag:$0x2] =	sbarrier.arrive $0xFFFF  }
0x19f: {  	p0 =	sne.s32 s0, $0x0;
	s0 =	rddreg [dreg:$0x3]  }
0x1a0: {  	s0 =	sadd.s32 @!p0 $0x100000, s0  }
0x1a1: {  	[sflag:s0] =	ssyncadd.tile.s32 @!p0 $0x1;
	_ =	shalt  }
.Lfunc_end2:
_tile_overlayer_lowered:
.L_overlay_start_2:
0x1a2: {  	(tag) =	ssettag $0x2  }
0x1a3: {  	s0 =	rddreg [dreg:$0x0];
	s2 =	stileid.u32  }
0x1a4: {  	s1 =	rddreg [dreg:$0x1];
	p0 =	sne.s32 s2, $0x0  }
0x1a5: {  	s3 =	rddreg [dreg:$0x2];
	[bflag:$0x3] =	sbarrier.arrive $0xFFFF;
	s2 =	simm.s32 @!p0 $0x1C01  }
0x1a6: {  	[timem:s3], [sflag:s2] =	dma.local @!p0 [hbm:s0], s1  }
0x1a7: {  	s0 =	simm.s32 @!p0 $0x1  }
0x1a8: {  	_ =	swait.ge @!p0 [sflag:s0], s1  }
0x1a9: {  	s1 =	ssub.s32 @!p0 $0x0, s1;
	[sflag:s0] =	ssyncset.done @!p0 $0x0  }
0x1aa: {  	[sflag:s0] =	ssyncadd.s32 @!p0 s1  }
0x1ab: {  	[bflag:$0x3] =	sbarrier.arrive $0xFFFF  }
0x1ac: {  	_ =	shalt  }

// kernel: kernel.9.cloned.1.call-start
scs
__scs_entry_jumppad:
0x0: {  	(pc) =	sbr.rel $0x88, $3  }
0x1: {  	(tag) =	ssettag $0x0;
	lr =	simm.s32 $0x1  }
0x2: {  	[smem:$0x3F9D] =	sst lr;
	_ =	strace $0xD0000000  }
0x3: {  	_ = 	snop  }
0x4: {  	_ = 	snop  }
0x5: {  	_ = 	snop  }
0x6: {  	_ = 	snop  }
0x7: {  	_ = 	snop  }
__scs_overlays_trampoline_lowered:
0x8: {  	[smem:$0x3FAC] =	sst s0  }
0x9: {  	[smem:$0x3FAD] =	sst s1  }
0xa: {  	[smem:$0x3FAE] =	sst s2  }
0xb: {  	[smem:$0x3FAF] =	sst s3  }
0xc: {  	[smem:$0x3FB0] =	sst s4  }
0xd: {  	[smem:$0x3FB1] =	sst s5  }
0xe: {  	[smem:$0x3FB2] =	sst s6  }
0xf: {  	[smem:$0x3FB3] =	sst s7  }
0x10: {  	[smem:$0x3FB4] =	sst s8  }
0x11: {  	[smem:$0x3FB5] =	sst s9;
	s0 =	simm.s32 @!p0 $0x0  }
0x12: {  	s1 =	sld [smem:$0x3F9B];
	s0 =	simm.s32 @p0 $0x1  }
0x13: {  	[smem:$0x3FB6] =	sst s0;
	s0 =	simm.s32 @!p1 $0x0  }
0x14: {  	s2 =	sld [smem:$0x3F9A];
	s0 =	simm.s32 @p1 $0x1  }
0x15: {  	[smem:$0x3FB7] =	sst s0;
	s0 =	simm.s32 @!p2 $0x0  }
0x16: {  	s3 =	sld [smem:$0x3FDB];
	s0 =	simm.s32 @p2 $0x1  }
0x17: {  	s4 =	simm.s32 $0x1BF5;
	[smem:$0x3FB9] =	sst s0  }
0x18: {  	s0 =	sld [smem:$0x3F9C];
	_ =	swait.ge [sflag:s4], $0x0  }
0x19: {  	s7 =	sld [smem:$0x3F9D]  }
0x1a: {  	s8 =	sadd.s32 $0xFFFFE003, lr  }
0x1b: {  	s9 =	sadd.s32 $0xFFFFFEF7, lr;
	s5 =	simm.s32 $0xFFFFFFFF;
	p2 =	slt.u32 s8, $0xFFFFF086  }
0x1c: {  	p1 =	slt.u32 s9, $0xF7A;
	s5 =	simm.s32 @!p2 $0x0  }
0x1d: {  	s5 =	simm.s32 @p1 $0x1;
	p0 =	seq.s32 s7, s2  }
0x1e: {  	s7 =	smul.u32 @!p0 $0xF7A, s2;
	p2 =	seq.s32 @!p0 s5, $0x0  }
0x1f: {  	s9 =	smul.u32 $0xF7A, s1;
	s8 =	simm.s32 @!p0 $0x1BF5;
	p2 =	por !p2, p0  }
0x20: {  	[sflag:s8] =	ssyncset.s32 @!p0 $0xFFFFF086;
	s6 =	sadd.s32 @!p0 s3, s7;
	s7 =	simm.s32 @!p0 $0x108  }
0x21: {  	s3 =	sadd.s32 s3, s9;
	s6 =	sadd.s32 @!p0 $0x88, s6;
	s7 =	simm.s32 @p2 $0x1082  }
0x22: {  	[simem:s7], [sflag:s8] =	dma.local @!p0 [hbm:s6], $0xF7A  }
0x23: {  	s9 =	sor.u32 $0xD0000000, s2;
	s6 =	simm.s32 $0x108;
	_ =	swait.ge @!p0 [sflag:s8], $0x0  }
0x24: {  	s3 =	sadd.s32 $0x88, s3;
	s6 =	simm.s32 @!p1 $0x1082;
	[sflag:s4] =	ssyncset.s32 $0xFFFFF086  }
0x25: {  	[simem:s6], [sflag:s4] =	dma.local [hbm:s3], $0xF7A  }
0x26: {  	[smem:$0x3F9D] =	sst s1;
	(tag) =	ssettag s2;
	_ =	strace s9  }
0x27: {  	s1 =	sld [smem:$0x3FAD]  }
0x28: {  	s2 =	sld [smem:$0x3FAE]  }
0x29: {  	s4 =	sld [smem:$0x3FB0]  }
0x2a: {  	p0 =	seq.s32 s5, $0x0;
	s5 =	sld [smem:$0x3FB1]  }
0x2b: {  	s6 =	sld [smem:$0x3FB2]  }
0x2c: {  	s7 =	sld [smem:$0x3FB3]  }
0x2d: {  	s3 =	simm.s32 $0x108;
	s8 =	sld [smem:$0x3FB4]  }
0x2e: {  	s3 =	simm.s32 @!p0 $0x1082;
	s9 =	sld [smem:$0x3FB5]  }
0x2f: {  	lr =	sadd.s32 s0, s3;
	s0 =	sld [smem:$0x3FAC]  }
0x30: {  	s3 =	sld [smem:$0x3FAF]  }
0x31: {  	[smem:$0x3FB8] =	sst s10  }
0x32: {  	s10 =	sld [smem:$0x3FB6];
	_ =	sdelay $0x3  }
0x33: {  	p0 =	seq.s32 s10, $0x1;
	s10 =	sld [smem:$0x3FB8];
	_ =	sdelay $0x3  }
0x34: {  	[smem:$0x3FB8] =	sst s10  }
0x35: {  	s10 =	sld [smem:$0x3FB7];
	_ =	sdelay $0x3  }
0x36: {  	p1 =	seq.s32 s10, $0x1;
	s10 =	sld [smem:$0x3FB8];
	_ =	sdelay $0x3  }
0x37: {  	[smem:$0x3FB8] =	sst s10  }
0x38: {  	s10 =	sld [smem:$0x3FB9]  }
0x39: {  	_ = 	snop;
	(pc) =	sbr.ind lr, $3  }
0x3a: {  	_ = 	snop  }
0x3b: {  	_ = 	snop  }
0x3c: {  	p2 =	seq.s32 s10, $0x1;
	s10 =	sld [smem:$0x3FB8]  }
0x3d: {  	_ =	shalt  }
0x3e: {  	_ =	shalt  }
0x3f: {  	_ =	shalt  }
0x40: {  	_ =	shalt  }
0x41: {  	_ =	shalt  }
0x42: {  	_ =	shalt  }
0x43: {  	_ =	shalt  }
0x44: {  	_ =	shalt  }
0x45: {  	_ =	shalt  }
0x46: {  	_ =	shalt  }
0x47: {  	_ =	shalt  }
0x48: {  	_ =	shalt  }
0x49: {  	_ =	shalt  }
0x4a: {  	_ =	shalt  }
0x4b: {  	_ =	shalt  }
0x4c: {  	_ =	shalt  }
0x4d: {  	_ =	shalt  }
0x4e: {  	_ =	shalt  }
0x4f: {  	_ =	shalt  }
0x50: {  	_ =	shalt  }
0x51: {  	_ =	shalt  }
0x52: {  	_ =	shalt  }
0x53: {  	_ =	shalt  }
0x54: {  	_ =	shalt  }
0x55: {  	_ =	shalt  }
0x56: {  	_ =	shalt  }
0x57: {  	_ =	shalt  }
0x58: {  	_ =	shalt  }
0x59: {  	_ =	shalt  }
0x5a: {  	_ =	shalt  }
0x5b: {  	_ =	shalt  }
0x5c: {  	_ =	shalt  }
0x5d: {  	_ =	shalt  }
0x5e: {  	_ =	shalt  }
0x5f: {  	_ =	shalt  }
0x60: {  	_ =	shalt  }
0x61: {  	_ =	shalt  }
0x62: {  	_ =	shalt  }
0x63: {  	_ =	shalt  }
0x64: {  	_ =	shalt  }
0x65: {  	_ =	shalt  }
0x66: {  	_ =	shalt  }
0x67: {  	_ =	shalt  }
0x68: {  	_ =	shalt  }
0x69: {  	_ =	shalt  }
0x6a: {  	_ =	shalt  }
0x6b: {  	_ =	shalt  }
0x6c: {  	_ =	shalt  }
0x6d: {  	_ =	shalt  }
0x6e: {  	_ =	shalt  }
0x6f: {  	_ =	shalt  }
0x70: {  	_ =	shalt  }
0x71: {  	_ =	shalt  }
0x72: {  	_ =	shalt  }
0x73: {  	_ =	shalt  }
0x74: {  	_ =	shalt  }
0x75: {  	_ =	shalt  }
0x76: {  	_ =	shalt  }
0x77: {  	_ =	shalt  }
0x78: {  	_ =	shalt  }
0x79: {  	_ =	shalt  }
0x7a: {  	_ =	shalt  }
0x7b: {  	_ =	shalt  }
0x7c: {  	_ =	shalt  }
0x7d: {  	_ =	shalt  }
0x7e: {  	_ =	shalt  }
0x7f: {  	_ =	shalt  }
0x80: {  	_ =	shalt  }
0x81: {  	_ =	shalt  }
0x82: {  	_ =	shalt  }
0x83: {  	_ =	shalt  }
0x84: {  	_ =	shalt  }
0x85: {  	_ =	shalt  }
0x86: {  	_ =	shalt  }
0x87: {  	_ =	shalt  }
.Lfunc_end0:
.L_simem_size_0:
called_computation.1_lowered:
.L_overlay_start_0:
0x88: {  	s2 =	sld [smem:$0x3FD9]  }
0x89: {  	s3 =	sld [smem:$0x3FFE];
	_ =	sdelay $0x1  }
0x8a: {  	s1 =	srdreg.scid  }
0x8b: {  	s0 =	sand.u32 $0x1, s1  }
0x8c: {  	s17 =	sshll.u32 s0, $0xA;
	s2 =	sadd.s32 s3, s2  }
0x8d: {  	s2 =	sadd.s32 s2, s17  }
0x8e: {  	[smem:$0x3FC4] =	sst s2  }
0x8f: {  	_ = 	snop  }
0x90: {  	s2 =	sld [smem:$0x3FD0];
	(tm) =	ssettm $0x1  }
0x91: {  	s18 =	sld [smem:$0x3FFB];
	_ =	sdelay $0x3  }
0x92: {  	_ =	strace s18  }
0x93: {  	s3 =	sld [smem:$0x3FFC];
	_ =	sdelay $0x3  }
0x94: {  	_ =	strace s3  }
0x95: {  	s3 =	sld [smem:$0x3FFD];
	_ =	sdelay $0x3  }
0x96: {  	_ =	strace s3  }
0x97: {  	_ =	strace $0x8FFFFFFF  }
0x98: {  	s19 =	sld [smem:$0x3FDB];
	_ =	sdelay $0x1  }
0x99: {  	s4 =	simm.s32 $_scs_section_size  }
0x9a: {  	s5 =	simm.s32 $_size__tile_overlayer_lowered;
	s6 =	simm.s32 $_tile_overlayer_lowered  }
0x9b: {  	s22 =	simm.s32 $0x1BFF;
	s21 =	sshll.u32 s6, $0x1;
	s3 =	sadd.s32 s4, s19  }
0x9c: {  	s7 =	simm.s32 $0x0;
	s20 =	sshll.u32 s5, $0x1;
	s5 =	sadd.s32 s21, s3  }
0x9d: {  	[timem:s7], [sflag:s22] =	dma.local [hbm:s5], s20  }
0x9e: {  	_ =	swait.ge [sflag:s22], s20  }
0x9f: {  	s4 =	ssub.s32 $0x0, s20;
	[sflag:s22] =	ssyncset.done $0x0  }
0xa0: {  	[sflag:s22] =	ssyncadd.s32 s4;
	_ =	sdelay $0x1  }
0xa1: {  	s23 =	simm.s32 $0x1B8B  }
0xa2: {  	_ =	swait.ge [sflag:s23], $0x1  }
0xa3: {  	[sflag:s23] =	ssyncset.done $0x0  }
0xa4: {  	s25 =	simm.s32 $0x1B8E;
	s24 =	sld [smem:$0x3FFE];
	[sflag:s23] =	ssyncadd.s32 $0xFFFFFFFF  }
0xa5: {  	s26 =	simm.s32 $execute0_lowered;
	[smem:$0x3FD2] =	sst s25  }
0xa6: {  	s5 =	sshll.u32 s26, $0x1;
	_ =	strace $0x80000049;
	[dreg:$0x1] =	wrdreg $0xFFFFFFFF  }
0xa7: {  	s28 =	simm.s32 $_size_execute0_lowered;
	s3 =	sadd.s32 s3, s5;
	[dreg:$0x0] =	wrdreg $0x0  }
0xa8: {  	s5 =	sshll.u32 s28, $0x1;
	[dreg:$0x2] =	wrdreg s3  }
0xa9: {  	[dreg:$0x3] =	wrdreg s5  }
0xaa: {  	[dreg:$0x4] =	wrdreg $0xC0  }
0xab: {  	_ =	task [dreg:s7], $0x5FFFF  }
0xac: {  	[dreg:$0x1] =	wrdreg $0xFFFFFFFF  }
0xad: {  	[dreg:$0x0] =	wrdreg $0x60  }
0xae: {  	[dreg:$0x2] =	wrdreg s2  }
0xaf: {  	[dreg:$0x3] =	wrdreg s24  }
0xb0: {  	[dreg:$0x4] =	wrdreg $0x0  }
0xb1: {  	[dreg:$0x5] =	wrdreg $0x9  }
0xb2: {  	_ =	task.clear_ibuf [dreg:s7], $0x6FFFF;
	_ =	strace $0x90000049  }
0xb3: {  	s29 =	simm.s32 $0x9;
	_ =	strace $0x8000004B  }
0xb4: {  	_ =	swait.ge [sflag:s29], $0x1  }
0xb5: {  	[sflag:s29] =	ssyncadd.s32 $0xFFFFFFFF  }
0xb6: {  	_ =	strace $0x9000004B  }
0xb7: {  	_ =	sfence  }
0xb8: {  	s30 =	sld [smem:$0x0];
	_ =	sdelay $0x2  }
0xb9: {  	s31 =	sshll.u32 s1, $0xD;
	s1 =	sshrl.u32 s1, $0x2  }
0xba: {  	s3 =	sand.u32 $0x4000, s31;
	s1 =	sadd.s32 s1, s30  }
0xbb: {  	s0 =	sor.u32 s3, s0;
	s1 =	sshll.u32 s1, $0x11  }
0xbc: {  	s0 =	sor.u32 s1, s0  }
0xbd: {  	s0 =	sadd.s32 $0x8F2B, s0  }
0xbe: {  	[sflag:s0] =	ssyncadd.remote.s32 $0x1  }
0xbf: {  	_ =	sfence.sel $0xFFFF  }
0xc0: {  	[dreg:$0x0] =	wrdreg $0xFFFFFFFF;
	(pc) =	sbr.abs _section_cstart, $3  }
0xc1: {  	[dreg:$0x1] =	wrdreg $0xFFFFFFFF  }
0xc2: {  	_ =	task.clear_ibuf [dreg:s7], $0x2FFFF;
	_ =	strace $0x9FFFFFFF  }
0xc3: {  	(tm) =	ssettm $0x7FFFFFFF  }
tec
execute0_lowered:
.L_overlay_start_1:
0x0: {  	(tag) =	ssettag $0x1  }
0x1: {  	s1 =	rddreg [dreg:$0x0]  }
0x2: {  	s0 =	rddreg [dreg:$0x1]  }
0x3: {  	s2 =	rddreg [dreg:$0x2];
	s4 =	simm.s32 $0x0  }
0x4: {  	s3 =	srdreg.scid;
	s10 =	stileid.u32;
	s31 =	simm.s32 $0x16300  }
0x5: {  	s16 =	simm.s32 $0x15000;
	s11 =	simm.s32 $0x15200;
	s28 =	simm.s32 $0x15300  }
0x6: {  	s13 =	simm.s32 $0x16680;
	s29 =	simm.s32 $0x15380;
	s14 =	simm.s32 $0x16700  }
0x7: {  	s30 =	simm.s32 $0x16780;
	[smem:$0x7FF] =	sst s4;
	s3 =	sand.u32 $0x1, s3  }
0x8: {  	s5 =	smul.u32 $0x14000, s10;
	s7 =	sadd.s32 $0xB600, s0;
	s8 =	sadd.s32 $0x1600, s0  }
0x9: {  	s9 =	sadd.s32 $0x15600, s0;
	s19 =	smul.u32 $0x50000, s10;
	s24 =	sshll.u32 s10, $0x6  }
0xa: {  	s17 =	smul.u32 $0x140000, s3;
	_ =	strace $0x8000004A;
	s6 =	sshll.u32 s3, $0x4  }
0xb: {  	[dreg:$0x4] =	wrdreg s9;
	s3 =	ssub.s32 $0x2, s3;
	s15 =	sor.u32 $0x1C05, s24  }
0xc: {  	s24 =	simm.s32 $0x2;
	s6 =	sor.u32 s10, s6;
	s20 =	sshrl.u32 s3, $0x1  }
0xd: {  	s23 =	sshrl.u32 s19, $0x2;
	[dreg:$0x7] =	wrdreg s15;
	s18 =	smul.u32 $0x500, s6  }
0xe: {  	s19 =	simm.s32 $0x16480;
	s4 =	sadd.s32 s5, s17;
	s6 =	smul.u32 $0x2800, s6  }
0xf: {  	s3 =	ssub.s32 s3, s20;
	s17 =	simm.s32 $0x80;
	s20 =	simm.s32 $0x1A800  }
0x10: {  	s5 =	simm.s32 $0x15100;
	s4 =	sshrl.u32 s4, $0x3;
	s26 =	smax.u32 s3, $0x1  }
0x11: {  	s0 =	sadd.s32 s4, s0;
	s21 =	sadd.s32 s7, s18;
	s22 =	sadd.s32 s8, s18  }
0x12: {  	s6 =	sshrl.u32 s6, $0x3;
	s4 =	sadd.s32 s23, s2;
	[dreg:$0x9] =	wrdreg s26  }
0x13: {  	s18 =	simm.s32 $0x16800;
	s26 =	simm.s32 $0x16600;
	[dreg:$0x5] =	wrdreg s21  }
0x14: {  	[dreg:$0x6] =	wrdreg s22;
	s25 =	sadd.s32 $0x280, s6;
	s0 =	sadd.s32 $0x17E00, s0  }
0x15: {  	s23 =	sshrl.u32 s4, $0x3;
	s21 =	simm.s32 $0x1;
	s22 =	simm.s32 $0x3  }
0x16: {  	s4 =	simm.s32 $0x16400;
	s6 =	simm.s32 $0x15180;
	s9 =	sadd.s32 s7, s25  }
0x17: {  	s10 =	sadd.s32 s8, s25;
	[dreg:$0x8] =	wrdreg s0;
	s0 =	simm.s32 $0x0  }
0x18: {  	[dreg:$0xa] =	wrdreg s23;
	s7 =	simm.s32 $0x16500;
	s25 =	simm.s32 $0x15280  }
.LBB2_1:
0x19: {  	[dreg:$0xb] =	wrdreg s0  }
0x1a: {  	s12 =	rddreg [dreg:$0x5]  }
0x1b: {  	s8 =	simm.s32 $0x0;
	s3 =	simm.s32 $0x14000;
	s0 =	rddreg [dreg:$0x6]  }
0x1c: {  	[tilespmem:s3], [sflag:$0x4] =	stream.linear.gather [hbm4b:s12+s8], $0x1400, $0x38;
	[tilespmem:$0x1E800] =	vst v63  }
0x1d: {  	s3 =	simm.s32 $0x15400;
	s12 =	rddreg [dreg:$0x4]  }
0x1e: {  	[tilespmem:s3], [sflag:$0x4] =	stream.linear.gather [hbm4b:s0+s8], $0x1400, $0x38;
	[tilespmem:$0x1E800] =	vst v63  }
0x1f: {  	[spmem:s23], [sflag:s15] =	dma.local [hbm:s12], $0x2800  }
0x20: {  	s23 =	simm.s32 $0x5  }
0x21: {  	_ =	swait.ge [sflag:s23], $0x2800  }
0x22: {  	[sflag:s23] =	ssyncset.done $0x0  }
0x23: {  	p1 =	por $0x1, $0x1;
	s0 =	simm.s32 $0x16380;
	[sflag:s23] =	ssyncadd.s32 $0xFFFFD800  }
0x24: {  	s3 =	simm.s32 $0x15080;
	s23 =	simm.s32 $0x16580;
	[bflag:$0x0] =	sbarrier.arrive $0xFFFF  }
.LBB2_2:
0x25: {  	s12 =	simm.s32 @!p1 $0x0;
	s8 =	simm.s32 @!p1 $0x14000  }
0x26: {  	[tilespmem:s8], [sflag:$0x5] =	stream.linear.gather @!p1 [hbm4b:s9+s12], $0x1400, $0x38;
	[tilespmem:$0x1E800] =	vst v63  }
0x27: {  	s8 =	simm.s32 @!p1 $0x5  }
0x28: {  	_ =	swait.ge @!p1 [sflag:s8], $0x1400  }
0x29: {  	[sflag:s8] =	ssyncset.done @!p1 $0x0  }
0x2a: {  	s15 =	simm.s32 @!p1 $0x15400;
	[sflag:s8] =	ssyncadd.s32 @!p1 $0xFFFFEC00  }
0x2b: {  	[tilespmem:s15], [sflag:$0x5] =	stream.linear.gather @!p1 [hbm4b:s10+s12], $0x1400, $0x38;
	[tilespmem:$0x1E800] =	vst v63  }
0x2c: {  	s12 =	simm.s32 @p1 $0x4  }
0x2d: {  	_ =	swait.ge @p1 [sflag:s12], $0x1400  }
0x2e: {  	[sflag:s12] =	ssyncset.done @p1 $0x0  }
0x2f: {  	s8 =	simm.s32 @p1 $0x4;
	[sflag:s12] =	ssyncadd.s32 @p1 $0xFFFFEC00  }
0x30: {  	_ =	swait.ge [sflag:s8], $0x1400  }
0x31: {  	[sflag:s8] =	ssyncset.done $0x0  }
0x32: {  	s12 =	simm.s32 $0x14000;
	[sflag:s8] =	ssyncadd.s32 $0xFFFFEC00  }
0x33: {  	[tilespmem:s18], [sflag:$0x1] =	stream.indirect.gather [hbm4b:s1+s17], $0x80, s12, s17, $0xb8;
	[tilespmem:$0x1E800] =	vst v63  }
0x34: {  	s15 =	simm.s32 $0x14080  }
0x35: {  	[tilespmem:s20], [sflag:$0x2] =	stream.indirect.gather [hbm4b:s1+s17], $0x80, s15, s17, $0xb8;
	[tilespmem:$0x1E800] =	vst v63  }
0x36: {  	_ =	swait.ge [sflag:s21], $0x4000  }
0x37: {  	[sflag:s21] =	ssyncset.done $0x0  }
0x38: {  	s12 =	simm.s32 $0x15400;
	[sflag:s21] =	ssyncadd.s32 $0xFFFFC000  }
0x39: {  	[spmem:s2] =	stream.indirect.scatter.add.f32 [tilespmem:s18], [sflag:$0x3], $0x80, s12, s17, $0xb8;
	[tilespmem:$0x1E800] =	vst v63  }
0x3a: {  	_ =	swait.ge [sflag:s22], $0x4000  }
0x3b: {  	[sflag:s22] =	ssyncset.done $0x0  }
0x3c: {  	s15 =	simm.s32 $0x14100;
	[sflag:s22] =	ssyncadd.s32 $0xFFFFC000  }
0x3d: {  	[tilespmem:s18], [sflag:$0x1] =	stream.indirect.gather [hbm4b:s1+s17], $0x80, s15, s17, $0xb8;
	[tilespmem:$0x1E800] =	vst v63  }
0x3e: {  	_ =	swait.ge [sflag:s24], $0x4000  }
0x3f: {  	[sflag:s24] =	ssyncset.done $0x0  }
0x40: {  	s12 =	simm.s32 $0x15480;
	[sflag:s24] =	ssyncadd.s32 $0xFFFFC000  }
0x41: {  	[spmem:s2] =	stream.indirect.scatter.add.f32 [tilespmem:s20], [sflag:$0x3], $0x80, s12, s17, $0xb8;
	[tilespmem:$0x1E800] =	vst v63  }
0x42: {  	_ =	swait.ge [sflag:s22], $0x4000  }
0x43: {  	[sflag:s22] =	ssyncset.done $0x0  }
0x44: {  	s15 =	simm.s32 $0x14180;
	[sflag:s22] =	ssyncadd.s32 $0xFFFFC000  }
0x45: {  	[tilespmem:s20], [sflag:$0x2] =	stream.indirect.gather [hbm4b:s1+s17], $0x80, s15, s17, $0xb8;
	[tilespmem:$0x1E800] =	vst v63  }
0x46: {  	_ =	swait.ge [sflag:s21], $0x4000  }
0x47: {  	[sflag:s21] =	ssyncset.done $0x0  }
0x48: {  	s12 =	simm.s32 $0x15500;
	[sflag:s21] =	ssyncadd.s32 $0xFFFFC000  }
0x49: {  	[spmem:s2] =	stream.indirect.scatter.add.f32 [tilespmem:s18], [sflag:$0x3], $0x80, s12, s17, $0xb8;
	[tilespmem:$0x1E800] =	vst v63  }
0x4a: {  	_ =	swait.ge [sflag:s22], $0x4000  }
0x4b: {  	[sflag:s22] =	ssyncset.done $0x0  }
0x4c: {  	s15 =	simm.s32 $0x14200;
	[sflag:s22] =	ssyncadd.s32 $0xFFFFC000  }
0x4d: {  	[tilespmem:s18], [sflag:$0x1] =	stream.indirect.gather [hbm4b:s1+s17], $0x80, s15, s17, $0xb8;
	[tilespmem:$0x1E800] =	vst v63  }
0x4e: {  	_ =	swait.ge [sflag:s24], $0x4000  }
0x4f: {  	[sflag:s24] =	ssyncset.done $0x0  }
0x50: {  	s12 =	simm.s32 $0x15580;
	[sflag:s24] =	ssyncadd.s32 $0xFFFFC000  }
0x51: {  	[spmem:s2] =	stream.indirect.scatter.add.f32 [tilespmem:s20], [sflag:$0x3], $0x80, s12, s17, $0xb8;
	[tilespmem:$0x1E800] =	vst v63  }
0x52: {  	_ =	swait.ge [sflag:s22], $0x4000  }
0x53: {  	[sflag:s22] =	ssyncset.done $0x0  }
0x54: {  	s15 =	simm.s32 $0x14280;
	[sflag:s22] =	ssyncadd.s32 $0xFFFFC000  }
0x55: {  	[tilespmem:s20], [sflag:$0x2] =	stream.indirect.gather [hbm4b:s1+s17], $0x80, s15, s17, $0xb8;
	[tilespmem:$0x1E800] =	vst v63  }
0x56: {  	_ =	swait.ge [sflag:s21], $0x4000  }
0x57: {  	[sflag:s21] =	ssyncset.done $0x0  }
0x58: {  	s12 =	simm.s32 $0x15600;
	[sflag:s21] =	ssyncadd.s32 $0xFFFFC000  }
0x59: {  	[spmem:s2] =	stream.indirect.scatter.add.f32 [tilespmem:s18], [sflag:$0x3], $0x80, s12, s17, $0xb8;
	[tilespmem:$0x1E800] =	vst v63  }
0x5a: {  	_ =	swait.ge [sflag:s22], $0x4000  }
0x5b: {  	[sflag:s22] =	ssyncset.done $0x0  }
0x5c: {  	s15 =	simm.s32 $0x14300;
	[sflag:s22] =	ssyncadd.s32 $0xFFFFC000  }
0x5d: {  	[tilespmem:s18], [sflag:$0x1] =	stream.indirect.gather [hbm4b:s1+s17], $0x80, s15, s17, $0xb8;
	[tilespmem:$0x1E800] =	vst v63  }
0x5e: {  	_ =	swait.ge [sflag:s24], $0x4000  }
0x5f: {  	[sflag:s24] =	ssyncset.done $0x0  }
0x60: {  	s12 =	simm.s32 $0x15680;
	[sflag:s24] =	ssyncadd.s32 $0xFFFFC000  }
0x61: {  	[spmem:s2] =	stream.indirect.scatter.add.f32 [tilespmem:s20], [sflag:$0x3], $0x80, s12, s17, $0xb8;
	[tilespmem:$0x1E800] =	vst v63  }
0x62: {  	_ =	swait.ge [sflag:s22], $0x4000  }
0x63: {  	[sflag:s22] =	ssyncset.done $0x0  }
0x64: {  	s15 =	simm.s32 $0x14380;
	[sflag:s22] =	ssyncadd.s32 $0xFFFFC000  }
0x65: {  	[tilespmem:s20], [sflag:$0x2] =	stream.indirect.gather [hbm4b:s1+s17], $0x80, s15, s17, $0xb8;
	[tilespmem:$0x1E800] =	vst v63  }
0x66: {  	_ =	swait.ge [sflag:s21], $0x4000  }
0x67: {  	[sflag:s21] =	ssyncset.done $0x0  }
0x68: {  	s12 =	simm.s32 $0x15700;
	[sflag:s21] =	ssyncadd.s32 $0xFFFFC000  }
0x69: {  	[spmem:s2] =	stream.indirect.scatter.add.f32 [tilespmem:s18], [sflag:$0x3], $0x80, s12, s17, $0xb8;
	[tilespmem:$0x1E800] =	vst v63  }
0x6a: {  	_ =	swait.ge [sflag:s22], $0x4000  }
0x6b: {  	[sflag:s22] =	ssyncset.done $0x0  }
0x6c: {  	s15 =	simm.s32 $0x14400;
	[sflag:s22] =	ssyncadd.s32 $0xFFFFC000  }
0x6d: {  	[tilespmem:s18], [sflag:$0x1] =	stream.indirect.gather [hbm4b:s1+s17], $0x80, s15, s17, $0xb8;
	[tilespmem:$0x1E800] =	vst v63  }
0x6e: {  	_ =	swait.ge [sflag:s24], $0x4000  }
0x6f: {  	[sflag:s24] =	ssyncset.done $0x0  }
0x70: {  	s12 =	simm.s32 $0x15780;
	[sflag:s24] =	ssyncadd.s32 $0xFFFFC000  }
0x71: {  	[spmem:s2] =	stream.indirect.scatter.add.f32 [tilespmem:s20], [sflag:$0x3], $0x80, s12, s17, $0xb8;
	[tilespmem:$0x1E800] =	vst v63  }
0x72: {  	_ =	swait.ge [sflag:s22], $0x4000  }
0x73: {  	[sflag:s22] =	ssyncset.done $0x0  }
0x74: {  	s15 =	simm.s32 $0x14480;
	[sflag:s22] =	ssyncadd.s32 $0xFFFFC000  }
0x75: {  	[tilespmem:s20], [sflag:$0x2] =	stream.indirect.gather [hbm4b:s1+s17], $0x80, s15, s17, $0xb8;
	[tilespmem:$0x1E800] =	vst v63  }
0x76: {  	_ =	swait.ge [sflag:s21], $0x4000  }
0x77: {  	[sflag:s21] =	ssyncset.done $0x0  }
0x78: {  	s12 =	simm.s32 $0x15800;
	[sflag:s21] =	ssyncadd.s32 $0xFFFFC000  }
0x79: {  	[spmem:s2] =	stream.indirect.scatter.add.f32 [tilespmem:s18], [sflag:$0x3], $0x80, s12, s17, $0xb8;
	[tilespmem:$0x1E800] =	vst v63  }
0x7a: {  	_ =	swait.ge [sflag:s22], $0x4000  }
0x7b: {  	[sflag:s22] =	ssyncset.done $0x0  }
0x7c: {  	s15 =	simm.s32 $0x14500;
	[sflag:s22] =	ssyncadd.s32 $0xFFFFC000  }
0x7d: {  	[tilespmem:s18], [sflag:$0x1] =	stream.indirect.gather [hbm4b:s1+s17], $0x80, s15, s17, $0xb8;
	[tilespmem:$0x1E800] =	vst v63  }
0x7e: {  	_ =	swait.ge [sflag:s24], $0x4000  }
0x7f: {  	[sflag:s24] =	ssyncset.done $0x0  }
0x80: {  	s12 =	simm.s32 $0x15880;
	[sflag:s24] =	ssyncadd.s32 $0xFFFFC000  }
0x81: {  	[spmem:s2] =	stream.indirect.scatter.add.f32 [tilespmem:s20], [sflag:$0x3], $0x80, s12, s17, $0xb8;
	[tilespmem:$0x1E800] =	vst v63  }
0x82: {  	_ =	swait.ge [sflag:s22], $0x4000  }
0x83: {  	[sflag:s22] =	ssyncset.done $0x0  }
0x84: {  	s15 =	simm.s32 $0x14580;
	[sflag:s22] =	ssyncadd.s32 $0xFFFFC000  }
0x85: {  	[tilespmem:s20], [sflag:$0x2] =	stream.indirect.gather [hbm4b:s1+s17], $0x80, s15, s17, $0xb8;
	[tilespmem:$0x1E800] =	vst v63  }
0x86: {  	_ =	swait.ge [sflag:s21], $0x4000  }
0x87: {  	[sflag:s21] =	ssyncset.done $0x0  }
0x88: {  	s12 =	simm.s32 $0x15900;
	[sflag:s21] =	ssyncadd.s32 $0xFFFFC000  }
0x89: {  	[spmem:s2] =	stream.indirect.scatter.add.f32 [tilespmem:s18], [sflag:$0x3], $0x80, s12, s17, $0xb8;
	[tilespmem:$0x1E800] =	vst v63  }
0x8a: {  	_ =	swait.ge [sflag:s22], $0x4000  }
0x8b: {  	[sflag:s22] =	ssyncset.done $0x0  }
0x8c: {  	s15 =	simm.s32 $0x14600;
	[sflag:s22] =	ssyncadd.s32 $0xFFFFC000  }
0x8d: {  	[tilespmem:s18], [sflag:$0x1] =	stream.indirect.gather [hbm4b:s1+s17], $0x80, s15, s17, $0xb8;
	[tilespmem:$0x1E800] =	vst v63  }
0x8e: {  	_ =	swait.ge [sflag:s24], $0x4000  }
0x8f: {  	[sflag:s24] =	ssyncset.done $0x0  }
0x90: {  	s12 =	simm.s32 $0x15980;
	[sflag:s24] =	ssyncadd.s32 $0xFFFFC000  }
0x91: {  	[spmem:s2] =	stream.indirect.scatter.add.f32 [tilespmem:s20], [sflag:$0x3], $0x80, s12, s17, $0xb8;
	[tilespmem:$0x1E800] =	vst v63  }
0x92: {  	_ =	swait.ge [sflag:s22], $0x4000  }
0x93: {  	[sflag:s22] =	ssyncset.done $0x0  }
0x94: {  	s15 =	simm.s32 $0x14680;
	[sflag:s22] =	ssyncadd.s32 $0xFFFFC000  }
0x95: {  	[tilespmem:s20], [sflag:$0x2] =	stream.indirect.gather [hbm4b:s1+s17], $0x80, s15, s17, $0xb8;
	[tilespmem:$0x1E800] =	vst v63  }
0x96: {  	_ =	swait.ge [sflag:s21], $0x4000  }
0x97: {  	[sflag:s21] =	ssyncset.done $0x0  }
0x98: {  	s12 =	simm.s32 $0x15A00;
	[sflag:s21] =	ssyncadd.s32 $0xFFFFC000  }
0x99: {  	[spmem:s2] =	stream.indirect.scatter.add.f32 [tilespmem:s18], [sflag:$0x3], $0x80, s12, s17, $0xb8;
	[tilespmem:$0x1E800] =	vst v63  }
0x9a: {  	_ =	swait.ge [sflag:s22], $0x4000  }
0x9b: {  	[sflag:s22] =	ssyncset.done $0x0  }
0x9c: {  	s15 =	simm.s32 $0x14700;
	[sflag:s22] =	ssyncadd.s32 $0xFFFFC000  }
0x9d: {  	[tilespmem:s18], [sflag:$0x1] =	stream.indirect.gather [hbm4b:s1+s17], $0x80, s15, s17, $0xb8;
	[tilespmem:$0x1E800] =	vst v63  }
0x9e: {  	_ =	swait.ge [sflag:s24], $0x4000  }
0x9f: {  	[sflag:s24] =	ssyncset.done $0x0  }
0xa0: {  	s12 =	simm.s32 $0x15A80;
	[sflag:s24] =	ssyncadd.s32 $0xFFFFC000  }
0xa1: {  	[spmem:s2] =	stream.indirect.scatter.add.f32 [tilespmem:s20], [sflag:$0x3], $0x80, s12, s17, $0xb8;
	[tilespmem:$0x1E800] =	vst v63  }
0xa2: {  	_ =	swait.ge [sflag:s22], $0x4000  }
0xa3: {  	[sflag:s22] =	ssyncset.done $0x0  }
0xa4: {  	s15 =	simm.s32 $0x14780;
	[sflag:s22] =	ssyncadd.s32 $0xFFFFC000  }
0xa5: {  	[tilespmem:s20], [sflag:$0x2] =	stream.indirect.gather [hbm4b:s1+s17], $0x80, s15, s17, $0xb8;
	[tilespmem:$0x1E800] =	vst v63  }
0xa6: {  	_ =	swait.ge [sflag:s21], $0x4000  }
0xa7: {  	[sflag:s21] =	ssyncset.done $0x0  }
0xa8: {  	s12 =	simm.s32 $0x15B00;
	[sflag:s21] =	ssyncadd.s32 $0xFFFFC000  }
0xa9: {  	[spmem:s2] =	stream.indirect.scatter.add.f32 [tilespmem:s18], [sflag:$0x3], $0x80, s12, s17, $0xb8;
	[tilespmem:$0x1E800] =	vst v63  }
0xaa: {  	_ =	swait.ge [sflag:s22], $0x4000  }
0xab: {  	[sflag:s22] =	ssyncset.done $0x0  }
0xac: {  	s15 =	simm.s32 $0x14800;
	[sflag:s22] =	ssyncadd.s32 $0xFFFFC000  }
0xad: {  	[tilespmem:s18], [sflag:$0x1] =	stream.indirect.gather [hbm4b:s1+s17], $0x80, s15, s17, $0xb8;
	[tilespmem:$0x1E800] =	vst v63  }
0xae: {  	_ =	swait.ge [sflag:s24], $0x4000  }
0xaf: {  	[sflag:s24] =	ssyncset.done $0x0  }
0xb0: {  	s12 =	simm.s32 $0x15B80;
	[sflag:s24] =	ssyncadd.s32 $0xFFFFC000  }
0xb1: {  	[spmem:s2] =	stream.indirect.scatter.add.f32 [tilespmem:s20], [sflag:$0x3], $0x80, s12, s17, $0xb8;
	[tilespmem:$0x1E800] =	vst v63  }
0xb2: {  	_ =	swait.ge [sflag:s22], $0x4000  }
0xb3: {  	[sflag:s22] =	ssyncset.done $0x0  }
0xb4: {  	s15 =	simm.s32 $0x14880;
	[sflag:s22] =	ssyncadd.s32 $0xFFFFC000  }
0xb5: {  	[tilespmem:s20], [sflag:$0x2] =	stream.indirect.gather [hbm4b:s1+s17], $0x80, s15, s17, $0xb8;
	[tilespmem:$0x1E800] =	vst v63  }
0xb6: {  	_ =	swait.ge [sflag:s21], $0x4000  }
0xb7: {  	[sflag:s21] =	ssyncset.done $0x0  }
0xb8: {  	s12 =	simm.s32 $0x15C00;
	[sflag:s21] =	ssyncadd.s32 $0xFFFFC000  }
0xb9: {  	[spmem:s2] =	stream.indirect.scatter.add.f32 [tilespmem:s18], [sflag:$0x3], $0x80, s12, s17, $0xb8;
	[tilespmem:$0x1E800] =	vst v63  }
0xba: {  	_ =	swait.ge [sflag:s22], $0x4000  }
0xbb: {  	[sflag:s22] =	ssyncset.done $0x0  }
0xbc: {  	s15 =	simm.s32 $0x14900;
	[sflag:s22] =	ssyncadd.s32 $0xFFFFC000  }
0xbd: {  	[tilespmem:s18], [sflag:$0x1] =	stream.indirect.gather [hbm4b:s1+s17], $0x80, s15, s17, $0xb8;
	[tilespmem:$0x1E800] =	vst v63  }
0xbe: {  	_ =	swait.ge [sflag:s24], $0x4000  }
0xbf: {  	[sflag:s24] =	ssyncset.done $0x0  }
0xc0: {  	s12 =	simm.s32 $0x15C80;
	[sflag:s24] =	ssyncadd.s32 $0xFFFFC000  }
0xc1: {  	[spmem:s2] =	stream.indirect.scatter.add.f32 [tilespmem:s20], [sflag:$0x3], $0x80, s12, s17, $0xb8;
	[tilespmem:$0x1E800] =	vst v63  }
0xc2: {  	_ =	swait.ge [sflag:s22], $0x4000  }
0xc3: {  	[sflag:s22] =	ssyncset.done $0x0  }
0xc4: {  	s15 =	simm.s32 $0x14980;
	[sflag:s22] =	ssyncadd.s32 $0xFFFFC000  }
0xc5: {  	[tilespmem:s20], [sflag:$0x2] =	stream.indirect.gather [hbm4b:s1+s17], $0x80, s15, s17, $0xb8;
	[tilespmem:$0x1E800] =	vst v63  }
0xc6: {  	_ =	swait.ge [sflag:s21], $0x4000  }
0xc7: {  	[sflag:s21] =	ssyncset.done $0x0  }
0xc8: {  	s12 =	simm.s32 $0x15D00;
	[sflag:s21] =	ssyncadd.s32 $0xFFFFC000  }
0xc9: {  	[spmem:s2] =	stream.indirect.scatter.add.f32 [tilespmem:s18], [sflag:$0x3], $0x80, s12, s17, $0xb8;
	[tilespmem:$0x1E800] =	vst v63  }
0xca: {  	_ =	swait.ge [sflag:s22], $0x4000  }
0xcb: {  	[sflag:s22] =	ssyncset.done $0x0  }
0xcc: {  	s15 =	simm.s32 $0x14A00;
	[sflag:s22] =	ssyncadd.s32 $0xFFFFC000  }
0xcd: {  	[tilespmem:s18], [sflag:$0x1] =	stream.indirect.gather [hbm4b:s1+s17], $0x80, s15, s17, $0xb8;
	[tilespmem:$0x1E800] =	vst v63  }
0xce: {  	_ =	swait.ge [sflag:s24], $0x4000  }
0xcf: {  	[sflag:s24] =	ssyncset.done $0x0  }
0xd0: {  	s12 =	simm.s32 $0x15D80;
	[sflag:s24] =	ssyncadd.s32 $0xFFFFC000  }
0xd1: {  	[spmem:s2] =	stream.indirect.scatter.add.f32 [tilespmem:s20], [sflag:$0x3], $0x80, s12, s17, $0xb8;
	[tilespmem:$0x1E800] =	vst v63  }
0xd2: {  	_ =	swait.ge [sflag:s22], $0x4000  }
0xd3: {  	[sflag:s22] =	ssyncset.done $0x0  }
0xd4: {  	s15 =	simm.s32 $0x14A80;
	[sflag:s22] =	ssyncadd.s32 $0xFFFFC000  }
0xd5: {  	[tilespmem:s20], [sflag:$0x2] =	stream.indirect.gather [hbm4b:s1+s17], $0x80, s15, s17, $0xb8;
	[tilespmem:$0x1E800] =	vst v63  }
0xd6: {  	_ =	swait.ge [sflag:s21], $0x4000  }
0xd7: {  	[sflag:s21] =	ssyncset.done $0x0  }
0xd8: {  	s12 =	simm.s32 $0x15E00;
	[sflag:s21] =	ssyncadd.s32 $0xFFFFC000  }
0xd9: {  	[spmem:s2] =	stream.indirect.scatter.add.f32 [tilespmem:s18], [sflag:$0x3], $0x80, s12, s17, $0xb8;
	[tilespmem:$0x1E800] =	vst v63  }
0xda: {  	_ =	swait.ge [sflag:s22], $0x4000  }
0xdb: {  	[sflag:s22] =	ssyncset.done $0x0  }
0xdc: {  	s15 =	simm.s32 $0x14B00;
	[sflag:s22] =	ssyncadd.s32 $0xFFFFC000  }
0xdd: {  	[tilespmem:s18], [sflag:$0x1] =	stream.indirect.gather [hbm4b:s1+s17], $0x80, s15, s17, $0xb8;
	[tilespmem:$0x1E800] =	vst v63  }
0xde: {  	_ =	swait.ge [sflag:s24], $0x4000  }
0xdf: {  	[sflag:s24] =	ssyncset.done $0x0  }
0xe0: {  	s12 =	simm.s32 $0x15E80;
	[sflag:s24] =	ssyncadd.s32 $0xFFFFC000  }
0xe1: {  	[spmem:s2] =	stream.indirect.scatter.add.f32 [tilespmem:s20], [sflag:$0x3], $0x80, s12, s17, $0xb8;
	[tilespmem:$0x1E800] =	vst v63  }
0xe2: {  	_ =	swait.ge [sflag:s22], $0x4000  }
0xe3: {  	[sflag:s22] =	ssyncset.done $0x0  }
0xe4: {  	s15 =	simm.s32 $0x14B80;
	[sflag:s22] =	ssyncadd.s32 $0xFFFFC000  }
0xe5: {  	[tilespmem:s20], [sflag:$0x2] =	stream.indirect.gather [hbm4b:s1+s17], $0x80, s15, s17, $0xb8;
	[tilespmem:$0x1E800] =	vst v63  }
0xe6: {  	_ =	swait.ge [sflag:s21], $0x4000  }
0xe7: {  	[sflag:s21] =	ssyncset.done $0x0  }
0xe8: {  	s12 =	simm.s32 $0x15F00;
	[sflag:s21] =	ssyncadd.s32 $0xFFFFC000  }
0xe9: {  	[spmem:s2] =	stream.indirect.scatter.add.f32 [tilespmem:s18], [sflag:$0x3], $0x80, s12, s17, $0xb8;
	[tilespmem:$0x1E800] =	vst v63  }
0xea: {  	_ =	swait.ge [sflag:s22], $0x4000  }
0xeb: {  	[sflag:s22] =	ssyncset.done $0x0  }
0xec: {  	s15 =	simm.s32 $0x14C00;
	[sflag:s22] =	ssyncadd.s32 $0xFFFFC000  }
0xed: {  	[tilespmem:s18], [sflag:$0x1] =	stream.indirect.gather [hbm4b:s1+s17], $0x80, s15, s17, $0xb8;
	[tilespmem:$0x1E800] =	vst v63  }
0xee: {  	_ =	swait.ge [sflag:s24], $0x4000  }
0xef: {  	[sflag:s24] =	ssyncset.done $0x0  }
0xf0: {  	s12 =	simm.s32 $0x15F80;
	[sflag:s24] =	ssyncadd.s32 $0xFFFFC000  }
0xf1: {  	[spmem:s2] =	stream.indirect.scatter.add.f32 [tilespmem:s20], [sflag:$0x3], $0x80, s12, s17, $0xb8;
	[tilespmem:$0x1E800] =	vst v63  }
0xf2: {  	_ =	swait.ge [sflag:s22], $0x4000  }
0xf3: {  	[sflag:s22] =	ssyncset.done $0x0  }
0xf4: {  	s15 =	simm.s32 $0x14C80;
	[sflag:s22] =	ssyncadd.s32 $0xFFFFC000  }
0xf5: {  	[tilespmem:s20], [sflag:$0x2] =	stream.indirect.gather [hbm4b:s1+s17], $0x80, s15, s17, $0xb8;
	[tilespmem:$0x1E800] =	vst v63  }
0xf6: {  	_ =	swait.ge [sflag:s21], $0x4000  }
0xf7: {  	[sflag:s21] =	ssyncset.done $0x0  }
0xf8: {  	s12 =	simm.s32 $0x16000;
	[sflag:s21] =	ssyncadd.s32 $0xFFFFC000  }
0xf9: {  	[spmem:s2] =	stream.indirect.scatter.add.f32 [tilespmem:s18], [sflag:$0x3], $0x80, s12, s17, $0xb8;
	[tilespmem:$0x1E800] =	vst v63  }
0xfa: {  	_ =	swait.ge [sflag:s22], $0x4000  }
0xfb: {  	[sflag:s22] =	ssyncset.done $0x0  }
0xfc: {  	s15 =	simm.s32 $0x14D00;
	[sflag:s22] =	ssyncadd.s32 $0xFFFFC000  }
0xfd: {  	[tilespmem:s18], [sflag:$0x1] =	stream.indirect.gather [hbm4b:s1+s17], $0x80, s15, s17, $0xb8;
	[tilespmem:$0x1E800] =	vst v63  }
0xfe: {  	_ =	swait.ge [sflag:s24], $0x4000  }
0xff: {  	[sflag:s24] =	ssyncset.done $0x0  }
0x100: {  	s12 =	simm.s32 $0x16080;
	[sflag:s24] =	ssyncadd.s32 $0xFFFFC000  }
0x101: {  	[spmem:s2] =	stream.indirect.scatter.add.f32 [tilespmem:s20], [sflag:$0x3], $0x80, s12, s17, $0xb8;
	[tilespmem:$0x1E800] =	vst v63  }
0x102: {  	_ =	swait.ge [sflag:s22], $0x4000  }
0x103: {  	[sflag:s22] =	ssyncset.done $0x0  }
0x104: {  	s15 =	simm.s32 $0x14D80;
	[sflag:s22] =	ssyncadd.s32 $0xFFFFC000  }
0x105: {  	[tilespmem:s20], [sflag:$0x2] =	stream.indirect.gather [hbm4b:s1+s17], $0x80, s15, s17, $0xb8;
	[tilespmem:$0x1E800] =	vst v63  }
0x106: {  	_ =	swait.ge [sflag:s21], $0x4000  }
0x107: {  	[sflag:s21] =	ssyncset.done $0x0  }
0x108: {  	s12 =	simm.s32 $0x16100;
	[sflag:s21] =	ssyncadd.s32 $0xFFFFC000  }
0x109: {  	[spmem:s2] =	stream.indirect.scatter.add.f32 [tilespmem:s18], [sflag:$0x3], $0x80, s12, s17, $0xb8;
	[tilespmem:$0x1E800] =	vst v63  }
0x10a: {  	_ =	swait.ge [sflag:s22], $0x4000  }
0x10b: {  	[sflag:s22] =	ssyncset.done $0x0  }
0x10c: {  	s15 =	simm.s32 $0x14E00;
	[sflag:s22] =	ssyncadd.s32 $0xFFFFC000  }
0x10d: {  	[tilespmem:s18], [sflag:$0x1] =	stream.indirect.gather [hbm4b:s1+s17], $0x80, s15, s17, $0xb8;
	[tilespmem:$0x1E800] =	vst v63  }
0x10e: {  	_ =	swait.ge [sflag:s24], $0x4000  }
0x10f: {  	[sflag:s24] =	ssyncset.done $0x0  }
0x110: {  	s12 =	simm.s32 $0x16180;
	[sflag:s24] =	ssyncadd.s32 $0xFFFFC000  }
0x111: {  	[spmem:s2] =	stream.indirect.scatter.add.f32 [tilespmem:s20], [sflag:$0x3], $0x80, s12, s17, $0xb8;
	[tilespmem:$0x1E800] =	vst v63  }
0x112: {  	_ =	swait.ge [sflag:s22], $0x4000  }
0x113: {  	[sflag:s22] =	ssyncset.done $0x0  }
0x114: {  	s15 =	simm.s32 $0x14E80;
	[sflag:s22] =	ssyncadd.s32 $0xFFFFC000  }
0x115: {  	[tilespmem:s20], [sflag:$0x2] =	stream.indirect.gather [hbm4b:s1+s17], $0x80, s15, s17, $0xb8;
	[tilespmem:$0x1E800] =	vst v63  }
0x116: {  	_ =	swait.ge [sflag:s21], $0x4000  }
0x117: {  	[sflag:s21] =	ssyncset.done $0x0  }
0x118: {  	s12 =	simm.s32 $0x16200;
	[sflag:s21] =	ssyncadd.s32 $0xFFFFC000  }
0x119: {  	[spmem:s2] =	stream.indirect.scatter.add.f32 [tilespmem:s18], [sflag:$0x3], $0x80, s12, s17, $0xb8;
	[tilespmem:$0x1E800] =	vst v63  }
0x11a: {  	_ =	swait.ge [sflag:s22], $0x4000  }
0x11b: {  	[sflag:s22] =	ssyncset.done $0x0  }
0x11c: {  	s15 =	simm.s32 $0x14F00;
	[sflag:s22] =	ssyncadd.s32 $0xFFFFC000  }
0x11d: {  	[tilespmem:s18], [sflag:$0x1] =	stream.indirect.gather [hbm4b:s1+s17], $0x80, s15, s17, $0xb8;
	[tilespmem:$0x1E800] =	vst v63  }
0x11e: {  	_ =	swait.ge [sflag:s24], $0x4000  }
0x11f: {  	[sflag:s24] =	ssyncset.done $0x0  }
0x120: {  	s12 =	simm.s32 $0x16280;
	[sflag:s24] =	ssyncadd.s32 $0xFFFFC000  }
0x121: {  	[spmem:s2] =	stream.indirect.scatter.add.f32 [tilespmem:s20], [sflag:$0x3], $0x80, s12, s17, $0xb8;
	[tilespmem:$0x1E800] =	vst v63  }
0x122: {  	_ =	swait.ge [sflag:s22], $0x4000  }
0x123: {  	[sflag:s22] =	ssyncset.done $0x0  }
0x124: {  	s15 =	simm.s32 $0x14F80;
	[sflag:s22] =	ssyncadd.s32 $0xFFFFC000  }
0x125: {  	[tilespmem:s20], [sflag:$0x2] =	stream.indirect.gather [hbm4b:s1+s17], $0x80, s15, s17, $0xb8;
	[tilespmem:$0x1E800] =	vst v63  }
0x126: {  	_ =	swait.ge [sflag:s21], $0x4000  }
0x127: {  	[sflag:s21] =	ssyncset.done $0x0  }
0x128: {  	[sflag:s21] =	ssyncadd.s32 $0xFFFFC000  }
0x129: {  	[spmem:s2] =	stream.indirect.scatter.add.f32 [tilespmem:s18], [sflag:$0x3], $0x80, s31, s17, $0xb8;
	[tilespmem:$0x1E800] =	vst v63  }
0x12a: {  	_ =	swait.ge [sflag:s22], $0x4000  }
0x12b: {  	[sflag:s22] =	ssyncset.done $0x0  }
0x12c: {  	[sflag:s22] =	ssyncadd.s32 $0xFFFFC000  }
0x12d: {  	[tilespmem:s18], [sflag:$0x1] =	stream.indirect.gather [hbm4b:s1+s17], $0x80, s16, s17, $0xb8;
	[tilespmem:$0x1E800] =	vst v63  }
0x12e: {  	_ =	swait.ge [sflag:s24], $0x4000  }
0x12f: {  	[sflag:s24] =	ssyncset.done $0x0  }
0x130: {  	[sflag:s24] =	ssyncadd.s32 $0xFFFFC000  }
0x131: {  	[spmem:s2] =	stream.indirect.scatter.add.f32 [tilespmem:s20], [sflag:$0x3], $0x80, s0, s17, $0xb8;
	[tilespmem:$0x1E800] =	vst v63  }
0x132: {  	_ =	swait.ge [sflag:s22], $0x4000  }
0x133: {  	[sflag:s22] =	ssyncset.done $0x0  }
0x134: {  	[sflag:s22] =	ssyncadd.s32 $0xFFFFC000  }
0x135: {  	[tilespmem:s20], [sflag:$0x2] =	stream.indirect.gather [hbm4b:s1+s17], $0x80, s3, s17, $0xb8;
	[tilespmem:$0x1E800] =	vst v63  }
0x136: {  	_ =	swait.ge [sflag:s21], $0x4000  }
0x137: {  	[sflag:s21] =	ssyncset.done $0x0  }
0x138: {  	[sflag:s21] =	ssyncadd.s32 $0xFFFFC000  }
0x139: {  	[spmem:s2] =	stream.indirect.scatter.add.f32 [tilespmem:s18], [sflag:$0x3], $0x80, s4, s17, $0xb8;
	[tilespmem:$0x1E800] =	vst v63  }
0x13a: {  	_ =	swait.ge [sflag:s22], $0x4000  }
0x13b: {  	[sflag:s22] =	ssyncset.done $0x0  }
0x13c: {  	[sflag:s22] =	ssyncadd.s32 $0xFFFFC000  }
0x13d: {  	[tilespmem:s18], [sflag:$0x1] =	stream.indirect.gather [hbm4b:s1+s17], $0x80, s5, s17, $0xb8;
	[tilespmem:$0x1E800] =	vst v63  }
0x13e: {  	_ =	swait.ge [sflag:s24], $0x4000  }
0x13f: {  	[sflag:s24] =	ssyncset.done $0x0  }
0x140: {  	[sflag:s24] =	ssyncadd.s32 $0xFFFFC000  }
0x141: {  	[spmem:s2] =	stream.indirect.scatter.add.f32 [tilespmem:s20], [sflag:$0x3], $0x80, s19, s17, $0xb8;
	[tilespmem:$0x1E800] =	vst v63  }
0x142: {  	_ =	swait.ge [sflag:s22], $0x4000  }
0x143: {  	[sflag:s22] =	ssyncset.done $0x0  }
0x144: {  	[sflag:s22] =	ssyncadd.s32 $0xFFFFC000  }
0x145: {  	[tilespmem:s20], [sflag:$0x2] =	stream.indirect.gather [hbm4b:s1+s17], $0x80, s6, s17, $0xb8;
	[tilespmem:$0x1E800] =	vst v63  }
0x146: {  	_ =	swait.ge [sflag:s21], $0x4000  }
0x147: {  	[sflag:s21] =	ssyncset.done $0x0  }
0x148: {  	[sflag:s21] =	ssyncadd.s32 $0xFFFFC000  }
0x149: {  	[spmem:s2] =	stream.indirect.scatter.add.f32 [tilespmem:s18], [sflag:$0x3], $0x80, s7, s17, $0xb8;
	[tilespmem:$0x1E800] =	vst v63  }
0x14a: {  	_ =	swait.ge [sflag:s22], $0x4000  }
0x14b: {  	[sflag:s22] =	ssyncset.done $0x0  }
0x14c: {  	[sflag:s22] =	ssyncadd.s32 $0xFFFFC000  }
0x14d: {  	[tilespmem:s18], [sflag:$0x1] =	stream.indirect.gather [hbm4b:s1+s17], $0x80, s11, s17, $0xb8;
	[tilespmem:$0x1E800] =	vst v63  }
0x14e: {  	_ =	swait.ge [sflag:s24], $0x4000  }
0x14f: {  	[sflag:s24] =	ssyncset.done $0x0  }
0x150: {  	[sflag:s24] =	ssyncadd.s32 $0xFFFFC000  }
0x151: {  	[spmem:s2] =	stream.indirect.scatter.add.f32 [tilespmem:s20], [sflag:$0x3], $0x80, s23, s17, $0xb8;
	[tilespmem:$0x1E800] =	vst v63  }
0x152: {  	_ =	swait.ge [sflag:s22], $0x4000  }
0x153: {  	[sflag:s22] =	ssyncset.done $0x0  }
0x154: {  	[sflag:s22] =	ssyncadd.s32 $0xFFFFC000  }
0x155: {  	[tilespmem:s20], [sflag:$0x2] =	stream.indirect.gather [hbm4b:s1+s17], $0x80, s25, s17, $0xb8;
	[tilespmem:$0x1E800] =	vst v63  }
0x156: {  	_ =	swait.ge [sflag:s21], $0x4000  }
0x157: {  	[sflag:s21] =	ssyncset.done $0x0  }
0x158: {  	[sflag:s21] =	ssyncadd.s32 $0xFFFFC000  }
0x159: {  	[spmem:s2] =	stream.indirect.scatter.add.f32 [tilespmem:s18], [sflag:$0x3], $0x80, s26, s17, $0xb8;
	[tilespmem:$0x1E800] =	vst v63  }
0x15a: {  	_ =	swait.ge [sflag:s22], $0x4000  }
0x15b: {  	[sflag:s22] =	ssyncset.done $0x0  }
0x15c: {  	[sflag:s22] =	ssyncadd.s32 $0xFFFFC000  }
0x15d: {  	[tilespmem:s18], [sflag:$0x1] =	stream.indirect.gather [hbm4b:s1+s17], $0x80, s28, s17, $0xb8;
	[tilespmem:$0x1E800] =	vst v63  }
0x15e: {  	_ =	swait.ge [sflag:s24], $0x4000  }
0x15f: {  	[sflag:s24] =	ssyncset.done $0x0  }
0x160: {  	[sflag:s24] =	ssyncadd.s32 $0xFFFFC000  }
0x161: {  	[spmem:s2] =	stream.indirect.scatter.add.f32 [tilespmem:s20], [sflag:$0x3], $0x80, s13, s17, $0xb8;
	[tilespmem:$0x1E800] =	vst v63  }
0x162: {  	_ =	swait.ge [sflag:s22], $0x4000  }
0x163: {  	[sflag:s22] =	ssyncset.done $0x0  }
0x164: {  	[sflag:s22] =	ssyncadd.s32 $0xFFFFC000  }
0x165: {  	[tilespmem:s20], [sflag:$0x2] =	stream.indirect.gather [hbm4b:s1+s17], $0x80, s29, s17, $0xb8;
	[tilespmem:$0x1E800] =	vst v63  }
0x166: {  	_ =	swait.ge [sflag:s21], $0x4000  }
0x167: {  	[sflag:s21] =	ssyncset.done $0x0  }
0x168: {  	[sflag:s21] =	ssyncadd.s32 $0xFFFFC000  }
0x169: {  	[spmem:s2] =	stream.indirect.scatter.add.f32 [tilespmem:s18], [sflag:$0x3], $0x80, s14, s17, $0xb8;
	[tilespmem:$0x1E800] =	vst v63  }
0x16a: {  	_ =	swait.ge [sflag:s22], $0x4000  }
0x16b: {  	[sflag:s22] =	ssyncset.done $0x0  }
0x16c: {  	[sflag:s22] =	ssyncadd.s32 $0xFFFFC000  }
0x16d: {  	_ =	swait.ge [sflag:s24], $0x4000  }
0x16e: {  	p0 =	por p1, p1;
	[sflag:s24] =	ssyncset.done $0x0  }
.Ltmp0:
0x16f: {  	[sflag:s24] =	ssyncadd.s32 $0xFFFFC000;
	(pc) =	sbr.rel @p0 .LBB2_2-.Ltmp0, $4  }
0x170: {  	[spmem:s2] =	stream.indirect.scatter.add.f32 [tilespmem:s20], [sflag:$0x3], $0x80, s30, s17, $0xb8;
	[tilespmem:$0x1E800] =	vst v63  }
0x171: {  	_ =	swait.ge [sflag:s22], $0x4000  }
0x172: {  	[sflag:s22] =	ssyncset.done $0x0  }
0x173: {  	p1 =	por $0x0, $0x0;
	[sflag:s22] =	ssyncadd.s32 $0xFFFFC000  }
0x174: {  	[bflag:$0x0] =	sbarrier.arrive $0xFFFF  }
0x175: {  	s15 =	rddreg [dreg:$0x7]  }
0x176: {  	s8 =	rddreg [dreg:$0x8]  }
0x177: {  	s3 =	simm.s32 $0x5;
	s23 =	rddreg [dreg:$0xa]  }
0x178: {  	[hbm:s8], [sflag:s15] =	dma.local [spmem:s23], $0x2800  }
0x179: {  	_ =	swait.ge [sflag:s3], $0x2800  }
0x17a: {  	s0 =	rddreg [dreg:$0xb]  }
0x17b: {  	s12 =	rddreg [dreg:$0x9];
	s0 =	sadd.s32 $0x1, s0  }
0x17c: {  	p0 =	sne.s32 s0, s12  }
.Ltmp1:
0x17d: {  	_ = 	snop;
	(pc) =	sbr.rel @p0 .LBB2_1-.Ltmp1, $3  }
0x17e: {  	_ =	sdelay $0x1  }
0x17f: {  	[sflag:s3] =	ssyncset.done $0x0  }
0x180: {  	[sflag:s3] =	ssyncadd.s32 $0xFFFFD800  }
0x181: {  	_ =	sfence.sel $0x180000  }
0x182: {  	[bflag:$0x0] =	sbarrier.arrive $0xFFFF  }
0x183: {  	_ =	strace $0x9000004A  }
0x184: {  	s0 =	stileid.u32;
	[bflag:$0x2] =	sbarrier.arrive $0xFFFF  }
0x185: {  	p0 =	sne.s32 s0, $0x0;
	s0 =	rddreg [dreg:$0x3]  }
0x186: {  	s0 =	sadd.s32 @!p0 $0x100000, s0  }
0x187: {  	[sflag:s0] =	ssyncadd.tile.s32 @!p0 $0x1;
	_ =	shalt  }
.Lfunc_end2:
_tile_overlayer_lowered:
.L_overlay_start_2:
0x188: {  	(tag) =	ssettag $0x2  }
0x189: {  	s0 =	rddreg [dreg:$0x0];
	s2 =	stileid.u32  }
0x18a: {  	s1 =	rddreg [dreg:$0x1];
	p0 =	sne.s32 s2, $0x0  }
0x18b: {  	s3 =	rddreg [dreg:$0x2];
	[bflag:$0x3] =	sbarrier.arrive $0xFFFF;
	s2 =	simm.s32 @!p0 $0x1C05  }
0x18c: {  	[timem:s3], [sflag:s2] =	dma.local @!p0 [hbm:s0], s1  }
0x18d: {  	s0 =	simm.s32 @!p0 $0x5  }
0x18e: {  	_ =	swait.ge @!p0 [sflag:s0], s1  }
0x18f: {  	s1 =	ssub.s32 @!p0 $0x0, s1;
	[sflag:s0] =	ssyncset.done @!p0 $0x0  }
0x190: {  	[sflag:s0] =	ssyncadd.s32 @!p0 s1  }
0x191: {  	[bflag:$0x3] =	sbarrier.arrive $0xFFFF  }
0x192: {  	_ =	shalt  }

</sc_bundles>
